<compile_context>
chip_gen: v7x
topology: tpu7x:2x2x1
jax: 0.10.2.dev20260603
libtpu: 0.0.44.dev20260713+nightly
codegen_flags: <defaults>
</compile_context>

<pallas_src>
import functools

import jax
import jax.numpy as jnp
from jax import lax
from jax.experimental import pallas as pl
from jax.experimental.pallas import tpu as pltpu
from jax.experimental.pallas import tpu_sc as plsc

NC = 2
NS = 16
NW = NC * NS
LANES = 16
CH = 16

SEQ_BLK = 512
TC_BATCH = 3


def _sc_body(in_hbm, w_hbm, out_hbm, w0, w1, x0, x1,
             sw0, sw1, sx0, sx1, so0, so1):
    wid = lax.axis_index("s") * NC + lax.axis_index("c")
    batch, seq_len, dim = in_hbm.shape
    rows_w = seq_len // NW
    nstages = rows_w // CH
    s_base = wid * rows_w
    b_last = batch - 1
    vecs = dim // LANES

    def w_copy(j, wb, sw):
        return pltpu.make_async_copy(
            w_hbm.at[pl.ds(s_base + j * CH, CH), :], wb, sw)

    def x_copy(j, xb, sx):
        return pltpu.make_async_copy(
            in_hbm.at[b_last, pl.ds(s_base + j * CH, CH), :], xb, sx)

    def o_copy(j, xb, so):
        return pltpu.make_async_copy(
            xb, out_hbm.at[0, pl.ds(s_base + j * CH, CH), :], so)

    def compute(xb, wb):
        def rloop(r, _):
            for c in range(vecs):
                sl = pl.ds(c * LANES, LANES)
                xb[r, sl] = xb[r, sl] + wb[r, sl]
            return 0
        lax.fori_loop(0, CH, rloop, 0)

    w_copy(0, w0, sw0).start()
    x_copy(0, x0, sx0).start()

    def stage(j, wb, sw, xb, sx, so, wn, swn, xn, sxn, son, first):
        if not first:
            o_copy(j - 1, xn, son).wait()

        @pl.when(j + 1 < nstages)
        def _():
            w_copy(j + 1, wn, swn).start()
            x_copy(j + 1, xn, sxn).start()

        w_copy(j, wb, sw).wait()
        x_copy(j, xb, sx).wait()
        compute(xb, wb)
        o_copy(j, xb, so).start()

    def loop(j2, _):
        j = 2 * j2

        @pl.when(j2 == 0)
        def _():
            stage(j, w0, sw0, x0, sx0, so0, w1, sw1, x1, sx1, so1, True)

        @pl.when(j2 > 0)
        def _():
            stage(j, w0, sw0, x0, sx0, so0, w1, sw1, x1, sx1, so1, False)

        stage(j + 1, w1, sw1, x1, sx1, so1, w0, sw0, x0, sx0, so0, False)
        return 0

    lax.fori_loop(0, nstages // 2, loop, 0)
    o_copy(nstages - 1, x1, so1).wait()


def _tc_add(x_ref, w_ref, o_ref):
    o_ref[...] = x_ref[...] + w_ref[...][None, :, :]


def _merge(tc_ref, sc_ref, o_ref):
    o_ref[...] = sc_ref[...]


def kernel(inputs, W):
    batch, seq_len, dim = inputs.shape

    mesh = plsc.VectorSubcoreMesh(core_axis_name="c", subcore_axis_name="s")
    sc_call = functools.partial(
        pl.kernel,
        out_type=jax.ShapeDtypeStruct((1, seq_len, dim), inputs.dtype),
        mesh=mesh,
        scratch_types=[
            pltpu.VMEM((CH, dim), jnp.float32),
            pltpu.VMEM((CH, dim), jnp.float32),
            pltpu.VMEM((CH, dim), jnp.float32),
            pltpu.VMEM((CH, dim), jnp.float32),
            pltpu.SemaphoreType.DMA,
            pltpu.SemaphoreType.DMA,
            pltpu.SemaphoreType.DMA,
            pltpu.SemaphoreType.DMA,
            pltpu.SemaphoreType.DMA,
            pltpu.SemaphoreType.DMA,
        ],
    )(_sc_body)
    sc_out = sc_call(inputs, W)

    tc_out = pl.pallas_call(
        _tc_add,
        grid=(seq_len // SEQ_BLK,),
        in_specs=[
            pl.BlockSpec((TC_BATCH, SEQ_BLK, dim), lambda i: (0, i, 0)),
            pl.BlockSpec((SEQ_BLK, dim), lambda i: (i, 0)),
        ],
        out_specs=pl.BlockSpec((TC_BATCH, SEQ_BLK, dim), lambda i: (0, i, 0)),
        out_shape=jax.ShapeDtypeStruct((batch, seq_len, dim), inputs.dtype),
    )(inputs, W)

    return pl.pallas_call(
        _merge,
        grid=(seq_len // SEQ_BLK,),
        in_specs=[
            pl.BlockSpec(memory_space=pl.ANY),
            pl.BlockSpec((1, SEQ_BLK, dim), lambda i: (0, i, 0)),
        ],
        out_specs=pl.BlockSpec((1, SEQ_BLK, dim), lambda i: (TC_BATCH, i, 0)),
        out_shape=jax.ShapeDtypeStruct((batch, seq_len, dim), inputs.dtype),
        input_output_aliases={0: 0},
    )(tc_out, sc_out)

# --- scband reference (transcript-rebuilt; emitter-appended) ---
"""Pipeline reference for scband-position-embedding-25950192403127 (READ-ONLY COPY).

The authoritative reference and input builder live on the scoring server;
editing this copy changes nothing except your own understanding.
"""

import jax, jax.numpy as jnp
import numpy as np


def setup_inputs(seed: int = 0) -> dict:
    key = jax.random.key(seed)
    k1, k2 = jax.random.split(key)
    inputs = jax.random.normal(k1, (4, 8192, 1024), dtype=jnp.float32)
    # learned position embedding table, normal init with std=0.02 per init_kwargs
    W = jax.random.normal(k2, (8192, 1024), dtype=jnp.float32) * 0.02
    return {"inputs": inputs, "W": W}


def reference(inputs, W):
    # PositionEmbedding.forward with custom_position_ids=False, hierarchical=None, merge_mode='add'
    batch_size, seq_len = inputs.shape[0], inputs.shape[1]
    position_ids = jnp.arange(0, seq_len, dtype=jnp.int32)[None]  # [1, seq_len]
    embedding = jnp.take(W, position_ids, axis=0)  # [1, seq_len, output_dim]
    embeddings = embedding[:, :seq_len]  # [1, seq_len, output_dim]
    # merge_mode == 'add': broadcast over batch
    return inputs + embeddings

if __name__ == "__main__":
    import jax
    _d = setup_inputs()
    print(jax.jit(kernel)(*tuple(_d.values())))

</pallas_src>

<mosaic_0001>
#map = affine_map<(d0, d1) -> (0, 0, 0)>
#map1 = affine_map<(d0, d1) -> (0, 0)>
module attributes {stable_mosaic.version = 14 : i64} {
  func.func @_sc_body(%arg0: i32, %arg1: i32, %arg2: memref<4x8192x1024xf32, #tpu.memory_space<hbm>>, %arg3: memref<8192x1024xf32, #tpu.memory_space<hbm>>, %arg4: memref<1x8192x1024xf32, #tpu.memory_space<hbm>>, %arg5: memref<16x1024xf32, #tpu.memory_space<vmem>>, %arg6: memref<16x1024xf32, #tpu.memory_space<vmem>>, %arg7: memref<16x1024xf32, #tpu.memory_space<vmem>>, %arg8: memref<16x1024xf32, #tpu.memory_space<vmem>>, %arg9: memref<!tpu.dma_semaphore, #tpu.memory_space<semaphore_mem>>, %arg10: memref<!tpu.dma_semaphore, #tpu.memory_space<semaphore_mem>>, %arg11: memref<!tpu.dma_semaphore, #tpu.memory_space<semaphore_mem>>, %arg12: memref<!tpu.dma_semaphore, #tpu.memory_space<semaphore_mem>>, %arg13: memref<!tpu.dma_semaphore, #tpu.memory_space<semaphore_mem>>, %arg14: memref<!tpu.dma_semaphore, #tpu.memory_space<semaphore_mem>>) attributes {dimension_semantics = [#tpu.dimension_semantics<core_parallel>, #tpu.dimension_semantics<subcore_parallel>], iteration_bounds = array<i64: 2, 16>, scalar_prefetch = 0 : i64, scratch_operands = 10 : i64, tpu.core_type = #tpu.core_type<sc_vector_subcore>, window_params = [{transform_indices = #map}, {transform_indices = #map1}, {transform_indices = #map}]} {
    %mul3A = arith.constant 2 : i32
    %mul3A_0 = arith.muli %arg1, %mul3A : i32
    %add3A = arith.addi %mul3A_0, %arg0 : i32
    %mul3A_1 = arith.constant 256 : i32
    %mul3A_2 = arith.muli %add3A, %mul3A_1 : i32
    %add3A_3 = arith.constant 0 : i32
    %add3A_4 = arith.addi %mul3A_2, %add3A_3 : i32
    %dma_start3A = arith.constant 0 : i32
    %dma_start3A_5 = tpu.memref_slice %arg3[%add3A_4, %dma_start3A] : memref<8192x1024xf32, #tpu.memory_space<hbm>> -> memref<16x1024xf32, #tpu.memory_space<hbm>>
    %dma_start3A_6 = arith.constant 0 : i32
    %dma_start3A_7 = tpu.memref_slice %arg3[%add3A_4, %dma_start3A_6] : memref<8192x1024xf32, #tpu.memory_space<hbm>> -> memref<16x1024xf32, #tpu.memory_space<hbm>>
    tpu.enqueue_dma source(%dma_start3A_7 : memref<16x1024xf32, #tpu.memory_space<hbm>>) target(%arg5 : memref<16x1024xf32, #tpu.memory_space<vmem>>) target_semaphore(%arg9 : memref<!tpu.dma_semaphore, #tpu.memory_space<semaphore_mem>>)
    %add3A_8 = arith.constant 0 : i32
    %add3A_9 = arith.addi %mul3A_2, %add3A_8 : i32
    %dma_start3A_10 = arith.constant 3 : i32
    %dma_start3A_11 = arith.constant 0 : i32
    %dma_start3A_12 = tpu.memref_slice %arg2[%dma_start3A_10, %add3A_9, %dma_start3A_11] : memref<4x8192x1024xf32, #tpu.memory_space<hbm>> -> memref<1x16x1024xf32, #tpu.memory_space<hbm>>
    %dma_start3A_13 = tpu.memref_squeeze %dma_start3A_12 : memref<1x16x1024xf32, #tpu.memory_space<hbm>> -> memref<16x1024xf32, #tpu.memory_space<hbm>>
    %dma_start3A_14 = arith.constant 0 : i32
    %dma_start3A_15 = tpu.memref_slice %arg2[%dma_start3A_10, %add3A_9, %dma_start3A_14] : memref<4x8192x1024xf32, #tpu.memory_space<hbm>> -> memref<1x16x1024xf32, #tpu.memory_space<hbm>>
    %dma_start3A_16 = tpu.memref_squeeze %dma_start3A_15 : memref<1x16x1024xf32, #tpu.memory_space<hbm>> -> memref<16x1024xf32, #tpu.memory_space<hbm>>
    tpu.enqueue_dma source(%dma_start3A_16 : memref<16x1024xf32, #tpu.memory_space<hbm>>) target(%arg7 : memref<16x1024xf32, #tpu.memory_space<vmem>>) target_semaphore(%arg11 : memref<!tpu.dma_semaphore, #tpu.memory_space<semaphore_mem>>)
    %scan3A = arith.constant 0 : i32
    %scan3A_17 = arith.constant 0 : i32
    %scan3A_18 = arith.constant 8 : i32
    %scan3A_19 = arith.addi %scan3A_17, %scan3A_18 : i32
    %scan3A_20 = arith.constant 1 : i32
    %scan3A_21 = scf.for %scan3A_31 = %scan3A_17 to %scan3A_19 step %scan3A_20 iter_args(%scan3A_32 = %scan3A) -> (i32)  : i32 {
      %mul3A_33 = arith.constant 2 : i32
      %mul3A_34 = arith.muli %mul3A_33, %scan3A_31 : i32
      %eq3A = arith.constant 0 : i32
      %eq3A_35 = arith.cmpi eq, %scan3A_31, %eq3A : i32
      %convert_element_type3A = arith.extui %eq3A_35 : i1 to i32
      %cond3A = arith.constant 0 : i32
      %cond3A_36 = arith.cmpi ne, %convert_element_type3A, %cond3A : i32
      scf.if %cond3A_36 {
        %add3A_95 = arith.constant 1 : i32
        %add3A_96 = arith.addi %mul3A_34, %add3A_95 : i32
        %lt3A_97 = arith.constant 16 : i32
        %lt3A_98 = arith.cmpi slt, %add3A_96, %lt3A_97 : i32
        %convert_element_type3A_99 = arith.extui %lt3A_98 : i1 to i32
        %cond3A_100 = arith.constant 0 : i32
        %cond3A_101 = arith.cmpi ne, %convert_element_type3A_99, %cond3A_100 : i32
        scf.if %cond3A_101 {
          %add3A_136 = arith.constant 1 : i32
          %add3A_137 = arith.addi %mul3A_34, %add3A_136 : i32
          %mul3A_138 = arith.constant 16 : i32
          %mul3A_139 = arith.muli %add3A_137, %mul3A_138 : i32
          %add3A_140 = arith.addi %mul3A_2, %mul3A_139 : i32
          %dma_start3A_141 = arith.constant 0 : i32
          %dma_start3A_142 = tpu.memref_slice %arg3[%add3A_140, %dma_start3A_141] : memref<8192x1024xf32, #tpu.memory_space<hbm>> -> memref<16x1024xf32, #tpu.memory_space<hbm>>
          %dma_start3A_143 = arith.constant 0 : i32
          %dma_start3A_144 = tpu.memref_slice %arg3[%add3A_140, %dma_start3A_143] : memref<8192x1024xf32, #tpu.memory_space<hbm>> -> memref<16x1024xf32, #tpu.memory_space<hbm>>
          tpu.enqueue_dma source(%dma_start3A_144 : memref<16x1024xf32, #tpu.memory_space<hbm>>) target(%arg6 : memref<16x1024xf32, #tpu.memory_space<vmem>>) target_semaphore(%arg10 : memref<!tpu.dma_semaphore, #tpu.memory_space<semaphore_mem>>)
          %add3A_145 = arith.constant 1 : i32
          %add3A_146 = arith.addi %mul3A_34, %add3A_145 : i32
          %mul3A_147 = arith.constant 16 : i32
          %mul3A_148 = arith.muli %add3A_146, %mul3A_147 : i32
          %add3A_149 = arith.addi %mul3A_2, %mul3A_148 : i32
          %dma_start3A_150 = arith.constant 3 : i32
          %dma_start3A_151 = arith.constant 0 : i32
          %dma_start3A_152 = tpu.memref_slice %arg2[%dma_start3A_150, %add3A_149, %dma_start3A_151] : memref<4x8192x1024xf32, #tpu.memory_space<hbm>> -> memref<1x16x1024xf32, #tpu.memory_space<hbm>>
          %dma_start3A_153 = tpu.memref_squeeze %dma_start3A_152 : memref<1x16x1024xf32, #tpu.memory_space<hbm>> -> memref<16x1024xf32, #tpu.memory_space<hbm>>
          %dma_start3A_154 = arith.constant 0 : i32
          %dma_start3A_155 = tpu.memref_slice %arg2[%dma_start3A_150, %add3A_149, %dma_start3A_154] : memref<4x8192x1024xf32, #tpu.memory_space<hbm>> -> memref<1x16x1024xf32, #tpu.memory_space<hbm>>
          %dma_start3A_156 = tpu.memref_squeeze %dma_start3A_155 : memref<1x16x1024xf32, #tpu.memory_space<hbm>> -> memref<16x1024xf32, #tpu.memory_space<hbm>>
          tpu.enqueue_dma source(%dma_start3A_156 : memref<16x1024xf32, #tpu.memory_space<hbm>>) target(%arg8 : memref<16x1024xf32, #tpu.memory_space<vmem>>) target_semaphore(%arg12 : memref<!tpu.dma_semaphore, #tpu.memory_space<semaphore_mem>>)
        } else {
        }
        %mul3A_102 = arith.constant 16 : i32
        %mul3A_103 = arith.muli %mul3A_34, %mul3A_102 : i32
        %add3A_104 = arith.addi %mul3A_2, %mul3A_103 : i32
        %dma_wait3A_105 = arith.constant 0 : i32
        %dma_wait3A_106 = tpu.memref_slice %arg3[%add3A_104, %dma_wait3A_105] : memref<8192x1024xf32, #tpu.memory_space<hbm>> -> memref<16x1024xf32, #tpu.memory_space<hbm>>
        %dma_wait3A_107 = arith.constant 0 : i32
        %dma_wait3A_108 = tpu.memref_slice %arg3[%add3A_104, %dma_wait3A_107] : memref<8192x1024xf32, #tpu.memory_space<hbm>> -> memref<16x1024xf32, #tpu.memory_space<hbm>>
        tpu.wait_dma2 semaphore(%arg9 : memref<!tpu.dma_semaphore, #tpu.memory_space<semaphore_mem>>) src(%dma_wait3A_108 : memref<16x1024xf32, #tpu.memory_space<hbm>>) dst(%arg5 : memref<16x1024xf32, #tpu.memory_space<vmem>>)
        %mul3A_109 = arith.constant 16 : i32
        %mul3A_110 = arith.muli %mul3A_34, %mul3A_109 : i32
        %add3A_111 = arith.addi %mul3A_2, %mul3A_110 : i32
        %dma_wait3A_112 = arith.constant 3 : i32
        %dma_wait3A_113 = arith.constant 0 : i32
        %dma_wait3A_114 = tpu.memref_slice %arg2[%dma_wait3A_112, %add3A_111, %dma_wait3A_113] : memref<4x8192x1024xf32, #tpu.memory_space<hbm>> -> memref<1x16x1024xf32, #tpu.memory_space<hbm>>
        %dma_wait3A_115 = tpu.memref_squeeze %dma_wait3A_114 : memref<1x16x1024xf32, #tpu.memory_space<hbm>> -> memref<16x1024xf32, #tpu.memory_space<hbm>>
        %dma_wait3A_116 = arith.constant 0 : i32
        %dma_wait3A_117 = tpu.memref_slice %arg2[%dma_wait3A_112, %add3A_111, %dma_wait3A_116] : memref<4x8192x1024xf32, #tpu.memory_space<hbm>> -> memref<1x16x1024xf32, #tpu.memory_space<hbm>>
        %dma_wait3A_118 = tpu.memref_squeeze %dma_wait3A_117 : memref<1x16x1024xf32, #tpu.memory_space<hbm>> -> memref<16x1024xf32, #tpu.memory_space<hbm>>
        tpu.wait_dma2 semaphore(%arg11 : memref<!tpu.dma_semaphore, #tpu.memory_space<semaphore_mem>>) src(%dma_wait3A_118 : memref<16x1024xf32, #tpu.memory_space<hbm>>) dst(%arg7 : memref<16x1024xf32, #tpu.memory_space<vmem>>)
        %scan3A_119 = arith.constant 0 : i32
        %scan3A_120 = arith.constant 0 : i32
        %scan3A_121 = arith.constant 16 : i32
        %scan3A_122 = arith.addi %scan3A_120, %scan3A_121 : i32
        %scan3A_123 = arith.constant 1 : i32
        %scan3A_124 = scf.for %scan3A_136 = %scan3A_120 to %scan3A_122 step %scan3A_123 iter_args(%scan3A_137 = %scan3A_119) -> (i32)  : i32 {
          %get3A = arith.index_cast %scan3A_136 : i32 to index
          %get3A_138 = arith.constant 0 : index
          %get3A_139 = tpu.vector_load %arg7[%get3A, %get3A_138] {strides = array<i32>} : memref<16x1024xf32, #tpu.memory_space<vmem>>, vector<1x16xf32>,
          %get3A_140 = vector.shape_cast %get3A_139 : vector<1x16xf32> to vector<16xf32>
          %get3A_141 = arith.index_cast %scan3A_136 : i32 to index
          %get3A_142 = arith.constant 0 : index
          %get3A_143 = tpu.vector_load %arg5[%get3A_141, %get3A_142] {strides = array<i32>} : memref<16x1024xf32, #tpu.memory_space<vmem>>, vector<1x16xf32>,
          %get3A_144 = vector.shape_cast %get3A_143 : vector<1x16xf32> to vector<16xf32>
          %add3A_145 = arith.addf %get3A_140, %get3A_144 : vector<16xf32>
          %swap3A = arith.index_cast %scan3A_136 : i32 to index
          %swap3A_146 = arith.constant 0 : index
          %swap3A_147 = tpu.vector_load %arg7[%swap3A, %swap3A_146] {strides = array<i32>} : memref<16x1024xf32, #tpu.memory_space<vmem>>, vector<1x16xf32>,
          %swap3A_148 = vector.shape_cast %swap3A_147 : vector<1x16xf32> to vector<16xf32>
          %swap3A_149 = vector.shape_cast %add3A_145 : vector<16xf32> to vector<1x16xf32>
          tpu.vector_store %arg7[%swap3A, %swap3A_146], %swap3A_149 {strides = array<i32>} : memref<16x1024xf32, #tpu.memory_space<vmem>>, vector<1x16xf32>,
          %get3A_150 = arith.index_cast %scan3A_136 : i32 to index
          %get3A_151 = arith.constant 16 : index
          %get3A_152 = tpu.vector_load %arg7[%get3A_150, %get3A_151] {strides = array<i32>} : memref<16x1024xf32, #tpu.memory_space<vmem>>, vector<1x16xf32>,
          %get3A_153 = vector.shape_cast %get3A_152 : vector<1x16xf32> to vector<16xf32>
          %get3A_154 = arith.index_cast %scan3A_136 : i32 to index
          %get3A_155 = arith.constant 16 : index
          %get3A_156 = tpu.vector_load %arg5[%get3A_154, %get3A_155] {strides = array<i32>} : memref<16x1024xf32, #tpu.memory_space<vmem>>, vector<1x16xf32>,
          %get3A_157 = vector.shape_cast %get3A_156 : vector<1x16xf32> to vector<16xf32>
          %add3A_158 = arith.addf %get3A_153, %get3A_157 : vector<16xf32>
          %swap3A_159 = arith.index_cast %scan3A_136 : i32 to index
          %swap3A_160 = arith.constant 16 : index
          %swap3A_161 = tpu.vector_load %arg7[%swap3A_159, %swap3A_160] {strides = array<i32>} : memref<16x1024xf32, #tpu.memory_space<vmem>>, vector<1x16xf32>,
          %swap3A_162 = vector.shape_cast %swap3A_161 : vector<1x16xf32> to vector<16xf32>
          %swap3A_163 = vector.shape_cast %add3A_158 : vector<16xf32> to vector<1x16xf32>
          tpu.vector_store %arg7[%swap3A_159, %swap3A_160], %swap3A_163 {strides = array<i32>} : memref<16x1024xf32, #tpu.memory_space<vmem>>, vector<1x16xf32>,
          %get3A_164 = arith.index_cast %scan3A_136 : i32 to index
          %get3A_165 = arith.constant 32 : index
          %get3A_166 = tpu.vector_load %arg7[%get3A_164, %get3A_165] {strides = array<i32>} : memref<16x1024xf32, #tpu.memory_space<vmem>>, vector<1x16xf32>,
          %get3A_167 = vector.shape_cast %get3A_166 : vector<1x16xf32> to vector<16xf32>
          %get3A_168 = arith.index_cast %scan3A_136 : i32 to index
          %get3A_169 = arith.constant 32 : index
          %get3A_170 = tpu.vector_load %arg5[%get3A_168, %get3A_169] {strides = array<i32>} : memref<16x1024xf32, #tpu.memory_space<vmem>>, vector<1x16xf32>,
          %get3A_171 = vector.shape_cast %get3A_170 : vector<1x16xf32> to vector<16xf32>
          %add3A_172 = arith.addf %get3A_167, %get3A_171 : vector<16xf32>
          %swap3A_173 = arith.index_cast %scan3A_136 : i32 to index
          %swap3A_174 = arith.constant 32 : index
          %swap3A_175 = tpu.vector_load %arg7[%swap3A_173, %swap3A_174] {strides = array<i32>} : memref<16x1024xf32, #tpu.memory_space<vmem>>, vector<1x16xf32>,
          %swap3A_176 = vector.shape_cast %swap3A_175 : vector<1x16xf32> to vector<16xf32>
          %swap3A_177 = vector.shape_cast %add3A_172 : vector<16xf32> to vector<1x16xf32>
          tpu.vector_store %arg7[%swap3A_173, %swap3A_174], %swap3A_177 {strides = array<i32>} : memref<16x1024xf32, #tpu.memory_space<vmem>>, vector<1x16xf32>,
          %get3A_178 = arith.index_cast %scan3A_136 : i32 to index
          %get3A_179 = arith.constant 48 : index
          %get3A_180 = tpu.vector_load %arg7[%get3A_178, %get3A_179] {strides = array<i32>} : memref<16x1024xf32, #tpu.memory_space<vmem>>, vector<1x16xf32>,
          %get3A_181 = vector.shape_cast %get3A_180 : vector<1x16xf32> to vector<16xf32>
          %get3A_182 = arith.index_cast %scan3A_136 : i32 to index
          %get3A_183 = arith.constant 48 : index
          %get3A_184 = tpu.vector_load %arg5[%get3A_182, %get3A_183] {strides = array<i32>} : memref<16x1024xf32, #tpu.memory_space<vmem>>, vector<1x16xf32>,
          %get3A_185 = vector.shape_cast %get3A_184 : vector<1x16xf32> to vector<16xf32>
          %add3A_186 = arith.addf %get3A_181, %get3A_185 : vector<16xf32>
          %swap3A_187 = arith.index_cast %scan3A_136 : i32 to index
          %swap3A_188 = arith.constant 48 : index
          %swap3A_189 = tpu.vector_load %arg7[%swap3A_187, %swap3A_188] {strides = array<i32>} : memref<16x1024xf32, #tpu.memory_space<vmem>>, vector<1x16xf32>,
          %swap3A_190 = vector.shape_cast %swap3A_189 : vector<1x16xf32> to vector<16xf32>
          %swap3A_191 = vector.shape_cast %add3A_186 : vector<16xf32> to vector<1x16xf32>
          tpu.vector_store %arg7[%swap3A_187, %swap3A_188], %swap3A_191 {strides = array<i32>} : memref<16x1024xf32, #tpu.memory_space<vmem>>, vector<1x16xf32>,
          %get3A_192 = arith.index_cast %scan3A_136 : i32 to index
          %get3A_193 = arith.constant 64 : index
          %get3A_194 = tpu.vector_load %arg7[%get3A_192, %get3A_193] {strides = array<i32>} : memref<16x1024xf32, #tpu.memory_space<vmem>>, vector<1x16xf32>,
          %get3A_195 = vector.shape_cast %get3A_194 : vector<1x16xf32> to vector<16xf32>
          %get3A_196 = arith.index_cast %scan3A_136 : i32 to index
          %get3A_197 = arith.constant 64 : index
          %get3A_198 = tpu.vector_load %arg5[%get3A_196, %get3A_197] {strides = array<i32>} : memref<16x1024xf32, #tpu.memory_space<vmem>>, vector<1x16xf32>,
          %get3A_199 = vector.shape_cast %get3A_198 : vector<1x16xf32> to vector<16xf32>
          %add3A_200 = arith.addf %get3A_195, %get3A_199 : vector<16xf32>
          %swap3A_201 = arith.index_cast %scan3A_136 : i32 to index
          %swap3A_202 = arith.constant 64 : index
          %swap3A_203 = tpu.vector_load %arg7[%swap3A_201, %swap3A_202] {strides = array<i32>} : memref<16x1024xf32, #tpu.memory_space<vmem>>, vector<1x16xf32>,
          %swap3A_204 = vector.shape_cast %swap3A_203 : vector<1x16xf32> to vector<16xf32>
          %swap3A_205 = vector.shape_cast %add3A_200 : vector<16xf32> to vector<1x16xf32>
          tpu.vector_store %arg7[%swap3A_201, %swap3A_202], %swap3A_205 {strides = array<i32>} : memref<16x1024xf32, #tpu.memory_space<vmem>>, vector<1x16xf32>,
          %get3A_206 = arith.index_cast %scan3A_136 : i32 to index
          %get3A_207 = arith.constant 80 : index
          %get3A_208 = tpu.vector_load %arg7[%get3A_206, %get3A_207] {strides = array<i32>} : memref<16x1024xf32, #tpu.memory_space<vmem>>, vector<1x16xf32>,
          %get3A_209 = vector.shape_cast %get3A_208 : vector<1x16xf32> to vector<16xf32>
          %get3A_210 = arith.index_cast %scan3A_136 : i32 to index
          %get3A_211 = arith.constant 80 : index
          %get3A_212 = tpu.vector_load %arg5[%get3A_210, %get3A_211] {strides = array<i32>} : memref<16x1024xf32, #tpu.memory_space<vmem>>, vector<1x16xf32>,
          %get3A_213 = vector.shape_cast %get3A_212 : vector<1x16xf32> to vector<16xf32>
          %add3A_214 = arith.addf %get3A_209, %get3A_213 : vector<16xf32>
          %swap3A_215 = arith.index_cast %scan3A_136 : i32 to index
          %swap3A_216 = arith.constant 80 : index
          %swap3A_217 = tpu.vector_load %arg7[%swap3A_215, %swap3A_216] {strides = array<i32>} : memref<16x1024xf32, #tpu.memory_space<vmem>>, vector<1x16xf32>,
          %swap3A_218 = vector.shape_cast %swap3A_217 : vector<1x16xf32> to vector<16xf32>
          %swap3A_219 = vector.shape_cast %add3A_214 : vector<16xf32> to vector<1x16xf32>
          tpu.vector_store %arg7[%swap3A_215, %swap3A_216], %swap3A_219 {strides = array<i32>} : memref<16x1024xf32, #tpu.memory_space<vmem>>, vector<1x16xf32>,
          %get3A_220 = arith.index_cast %scan3A_136 : i32 to index
          %get3A_221 = arith.constant 96 : index
          %get3A_222 = tpu.vector_load %arg7[%get3A_220, %get3A_221] {strides = array<i32>} : memref<16x1024xf32, #tpu.memory_space<vmem>>, vector<1x16xf32>,
          %get3A_223 = vector.shape_cast %get3A_222 : vector<1x16xf32> to vector<16xf32>
          %get3A_224 = arith.index_cast %scan3A_136 : i32 to index
          %get3A_225 = arith.constant 96 : index
          %get3A_226 = tpu.vector_load %arg5[%get3A_224, %get3A_225] {strides = array<i32>} : memref<16x1024xf32, #tpu.memory_space<vmem>>, vector<1x16xf32>,
          %get3A_227 = vector.shape_cast %get3A_226 : vector<1x16xf32> to vector<16xf32>
          %add3A_228 = arith.addf %get3A_223, %get3A_227 : vector<16xf32>
          %swap3A_229 = arith.index_cast %scan3A_136 : i32 to index
          %swap3A_230 = arith.constant 96 : index
          %swap3A_231 = tpu.vector_load %arg7[%swap3A_229, %swap3A_230] {strides = array<i32>} : memref<16x1024xf32, #tpu.memory_space<vmem>>, vector<1x16xf32>,
          %swap3A_232 = vector.shape_cast %swap3A_231 : vector<1x16xf32> to vector<16xf32>
          %swap3A_233 = vector.shape_cast %add3A_228 : vector<16xf32> to vector<1x16xf32>
          tpu.vector_store %arg7[%swap3A_229, %swap3A_230], %swap3A_233 {strides = array<i32>} : memref<16x1024xf32, #tpu.memory_space<vmem>>, vector<1x16xf32>,
          %get3A_234 = arith.index_cast %scan3A_136 : i32 to index
          %get3A_235 = arith.constant 112 : index
          %get3A_236 = tpu.vector_load %arg7[%get3A_234, %get3A_235] {strides = array<i32>} : memref<16x1024xf32, #tpu.memory_space<vmem>>, vector<1x16xf32>,
          %get3A_237 = vector.shape_cast %get3A_236 : vector<1x16xf32> to vector<16xf32>
          %get3A_238 = arith.index_cast %scan3A_136 : i32 to index
          %get3A_239 = arith.constant 112 : index
          %get3A_240 = tpu.vector_load %arg5[%get3A_238, %get3A_239] {strides = array<i32>} : memref<16x1024xf32, #tpu.memory_space<vmem>>, vector<1x16xf32>,
          %get3A_241 = vector.shape_cast %get3A_240 : vector<1x16xf32> to vector<16xf32>
          %add3A_242 = arith.addf %get3A_237, %get3A_241 : vector<16xf32>
          %swap3A_243 = arith.index_cast %scan3A_136 : i32 to index
          %swap3A_244 = arith.constant 112 : index
          %swap3A_245 = tpu.vector_load %arg7[%swap3A_243, %swap3A_244] {strides = array<i32>} : memref<16x1024xf32, #tpu.memory_space<vmem>>, vector<1x16xf32>,
          %swap3A_246 = vector.shape_cast %swap3A_245 : vector<1x16xf32> to vector<16xf32>
          %swap3A_247 = vector.shape_cast %add3A_242 : vector<16xf32> to vector<1x16xf32>
          tpu.vector_store %arg7[%swap3A_243, %swap3A_244], %swap3A_247 {strides = array<i32>} : memref<16x1024xf32, #tpu.memory_space<vmem>>, vector<1x16xf32>,
          %get3A_248 = arith.index_cast %scan3A_136 : i32 to index
          %get3A_249 = arith.constant 128 : index
          %get3A_250 = tpu.vector_load %arg7[%get3A_248, %get3A_249] {strides = array<i32>} : memref<16x1024xf32, #tpu.memory_space<vmem>>, vector<1x16xf32>,
          %get3A_251 = vector.shape_cast %get3A_250 : vector<1x16xf32> to vector<16xf32>
          %get3A_252 = arith.index_cast %scan3A_136 : i32 to index
          %get3A_253 = arith.constant 128 : index
          %get3A_254 = tpu.vector_load %arg5[%get3A_252, %get3A_253] {strides = array<i32>} : memref<16x1024xf32, #tpu.memory_space<vmem>>, vector<1x16xf32>,
          %get3A_255 = vector.shape_cast %get3A_254 : vector<1x16xf32> to vector<16xf32>
          %add3A_256 = arith.addf %get3A_251, %get3A_255 : vector<16xf32>
          %swap3A_257 = arith.index_cast %scan3A_136 : i32 to index
          %swap3A_258 = arith.constant 128 : index
          %swap3A_259 = tpu.vector_load %arg7[%swap3A_257, %swap3A_258] {strides = array<i32>} : memref<16x1024xf32, #tpu.memory_space<vmem>>, vector<1x16xf32>,
          %swap3A_260 = vector.shape_cast %swap3A_259 : vector<1x16xf32> to vector<16xf32>
          %swap3A_261 = vector.shape_cast %add3A_256 : vector<16xf32> to vector<1x16xf32>
          tpu.vector_store %arg7[%swap3A_257, %swap3A_258], %swap3A_261 {strides = array<i32>} : memref<16x1024xf32, #tpu.memory_space<vmem>>, vector<1x16xf32>,
          %get3A_262 = arith.index_cast %scan3A_136 : i32 to index
          %get3A_263 = arith.constant 144 : index
          %get3A_264 = tpu.vector_load %arg7[%get3A_262, %get3A_263] {strides = array<i32>} : memref<16x1024xf32, #tpu.memory_space<vmem>>, vector<1x16xf32>,
          %get3A_265 = vector.shape_cast %get3A_264 : vector<1x16xf32> to vector<16xf32>
          %get3A_266 = arith.index_cast %scan3A_136 : i32 to index
          %get3A_267 = arith.constant 144 : index
          %get3A_268 = tpu.vector_load %arg5[%get3A_266, %get3A_267] {strides = array<i32>} : memref<16x1024xf32, #tpu.memory_space<vmem>>, vector<1x16xf32>,
          %get3A_269 = vector.shape_cast %get3A_268 : vector<1x16xf32> to vector<16xf32>
          %add3A_270 = arith.addf %get3A_265, %get3A_269 : vector<16xf32>
          %swap3A_271 = arith.index_cast %scan3A_136 : i32 to index
          %swap3A_272 = arith.constant 144 : index
          %swap3A_273 = tpu.vector_load %arg7[%swap3A_271, %swap3A_272] {strides = array<i32>} : memref<16x1024xf32, #tpu.memory_space<vmem>>, vector<1x16xf32>,
          %swap3A_274 = vector.shape_cast %swap3A_273 : vector<1x16xf32> to vector<16xf32>
          %swap3A_275 = vector.shape_cast %add3A_270 : vector<16xf32> to vector<1x16xf32>
          tpu.vector_store %arg7[%swap3A_271, %swap3A_272], %swap3A_275 {strides = array<i32>} : memref<16x1024xf32, #tpu.memory_space<vmem>>, vector<1x16xf32>,
          %get3A_276 = arith.index_cast %scan3A_136 : i32 to index
          %get3A_277 = arith.constant 160 : index
          %get3A_278 = tpu.vector_load %arg7[%get3A_276, %get3A_277] {strides = array<i32>} : memref<16x1024xf32, #tpu.memory_space<vmem>>, vector<1x16xf32>,
          %get3A_279 = vector.shape_cast %get3A_278 : vector<1x16xf32> to vector<16xf32>
          %get3A_280 = arith.index_cast %scan3A_136 : i32 to index
          %get3A_281 = arith.constant 160 : index
          %get3A_282 = tpu.vector_load %arg5[%get3A_280, %get3A_281] {strides = array<i32>} : memref<16x1024xf32, #tpu.memory_space<vmem>>, vector<1x16xf32>,
          %get3A_283 = vector.shape_cast %get3A_282 : vector<1x16xf32> to vector<16xf32>
          %add3A_284 = arith.addf %get3A_279, %get3A_283 : vector<16xf32>
          %swap3A_285 = arith.index_cast %scan3A_136 : i32 to index
          %swap3A_286 = arith.constant 160 : index
          %swap3A_287 = tpu.vector_load %arg7[%swap3A_285, %swap3A_286] {strides = array<i32>} : memref<16x1024xf32, #tpu.memory_space<vmem>>, vector<1x16xf32>,
          %swap3A_288 = vector.shape_cast %swap3A_287 : vector<1x16xf32> to vector<16xf32>
          %swap3A_289 = vector.shape_cast %add3A_284 : vector<16xf32> to vector<1x16xf32>
          tpu.vector_store %arg7[%swap3A_285, %swap3A_286], %swap3A_289 {strides = array<i32>} : memref<16x1024xf32, #tpu.memory_space<vmem>>, vector<1x16xf32>,
          %get3A_290 = arith.index_cast %scan3A_136 : i32 to index
          %get3A_291 = arith.constant 176 : index
          %get3A_292 = tpu.vector_load %arg7[%get3A_290, %get3A_291] {strides = array<i32>} : memref<16x1024xf32, #tpu.memory_space<vmem>>, vector<1x16xf32>,
          %get3A_293 = vector.shape_cast %get3A_292 : vector<1x16xf32> to vector<16xf32>
          %get3A_294 = arith.index_cast %scan3A_136 : i32 to index
          %get3A_295 = arith.constant 176 : index
          %get3A_296 = tpu.vector_load %arg5[%get3A_294, %get3A_295] {strides = array<i32>} : memref<16x1024xf32, #tpu.memory_space<vmem>>, vector<1x16xf32>,
          %get3A_297 = vector.shape_cast %get3A_296 : vector<1x16xf32> to vector<16xf32>
          %add3A_298 = arith.addf %get3A_293, %get3A_297 : vector<16xf32>
          %swap3A_299 = arith.index_cast %scan3A_136 : i32 to index
          %swap3A_300 = arith.constant 176 : index
          %swap3A_301 = tpu.vector_load %arg7[%swap3A_299, %swap3A_300] {strides = array<i32>} : memref<16x1024xf32, #tpu.memory_space<vmem>>, vector<1x16xf32>,
          %swap3A_302 = vector.shape_cast %swap3A_301 : vector<1x16xf32> to vector<16xf32>
          %swap3A_303 = vector.shape_cast %add3A_298 : vector<16xf32> to vector<1x16xf32>
          tpu.vector_store %arg7[%swap3A_299, %swap3A_300], %swap3A_303 {strides = array<i32>} : memref<16x1024xf32, #tpu.memory_space<vmem>>, vector<1x16xf32>,
          %get3A_304 = arith.index_cast %scan3A_136 : i32 to index
          %get3A_305 = arith.constant 192 : index
          %get3A_306 = tpu.vector_load %arg7[%get3A_304, %get3A_305] {strides = array<i32>} : memref<16x1024xf32, #tpu.memory_space<vmem>>, vector<1x16xf32>,
          %get3A_307 = vector.shape_cast %get3A_306 : vector<1x16xf32> to vector<16xf32>
          %get3A_308 = arith.index_cast %scan3A_136 : i32 to index
          %get3A_309 = arith.constant 192 : index
          %get3A_310 = tpu.vector_load %arg5[%get3A_308, %get3A_309] {strides = array<i32>} : memref<16x1024xf32, #tpu.memory_space<vmem>>, vector<1x16xf32>,
          %get3A_311 = vector.shape_cast %get3A_310 : vector<1x16xf32> to vector<16xf32>
          %add3A_312 = arith.addf %get3A_307, %get3A_311 : vector<16xf32>
          %swap3A_313 = arith.index_cast %scan3A_136 : i32 to index
          %swap3A_314 = arith.constant 192 : index
          %swap3A_315 = tpu.vector_load %arg7[%swap3A_313, %swap3A_314] {strides = array<i32>} : memref<16x1024xf32, #tpu.memory_space<vmem>>, vector<1x16xf32>,
          %swap3A_316 = vector.shape_cast %swap3A_315 : vector<1x16xf32> to vector<16xf32>
          %swap3A_317 = vector.shape_cast %add3A_312 : vector<16xf32> to vector<1x16xf32>
          tpu.vector_store %arg7[%swap3A_313, %swap3A_314], %swap3A_317 {strides = array<i32>} : memref<16x1024xf32, #tpu.memory_space<vmem>>, vector<1x16xf32>,
          %get3A_318 = arith.index_cast %scan3A_136 : i32 to index
          %get3A_319 = arith.constant 208 : index
          %get3A_320 = tpu.vector_load %arg7[%get3A_318, %get3A_319] {strides = array<i32>} : memref<16x1024xf32, #tpu.memory_space<vmem>>, vector<1x16xf32>,
          %get3A_321 = vector.shape_cast %get3A_320 : vector<1x16xf32> to vector<16xf32>
          %get3A_322 = arith.index_cast %scan3A_136 : i32 to index
          %get3A_323 = arith.constant 208 : index
          %get3A_324 = tpu.vector_load %arg5[%get3A_322, %get3A_323] {strides = array<i32>} : memref<16x1024xf32, #tpu.memory_space<vmem>>, vector<1x16xf32>,
          %get3A_325 = vector.shape_cast %get3A_324 : vector<1x16xf32> to vector<16xf32>
          %add3A_326 = arith.addf %get3A_321, %get3A_325 : vector<16xf32>
          %swap3A_327 = arith.index_cast %scan3A_136 : i32 to index
          %swap3A_328 = arith.constant 208 : index
          %swap3A_329 = tpu.vector_load %arg7[%swap3A_327, %swap3A_328] {strides = array<i32>} : memref<16x1024xf32, #tpu.memory_space<vmem>>, vector<1x16xf32>,
          %swap3A_330 = vector.shape_cast %swap3A_329 : vector<1x16xf32> to vector<16xf32>
          %swap3A_331 = vector.shape_cast %add3A_326 : vector<16xf32> to vector<1x16xf32>
          tpu.vector_store %arg7[%swap3A_327, %swap3A_328], %swap3A_331 {strides = array<i32>} : memref<16x1024xf32, #tpu.memory_space<vmem>>, vector<1x16xf32>,
          %get3A_332 = arith.index_cast %scan3A_136 : i32 to index
          %get3A_333 = arith.constant 224 : index
          %get3A_334 = tpu.vector_load %arg7[%get3A_332, %get3A_333] {strides = array<i32>} : memref<16x1024xf32, #tpu.memory_space<vmem>>, vector<1x16xf32>,
          %get3A_335 = vector.shape_cast %get3A_334 : vector<1x16xf32> to vector<16xf32>
          %get3A_336 = arith.index_cast %scan3A_136 : i32 to index
          %get3A_337 = arith.constant 224 : index
          %get3A_338 = tpu.vector_load %arg5[%get3A_336, %get3A_337] {strides = array<i32>} : memref<16x1024xf32, #tpu.memory_space<vmem>>, vector<1x16xf32>,
          %get3A_339 = vector.shape_cast %get3A_338 : vector<1x16xf32> to vector<16xf32>
          %add3A_340 = arith.addf %get3A_335, %get3A_339 : vector<16xf32>
          %swap3A_341 = arith.index_cast %scan3A_136 : i32 to index
          %swap3A_342 = arith.constant 224 : index
          %swap3A_343 = tpu.vector_load %arg7[%swap3A_341, %swap3A_342] {strides = array<i32>} : memref<16x1024xf32, #tpu.memory_space<vmem>>, vector<1x16xf32>,
          %swap3A_344 = vector.shape_cast %swap3A_343 : vector<1x16xf32> to vector<16xf32>
          %swap3A_345 = vector.shape_cast %add3A_340 : vector<16xf32> to vector<1x16xf32>
          tpu.vector_store %arg7[%swap3A_341, %swap3A_342], %swap3A_345 {strides = array<i32>} : memref<16x1024xf32, #tpu.memory_space<vmem>>, vector<1x16xf32>,
          %get3A_346 = arith.index_cast %scan3A_136 : i32 to index
          %get3A_347 = arith.constant 240 : index
          %get3A_348 = tpu.vector_load %arg7[%get3A_346, %get3A_347] {strides = array<i32>} : memref<16x1024xf32, #tpu.memory_space<vmem>>, vector<1x16xf32>,
          %get3A_349 = vector.shape_cast %get3A_348 : vector<1x16xf32> to vector<16xf32>
          %get3A_350 = arith.index_cast %scan3A_136 : i32 to index
          %get3A_351 = arith.constant 240 : index
          %get3A_352 = tpu.vector_load %arg5[%get3A_350, %get3A_351] {strides = array<i32>} : memref<16x1024xf32, #tpu.memory_space<vmem>>, vector<1x16xf32>,
          %get3A_353 = vector.shape_cast %get3A_352 : vector<1x16xf32> to vector<16xf32>
          %add3A_354 = arith.addf %get3A_349, %get3A_353 : vector<16xf32>
          %swap3A_355 = arith.index_cast %scan3A_136 : i32 to index
          %swap3A_356 = arith.constant 240 : index
          %swap3A_357 = tpu.vector_load %arg7[%swap3A_355, %swap3A_356] {strides = array<i32>} : memref<16x1024xf32, #tpu.memory_space<vmem>>, vector<1x16xf32>,
          %swap3A_358 = vector.shape_cast %swap3A_357 : vector<1x16xf32> to vector<16xf32>
          %swap3A_359 = vector.shape_cast %add3A_354 : vector<16xf32> to vector<1x16xf32>
          tpu.vector_store %arg7[%swap3A_355, %swap3A_356], %swap3A_359 {strides = array<i32>} : memref<16x1024xf32, #tpu.memory_space<vmem>>, vector<1x16xf32>,
          %get3A_360 = arith.index_cast %scan3A_136 : i32 to index
          %get3A_361 = arith.constant 256 : index
          %get3A_362 = tpu.vector_load %arg7[%get3A_360, %get3A_361] {strides = array<i32>} : memref<16x1024xf32, #tpu.memory_space<vmem>>, vector<1x16xf32>,
          %get3A_363 = vector.shape_cast %get3A_362 : vector<1x16xf32> to vector<16xf32>
          %get3A_364 = arith.index_cast %scan3A_136 : i32 to index
          %get3A_365 = arith.constant 256 : index
          %get3A_366 = tpu.vector_load %arg5[%get3A_364, %get3A_365] {strides = array<i32>} : memref<16x1024xf32, #tpu.memory_space<vmem>>, vector<1x16xf32>,
          %get3A_367 = vector.shape_cast %get3A_366 : vector<1x16xf32> to vector<16xf32>
          %add3A_368 = arith.addf %get3A_363, %get3A_367 : vector<16xf32>
          %swap3A_369 = arith.index_cast %scan3A_136 : i32 to index
          %swap3A_370 = arith.constant 256 : index
          %swap3A_371 = tpu.vector_load %arg7[%swap3A_369, %swap3A_370] {strides = array<i32>} : memref<16x1024xf32, #tpu.memory_space<vmem>>, vector<1x16xf32>,
          %swap3A_372 = vector.shape_cast %swap3A_371 : vector<1x16xf32> to vector<16xf32>
          %swap3A_373 = vector.shape_cast %add3A_368 : vector<16xf32> to vector<1x16xf32>
          tpu.vector_store %arg7[%swap3A_369, %swap3A_370], %swap3A_373 {strides = array<i32>} : memref<16x1024xf32, #tpu.memory_space<vmem>>, vector<1x16xf32>,
          %get3A_374 = arith.index_cast %scan3A_136 : i32 to index
          %get3A_375 = arith.constant 272 : index
          %get3A_376 = tpu.vector_load %arg7[%get3A_374, %get3A_375] {strides = array<i32>} : memref<16x1024xf32, #tpu.memory_space<vmem>>, vector<1x16xf32>,
          %get3A_377 = vector.shape_cast %get3A_376 : vector<1x16xf32> to vector<16xf32>
          %get3A_378 = arith.index_cast %scan3A_136 : i32 to index
          %get3A_379 = arith.constant 272 : index
          %get3A_380 = tpu.vector_load %arg5[%get3A_378, %get3A_379] {strides = array<i32>} : memref<16x1024xf32, #tpu.memory_space<vmem>>, vector<1x16xf32>,
          %get3A_381 = vector.shape_cast %get3A_380 : vector<1x16xf32> to vector<16xf32>
          %add3A_382 = arith.addf %get3A_377, %get3A_381 : vector<16xf32>
          %swap3A_383 = arith.index_cast %scan3A_136 : i32 to index
          %swap3A_384 = arith.constant 272 : index
          %swap3A_385 = tpu.vector_load %arg7[%swap3A_383, %swap3A_384] {strides = array<i32>} : memref<16x1024xf32, #tpu.memory_space<vmem>>, vector<1x16xf32>,
          %swap3A_386 = vector.shape_cast %swap3A_385 : vector<1x16xf32> to vector<16xf32>
          %swap3A_387 = vector.shape_cast %add3A_382 : vector<16xf32> to vector<1x16xf32>
          tpu.vector_store %arg7[%swap3A_383, %swap3A_384], %swap3A_387 {strides = array<i32>} : memref<16x1024xf32, #tpu.memory_space<vmem>>, vector<1x16xf32>,
          %get3A_388 = arith.index_cast %scan3A_136 : i32 to index
          %get3A_389 = arith.constant 288 : index
          %get3A_390 = tpu.vector_load %arg7[%get3A_388, %get3A_389] {strides = array<i32>} : memref<16x1024xf32, #tpu.memory_space<vmem>>, vector<1x16xf32>,
          %get3A_391 = vector.shape_cast %get3A_390 : vector<1x16xf32> to vector<16xf32>
          %get3A_392 = arith.index_cast %scan3A_136 : i32 to index
          %get3A_393 = arith.constant 288 : index
          %get3A_394 = tpu.vector_load %arg5[%get3A_392, %get3A_393] {strides = array<i32>} : memref<16x1024xf32, #tpu.memory_space<vmem>>, vector<1x16xf32>,
          %get3A_395 = vector.shape_cast %get3A_394 : vector<1x16xf32> to vector<16xf32>
          %add3A_396 = arith.addf %get3A_391, %get3A_395 : vector<16xf32>
          %swap3A_397 = arith.index_cast %scan3A_136 : i32 to index
          %swap3A_398 = arith.constant 288 : index
          %swap3A_399 = tpu.vector_load %arg7[%swap3A_397, %swap3A_398] {strides = array<i32>} : memref<16x1024xf32, #tpu.memory_space<vmem>>, vector<1x16xf32>,
          %swap3A_400 = vector.shape_cast %swap3A_399 : vector<1x16xf32> to vector<16xf32>
          %swap3A_401 = vector.shape_cast %add3A_396 : vector<16xf32> to vector<1x16xf32>
          tpu.vector_store %arg7[%swap3A_397, %swap3A_398], %swap3A_401 {strides = array<i32>} : memref<16x1024xf32, #tpu.memory_space<vmem>>, vector<1x16xf32>,
          %get3A_402 = arith.index_cast %scan3A_136 : i32 to index
          %get3A_403 = arith.constant 304 : index
          %get3A_404 = tpu.vector_load %arg7[%get3A_402, %get3A_403] {strides = array<i32>} : memref<16x1024xf32, #tpu.memory_space<vmem>>, vector<1x16xf32>,
          %get3A_405 = vector.shape_cast %get3A_404 : vector<1x16xf32> to vector<16xf32>
          %get3A_406 = arith.index_cast %scan3A_136 : i32 to index
          %get3A_407 = arith.constant 304 : index
          %get3A_408 = tpu.vector_load %arg5[%get3A_406, %get3A_407] {strides = array<i32>} : memref<16x1024xf32, #tpu.memory_space<vmem>>, vector<1x16xf32>,
          %get3A_409 = vector.shape_cast %get3A_408 : vector<1x16xf32> to vector<16xf32>
          %add3A_410 = arith.addf %get3A_405, %get3A_409 : vector<16xf32>
          %swap3A_411 = arith.index_cast %scan3A_136 : i32 to index
          %swap3A_412 = arith.constant 304 : index
          %swap3A_413 = tpu.vector_load %arg7[%swap3A_411, %swap3A_412] {strides = array<i32>} : memref<16x1024xf32, #tpu.memory_space<vmem>>, vector<1x16xf32>,
          %swap3A_414 = vector.shape_cast %swap3A_413 : vector<1x16xf32> to vector<16xf32>
          %swap3A_415 = vector.shape_cast %add3A_410 : vector<16xf32> to vector<1x16xf32>
          tpu.vector_store %arg7[%swap3A_411, %swap3A_412], %swap3A_415 {strides = array<i32>} : memref<16x1024xf32, #tpu.memory_space<vmem>>, vector<1x16xf32>,
          %get3A_416 = arith.index_cast %scan3A_136 : i32 to index
          %get3A_417 = arith.constant 320 : index
          %get3A_418 = tpu.vector_load %arg7[%get3A_416, %get3A_417] {strides = array<i32>} : memref<16x1024xf32, #tpu.memory_space<vmem>>, vector<1x16xf32>,
          %get3A_419 = vector.shape_cast %get3A_418 : vector<1x16xf32> to vector<16xf32>
          %get3A_420 = arith.index_cast %scan3A_136 : i32 to index
          %get3A_421 = arith.constant 320 : index
          %get3A_422 = tpu.vector_load %arg5[%get3A_420, %get3A_421] {strides = array<i32>} : memref<16x1024xf32, #tpu.memory_space<vmem>>, vector<1x16xf32>,
          %get3A_423 = vector.shape_cast %get3A_422 : vector<1x16xf32> to vector<16xf32>
          %add3A_424 = arith.addf %get3A_419, %get3A_423 : vector<16xf32>
          %swap3A_425 = arith.index_cast %scan3A_136 : i32 to index
          %swap3A_426 = arith.constant 320 : index
          %swap3A_427 = tpu.vector_load %arg7[%swap3A_425, %swap3A_426] {strides = array<i32>} : memref<16x1024xf32, #tpu.memory_space<vmem>>, vector<1x16xf32>,
          %swap3A_428 = vector.shape_cast %swap3A_427 : vector<1x16xf32> to vector<16xf32>
          %swap3A_429 = vector.shape_cast %add3A_424 : vector<16xf32> to vector<1x16xf32>
          tpu.vector_store %arg7[%swap3A_425, %swap3A_426], %swap3A_429 {strides = array<i32>} : memref<16x1024xf32, #tpu.memory_space<vmem>>, vector<1x16xf32>,
          %get3A_430 = arith.index_cast %scan3A_136 : i32 to index
          %get3A_431 = arith.constant 336 : index
          %get3A_432 = tpu.vector_load %arg7[%get3A_430, %get3A_431] {strides = array<i32>} : memref<16x1024xf32, #tpu.memory_space<vmem>>, vector<1x16xf32>,
          %get3A_433 = vector.shape_cast %get3A_432 : vector<1x16xf32> to vector<16xf32>
          %get3A_434 = arith.index_cast %scan3A_136 : i32 to index
          %get3A_435 = arith.constant 336 : index
          %get3A_436 = tpu.vector_load %arg5[%get3A_434, %get3A_435] {strides = array<i32>} : memref<16x1024xf32, #tpu.memory_space<vmem>>, vector<1x16xf32>,
          %get3A_437 = vector.shape_cast %get3A_436 : vector<1x16xf32> to vector<16xf32>
          %add3A_438 = arith.addf %get3A_433, %get3A_437 : vector<16xf32>
          %swap3A_439 = arith.index_cast %scan3A_136 : i32 to index
          %swap3A_440 = arith.constant 336 : index
          %swap3A_441 = tpu.vector_load %arg7[%swap3A_439, %swap3A_440] {strides = array<i32>} : memref<16x1024xf32, #tpu.memory_space<vmem>>, vector<1x16xf32>,
          %swap3A_442 = vector.shape_cast %swap3A_441 : vector<1x16xf32> to vector<16xf32>
          %swap3A_443 = vector.shape_cast %add3A_438 : vector<16xf32> to vector<1x16xf32>
          tpu.vector_store %arg7[%swap3A_439, %swap3A_440], %swap3A_443 {strides = array<i32>} : memref<16x1024xf32, #tpu.memory_space<vmem>>, vector<1x16xf32>,
          %get3A_444 = arith.index_cast %scan3A_136 : i32 to index
          %get3A_445 = arith.constant 352 : index
          %get3A_446 = tpu.vector_load %arg7[%get3A_444, %get3A_445] {strides = array<i32>} : memref<16x1024xf32, #tpu.memory_space<vmem>>, vector<1x16xf32>,
          %get3A_447 = vector.shape_cast %get3A_446 : vector<1x16xf32> to vector<16xf32>
          %get3A_448 = arith.index_cast %scan3A_136 : i32 to index
          %get3A_449 = arith.constant 352 : index
          %get3A_450 = tpu.vector_load %arg5[%get3A_448, %get3A_449] {strides = array<i32>} : memref<16x1024xf32, #tpu.memory_space<vmem>>, vector<1x16xf32>,
          %get3A_451 = vector.shape_cast %get3A_450 : vector<1x16xf32> to vector<16xf32>
          %add3A_452 = arith.addf %get3A_447, %get3A_451 : vector<16xf32>
          %swap3A_453 = arith.index_cast %scan3A_136 : i32 to index
          %swap3A_454 = arith.constant 352 : index
          %swap3A_455 = tpu.vector_load %arg7[%swap3A_453, %swap3A_454] {strides = array<i32>} : memref<16x1024xf32, #tpu.memory_space<vmem>>, vector<1x16xf32>,
          %swap3A_456 = vector.shape_cast %swap3A_455 : vector<1x16xf32> to vector<16xf32>
          %swap3A_457 = vector.shape_cast %add3A_452 : vector<16xf32> to vector<1x16xf32>
          tpu.vector_store %arg7[%swap3A_453, %swap3A_454], %swap3A_457 {strides = array<i32>} : memref<16x1024xf32, #tpu.memory_space<vmem>>, vector<1x16xf32>,
          %get3A_458 = arith.index_cast %scan3A_136 : i32 to index
          %get3A_459 = arith.constant 368 : index
          %get3A_460 = tpu.vector_load %arg7[%get3A_458, %get3A_459] {strides = array<i32>} : memref<16x1024xf32, #tpu.memory_space<vmem>>, vector<1x16xf32>,
          %get3A_461 = vector.shape_cast %get3A_460 : vector<1x16xf32> to vector<16xf32>
          %get3A_462 = arith.index_cast %scan3A_136 : i32 to index
          %get3A_463 = arith.constant 368 : index
          %get3A_464 = tpu.vector_load %arg5[%get3A_462, %get3A_463] {strides = array<i32>} : memref<16x1024xf32, #tpu.memory_space<vmem>>, vector<1x16xf32>,
          %get3A_465 = vector.shape_cast %get3A_464 : vector<1x16xf32> to vector<16xf32>
          %add3A_466 = arith.addf %get3A_461, %get3A_465 : vector<16xf32>
          %swap3A_467 = arith.index_cast %scan3A_136 : i32 to index
          %swap3A_468 = arith.constant 368 : index
          %swap3A_469 = tpu.vector_load %arg7[%swap3A_467, %swap3A_468] {strides = array<i32>} : memref<16x1024xf32, #tpu.memory_space<vmem>>, vector<1x16xf32>,
          %swap3A_470 = vector.shape_cast %swap3A_469 : vector<1x16xf32> to vector<16xf32>
          %swap3A_471 = vector.shape_cast %add3A_466 : vector<16xf32> to vector<1x16xf32>
          tpu.vector_store %arg7[%swap3A_467, %swap3A_468], %swap3A_471 {strides = array<i32>} : memref<16x1024xf32, #tpu.memory_space<vmem>>, vector<1x16xf32>,
          %get3A_472 = arith.index_cast %scan3A_136 : i32 to index
          %get3A_473 = arith.constant 384 : index
          %get3A_474 = tpu.vector_load %arg7[%get3A_472, %get3A_473] {strides = array<i32>} : memref<16x1024xf32, #tpu.memory_space<vmem>>, vector<1x16xf32>,
          %get3A_475 = vector.shape_cast %get3A_474 : vector<1x16xf32> to vector<16xf32>
          %get3A_476 = arith.index_cast %scan3A_136 : i32 to index
          %get3A_477 = arith.constant 384 : index
          %get3A_478 = tpu.vector_load %arg5[%get3A_476, %get3A_477] {strides = array<i32>} : memref<16x1024xf32, #tpu.memory_space<vmem>>, vector<1x16xf32>,
          %get3A_479 = vector.shape_cast %get3A_478 : vector<1x16xf32> to vector<16xf32>
          %add3A_480 = arith.addf %get3A_475, %get3A_479 : vector<16xf32>
          %swap3A_481 = arith.index_cast %scan3A_136 : i32 to index
          %swap3A_482 = arith.constant 384 : index
          %swap3A_483 = tpu.vector_load %arg7[%swap3A_481, %swap3A_482] {strides = array<i32>} : memref<16x1024xf32, #tpu.memory_space<vmem>>, vector<1x16xf32>,
          %swap3A_484 = vector.shape_cast %swap3A_483 : vector<1x16xf32> to vector<16xf32>
          %swap3A_485 = vector.shape_cast %add3A_480 : vector<16xf32> to vector<1x16xf32>
          tpu.vector_store %arg7[%swap3A_481, %swap3A_482], %swap3A_485 {strides = array<i32>} : memref<16x1024xf32, #tpu.memory_space<vmem>>, vector<1x16xf32>,
          %get3A_486 = arith.index_cast %scan3A_136 : i32 to index
          %get3A_487 = arith.constant 400 : index
          %get3A_488 = tpu.vector_load %arg7[%get3A_486, %get3A_487] {strides = array<i32>} : memref<16x1024xf32, #tpu.memory_space<vmem>>, vector<1x16xf32>,
          %get3A_489 = vector.shape_cast %get3A_488 : vector<1x16xf32> to vector<16xf32>
          %get3A_490 = arith.index_cast %scan3A_136 : i32 to index
          %get3A_491 = arith.constant 400 : index
          %get3A_492 = tpu.vector_load %arg5[%get3A_490, %get3A_491] {strides = array<i32>} : memref<16x1024xf32, #tpu.memory_space<vmem>>, vector<1x16xf32>,
          %get3A_493 = vector.shape_cast %get3A_492 : vector<1x16xf32> to vector<16xf32>
          %add3A_494 = arith.addf %get3A_489, %get3A_493 : vector<16xf32>
          %swap3A_495 = arith.index_cast %scan3A_136 : i32 to index
          %swap3A_496 = arith.constant 400 : index
          %swap3A_497 = tpu.vector_load %arg7[%swap3A_495, %swap3A_496] {strides = array<i32>} : memref<16x1024xf32, #tpu.memory_space<vmem>>, vector<1x16xf32>,
          %swap3A_498 = vector.shape_cast %swap3A_497 : vector<1x16xf32> to vector<16xf32>
          %swap3A_499 = vector.shape_cast %add3A_494 : vector<16xf32> to vector<1x16xf32>
          tpu.vector_store %arg7[%swap3A_495, %swap3A_496], %swap3A_499 {strides = array<i32>} : memref<16x1024xf32, #tpu.memory_space<vmem>>, vector<1x16xf32>,
          %get3A_500 = arith.index_cast %scan3A_136 : i32 to index
          %get3A_501 = arith.constant 416 : index
          %get3A_502 = tpu.vector_load %arg7[%get3A_500, %get3A_501] {strides = array<i32>} : memref<16x1024xf32, #tpu.memory_space<vmem>>, vector<1x16xf32>,
          %get3A_503 = vector.shape_cast %get3A_502 : vector<1x16xf32> to vector<16xf32>
          %get3A_504 = arith.index_cast %scan3A_136 : i32 to index
          %get3A_505 = arith.constant 416 : index
          %get3A_506 = tpu.vector_load %arg5[%get3A_504, %get3A_505] {strides = array<i32>} : memref<16x1024xf32, #tpu.memory_space<vmem>>, vector<1x16xf32>,
          %get3A_507 = vector.shape_cast %get3A_506 : vector<1x16xf32> to vector<16xf32>
          %add3A_508 = arith.addf %get3A_503, %get3A_507 : vector<16xf32>
          %swap3A_509 = arith.index_cast %scan3A_136 : i32 to index
          %swap3A_510 = arith.constant 416 : index
          %swap3A_511 = tpu.vector_load %arg7[%swap3A_509, %swap3A_510] {strides = array<i32>} : memref<16x1024xf32, #tpu.memory_space<vmem>>, vector<1x16xf32>,
          %swap3A_512 = vector.shape_cast %swap3A_511 : vector<1x16xf32> to vector<16xf32>
          %swap3A_513 = vector.shape_cast %add3A_508 : vector<16xf32> to vector<1x16xf32>
          tpu.vector_store %arg7[%swap3A_509, %swap3A_510], %swap3A_513 {strides = array<i32>} : memref<16x1024xf32, #tpu.memory_space<vmem>>, vector<1x16xf32>,
          %get3A_514 = arith.index_cast %scan3A_136 : i32 to index
          %get3A_515 = arith.constant 432 : index
          %get3A_516 = tpu.vector_load %arg7[%get3A_514, %get3A_515] {strides = array<i32>} : memref<16x1024xf32, #tpu.memory_space<vmem>>, vector<1x16xf32>,
          %get3A_517 = vector.shape_cast %get3A_516 : vector<1x16xf32> to vector<16xf32>
          %get3A_518 = arith.index_cast %scan3A_136 : i32 to index
          %get3A_519 = arith.constant 432 : index
          %get3A_520 = tpu.vector_load %arg5[%get3A_518, %get3A_519] {strides = array<i32>} : memref<16x1024xf32, #tpu.memory_space<vmem>>, vector<1x16xf32>,
          %get3A_521 = vector.shape_cast %get3A_520 : vector<1x16xf32> to vector<16xf32>
          %add3A_522 = arith.addf %get3A_517, %get3A_521 : vector<16xf32>
          %swap3A_523 = arith.index_cast %scan3A_136 : i32 to index
          %swap3A_524 = arith.constant 432 : index
          %swap3A_525 = tpu.vector_load %arg7[%swap3A_523, %swap3A_524] {strides = array<i32>} : memref<16x1024xf32, #tpu.memory_space<vmem>>, vector<1x16xf32>,
          %swap3A_526 = vector.shape_cast %swap3A_525 : vector<1x16xf32> to vector<16xf32>
          %swap3A_527 = vector.shape_cast %add3A_522 : vector<16xf32> to vector<1x16xf32>
          tpu.vector_store %arg7[%swap3A_523, %swap3A_524], %swap3A_527 {strides = array<i32>} : memref<16x1024xf32, #tpu.memory_space<vmem>>, vector<1x16xf32>,
          %get3A_528 = arith.index_cast %scan3A_136 : i32 to index
          %get3A_529 = arith.constant 448 : index
          %get3A_530 = tpu.vector_load %arg7[%get3A_528, %get3A_529] {strides = array<i32>} : memref<16x1024xf32, #tpu.memory_space<vmem>>, vector<1x16xf32>,
          %get3A_531 = vector.shape_cast %get3A_530 : vector<1x16xf32> to vector<16xf32>
          %get3A_532 = arith.index_cast %scan3A_136 : i32 to index
          %get3A_533 = arith.constant 448 : index
          %get3A_534 = tpu.vector_load %arg5[%get3A_532, %get3A_533] {strides = array<i32>} : memref<16x1024xf32, #tpu.memory_space<vmem>>, vector<1x16xf32>,
          %get3A_535 = vector.shape_cast %get3A_534 : vector<1x16xf32> to vector<16xf32>
          %add3A_536 = arith.addf %get3A_531, %get3A_535 : vector<16xf32>
          %swap3A_537 = arith.index_cast %scan3A_136 : i32 to index
          %swap3A_538 = arith.constant 448 : index
          %swap3A_539 = tpu.vector_load %arg7[%swap3A_537, %swap3A_538] {strides = array<i32>} : memref<16x1024xf32, #tpu.memory_space<vmem>>, vector<1x16xf32>,
          %swap3A_540 = vector.shape_cast %swap3A_539 : vector<1x16xf32> to vector<16xf32>
          %swap3A_541 = vector.shape_cast %add3A_536 : vector<16xf32> to vector<1x16xf32>
          tpu.vector_store %arg7[%swap3A_537, %swap3A_538], %swap3A_541 {strides = array<i32>} : memref<16x1024xf32, #tpu.memory_space<vmem>>, vector<1x16xf32>,
          %get3A_542 = arith.index_cast %scan3A_136 : i32 to index
          %get3A_543 = arith.constant 464 : index
          %get3A_544 = tpu.vector_load %arg7[%get3A_542, %get3A_543] {strides = array<i32>} : memref<16x1024xf32, #tpu.memory_space<vmem>>, vector<1x16xf32>,
          %get3A_545 = vector.shape_cast %get3A_544 : vector<1x16xf32> to vector<16xf32>
          %get3A_546 = arith.index_cast %scan3A_136 : i32 to index
          %get3A_547 = arith.constant 464 : index
          %get3A_548 = tpu.vector_load %arg5[%get3A_546, %get3A_547] {strides = array<i32>} : memref<16x1024xf32, #tpu.memory_space<vmem>>, vector<1x16xf32>,
          %get3A_549 = vector.shape_cast %get3A_548 : vector<1x16xf32> to vector<16xf32>
          %add3A_550 = arith.addf %get3A_545, %get3A_549 : vector<16xf32>
          %swap3A_551 = arith.index_cast %scan3A_136 : i32 to index
          %swap3A_552 = arith.constant 464 : index
          %swap3A_553 = tpu.vector_load %arg7[%swap3A_551, %swap3A_552] {strides = array<i32>} : memref<16x1024xf32, #tpu.memory_space<vmem>>, vector<1x16xf32>,
          %swap3A_554 = vector.shape_cast %swap3A_553 : vector<1x16xf32> to vector<16xf32>
          %swap3A_555 = vector.shape_cast %add3A_550 : vector<16xf32> to vector<1x16xf32>
          tpu.vector_store %arg7[%swap3A_551, %swap3A_552], %swap3A_555 {strides = array<i32>} : memref<16x1024xf32, #tpu.memory_space<vmem>>, vector<1x16xf32>,
          %get3A_556 = arith.index_cast %scan3A_136 : i32 to index
          %get3A_557 = arith.constant 480 : index
          %get3A_558 = tpu.vector_load %arg7[%get3A_556, %get3A_557] {strides = array<i32>} : memref<16x1024xf32, #tpu.memory_space<vmem>>, vector<1x16xf32>,
          %get3A_559 = vector.shape_cast %get3A_558 : vector<1x16xf32> to vector<16xf32>
          %get3A_560 = arith.index_cast %scan3A_136 : i32 to index
          %get3A_561 = arith.constant 480 : index
          %get3A_562 = tpu.vector_load %arg5[%get3A_560, %get3A_561] {strides = array<i32>} : memref<16x1024xf32, #tpu.memory_space<vmem>>, vector<1x16xf32>,
          %get3A_563 = vector.shape_cast %get3A_562 : vector<1x16xf32> to vector<16xf32>
          %add3A_564 = arith.addf %get3A_559, %get3A_563 : vector<16xf32>
          %swap3A_565 = arith.index_cast %scan3A_136 : i32 to index
          %swap3A_566 = arith.constant 480 : index
          %swap3A_567 = tpu.vector_load %arg7[%swap3A_565, %swap3A_566] {strides = array<i32>} : memref<16x1024xf32, #tpu.memory_space<vmem>>, vector<1x16xf32>,
          %swap3A_568 = vector.shape_cast %swap3A_567 : vector<1x16xf32> to vector<16xf32>
          %swap3A_569 = vector.shape_cast %add3A_564 : vector<16xf32> to vector<1x16xf32>
          tpu.vector_store %arg7[%swap3A_565, %swap3A_566], %swap3A_569 {strides = array<i32>} : memref<16x1024xf32, #tpu.memory_space<vmem>>, vector<1x16xf32>,
          %get3A_570 = arith.index_cast %scan3A_136 : i32 to index
          %get3A_571 = arith.constant 496 : index
          %get3A_572 = tpu.vector_load %arg7[%get3A_570, %get3A_571] {strides = array<i32>} : memref<16x1024xf32, #tpu.memory_space<vmem>>, vector<1x16xf32>,
          %get3A_573 = vector.shape_cast %get3A_572 : vector<1x16xf32> to vector<16xf32>
          %get3A_574 = arith.index_cast %scan3A_136 : i32 to index
          %get3A_575 = arith.constant 496 : index
          %get3A_576 = tpu.vector_load %arg5[%get3A_574, %get3A_575] {strides = array<i32>} : memref<16x1024xf32, #tpu.memory_space<vmem>>, vector<1x16xf32>,
          %get3A_577 = vector.shape_cast %get3A_576 : vector<1x16xf32> to vector<16xf32>
          %add3A_578 = arith.addf %get3A_573, %get3A_577 : vector<16xf32>
          %swap3A_579 = arith.index_cast %scan3A_136 : i32 to index
          %swap3A_580 = arith.constant 496 : index
          %swap3A_581 = tpu.vector_load %arg7[%swap3A_579, %swap3A_580] {strides = array<i32>} : memref<16x1024xf32, #tpu.memory_space<vmem>>, vector<1x16xf32>,
          %swap3A_582 = vector.shape_cast %swap3A_581 : vector<1x16xf32> to vector<16xf32>
          %swap3A_583 = vector.shape_cast %add3A_578 : vector<16xf32> to vector<1x16xf32>
          tpu.vector_store %arg7[%swap3A_579, %swap3A_580], %swap3A_583 {strides = array<i32>} : memref<16x1024xf32, #tpu.memory_space<vmem>>, vector<1x16xf32>,
          %get3A_584 = arith.index_cast %scan3A_136 : i32 to index
          %get3A_585 = arith.constant 512 : index
          %get3A_586 = tpu.vector_load %arg7[%get3A_584, %get3A_585] {strides = array<i32>} : memref<16x1024xf32, #tpu.memory_space<vmem>>, vector<1x16xf32>,
          %get3A_587 = vector.shape_cast %get3A_586 : vector<1x16xf32> to vector<16xf32>
          %get3A_588 = arith.index_cast %scan3A_136 : i32 to index
          %get3A_589 = arith.constant 512 : index
          %get3A_590 = tpu.vector_load %arg5[%get3A_588, %get3A_589] {strides = array<i32>} : memref<16x1024xf32, #tpu.memory_space<vmem>>, vector<1x16xf32>,
          %get3A_591 = vector.shape_cast %get3A_590 : vector<1x16xf32> to vector<16xf32>
          %add3A_592 = arith.addf %get3A_587, %get3A_591 : vector<16xf32>
          %swap3A_593 = arith.index_cast %scan3A_136 : i32 to index
          %swap3A_594 = arith.constant 512 : index
          %swap3A_595 = tpu.vector_load %arg7[%swap3A_593, %swap3A_594] {strides = array<i32>} : memref<16x1024xf32, #tpu.memory_space<vmem>>, vector<1x16xf32>,
          %swap3A_596 = vector.shape_cast %swap3A_595 : vector<1x16xf32> to vector<16xf32>
          %swap3A_597 = vector.shape_cast %add3A_592 : vector<16xf32> to vector<1x16xf32>
          tpu.vector_store %arg7[%swap3A_593, %swap3A_594], %swap3A_597 {strides = array<i32>} : memref<16x1024xf32, #tpu.memory_space<vmem>>, vector<1x16xf32>,
          %get3A_598 = arith.index_cast %scan3A_136 : i32 to index
          %get3A_599 = arith.constant 528 : index
          %get3A_600 = tpu.vector_load %arg7[%get3A_598, %get3A_599] {strides = array<i32>} : memref<16x1024xf32, #tpu.memory_space<vmem>>, vector<1x16xf32>,
          %get3A_601 = vector.shape_cast %get3A_600 : vector<1x16xf32> to vector<16xf32>
          %get3A_602 = arith.index_cast %scan3A_136 : i32 to index
          %get3A_603 = arith.constant 528 : index
          %get3A_604 = tpu.vector_load %arg5[%get3A_602, %get3A_603] {strides = array<i32>} : memref<16x1024xf32, #tpu.memory_space<vmem>>, vector<1x16xf32>,
          %get3A_605 = vector.shape_cast %get3A_604 : vector<1x16xf32> to vector<16xf32>
          %add3A_606 = arith.addf %get3A_601, %get3A_605 : vector<16xf32>
          %swap3A_607 = arith.index_cast %scan3A_136 : i32 to index
          %swap3A_608 = arith.constant 528 : index
          %swap3A_609 = tpu.vector_load %arg7[%swap3A_607, %swap3A_608] {strides = array<i32>} : memref<16x1024xf32, #tpu.memory_space<vmem>>, vector<1x16xf32>,
          %swap3A_610 = vector.shape_cast %swap3A_609 : vector<1x16xf32> to vector<16xf32>
          %swap3A_611 = vector.shape_cast %add3A_606 : vector<16xf32> to vector<1x16xf32>
          tpu.vector_store %arg7[%swap3A_607, %swap3A_608], %swap3A_611 {strides = array<i32>} : memref<16x1024xf32, #tpu.memory_space<vmem>>, vector<1x16xf32>,
          %get3A_612 = arith.index_cast %scan3A_136 : i32 to index
          %get3A_613 = arith.constant 544 : index
          %get3A_614 = tpu.vector_load %arg7[%get3A_612, %get3A_613] {strides = array<i32>} : memref<16x1024xf32, #tpu.memory_space<vmem>>, vector<1x16xf32>,
          %get3A_615 = vector.shape_cast %get3A_614 : vector<1x16xf32> to vector<16xf32>
          %get3A_616 = arith.index_cast %scan3A_136 : i32 to index
          %get3A_617 = arith.constant 544 : index
          %get3A_618 = tpu.vector_load %arg5[%get3A_616, %get3A_617] {strides = array<i32>} : memref<16x1024xf32, #tpu.memory_space<vmem>>, vector<1x16xf32>,
          %get3A_619 = vector.shape_cast %get3A_618 : vector<1x16xf32> to vector<16xf32>
          %add3A_620 = arith.addf %get3A_615, %get3A_619 : vector<16xf32>
          %swap3A_621 = arith.index_cast %scan3A_136 : i32 to index
          %swap3A_622 = arith.constant 544 : index
          %swap3A_623 = tpu.vector_load %arg7[%swap3A_621, %swap3A_622] {strides = array<i32>} : memref<16x1024xf32, #tpu.memory_space<vmem>>, vector<1x16xf32>,
          %swap3A_624 = vector.shape_cast %swap3A_623 : vector<1x16xf32> to vector<16xf32>
          %swap3A_625 = vector.shape_cast %add3A_620 : vector<16xf32> to vector<1x16xf32>
          tpu.vector_store %arg7[%swap3A_621, %swap3A_622], %swap3A_625 {strides = array<i32>} : memref<16x1024xf32, #tpu.memory_space<vmem>>, vector<1x16xf32>,
          %get3A_626 = arith.index_cast %scan3A_136 : i32 to index
          %get3A_627 = arith.constant 560 : index
          %get3A_628 = tpu.vector_load %arg7[%get3A_626, %get3A_627] {strides = array<i32>} : memref<16x1024xf32, #tpu.memory_space<vmem>>, vector<1x16xf32>,
          %get3A_629 = vector.shape_cast %get3A_628 : vector<1x16xf32> to vector<16xf32>
          %get3A_630 = arith.index_cast %scan3A_136 : i32 to index
          %get3A_631 = arith.constant 560 : index
          %get3A_632 = tpu.vector_load %arg5[%get3A_630, %get3A_631] {strides = array<i32>} : memref<16x1024xf32, #tpu.memory_space<vmem>>, vector<1x16xf32>,
          %get3A_633 = vector.shape_cast %get3A_632 : vector<1x16xf32> to vector<16xf32>
          %add3A_634 = arith.addf %get3A_629, %get3A_633 : vector<16xf32>
          %swap3A_635 = arith.index_cast %scan3A_136 : i32 to index
          %swap3A_636 = arith.constant 560 : index
          %swap3A_637 = tpu.vector_load %arg7[%swap3A_635, %swap3A_636] {strides = array<i32>} : memref<16x1024xf32, #tpu.memory_space<vmem>>, vector<1x16xf32>,
          %swap3A_638 = vector.shape_cast %swap3A_637 : vector<1x16xf32> to vector<16xf32>
          %swap3A_639 = vector.shape_cast %add3A_634 : vector<16xf32> to vector<1x16xf32>
          tpu.vector_store %arg7[%swap3A_635, %swap3A_636], %swap3A_639 {strides = array<i32>} : memref<16x1024xf32, #tpu.memory_space<vmem>>, vector<1x16xf32>,
          %get3A_640 = arith.index_cast %scan3A_136 : i32 to index
          %get3A_641 = arith.constant 576 : index
          %get3A_642 = tpu.vector_load %arg7[%get3A_640, %get3A_641] {strides = array<i32>} : memref<16x1024xf32, #tpu.memory_space<vmem>>, vector<1x16xf32>,
          %get3A_643 = vector.shape_cast %get3A_642 : vector<1x16xf32> to vector<16xf32>
          %get3A_644 = arith.index_cast %scan3A_136 : i32 to index
          %get3A_645 = arith.constant 576 : index
          %get3A_646 = tpu.vector_load %arg5[%get3A_644, %get3A_645] {strides = array<i32>} : memref<16x1024xf32, #tpu.memory_space<vmem>>, vector<1x16xf32>,
          %get3A_647 = vector.shape_cast %get3A_646 : vector<1x16xf32> to vector<16xf32>
          %add3A_648 = arith.addf %get3A_643, %get3A_647 : vector<16xf32>
          %swap3A_649 = arith.index_cast %scan3A_136 : i32 to index
          %swap3A_650 = arith.constant 576 : index
          %swap3A_651 = tpu.vector_load %arg7[%swap3A_649, %swap3A_650] {strides = array<i32>} : memref<16x1024xf32, #tpu.memory_space<vmem>>, vector<1x16xf32>,
          %swap3A_652 = vector.shape_cast %swap3A_651 : vector<1x16xf32> to vector<16xf32>
          %swap3A_653 = vector.shape_cast %add3A_648 : vector<16xf32> to vector<1x16xf32>
          tpu.vector_store %arg7[%swap3A_649, %swap3A_650], %swap3A_653 {strides = array<i32>} : memref<16x1024xf32, #tpu.memory_space<vmem>>, vector<1x16xf32>,
          %get3A_654 = arith.index_cast %scan3A_136 : i32 to index
          %get3A_655 = arith.constant 592 : index
          %get3A_656 = tpu.vector_load %arg7[%get3A_654, %get3A_655] {strides = array<i32>} : memref<16x1024xf32, #tpu.memory_space<vmem>>, vector<1x16xf32>,
          %get3A_657 = vector.shape_cast %get3A_656 : vector<1x16xf32> to vector<16xf32>
          %get3A_658 = arith.index_cast %scan3A_136 : i32 to index
          %get3A_659 = arith.constant 592 : index
          %get3A_660 = tpu.vector_load %arg5[%get3A_658, %get3A_659] {strides = array<i32>} : memref<16x1024xf32, #tpu.memory_space<vmem>>, vector<1x16xf32>,
          %get3A_661 = vector.shape_cast %get3A_660 : vector<1x16xf32> to vector<16xf32>
          %add3A_662 = arith.addf %get3A_657, %get3A_661 : vector<16xf32>
          %swap3A_663 = arith.index_cast %scan3A_136 : i32 to index
          %swap3A_664 = arith.constant 592 : index
          %swap3A_665 = tpu.vector_load %arg7[%swap3A_663, %swap3A_664] {strides = array<i32>} : memref<16x1024xf32, #tpu.memory_space<vmem>>, vector<1x16xf32>,
          %swap3A_666 = vector.shape_cast %swap3A_665 : vector<1x16xf32> to vector<16xf32>
          %swap3A_667 = vector.shape_cast %add3A_662 : vector<16xf32> to vector<1x16xf32>
          tpu.vector_store %arg7[%swap3A_663, %swap3A_664], %swap3A_667 {strides = array<i32>} : memref<16x1024xf32, #tpu.memory_space<vmem>>, vector<1x16xf32>,
          %get3A_668 = arith.index_cast %scan3A_136 : i32 to index
          %get3A_669 = arith.constant 608 : index
          %get3A_670 = tpu.vector_load %arg7[%get3A_668, %get3A_669] {strides = array<i32>} : memref<16x1024xf32, #tpu.memory_space<vmem>>, vector<1x16xf32>,
          %get3A_671 = vector.shape_cast %get3A_670 : vector<1x16xf32> to vector<16xf32>
          %get3A_672 = arith.index_cast %scan3A_136 : i32 to index
          %get3A_673 = arith.constant 608 : index
          %get3A_674 = tpu.vector_load %arg5[%get3A_672, %get3A_673] {strides = array<i32>} : memref<16x1024xf32, #tpu.memory_space<vmem>>, vector<1x16xf32>,
          %get3A_675 = vector.shape_cast %get3A_674 : vector<1x16xf32> to vector<16xf32>
          %add3A_676 = arith.addf %get3A_671, %get3A_675 : vector<16xf32>
          %swap3A_677 = arith.index_cast %scan3A_136 : i32 to index
          %swap3A_678 = arith.constant 608 : index
          %swap3A_679 = tpu.vector_load %arg7[%swap3A_677, %swap3A_678] {strides = array<i32>} : memref<16x1024xf32, #tpu.memory_space<vmem>>, vector<1x16xf32>,
          %swap3A_680 = vector.shape_cast %swap3A_679 : vector<1x16xf32> to vector<16xf32>
          %swap3A_681 = vector.shape_cast %add3A_676 : vector<16xf32> to vector<1x16xf32>
          tpu.vector_store %arg7[%swap3A_677, %swap3A_678], %swap3A_681 {strides = array<i32>} : memref<16x1024xf32, #tpu.memory_space<vmem>>, vector<1x16xf32>,
          %get3A_682 = arith.index_cast %scan3A_136 : i32 to index
          %get3A_683 = arith.constant 624 : index
          %get3A_684 = tpu.vector_load %arg7[%get3A_682, %get3A_683] {strides = array<i32>} : memref<16x1024xf32, #tpu.memory_space<vmem>>, vector<1x16xf32>,
          %get3A_685 = vector.shape_cast %get3A_684 : vector<1x16xf32> to vector<16xf32>
          %get3A_686 = arith.index_cast %scan3A_136 : i32 to index
          %get3A_687 = arith.constant 624 : index
          %get3A_688 = tpu.vector_load %arg5[%get3A_686, %get3A_687] {strides = array<i32>} : memref<16x1024xf32, #tpu.memory_space<vmem>>, vector<1x16xf32>,
          %get3A_689 = vector.shape_cast %get3A_688 : vector<1x16xf32> to vector<16xf32>
          %add3A_690 = arith.addf %get3A_685, %get3A_689 : vector<16xf32>
          %swap3A_691 = arith.index_cast %scan3A_136 : i32 to index
          %swap3A_692 = arith.constant 624 : index
          %swap3A_693 = tpu.vector_load %arg7[%swap3A_691, %swap3A_692] {strides = array<i32>} : memref<16x1024xf32, #tpu.memory_space<vmem>>, vector<1x16xf32>,
          %swap3A_694 = vector.shape_cast %swap3A_693 : vector<1x16xf32> to vector<16xf32>
          %swap3A_695 = vector.shape_cast %add3A_690 : vector<16xf32> to vector<1x16xf32>
          tpu.vector_store %arg7[%swap3A_691, %swap3A_692], %swap3A_695 {strides = array<i32>} : memref<16x1024xf32, #tpu.memory_space<vmem>>, vector<1x16xf32>,
          %get3A_696 = arith.index_cast %scan3A_136 : i32 to index
          %get3A_697 = arith.constant 640 : index
          %get3A_698 = tpu.vector_load %arg7[%get3A_696, %get3A_697] {strides = array<i32>} : memref<16x1024xf32, #tpu.memory_space<vmem>>, vector<1x16xf32>,
          %get3A_699 = vector.shape_cast %get3A_698 : vector<1x16xf32> to vector<16xf32>
          %get3A_700 = arith.index_cast %scan3A_136 : i32 to index
          %get3A_701 = arith.constant 640 : index
          %get3A_702 = tpu.vector_load %arg5[%get3A_700, %get3A_701] {strides = array<i32>} : memref<16x1024xf32, #tpu.memory_space<vmem>>, vector<1x16xf32>,
          %get3A_703 = vector.shape_cast %get3A_702 : vector<1x16xf32> to vector<16xf32>
          %add3A_704 = arith.addf %get3A_699, %get3A_703 : vector<16xf32>
          %swap3A_705 = arith.index_cast %scan3A_136 : i32 to index
          %swap3A_706 = arith.constant 640 : index
          %swap3A_707 = tpu.vector_load %arg7[%swap3A_705, %swap3A_706] {strides = array<i32>} : memref<16x1024xf32, #tpu.memory_space<vmem>>, vector<1x16xf32>,
          %swap3A_708 = vector.shape_cast %swap3A_707 : vector<1x16xf32> to vector<16xf32>
          %swap3A_709 = vector.shape_cast %add3A_704 : vector<16xf32> to vector<1x16xf32>
          tpu.vector_store %arg7[%swap3A_705, %swap3A_706], %swap3A_709 {strides = array<i32>} : memref<16x1024xf32, #tpu.memory_space<vmem>>, vector<1x16xf32>,
          %get3A_710 = arith.index_cast %scan3A_136 : i32 to index
          %get3A_711 = arith.constant 656 : index
          %get3A_712 = tpu.vector_load %arg7[%get3A_710, %get3A_711] {strides = array<i32>} : memref<16x1024xf32, #tpu.memory_space<vmem>>, vector<1x16xf32>,
          %get3A_713 = vector.shape_cast %get3A_712 : vector<1x16xf32> to vector<16xf32>
          %get3A_714 = arith.index_cast %scan3A_136 : i32 to index
          %get3A_715 = arith.constant 656 : index
          %get3A_716 = tpu.vector_load %arg5[%get3A_714, %get3A_715] {strides = array<i32>} : memref<16x1024xf32, #tpu.memory_space<vmem>>, vector<1x16xf32>,
          %get3A_717 = vector.shape_cast %get3A_716 : vector<1x16xf32> to vector<16xf32>
          %add3A_718 = arith.addf %get3A_713, %get3A_717 : vector<16xf32>
          %swap3A_719 = arith.index_cast %scan3A_136 : i32 to index
          %swap3A_720 = arith.constant 656 : index
          %swap3A_721 = tpu.vector_load %arg7[%swap3A_719, %swap3A_720] {strides = array<i32>} : memref<16x1024xf32, #tpu.memory_space<vmem>>, vector<1x16xf32>,
          %swap3A_722 = vector.shape_cast %swap3A_721 : vector<1x16xf32> to vector<16xf32>
          %swap3A_723 = vector.shape_cast %add3A_718 : vector<16xf32> to vector<1x16xf32>
          tpu.vector_store %arg7[%swap3A_719, %swap3A_720], %swap3A_723 {strides = array<i32>} : memref<16x1024xf32, #tpu.memory_space<vmem>>, vector<1x16xf32>,
          %get3A_724 = arith.index_cast %scan3A_136 : i32 to index
          %get3A_725 = arith.constant 672 : index
          %get3A_726 = tpu.vector_load %arg7[%get3A_724, %get3A_725] {strides = array<i32>} : memref<16x1024xf32, #tpu.memory_space<vmem>>, vector<1x16xf32>,
          %get3A_727 = vector.shape_cast %get3A_726 : vector<1x16xf32> to vector<16xf32>
          %get3A_728 = arith.index_cast %scan3A_136 : i32 to index
          %get3A_729 = arith.constant 672 : index
          %get3A_730 = tpu.vector_load %arg5[%get3A_728, %get3A_729] {strides = array<i32>} : memref<16x1024xf32, #tpu.memory_space<vmem>>, vector<1x16xf32>,
          %get3A_731 = vector.shape_cast %get3A_730 : vector<1x16xf32> to vector<16xf32>
          %add3A_732 = arith.addf %get3A_727, %get3A_731 : vector<16xf32>
          %swap3A_733 = arith.index_cast %scan3A_136 : i32 to index
          %swap3A_734 = arith.constant 672 : index
          %swap3A_735 = tpu.vector_load %arg7[%swap3A_733, %swap3A_734] {strides = array<i32>} : memref<16x1024xf32, #tpu.memory_space<vmem>>, vector<1x16xf32>,
          %swap3A_736 = vector.shape_cast %swap3A_735 : vector<1x16xf32> to vector<16xf32>
          %swap3A_737 = vector.shape_cast %add3A_732 : vector<16xf32> to vector<1x16xf32>
          tpu.vector_store %arg7[%swap3A_733, %swap3A_734], %swap3A_737 {strides = array<i32>} : memref<16x1024xf32, #tpu.memory_space<vmem>>, vector<1x16xf32>,
          %get3A_738 = arith.index_cast %scan3A_136 : i32 to index
          %get3A_739 = arith.constant 688 : index
          %get3A_740 = tpu.vector_load %arg7[%get3A_738, %get3A_739] {strides = array<i32>} : memref<16x1024xf32, #tpu.memory_space<vmem>>, vector<1x16xf32>,
          %get3A_741 = vector.shape_cast %get3A_740 : vector<1x16xf32> to vector<16xf32>
          %get3A_742 = arith.index_cast %scan3A_136 : i32 to index
          %get3A_743 = arith.constant 688 : index
          %get3A_744 = tpu.vector_load %arg5[%get3A_742, %get3A_743] {strides = array<i32>} : memref<16x1024xf32, #tpu.memory_space<vmem>>, vector<1x16xf32>,
          %get3A_745 = vector.shape_cast %get3A_744 : vector<1x16xf32> to vector<16xf32>
          %add3A_746 = arith.addf %get3A_741, %get3A_745 : vector<16xf32>
          %swap3A_747 = arith.index_cast %scan3A_136 : i32 to index
          %swap3A_748 = arith.constant 688 : index
          %swap3A_749 = tpu.vector_load %arg7[%swap3A_747, %swap3A_748] {strides = array<i32>} : memref<16x1024xf32, #tpu.memory_space<vmem>>, vector<1x16xf32>,
          %swap3A_750 = vector.shape_cast %swap3A_749 : vector<1x16xf32> to vector<16xf32>
          %swap3A_751 = vector.shape_cast %add3A_746 : vector<16xf32> to vector<1x16xf32>
          tpu.vector_store %arg7[%swap3A_747, %swap3A_748], %swap3A_751 {strides = array<i32>} : memref<16x1024xf32, #tpu.memory_space<vmem>>, vector<1x16xf32>,
          %get3A_752 = arith.index_cast %scan3A_136 : i32 to index
          %get3A_753 = arith.constant 704 : index
          %get3A_754 = tpu.vector_load %arg7[%get3A_752, %get3A_753] {strides = array<i32>} : memref<16x1024xf32, #tpu.memory_space<vmem>>, vector<1x16xf32>,
          %get3A_755 = vector.shape_cast %get3A_754 : vector<1x16xf32> to vector<16xf32>
          %get3A_756 = arith.index_cast %scan3A_136 : i32 to index
          %get3A_757 = arith.constant 704 : index
          %get3A_758 = tpu.vector_load %arg5[%get3A_756, %get3A_757] {strides = array<i32>} : memref<16x1024xf32, #tpu.memory_space<vmem>>, vector<1x16xf32>,
          %get3A_759 = vector.shape_cast %get3A_758 : vector<1x16xf32> to vector<16xf32>
          %add3A_760 = arith.addf %get3A_755, %get3A_759 : vector<16xf32>
          %swap3A_761 = arith.index_cast %scan3A_136 : i32 to index
          %swap3A_762 = arith.constant 704 : index
          %swap3A_763 = tpu.vector_load %arg7[%swap3A_761, %swap3A_762] {strides = array<i32>} : memref<16x1024xf32, #tpu.memory_space<vmem>>, vector<1x16xf32>,
          %swap3A_764 = vector.shape_cast %swap3A_763 : vector<1x16xf32> to vector<16xf32>
          %swap3A_765 = vector.shape_cast %add3A_760 : vector<16xf32> to vector<1x16xf32>
          tpu.vector_store %arg7[%swap3A_761, %swap3A_762], %swap3A_765 {strides = array<i32>} : memref<16x1024xf32, #tpu.memory_space<vmem>>, vector<1x16xf32>,
          %get3A_766 = arith.index_cast %scan3A_136 : i32 to index
          %get3A_767 = arith.constant 720 : index
          %get3A_768 = tpu.vector_load %arg7[%get3A_766, %get3A_767] {strides = array<i32>} : memref<16x1024xf32, #tpu.memory_space<vmem>>, vector<1x16xf32>,
          %get3A_769 = vector.shape_cast %get3A_768 : vector<1x16xf32> to vector<16xf32>
          %get3A_770 = arith.index_cast %scan3A_136 : i32 to index
          %get3A_771 = arith.constant 720 : index
          %get3A_772 = tpu.vector_load %arg5[%get3A_770, %get3A_771] {strides = array<i32>} : memref<16x1024xf32, #tpu.memory_space<vmem>>, vector<1x16xf32>,
          %get3A_773 = vector.shape_cast %get3A_772 : vector<1x16xf32> to vector<16xf32>
          %add3A_774 = arith.addf %get3A_769, %get3A_773 : vector<16xf32>
          %swap3A_775 = arith.index_cast %scan3A_136 : i32 to index
          %swap3A_776 = arith.constant 720 : index
          %swap3A_777 = tpu.vector_load %arg7[%swap3A_775, %swap3A_776] {strides = array<i32>} : memref<16x1024xf32, #tpu.memory_space<vmem>>, vector<1x16xf32>,
          %swap3A_778 = vector.shape_cast %swap3A_777 : vector<1x16xf32> to vector<16xf32>
          %swap3A_779 = vector.shape_cast %add3A_774 : vector<16xf32> to vector<1x16xf32>
          tpu.vector_store %arg7[%swap3A_775, %swap3A_776], %swap3A_779 {strides = array<i32>} : memref<16x1024xf32, #tpu.memory_space<vmem>>, vector<1x16xf32>,
          %get3A_780 = arith.index_cast %scan3A_136 : i32 to index
          %get3A_781 = arith.constant 736 : index
          %get3A_782 = tpu.vector_load %arg7[%get3A_780, %get3A_781] {strides = array<i32>} : memref<16x1024xf32, #tpu.memory_space<vmem>>, vector<1x16xf32>,
          %get3A_783 = vector.shape_cast %get3A_782 : vector<1x16xf32> to vector<16xf32>
          %get3A_784 = arith.index_cast %scan3A_136 : i32 to index
          %get3A_785 = arith.constant 736 : index
          %get3A_786 = tpu.vector_load %arg5[%get3A_784, %get3A_785] {strides = array<i32>} : memref<16x1024xf32, #tpu.memory_space<vmem>>, vector<1x16xf32>,
          %get3A_787 = vector.shape_cast %get3A_786 : vector<1x16xf32> to vector<16xf32>
          %add3A_788 = arith.addf %get3A_783, %get3A_787 : vector<16xf32>
          %swap3A_789 = arith.index_cast %scan3A_136 : i32 to index
          %swap3A_790 = arith.constant 736 : index
          %swap3A_791 = tpu.vector_load %arg7[%swap3A_789, %swap3A_790] {strides = array<i32>} : memref<16x1024xf32, #tpu.memory_space<vmem>>, vector<1x16xf32>,
          %swap3A_792 = vector.shape_cast %swap3A_791 : vector<1x16xf32> to vector<16xf32>
          %swap3A_793 = vector.shape_cast %add3A_788 : vector<16xf32> to vector<1x16xf32>
          tpu.vector_store %arg7[%swap3A_789, %swap3A_790], %swap3A_793 {strides = array<i32>} : memref<16x1024xf32, #tpu.memory_space<vmem>>, vector<1x16xf32>,
          %get3A_794 = arith.index_cast %scan3A_136 : i32 to index
          %get3A_795 = arith.constant 752 : index
          %get3A_796 = tpu.vector_load %arg7[%get3A_794, %get3A_795] {strides = array<i32>} : memref<16x1024xf32, #tpu.memory_space<vmem>>, vector<1x16xf32>,
          %get3A_797 = vector.shape_cast %get3A_796 : vector<1x16xf32> to vector<16xf32>
          %get3A_798 = arith.index_cast %scan3A_136 : i32 to index
          %get3A_799 = arith.constant 752 : index
          %get3A_800 = tpu.vector_load %arg5[%get3A_798, %get3A_799] {strides = array<i32>} : memref<16x1024xf32, #tpu.memory_space<vmem>>, vector<1x16xf32>,
          %get3A_801 = vector.shape_cast %get3A_800 : vector<1x16xf32> to vector<16xf32>
          %add3A_802 = arith.addf %get3A_797, %get3A_801 : vector<16xf32>
          %swap3A_803 = arith.index_cast %scan3A_136 : i32 to index
          %swap3A_804 = arith.constant 752 : index
          %swap3A_805 = tpu.vector_load %arg7[%swap3A_803, %swap3A_804] {strides = array<i32>} : memref<16x1024xf32, #tpu.memory_space<vmem>>, vector<1x16xf32>,
          %swap3A_806 = vector.shape_cast %swap3A_805 : vector<1x16xf32> to vector<16xf32>
          %swap3A_807 = vector.shape_cast %add3A_802 : vector<16xf32> to vector<1x16xf32>
          tpu.vector_store %arg7[%swap3A_803, %swap3A_804], %swap3A_807 {strides = array<i32>} : memref<16x1024xf32, #tpu.memory_space<vmem>>, vector<1x16xf32>,
          %get3A_808 = arith.index_cast %scan3A_136 : i32 to index
          %get3A_809 = arith.constant 768 : index
          %get3A_810 = tpu.vector_load %arg7[%get3A_808, %get3A_809] {strides = array<i32>} : memref<16x1024xf32, #tpu.memory_space<vmem>>, vector<1x16xf32>,
          %get3A_811 = vector.shape_cast %get3A_810 : vector<1x16xf32> to vector<16xf32>
          %get3A_812 = arith.index_cast %scan3A_136 : i32 to index
          %get3A_813 = arith.constant 768 : index
          %get3A_814 = tpu.vector_load %arg5[%get3A_812, %get3A_813] {strides = array<i32>} : memref<16x1024xf32, #tpu.memory_space<vmem>>, vector<1x16xf32>,
          %get3A_815 = vector.shape_cast %get3A_814 : vector<1x16xf32> to vector<16xf32>
          %add3A_816 = arith.addf %get3A_811, %get3A_815 : vector<16xf32>
          %swap3A_817 = arith.index_cast %scan3A_136 : i32 to index
          %swap3A_818 = arith.constant 768 : index
          %swap3A_819 = tpu.vector_load %arg7[%swap3A_817, %swap3A_818] {strides = array<i32>} : memref<16x1024xf32, #tpu.memory_space<vmem>>, vector<1x16xf32>,
          %swap3A_820 = vector.shape_cast %swap3A_819 : vector<1x16xf32> to vector<16xf32>
          %swap3A_821 = vector.shape_cast %add3A_816 : vector<16xf32> to vector<1x16xf32>
          tpu.vector_store %arg7[%swap3A_817, %swap3A_818], %swap3A_821 {strides = array<i32>} : memref<16x1024xf32, #tpu.memory_space<vmem>>, vector<1x16xf32>,
          %get3A_822 = arith.index_cast %scan3A_136 : i32 to index
          %get3A_823 = arith.constant 784 : index
          %get3A_824 = tpu.vector_load %arg7[%get3A_822, %get3A_823] {strides = array<i32>} : memref<16x1024xf32, #tpu.memory_space<vmem>>, vector<1x16xf32>,
          %get3A_825 = vector.shape_cast %get3A_824 : vector<1x16xf32> to vector<16xf32>
          %get3A_826 = arith.index_cast %scan3A_136 : i32 to index
          %get3A_827 = arith.constant 784 : index
          %get3A_828 = tpu.vector_load %arg5[%get3A_826, %get3A_827] {strides = array<i32>} : memref<16x1024xf32, #tpu.memory_space<vmem>>, vector<1x16xf32>,
          %get3A_829 = vector.shape_cast %get3A_828 : vector<1x16xf32> to vector<16xf32>
          %add3A_830 = arith.addf %get3A_825, %get3A_829 : vector<16xf32>
          %swap3A_831 = arith.index_cast %scan3A_136 : i32 to index
          %swap3A_832 = arith.constant 784 : index
          %swap3A_833 = tpu.vector_load %arg7[%swap3A_831, %swap3A_832] {strides = array<i32>} : memref<16x1024xf32, #tpu.memory_space<vmem>>, vector<1x16xf32>,
          %swap3A_834 = vector.shape_cast %swap3A_833 : vector<1x16xf32> to vector<16xf32>
          %swap3A_835 = vector.shape_cast %add3A_830 : vector<16xf32> to vector<1x16xf32>
          tpu.vector_store %arg7[%swap3A_831, %swap3A_832], %swap3A_835 {strides = array<i32>} : memref<16x1024xf32, #tpu.memory_space<vmem>>, vector<1x16xf32>,
          %get3A_836 = arith.index_cast %scan3A_136 : i32 to index
          %get3A_837 = arith.constant 800 : index
          %get3A_838 = tpu.vector_load %arg7[%get3A_836, %get3A_837] {strides = array<i32>} : memref<16x1024xf32, #tpu.memory_space<vmem>>, vector<1x16xf32>,
          %get3A_839 = vector.shape_cast %get3A_838 : vector<1x16xf32> to vector<16xf32>
          %get3A_840 = arith.index_cast %scan3A_136 : i32 to index
          %get3A_841 = arith.constant 800 : index
          %get3A_842 = tpu.vector_load %arg5[%get3A_840, %get3A_841] {strides = array<i32>} : memref<16x1024xf32, #tpu.memory_space<vmem>>, vector<1x16xf32>,
          %get3A_843 = vector.shape_cast %get3A_842 : vector<1x16xf32> to vector<16xf32>
          %add3A_844 = arith.addf %get3A_839, %get3A_843 : vector<16xf32>
          %swap3A_845 = arith.index_cast %scan3A_136 : i32 to index
          %swap3A_846 = arith.constant 800 : index
          %swap3A_847 = tpu.vector_load %arg7[%swap3A_845, %swap3A_846] {strides = array<i32>} : memref<16x1024xf32, #tpu.memory_space<vmem>>, vector<1x16xf32>,
          %swap3A_848 = vector.shape_cast %swap3A_847 : vector<1x16xf32> to vector<16xf32>
          %swap3A_849 = vector.shape_cast %add3A_844 : vector<16xf32> to vector<1x16xf32>
          tpu.vector_store %arg7[%swap3A_845, %swap3A_846], %swap3A_849 {strides = array<i32>} : memref<16x1024xf32, #tpu.memory_space<vmem>>, vector<1x16xf32>,
          %get3A_850 = arith.index_cast %scan3A_136 : i32 to index
          %get3A_851 = arith.constant 816 : index
          %get3A_852 = tpu.vector_load %arg7[%get3A_850, %get3A_851] {strides = array<i32>} : memref<16x1024xf32, #tpu.memory_space<vmem>>, vector<1x16xf32>,
          %get3A_853 = vector.shape_cast %get3A_852 : vector<1x16xf32> to vector<16xf32>
          %get3A_854 = arith.index_cast %scan3A_136 : i32 to index
          %get3A_855 = arith.constant 816 : index
          %get3A_856 = tpu.vector_load %arg5[%get3A_854, %get3A_855] {strides = array<i32>} : memref<16x1024xf32, #tpu.memory_space<vmem>>, vector<1x16xf32>,
          %get3A_857 = vector.shape_cast %get3A_856 : vector<1x16xf32> to vector<16xf32>
          %add3A_858 = arith.addf %get3A_853, %get3A_857 : vector<16xf32>
          %swap3A_859 = arith.index_cast %scan3A_136 : i32 to index
          %swap3A_860 = arith.constant 816 : index
          %swap3A_861 = tpu.vector_load %arg7[%swap3A_859, %swap3A_860] {strides = array<i32>} : memref<16x1024xf32, #tpu.memory_space<vmem>>, vector<1x16xf32>,
          %swap3A_862 = vector.shape_cast %swap3A_861 : vector<1x16xf32> to vector<16xf32>
          %swap3A_863 = vector.shape_cast %add3A_858 : vector<16xf32> to vector<1x16xf32>
          tpu.vector_store %arg7[%swap3A_859, %swap3A_860], %swap3A_863 {strides = array<i32>} : memref<16x1024xf32, #tpu.memory_space<vmem>>, vector<1x16xf32>,
          %get3A_864 = arith.index_cast %scan3A_136 : i32 to index
          %get3A_865 = arith.constant 832 : index
          %get3A_866 = tpu.vector_load %arg7[%get3A_864, %get3A_865] {strides = array<i32>} : memref<16x1024xf32, #tpu.memory_space<vmem>>, vector<1x16xf32>,
          %get3A_867 = vector.shape_cast %get3A_866 : vector<1x16xf32> to vector<16xf32>
          %get3A_868 = arith.index_cast %scan3A_136 : i32 to index
          %get3A_869 = arith.constant 832 : index
          %get3A_870 = tpu.vector_load %arg5[%get3A_868, %get3A_869] {strides = array<i32>} : memref<16x1024xf32, #tpu.memory_space<vmem>>, vector<1x16xf32>,
          %get3A_871 = vector.shape_cast %get3A_870 : vector<1x16xf32> to vector<16xf32>
          %add3A_872 = arith.addf %get3A_867, %get3A_871 : vector<16xf32>
          %swap3A_873 = arith.index_cast %scan3A_136 : i32 to index
          %swap3A_874 = arith.constant 832 : index
          %swap3A_875 = tpu.vector_load %arg7[%swap3A_873, %swap3A_874] {strides = array<i32>} : memref<16x1024xf32, #tpu.memory_space<vmem>>, vector<1x16xf32>,
          %swap3A_876 = vector.shape_cast %swap3A_875 : vector<1x16xf32> to vector<16xf32>
          %swap3A_877 = vector.shape_cast %add3A_872 : vector<16xf32> to vector<1x16xf32>
          tpu.vector_store %arg7[%swap3A_873, %swap3A_874], %swap3A_877 {strides = array<i32>} : memref<16x1024xf32, #tpu.memory_space<vmem>>, vector<1x16xf32>,
          %get3A_878 = arith.index_cast %scan3A_136 : i32 to index
          %get3A_879 = arith.constant 848 : index
          %get3A_880 = tpu.vector_load %arg7[%get3A_878, %get3A_879] {strides = array<i32>} : memref<16x1024xf32, #tpu.memory_space<vmem>>, vector<1x16xf32>,
          %get3A_881 = vector.shape_cast %get3A_880 : vector<1x16xf32> to vector<16xf32>
          %get3A_882 = arith.index_cast %scan3A_136 : i32 to index
          %get3A_883 = arith.constant 848 : index
          %get3A_884 = tpu.vector_load %arg5[%get3A_882, %get3A_883] {strides = array<i32>} : memref<16x1024xf32, #tpu.memory_space<vmem>>, vector<1x16xf32>,
          %get3A_885 = vector.shape_cast %get3A_884 : vector<1x16xf32> to vector<16xf32>
          %add3A_886 = arith.addf %get3A_881, %get3A_885 : vector<16xf32>
          %swap3A_887 = arith.index_cast %scan3A_136 : i32 to index
          %swap3A_888 = arith.constant 848 : index
          %swap3A_889 = tpu.vector_load %arg7[%swap3A_887, %swap3A_888] {strides = array<i32>} : memref<16x1024xf32, #tpu.memory_space<vmem>>, vector<1x16xf32>,
          %swap3A_890 = vector.shape_cast %swap3A_889 : vector<1x16xf32> to vector<16xf32>
          %swap3A_891 = vector.shape_cast %add3A_886 : vector<16xf32> to vector<1x16xf32>
          tpu.vector_store %arg7[%swap3A_887, %swap3A_888], %swap3A_891 {strides = array<i32>} : memref<16x1024xf32, #tpu.memory_space<vmem>>, vector<1x16xf32>,
          %get3A_892 = arith.index_cast %scan3A_136 : i32 to index
          %get3A_893 = arith.constant 864 : index
          %get3A_894 = tpu.vector_load %arg7[%get3A_892, %get3A_893] {strides = array<i32>} : memref<16x1024xf32, #tpu.memory_space<vmem>>, vector<1x16xf32>,
          %get3A_895 = vector.shape_cast %get3A_894 : vector<1x16xf32> to vector<16xf32>
          %get3A_896 = arith.index_cast %scan3A_136 : i32 to index
          %get3A_897 = arith.constant 864 : index
          %get3A_898 = tpu.vector_load %arg5[%get3A_896, %get3A_897] {strides = array<i32>} : memref<16x1024xf32, #tpu.memory_space<vmem>>, vector<1x16xf32>,
          %get3A_899 = vector.shape_cast %get3A_898 : vector<1x16xf32> to vector<16xf32>
          %add3A_900 = arith.addf %get3A_895, %get3A_899 : vector<16xf32>
          %swap3A_901 = arith.index_cast %scan3A_136 : i32 to index
          %swap3A_902 = arith.constant 864 : index
          %swap3A_903 = tpu.vector_load %arg7[%swap3A_901, %swap3A_902] {strides = array<i32>} : memref<16x1024xf32, #tpu.memory_space<vmem>>, vector<1x16xf32>,
          %swap3A_904 = vector.shape_cast %swap3A_903 : vector<1x16xf32> to vector<16xf32>
          %swap3A_905 = vector.shape_cast %add3A_900 : vector<16xf32> to vector<1x16xf32>
          tpu.vector_store %arg7[%swap3A_901, %swap3A_902], %swap3A_905 {strides = array<i32>} : memref<16x1024xf32, #tpu.memory_space<vmem>>, vector<1x16xf32>,
          %get3A_906 = arith.index_cast %scan3A_136 : i32 to index
          %get3A_907 = arith.constant 880 : index
          %get3A_908 = tpu.vector_load %arg7[%get3A_906, %get3A_907] {strides = array<i32>} : memref<16x1024xf32, #tpu.memory_space<vmem>>, vector<1x16xf32>,
          %get3A_909 = vector.shape_cast %get3A_908 : vector<1x16xf32> to vector<16xf32>
          %get3A_910 = arith.index_cast %scan3A_136 : i32 to index
          %get3A_911 = arith.constant 880 : index
          %get3A_912 = tpu.vector_load %arg5[%get3A_910, %get3A_911] {strides = array<i32>} : memref<16x1024xf32, #tpu.memory_space<vmem>>, vector<1x16xf32>,
          %get3A_913 = vector.shape_cast %get3A_912 : vector<1x16xf32> to vector<16xf32>
          %add3A_914 = arith.addf %get3A_909, %get3A_913 : vector<16xf32>
          %swap3A_915 = arith.index_cast %scan3A_136 : i32 to index
          %swap3A_916 = arith.constant 880 : index
          %swap3A_917 = tpu.vector_load %arg7[%swap3A_915, %swap3A_916] {strides = array<i32>} : memref<16x1024xf32, #tpu.memory_space<vmem>>, vector<1x16xf32>,
          %swap3A_918 = vector.shape_cast %swap3A_917 : vector<1x16xf32> to vector<16xf32>
          %swap3A_919 = vector.shape_cast %add3A_914 : vector<16xf32> to vector<1x16xf32>
          tpu.vector_store %arg7[%swap3A_915, %swap3A_916], %swap3A_919 {strides = array<i32>} : memref<16x1024xf32, #tpu.memory_space<vmem>>, vector<1x16xf32>,
          %get3A_920 = arith.index_cast %scan3A_136 : i32 to index
          %get3A_921 = arith.constant 896 : index
          %get3A_922 = tpu.vector_load %arg7[%get3A_920, %get3A_921] {strides = array<i32>} : memref<16x1024xf32, #tpu.memory_space<vmem>>, vector<1x16xf32>,
          %get3A_923 = vector.shape_cast %get3A_922 : vector<1x16xf32> to vector<16xf32>
          %get3A_924 = arith.index_cast %scan3A_136 : i32 to index
          %get3A_925 = arith.constant 896 : index
          %get3A_926 = tpu.vector_load %arg5[%get3A_924, %get3A_925] {strides = array<i32>} : memref<16x1024xf32, #tpu.memory_space<vmem>>, vector<1x16xf32>,
          %get3A_927 = vector.shape_cast %get3A_926 : vector<1x16xf32> to vector<16xf32>
          %add3A_928 = arith.addf %get3A_923, %get3A_927 : vector<16xf32>
          %swap3A_929 = arith.index_cast %scan3A_136 : i32 to index
          %swap3A_930 = arith.constant 896 : index
          %swap3A_931 = tpu.vector_load %arg7[%swap3A_929, %swap3A_930] {strides = array<i32>} : memref<16x1024xf32, #tpu.memory_space<vmem>>, vector<1x16xf32>,
          %swap3A_932 = vector.shape_cast %swap3A_931 : vector<1x16xf32> to vector<16xf32>
          %swap3A_933 = vector.shape_cast %add3A_928 : vector<16xf32> to vector<1x16xf32>
          tpu.vector_store %arg7[%swap3A_929, %swap3A_930], %swap3A_933 {strides = array<i32>} : memref<16x1024xf32, #tpu.memory_space<vmem>>, vector<1x16xf32>,
          %get3A_934 = arith.index_cast %scan3A_136 : i32 to index
          %get3A_935 = arith.constant 912 : index
          %get3A_936 = tpu.vector_load %arg7[%get3A_934, %get3A_935] {strides = array<i32>} : memref<16x1024xf32, #tpu.memory_space<vmem>>, vector<1x16xf32>,
          %get3A_937 = vector.shape_cast %get3A_936 : vector<1x16xf32> to vector<16xf32>
          %get3A_938 = arith.index_cast %scan3A_136 : i32 to index
          %get3A_939 = arith.constant 912 : index
          %get3A_940 = tpu.vector_load %arg5[%get3A_938, %get3A_939] {strides = array<i32>} : memref<16x1024xf32, #tpu.memory_space<vmem>>, vector<1x16xf32>,
          %get3A_941 = vector.shape_cast %get3A_940 : vector<1x16xf32> to vector<16xf32>
          %add3A_942 = arith.addf %get3A_937, %get3A_941 : vector<16xf32>
          %swap3A_943 = arith.index_cast %scan3A_136 : i32 to index
          %swap3A_944 = arith.constant 912 : index
          %swap3A_945 = tpu.vector_load %arg7[%swap3A_943, %swap3A_944] {strides = array<i32>} : memref<16x1024xf32, #tpu.memory_space<vmem>>, vector<1x16xf32>,
          %swap3A_946 = vector.shape_cast %swap3A_945 : vector<1x16xf32> to vector<16xf32>
          %swap3A_947 = vector.shape_cast %add3A_942 : vector<16xf32> to vector<1x16xf32>
          tpu.vector_store %arg7[%swap3A_943, %swap3A_944], %swap3A_947 {strides = array<i32>} : memref<16x1024xf32, #tpu.memory_space<vmem>>, vector<1x16xf32>,
          %get3A_948 = arith.index_cast %scan3A_136 : i32 to index
          %get3A_949 = arith.constant 928 : index
          %get3A_950 = tpu.vector_load %arg7[%get3A_948, %get3A_949] {strides = array<i32>} : memref<16x1024xf32, #tpu.memory_space<vmem>>, vector<1x16xf32>,
          %get3A_951 = vector.shape_cast %get3A_950 : vector<1x16xf32> to vector<16xf32>
          %get3A_952 = arith.index_cast %scan3A_136 : i32 to index
          %get3A_953 = arith.constant 928 : index
          %get3A_954 = tpu.vector_load %arg5[%get3A_952, %get3A_953] {strides = array<i32>} : memref<16x1024xf32, #tpu.memory_space<vmem>>, vector<1x16xf32>,
          %get3A_955 = vector.shape_cast %get3A_954 : vector<1x16xf32> to vector<16xf32>
          %add3A_956 = arith.addf %get3A_951, %get3A_955 : vector<16xf32>
          %swap3A_957 = arith.index_cast %scan3A_136 : i32 to index
          %swap3A_958 = arith.constant 928 : index
          %swap3A_959 = tpu.vector_load %arg7[%swap3A_957, %swap3A_958] {strides = array<i32>} : memref<16x1024xf32, #tpu.memory_space<vmem>>, vector<1x16xf32>,
          %swap3A_960 = vector.shape_cast %swap3A_959 : vector<1x16xf32> to vector<16xf32>
          %swap3A_961 = vector.shape_cast %add3A_956 : vector<16xf32> to vector<1x16xf32>
          tpu.vector_store %arg7[%swap3A_957, %swap3A_958], %swap3A_961 {strides = array<i32>} : memref<16x1024xf32, #tpu.memory_space<vmem>>, vector<1x16xf32>,
          %get3A_962 = arith.index_cast %scan3A_136 : i32 to index
          %get3A_963 = arith.constant 944 : index
          %get3A_964 = tpu.vector_load %arg7[%get3A_962, %get3A_963] {strides = array<i32>} : memref<16x1024xf32, #tpu.memory_space<vmem>>, vector<1x16xf32>,
          %get3A_965 = vector.shape_cast %get3A_964 : vector<1x16xf32> to vector<16xf32>
          %get3A_966 = arith.index_cast %scan3A_136 : i32 to index
          %get3A_967 = arith.constant 944 : index
          %get3A_968 = tpu.vector_load %arg5[%get3A_966, %get3A_967] {strides = array<i32>} : memref<16x1024xf32, #tpu.memory_space<vmem>>, vector<1x16xf32>,
          %get3A_969 = vector.shape_cast %get3A_968 : vector<1x16xf32> to vector<16xf32>
          %add3A_970 = arith.addf %get3A_965, %get3A_969 : vector<16xf32>
          %swap3A_971 = arith.index_cast %scan3A_136 : i32 to index
          %swap3A_972 = arith.constant 944 : index
          %swap3A_973 = tpu.vector_load %arg7[%swap3A_971, %swap3A_972] {strides = array<i32>} : memref<16x1024xf32, #tpu.memory_space<vmem>>, vector<1x16xf32>,
          %swap3A_974 = vector.shape_cast %swap3A_973 : vector<1x16xf32> to vector<16xf32>
          %swap3A_975 = vector.shape_cast %add3A_970 : vector<16xf32> to vector<1x16xf32>
          tpu.vector_store %arg7[%swap3A_971, %swap3A_972], %swap3A_975 {strides = array<i32>} : memref<16x1024xf32, #tpu.memory_space<vmem>>, vector<1x16xf32>,
          %get3A_976 = arith.index_cast %scan3A_136 : i32 to index
          %get3A_977 = arith.constant 960 : index
          %get3A_978 = tpu.vector_load %arg7[%get3A_976, %get3A_977] {strides = array<i32>} : memref<16x1024xf32, #tpu.memory_space<vmem>>, vector<1x16xf32>,
          %get3A_979 = vector.shape_cast %get3A_978 : vector<1x16xf32> to vector<16xf32>
          %get3A_980 = arith.index_cast %scan3A_136 : i32 to index
          %get3A_981 = arith.constant 960 : index
          %get3A_982 = tpu.vector_load %arg5[%get3A_980, %get3A_981] {strides = array<i32>} : memref<16x1024xf32, #tpu.memory_space<vmem>>, vector<1x16xf32>,
          %get3A_983 = vector.shape_cast %get3A_982 : vector<1x16xf32> to vector<16xf32>
          %add3A_984 = arith.addf %get3A_979, %get3A_983 : vector<16xf32>
          %swap3A_985 = arith.index_cast %scan3A_136 : i32 to index
          %swap3A_986 = arith.constant 960 : index
          %swap3A_987 = tpu.vector_load %arg7[%swap3A_985, %swap3A_986] {strides = array<i32>} : memref<16x1024xf32, #tpu.memory_space<vmem>>, vector<1x16xf32>,
          %swap3A_988 = vector.shape_cast %swap3A_987 : vector<1x16xf32> to vector<16xf32>
          %swap3A_989 = vector.shape_cast %add3A_984 : vector<16xf32> to vector<1x16xf32>
          tpu.vector_store %arg7[%swap3A_985, %swap3A_986], %swap3A_989 {strides = array<i32>} : memref<16x1024xf32, #tpu.memory_space<vmem>>, vector<1x16xf32>,
          %get3A_990 = arith.index_cast %scan3A_136 : i32 to index
          %get3A_991 = arith.constant 976 : index
          %get3A_992 = tpu.vector_load %arg7[%get3A_990, %get3A_991] {strides = array<i32>} : memref<16x1024xf32, #tpu.memory_space<vmem>>, vector<1x16xf32>,
          %get3A_993 = vector.shape_cast %get3A_992 : vector<1x16xf32> to vector<16xf32>
          %get3A_994 = arith.index_cast %scan3A_136 : i32 to index
          %get3A_995 = arith.constant 976 : index
          %get3A_996 = tpu.vector_load %arg5[%get3A_994, %get3A_995] {strides = array<i32>} : memref<16x1024xf32, #tpu.memory_space<vmem>>, vector<1x16xf32>,
          %get3A_997 = vector.shape_cast %get3A_996 : vector<1x16xf32> to vector<16xf32>
          %add3A_998 = arith.addf %get3A_993, %get3A_997 : vector<16xf32>
          %swap3A_999 = arith.index_cast %scan3A_136 : i32 to index
          %swap3A_1000 = arith.constant 976 : index
          %swap3A_1001 = tpu.vector_load %arg7[%swap3A_999, %swap3A_1000] {strides = array<i32>} : memref<16x1024xf32, #tpu.memory_space<vmem>>, vector<1x16xf32>,
          %swap3A_1002 = vector.shape_cast %swap3A_1001 : vector<1x16xf32> to vector<16xf32>
          %swap3A_1003 = vector.shape_cast %add3A_998 : vector<16xf32> to vector<1x16xf32>
          tpu.vector_store %arg7[%swap3A_999, %swap3A_1000], %swap3A_1003 {strides = array<i32>} : memref<16x1024xf32, #tpu.memory_space<vmem>>, vector<1x16xf32>,
          %get3A_1004 = arith.index_cast %scan3A_136 : i32 to index
          %get3A_1005 = arith.constant 992 : index
          %get3A_1006 = tpu.vector_load %arg7[%get3A_1004, %get3A_1005] {strides = array<i32>} : memref<16x1024xf32, #tpu.memory_space<vmem>>, vector<1x16xf32>,
          %get3A_1007 = vector.shape_cast %get3A_1006 : vector<1x16xf32> to vector<16xf32>
          %get3A_1008 = arith.index_cast %scan3A_136 : i32 to index
          %get3A_1009 = arith.constant 992 : index
          %get3A_1010 = tpu.vector_load %arg5[%get3A_1008, %get3A_1009] {strides = array<i32>} : memref<16x1024xf32, #tpu.memory_space<vmem>>, vector<1x16xf32>,
          %get3A_1011 = vector.shape_cast %get3A_1010 : vector<1x16xf32> to vector<16xf32>
          %add3A_1012 = arith.addf %get3A_1007, %get3A_1011 : vector<16xf32>
          %swap3A_1013 = arith.index_cast %scan3A_136 : i32 to index
          %swap3A_1014 = arith.constant 992 : index
          %swap3A_1015 = tpu.vector_load %arg7[%swap3A_1013, %swap3A_1014] {strides = array<i32>} : memref<16x1024xf32, #tpu.memory_space<vmem>>, vector<1x16xf32>,
          %swap3A_1016 = vector.shape_cast %swap3A_1015 : vector<1x16xf32> to vector<16xf32>
          %swap3A_1017 = vector.shape_cast %add3A_1012 : vector<16xf32> to vector<1x16xf32>
          tpu.vector_store %arg7[%swap3A_1013, %swap3A_1014], %swap3A_1017 {strides = array<i32>} : memref<16x1024xf32, #tpu.memory_space<vmem>>, vector<1x16xf32>,
          %get3A_1018 = arith.index_cast %scan3A_136 : i32 to index
          %get3A_1019 = arith.constant 1008 : index
          %get3A_1020 = tpu.vector_load %arg7[%get3A_1018, %get3A_1019] {strides = array<i32>} : memref<16x1024xf32, #tpu.memory_space<vmem>>, vector<1x16xf32>,
          %get3A_1021 = vector.shape_cast %get3A_1020 : vector<1x16xf32> to vector<16xf32>
          %get3A_1022 = arith.index_cast %scan3A_136 : i32 to index
          %get3A_1023 = arith.constant 1008 : index
          %get3A_1024 = tpu.vector_load %arg5[%get3A_1022, %get3A_1023] {strides = array<i32>} : memref<16x1024xf32, #tpu.memory_space<vmem>>, vector<1x16xf32>,
          %get3A_1025 = vector.shape_cast %get3A_1024 : vector<1x16xf32> to vector<16xf32>
          %add3A_1026 = arith.addf %get3A_1021, %get3A_1025 : vector<16xf32>
          %swap3A_1027 = arith.index_cast %scan3A_136 : i32 to index
          %swap3A_1028 = arith.constant 1008 : index
          %swap3A_1029 = tpu.vector_load %arg7[%swap3A_1027, %swap3A_1028] {strides = array<i32>} : memref<16x1024xf32, #tpu.memory_space<vmem>>, vector<1x16xf32>,
          %swap3A_1030 = vector.shape_cast %swap3A_1029 : vector<1x16xf32> to vector<16xf32>
          %swap3A_1031 = vector.shape_cast %add3A_1026 : vector<16xf32> to vector<1x16xf32>
          tpu.vector_store %arg7[%swap3A_1027, %swap3A_1028], %swap3A_1031 {strides = array<i32>} : memref<16x1024xf32, #tpu.memory_space<vmem>>, vector<1x16xf32>,
          %scan3A_1032 = arith.constant 0 : i32
          scf.yield %scan3A_1032 : i32
        }
        %scan3A_125 = arith.constant 16 : i32
        %mul3A_126 = arith.constant 16 : i32
        %mul3A_127 = arith.muli %mul3A_34, %mul3A_126 : i32
        %add3A_128 = arith.addi %mul3A_2, %mul3A_127 : i32
        %dma_start3A_129 = arith.constant 0 : i32
        %dma_start3A_130 = arith.constant 0 : i32
        %dma_start3A_131 = tpu.memref_slice %arg4[%dma_start3A_129, %add3A_128, %dma_start3A_130] : memref<1x8192x1024xf32, #tpu.memory_space<hbm>> -> memref<1x16x1024xf32, #tpu.memory_space<hbm>>
        %dma_start3A_132 = tpu.memref_squeeze %dma_start3A_131 : memref<1x16x1024xf32, #tpu.memory_space<hbm>> -> memref<16x1024xf32, #tpu.memory_space<hbm>>
        %dma_start3A_133 = arith.constant 0 : i32
        %dma_start3A_134 = tpu.memref_slice %arg4[%dma_start3A_129, %add3A_128, %dma_start3A_133] : memref<1x8192x1024xf32, #tpu.memory_space<hbm>> -> memref<1x16x1024xf32, #tpu.memory_space<hbm>>
        %dma_start3A_135 = tpu.memref_squeeze %dma_start3A_134 : memref<1x16x1024xf32, #tpu.memory_space<hbm>> -> memref<16x1024xf32, #tpu.memory_space<hbm>>
        tpu.enqueue_dma source(%arg7 : memref<16x1024xf32, #tpu.memory_space<vmem>>) target(%dma_start3A_135 : memref<16x1024xf32, #tpu.memory_space<hbm>>) target_semaphore(%arg13 : memref<!tpu.dma_semaphore, #tpu.memory_space<semaphore_mem>>)
      } else {
      }
      %gt3A = arith.constant 0 : i32
      %gt3A_37 = arith.cmpi sgt, %scan3A_31, %gt3A : i32
      %convert_element_type3A_38 = arith.extui %gt3A_37 : i1 to i32
      %cond3A_39 = arith.constant 0 : i32
      %cond3A_40 = arith.cmpi ne, %convert_element_type3A_38, %cond3A_39 : i32
      scf.if %cond3A_40 {
        %sub3A_95 = arith.constant 1 : i32
        %sub3A_96 = arith.subi %mul3A_34, %sub3A_95 : i32
        %mul3A_97 = arith.constant 16 : i32
        %mul3A_98 = arith.muli %sub3A_96, %mul3A_97 : i32
        %add3A_99 = arith.addi %mul3A_2, %mul3A_98 : i32
        %dma_wait3A_100 = arith.constant 0 : i32
        %dma_wait3A_101 = arith.constant 0 : i32
        %dma_wait3A_102 = tpu.memref_slice %arg4[%dma_wait3A_100, %add3A_99, %dma_wait3A_101] : memref<1x8192x1024xf32, #tpu.memory_space<hbm>> -> memref<1x16x1024xf32, #tpu.memory_space<hbm>>
        %dma_wait3A_103 = tpu.memref_squeeze %dma_wait3A_102 : memref<1x16x1024xf32, #tpu.memory_space<hbm>> -> memref<16x1024xf32, #tpu.memory_space<hbm>>
        %dma_wait3A_104 = arith.constant 0 : i32
        %dma_wait3A_105 = tpu.memref_slice %arg4[%dma_wait3A_100, %add3A_99, %dma_wait3A_104] : memref<1x8192x1024xf32, #tpu.memory_space<hbm>> -> memref<1x16x1024xf32, #tpu.memory_space<hbm>>
        %dma_wait3A_106 = tpu.memref_squeeze %dma_wait3A_105 : memref<1x16x1024xf32, #tpu.memory_space<hbm>> -> memref<16x1024xf32, #tpu.memory_space<hbm>>
        tpu.wait_dma2 semaphore(%arg14 : memref<!tpu.dma_semaphore, #tpu.memory_space<semaphore_mem>>) src(%arg8 : memref<16x1024xf32, #tpu.memory_space<vmem>>) dst(%dma_wait3A_106 : memref<16x1024xf32, #tpu.memory_space<hbm>>)
        %add3A_107 = arith.constant 1 : i32
        %add3A_108 = arith.addi %mul3A_34, %add3A_107 : i32
        %lt3A_109 = arith.constant 16 : i32
        %lt3A_110 = arith.cmpi slt, %add3A_108, %lt3A_109 : i32
        %convert_element_type3A_111 = arith.extui %lt3A_110 : i1 to i32
        %cond3A_112 = arith.constant 0 : i32
        %cond3A_113 = arith.cmpi ne, %convert_element_type3A_111, %cond3A_112 : i32
        scf.if %cond3A_113 {
          %add3A_148 = arith.constant 1 : i32
          %add3A_149 = arith.addi %mul3A_34, %add3A_148 : i32
          %mul3A_150 = arith.constant 16 : i32
          %mul3A_151 = arith.muli %add3A_149, %mul3A_150 : i32
          %add3A_152 = arith.addi %mul3A_2, %mul3A_151 : i32
          %dma_start3A_153 = arith.constant 0 : i32
          %dma_start3A_154 = tpu.memref_slice %arg3[%add3A_152, %dma_start3A_153] : memref<8192x1024xf32, #tpu.memory_space<hbm>> -> memref<16x1024xf32, #tpu.memory_space<hbm>>
          %dma_start3A_155 = arith.constant 0 : i32
          %dma_start3A_156 = tpu.memref_slice %arg3[%add3A_152, %dma_start3A_155] : memref<8192x1024xf32, #tpu.memory_space<hbm>> -> memref<16x1024xf32, #tpu.memory_space<hbm>>
          tpu.enqueue_dma source(%dma_start3A_156 : memref<16x1024xf32, #tpu.memory_space<hbm>>) target(%arg6 : memref<16x1024xf32, #tpu.memory_space<vmem>>) target_semaphore(%arg10 : memref<!tpu.dma_semaphore, #tpu.memory_space<semaphore_mem>>)
          %add3A_157 = arith.constant 1 : i32
          %add3A_158 = arith.addi %mul3A_34, %add3A_157 : i32
          %mul3A_159 = arith.constant 16 : i32
          %mul3A_160 = arith.muli %add3A_158, %mul3A_159 : i32
          %add3A_161 = arith.addi %mul3A_2, %mul3A_160 : i32
          %dma_start3A_162 = arith.constant 3 : i32
          %dma_start3A_163 = arith.constant 0 : i32
          %dma_start3A_164 = tpu.memref_slice %arg2[%dma_start3A_162, %add3A_161, %dma_start3A_163] : memref<4x8192x1024xf32, #tpu.memory_space<hbm>> -> memref<1x16x1024xf32, #tpu.memory_space<hbm>>
          %dma_start3A_165 = tpu.memref_squeeze %dma_start3A_164 : memref<1x16x1024xf32, #tpu.memory_space<hbm>> -> memref<16x1024xf32, #tpu.memory_space<hbm>>
          %dma_start3A_166 = arith.constant 0 : i32
          %dma_start3A_167 = tpu.memref_slice %arg2[%dma_start3A_162, %add3A_161, %dma_start3A_166] : memref<4x8192x1024xf32, #tpu.memory_space<hbm>> -> memref<1x16x1024xf32, #tpu.memory_space<hbm>>
          %dma_start3A_168 = tpu.memref_squeeze %dma_start3A_167 : memref<1x16x1024xf32, #tpu.memory_space<hbm>> -> memref<16x1024xf32, #tpu.memory_space<hbm>>
          tpu.enqueue_dma source(%dma_start3A_168 : memref<16x1024xf32, #tpu.memory_space<hbm>>) target(%arg8 : memref<16x1024xf32, #tpu.memory_space<vmem>>) target_semaphore(%arg12 : memref<!tpu.dma_semaphore, #tpu.memory_space<semaphore_mem>>)
        } else {
        }
        %mul3A_114 = arith.constant 16 : i32
        %mul3A_115 = arith.muli %mul3A_34, %mul3A_114 : i32
        %add3A_116 = arith.addi %mul3A_2, %mul3A_115 : i32
        %dma_wait3A_117 = arith.constant 0 : i32
        %dma_wait3A_118 = tpu.memref_slice %arg3[%add3A_116, %dma_wait3A_117] : memref<8192x1024xf32, #tpu.memory_space<hbm>> -> memref<16x1024xf32, #tpu.memory_space<hbm>>
        %dma_wait3A_119 = arith.constant 0 : i32
        %dma_wait3A_120 = tpu.memref_slice %arg3[%add3A_116, %dma_wait3A_119] : memref<8192x1024xf32, #tpu.memory_space<hbm>> -> memref<16x1024xf32, #tpu.memory_space<hbm>>
        tpu.wait_dma2 semaphore(%arg9 : memref<!tpu.dma_semaphore, #tpu.memory_space<semaphore_mem>>) src(%dma_wait3A_120 : memref<16x1024xf32, #tpu.memory_space<hbm>>) dst(%arg5 : memref<16x1024xf32, #tpu.memory_space<vmem>>)
        %mul3A_121 = arith.constant 16 : i32
        %mul3A_122 = arith.muli %mul3A_34, %mul3A_121 : i32
        %add3A_123 = arith.addi %mul3A_2, %mul3A_122 : i32
        %dma_wait3A_124 = arith.constant 3 : i32
        %dma_wait3A_125 = arith.constant 0 : i32
        %dma_wait3A_126 = tpu.memref_slice %arg2[%dma_wait3A_124, %add3A_123, %dma_wait3A_125] : memref<4x8192x1024xf32, #tpu.memory_space<hbm>> -> memref<1x16x1024xf32, #tpu.memory_space<hbm>>
        %dma_wait3A_127 = tpu.memref_squeeze %dma_wait3A_126 : memref<1x16x1024xf32, #tpu.memory_space<hbm>> -> memref<16x1024xf32, #tpu.memory_space<hbm>>
        %dma_wait3A_128 = arith.constant 0 : i32
        %dma_wait3A_129 = tpu.memref_slice %arg2[%dma_wait3A_124, %add3A_123, %dma_wait3A_128] : memref<4x8192x1024xf32, #tpu.memory_space<hbm>> -> memref<1x16x1024xf32, #tpu.memory_space<hbm>>
        %dma_wait3A_130 = tpu.memref_squeeze %dma_wait3A_129 : memref<1x16x1024xf32, #tpu.memory_space<hbm>> -> memref<16x1024xf32, #tpu.memory_space<hbm>>
        tpu.wait_dma2 semaphore(%arg11 : memref<!tpu.dma_semaphore, #tpu.memory_space<semaphore_mem>>) src(%dma_wait3A_130 : memref<16x1024xf32, #tpu.memory_space<hbm>>) dst(%arg7 : memref<16x1024xf32, #tpu.memory_space<vmem>>)
        %scan3A_131 = arith.constant 0 : i32
        %scan3A_132 = arith.constant 0 : i32
        %scan3A_133 = arith.constant 16 : i32
        %scan3A_134 = arith.addi %scan3A_132, %scan3A_133 : i32
        %scan3A_135 = arith.constant 1 : i32
        %scan3A_136 = scf.for %scan3A_148 = %scan3A_132 to %scan3A_134 step %scan3A_135 iter_args(%scan3A_149 = %scan3A_131) -> (i32)  : i32 {
          %get3A = arith.index_cast %scan3A_148 : i32 to index
          %get3A_150 = arith.constant 0 : index
          %get3A_151 = tpu.vector_load %arg7[%get3A, %get3A_150] {strides = array<i32>} : memref<16x1024xf32, #tpu.memory_space<vmem>>, vector<1x16xf32>,
          %get3A_152 = vector.shape_cast %get3A_151 : vector<1x16xf32> to vector<16xf32>
          %get3A_153 = arith.index_cast %scan3A_148 : i32 to index
          %get3A_154 = arith.constant 0 : index
          %get3A_155 = tpu.vector_load %arg5[%get3A_153, %get3A_154] {strides = array<i32>} : memref<16x1024xf32, #tpu.memory_space<vmem>>, vector<1x16xf32>,
          %get3A_156 = vector.shape_cast %get3A_155 : vector<1x16xf32> to vector<16xf32>
          %add3A_157 = arith.addf %get3A_152, %get3A_156 : vector<16xf32>
          %swap3A = arith.index_cast %scan3A_148 : i32 to index
          %swap3A_158 = arith.constant 0 : index
          %swap3A_159 = tpu.vector_load %arg7[%swap3A, %swap3A_158] {strides = array<i32>} : memref<16x1024xf32, #tpu.memory_space<vmem>>, vector<1x16xf32>,
          %swap3A_160 = vector.shape_cast %swap3A_159 : vector<1x16xf32> to vector<16xf32>
          %swap3A_161 = vector.shape_cast %add3A_157 : vector<16xf32> to vector<1x16xf32>
          tpu.vector_store %arg7[%swap3A, %swap3A_158], %swap3A_161 {strides = array<i32>} : memref<16x1024xf32, #tpu.memory_space<vmem>>, vector<1x16xf32>,
          %get3A_162 = arith.index_cast %scan3A_148 : i32 to index
          %get3A_163 = arith.constant 16 : index
          %get3A_164 = tpu.vector_load %arg7[%get3A_162, %get3A_163] {strides = array<i32>} : memref<16x1024xf32, #tpu.memory_space<vmem>>, vector<1x16xf32>,
          %get3A_165 = vector.shape_cast %get3A_164 : vector<1x16xf32> to vector<16xf32>
          %get3A_166 = arith.index_cast %scan3A_148 : i32 to index
          %get3A_167 = arith.constant 16 : index
          %get3A_168 = tpu.vector_load %arg5[%get3A_166, %get3A_167] {strides = array<i32>} : memref<16x1024xf32, #tpu.memory_space<vmem>>, vector<1x16xf32>,
          %get3A_169 = vector.shape_cast %get3A_168 : vector<1x16xf32> to vector<16xf32>
          %add3A_170 = arith.addf %get3A_165, %get3A_169 : vector<16xf32>
          %swap3A_171 = arith.index_cast %scan3A_148 : i32 to index
          %swap3A_172 = arith.constant 16 : index
          %swap3A_173 = tpu.vector_load %arg7[%swap3A_171, %swap3A_172] {strides = array<i32>} : memref<16x1024xf32, #tpu.memory_space<vmem>>, vector<1x16xf32>,
          %swap3A_174 = vector.shape_cast %swap3A_173 : vector<1x16xf32> to vector<16xf32>
          %swap3A_175 = vector.shape_cast %add3A_170 : vector<16xf32> to vector<1x16xf32>
          tpu.vector_store %arg7[%swap3A_171, %swap3A_172], %swap3A_175 {strides = array<i32>} : memref<16x1024xf32, #tpu.memory_space<vmem>>, vector<1x16xf32>,
          %get3A_176 = arith.index_cast %scan3A_148 : i32 to index
          %get3A_177 = arith.constant 32 : index
          %get3A_178 = tpu.vector_load %arg7[%get3A_176, %get3A_177] {strides = array<i32>} : memref<16x1024xf32, #tpu.memory_space<vmem>>, vector<1x16xf32>,
          %get3A_179 = vector.shape_cast %get3A_178 : vector<1x16xf32> to vector<16xf32>
          %get3A_180 = arith.index_cast %scan3A_148 : i32 to index
          %get3A_181 = arith.constant 32 : index
          %get3A_182 = tpu.vector_load %arg5[%get3A_180, %get3A_181] {strides = array<i32>} : memref<16x1024xf32, #tpu.memory_space<vmem>>, vector<1x16xf32>,
          %get3A_183 = vector.shape_cast %get3A_182 : vector<1x16xf32> to vector<16xf32>
          %add3A_184 = arith.addf %get3A_179, %get3A_183 : vector<16xf32>
          %swap3A_185 = arith.index_cast %scan3A_148 : i32 to index
          %swap3A_186 = arith.constant 32 : index
          %swap3A_187 = tpu.vector_load %arg7[%swap3A_185, %swap3A_186] {strides = array<i32>} : memref<16x1024xf32, #tpu.memory_space<vmem>>, vector<1x16xf32>,
          %swap3A_188 = vector.shape_cast %swap3A_187 : vector<1x16xf32> to vector<16xf32>
          %swap3A_189 = vector.shape_cast %add3A_184 : vector<16xf32> to vector<1x16xf32>
          tpu.vector_store %arg7[%swap3A_185, %swap3A_186], %swap3A_189 {strides = array<i32>} : memref<16x1024xf32, #tpu.memory_space<vmem>>, vector<1x16xf32>,
          %get3A_190 = arith.index_cast %scan3A_148 : i32 to index
          %get3A_191 = arith.constant 48 : index
          %get3A_192 = tpu.vector_load %arg7[%get3A_190, %get3A_191] {strides = array<i32>} : memref<16x1024xf32, #tpu.memory_space<vmem>>, vector<1x16xf32>,
          %get3A_193 = vector.shape_cast %get3A_192 : vector<1x16xf32> to vector<16xf32>
          %get3A_194 = arith.index_cast %scan3A_148 : i32 to index
          %get3A_195 = arith.constant 48 : index
          %get3A_196 = tpu.vector_load %arg5[%get3A_194, %get3A_195] {strides = array<i32>} : memref<16x1024xf32, #tpu.memory_space<vmem>>, vector<1x16xf32>,
          %get3A_197 = vector.shape_cast %get3A_196 : vector<1x16xf32> to vector<16xf32>
          %add3A_198 = arith.addf %get3A_193, %get3A_197 : vector<16xf32>
          %swap3A_199 = arith.index_cast %scan3A_148 : i32 to index
          %swap3A_200 = arith.constant 48 : index
          %swap3A_201 = tpu.vector_load %arg7[%swap3A_199, %swap3A_200] {strides = array<i32>} : memref<16x1024xf32, #tpu.memory_space<vmem>>, vector<1x16xf32>,
          %swap3A_202 = vector.shape_cast %swap3A_201 : vector<1x16xf32> to vector<16xf32>
          %swap3A_203 = vector.shape_cast %add3A_198 : vector<16xf32> to vector<1x16xf32>
          tpu.vector_store %arg7[%swap3A_199, %swap3A_200], %swap3A_203 {strides = array<i32>} : memref<16x1024xf32, #tpu.memory_space<vmem>>, vector<1x16xf32>,
          %get3A_204 = arith.index_cast %scan3A_148 : i32 to index
          %get3A_205 = arith.constant 64 : index
          %get3A_206 = tpu.vector_load %arg7[%get3A_204, %get3A_205] {strides = array<i32>} : memref<16x1024xf32, #tpu.memory_space<vmem>>, vector<1x16xf32>,
          %get3A_207 = vector.shape_cast %get3A_206 : vector<1x16xf32> to vector<16xf32>
          %get3A_208 = arith.index_cast %scan3A_148 : i32 to index
          %get3A_209 = arith.constant 64 : index
          %get3A_210 = tpu.vector_load %arg5[%get3A_208, %get3A_209] {strides = array<i32>} : memref<16x1024xf32, #tpu.memory_space<vmem>>, vector<1x16xf32>,
          %get3A_211 = vector.shape_cast %get3A_210 : vector<1x16xf32> to vector<16xf32>
          %add3A_212 = arith.addf %get3A_207, %get3A_211 : vector<16xf32>
          %swap3A_213 = arith.index_cast %scan3A_148 : i32 to index
          %swap3A_214 = arith.constant 64 : index
          %swap3A_215 = tpu.vector_load %arg7[%swap3A_213, %swap3A_214] {strides = array<i32>} : memref<16x1024xf32, #tpu.memory_space<vmem>>, vector<1x16xf32>,
          %swap3A_216 = vector.shape_cast %swap3A_215 : vector<1x16xf32> to vector<16xf32>
          %swap3A_217 = vector.shape_cast %add3A_212 : vector<16xf32> to vector<1x16xf32>
          tpu.vector_store %arg7[%swap3A_213, %swap3A_214], %swap3A_217 {strides = array<i32>} : memref<16x1024xf32, #tpu.memory_space<vmem>>, vector<1x16xf32>,
          %get3A_218 = arith.index_cast %scan3A_148 : i32 to index
          %get3A_219 = arith.constant 80 : index
          %get3A_220 = tpu.vector_load %arg7[%get3A_218, %get3A_219] {strides = array<i32>} : memref<16x1024xf32, #tpu.memory_space<vmem>>, vector<1x16xf32>,
          %get3A_221 = vector.shape_cast %get3A_220 : vector<1x16xf32> to vector<16xf32>
          %get3A_222 = arith.index_cast %scan3A_148 : i32 to index
          %get3A_223 = arith.constant 80 : index
          %get3A_224 = tpu.vector_load %arg5[%get3A_222, %get3A_223] {strides = array<i32>} : memref<16x1024xf32, #tpu.memory_space<vmem>>, vector<1x16xf32>,
          %get3A_225 = vector.shape_cast %get3A_224 : vector<1x16xf32> to vector<16xf32>
          %add3A_226 = arith.addf %get3A_221, %get3A_225 : vector<16xf32>
          %swap3A_227 = arith.index_cast %scan3A_148 : i32 to index
          %swap3A_228 = arith.constant 80 : index
          %swap3A_229 = tpu.vector_load %arg7[%swap3A_227, %swap3A_228] {strides = array<i32>} : memref<16x1024xf32, #tpu.memory_space<vmem>>, vector<1x16xf32>,
          %swap3A_230 = vector.shape_cast %swap3A_229 : vector<1x16xf32> to vector<16xf32>
          %swap3A_231 = vector.shape_cast %add3A_226 : vector<16xf32> to vector<1x16xf32>
          tpu.vector_store %arg7[%swap3A_227, %swap3A_228], %swap3A_231 {strides = array<i32>} : memref<16x1024xf32, #tpu.memory_space<vmem>>, vector<1x16xf32>,
          %get3A_232 = arith.index_cast %scan3A_148 : i32 to index
          %get3A_233 = arith.constant 96 : index
          %get3A_234 = tpu.vector_load %arg7[%get3A_232, %get3A_233] {strides = array<i32>} : memref<16x1024xf32, #tpu.memory_space<vmem>>, vector<1x16xf32>,
          %get3A_235 = vector.shape_cast %get3A_234 : vector<1x16xf32> to vector<16xf32>
          %get3A_236 = arith.index_cast %scan3A_148 : i32 to index
          %get3A_237 = arith.constant 96 : index
          %get3A_238 = tpu.vector_load %arg5[%get3A_236, %get3A_237] {strides = array<i32>} : memref<16x1024xf32, #tpu.memory_space<vmem>>, vector<1x16xf32>,
          %get3A_239 = vector.shape_cast %get3A_238 : vector<1x16xf32> to vector<16xf32>
          %add3A_240 = arith.addf %get3A_235, %get3A_239 : vector<16xf32>
          %swap3A_241 = arith.index_cast %scan3A_148 : i32 to index
          %swap3A_242 = arith.constant 96 : index
          %swap3A_243 = tpu.vector_load %arg7[%swap3A_241, %swap3A_242] {strides = array<i32>} : memref<16x1024xf32, #tpu.memory_space<vmem>>, vector<1x16xf32>,
          %swap3A_244 = vector.shape_cast %swap3A_243 : vector<1x16xf32> to vector<16xf32>
          %swap3A_245 = vector.shape_cast %add3A_240 : vector<16xf32> to vector<1x16xf32>
          tpu.vector_store %arg7[%swap3A_241, %swap3A_242], %swap3A_245 {strides = array<i32>} : memref<16x1024xf32, #tpu.memory_space<vmem>>, vector<1x16xf32>,
          %get3A_246 = arith.index_cast %scan3A_148 : i32 to index
          %get3A_247 = arith.constant 112 : index
          %get3A_248 = tpu.vector_load %arg7[%get3A_246, %get3A_247] {strides = array<i32>} : memref<16x1024xf32, #tpu.memory_space<vmem>>, vector<1x16xf32>,
          %get3A_249 = vector.shape_cast %get3A_248 : vector<1x16xf32> to vector<16xf32>
          %get3A_250 = arith.index_cast %scan3A_148 : i32 to index
          %get3A_251 = arith.constant 112 : index
          %get3A_252 = tpu.vector_load %arg5[%get3A_250, %get3A_251] {strides = array<i32>} : memref<16x1024xf32, #tpu.memory_space<vmem>>, vector<1x16xf32>,
          %get3A_253 = vector.shape_cast %get3A_252 : vector<1x16xf32> to vector<16xf32>
          %add3A_254 = arith.addf %get3A_249, %get3A_253 : vector<16xf32>
          %swap3A_255 = arith.index_cast %scan3A_148 : i32 to index
          %swap3A_256 = arith.constant 112 : index
          %swap3A_257 = tpu.vector_load %arg7[%swap3A_255, %swap3A_256] {strides = array<i32>} : memref<16x1024xf32, #tpu.memory_space<vmem>>, vector<1x16xf32>,
          %swap3A_258 = vector.shape_cast %swap3A_257 : vector<1x16xf32> to vector<16xf32>
          %swap3A_259 = vector.shape_cast %add3A_254 : vector<16xf32> to vector<1x16xf32>
          tpu.vector_store %arg7[%swap3A_255, %swap3A_256], %swap3A_259 {strides = array<i32>} : memref<16x1024xf32, #tpu.memory_space<vmem>>, vector<1x16xf32>,
          %get3A_260 = arith.index_cast %scan3A_148 : i32 to index
          %get3A_261 = arith.constant 128 : index
          %get3A_262 = tpu.vector_load %arg7[%get3A_260, %get3A_261] {strides = array<i32>} : memref<16x1024xf32, #tpu.memory_space<vmem>>, vector<1x16xf32>,
          %get3A_263 = vector.shape_cast %get3A_262 : vector<1x16xf32> to vector<16xf32>
          %get3A_264 = arith.index_cast %scan3A_148 : i32 to index
          %get3A_265 = arith.constant 128 : index
          %get3A_266 = tpu.vector_load %arg5[%get3A_264, %get3A_265] {strides = array<i32>} : memref<16x1024xf32, #tpu.memory_space<vmem>>, vector<1x16xf32>,
          %get3A_267 = vector.shape_cast %get3A_266 : vector<1x16xf32> to vector<16xf32>
          %add3A_268 = arith.addf %get3A_263, %get3A_267 : vector<16xf32>
          %swap3A_269 = arith.index_cast %scan3A_148 : i32 to index
          %swap3A_270 = arith.constant 128 : index
          %swap3A_271 = tpu.vector_load %arg7[%swap3A_269, %swap3A_270] {strides = array<i32>} : memref<16x1024xf32, #tpu.memory_space<vmem>>, vector<1x16xf32>,
          %swap3A_272 = vector.shape_cast %swap3A_271 : vector<1x16xf32> to vector<16xf32>
          %swap3A_273 = vector.shape_cast %add3A_268 : vector<16xf32> to vector<1x16xf32>
          tpu.vector_store %arg7[%swap3A_269, %swap3A_270], %swap3A_273 {strides = array<i32>} : memref<16x1024xf32, #tpu.memory_space<vmem>>, vector<1x16xf32>,
          %get3A_274 = arith.index_cast %scan3A_148 : i32 to index
          %get3A_275 = arith.constant 144 : index
          %get3A_276 = tpu.vector_load %arg7[%get3A_274, %get3A_275] {strides = array<i32>} : memref<16x1024xf32, #tpu.memory_space<vmem>>, vector<1x16xf32>,
          %get3A_277 = vector.shape_cast %get3A_276 : vector<1x16xf32> to vector<16xf32>
          %get3A_278 = arith.index_cast %scan3A_148 : i32 to index
          %get3A_279 = arith.constant 144 : index
          %get3A_280 = tpu.vector_load %arg5[%get3A_278, %get3A_279] {strides = array<i32>} : memref<16x1024xf32, #tpu.memory_space<vmem>>, vector<1x16xf32>,
          %get3A_281 = vector.shape_cast %get3A_280 : vector<1x16xf32> to vector<16xf32>
          %add3A_282 = arith.addf %get3A_277, %get3A_281 : vector<16xf32>
          %swap3A_283 = arith.index_cast %scan3A_148 : i32 to index
          %swap3A_284 = arith.constant 144 : index
          %swap3A_285 = tpu.vector_load %arg7[%swap3A_283, %swap3A_284] {strides = array<i32>} : memref<16x1024xf32, #tpu.memory_space<vmem>>, vector<1x16xf32>,
          %swap3A_286 = vector.shape_cast %swap3A_285 : vector<1x16xf32> to vector<16xf32>
          %swap3A_287 = vector.shape_cast %add3A_282 : vector<16xf32> to vector<1x16xf32>
          tpu.vector_store %arg7[%swap3A_283, %swap3A_284], %swap3A_287 {strides = array<i32>} : memref<16x1024xf32, #tpu.memory_space<vmem>>, vector<1x16xf32>,
          %get3A_288 = arith.index_cast %scan3A_148 : i32 to index
          %get3A_289 = arith.constant 160 : index
          %get3A_290 = tpu.vector_load %arg7[%get3A_288, %get3A_289] {strides = array<i32>} : memref<16x1024xf32, #tpu.memory_space<vmem>>, vector<1x16xf32>,
          %get3A_291 = vector.shape_cast %get3A_290 : vector<1x16xf32> to vector<16xf32>
          %get3A_292 = arith.index_cast %scan3A_148 : i32 to index
          %get3A_293 = arith.constant 160 : index
          %get3A_294 = tpu.vector_load %arg5[%get3A_292, %get3A_293] {strides = array<i32>} : memref<16x1024xf32, #tpu.memory_space<vmem>>, vector<1x16xf32>,
          %get3A_295 = vector.shape_cast %get3A_294 : vector<1x16xf32> to vector<16xf32>
          %add3A_296 = arith.addf %get3A_291, %get3A_295 : vector<16xf32>
          %swap3A_297 = arith.index_cast %scan3A_148 : i32 to index
          %swap3A_298 = arith.constant 160 : index
          %swap3A_299 = tpu.vector_load %arg7[%swap3A_297, %swap3A_298] {strides = array<i32>} : memref<16x1024xf32, #tpu.memory_space<vmem>>, vector<1x16xf32>,
          %swap3A_300 = vector.shape_cast %swap3A_299 : vector<1x16xf32> to vector<16xf32>
          %swap3A_301 = vector.shape_cast %add3A_296 : vector<16xf32> to vector<1x16xf32>
          tpu.vector_store %arg7[%swap3A_297, %swap3A_298], %swap3A_301 {strides = array<i32>} : memref<16x1024xf32, #tpu.memory_space<vmem>>, vector<1x16xf32>,
          %get3A_302 = arith.index_cast %scan3A_148 : i32 to index
          %get3A_303 = arith.constant 176 : index
          %get3A_304 = tpu.vector_load %arg7[%get3A_302, %get3A_303] {strides = array<i32>} : memref<16x1024xf32, #tpu.memory_space<vmem>>, vector<1x16xf32>,
          %get3A_305 = vector.shape_cast %get3A_304 : vector<1x16xf32> to vector<16xf32>
          %get3A_306 = arith.index_cast %scan3A_148 : i32 to index
          %get3A_307 = arith.constant 176 : index
          %get3A_308 = tpu.vector_load %arg5[%get3A_306, %get3A_307] {strides = array<i32>} : memref<16x1024xf32, #tpu.memory_space<vmem>>, vector<1x16xf32>,
          %get3A_309 = vector.shape_cast %get3A_308 : vector<1x16xf32> to vector<16xf32>
          %add3A_310 = arith.addf %get3A_305, %get3A_309 : vector<16xf32>
          %swap3A_311 = arith.index_cast %scan3A_148 : i32 to index
          %swap3A_312 = arith.constant 176 : index
          %swap3A_313 = tpu.vector_load %arg7[%swap3A_311, %swap3A_312] {strides = array<i32>} : memref<16x1024xf32, #tpu.memory_space<vmem>>, vector<1x16xf32>,
          %swap3A_314 = vector.shape_cast %swap3A_313 : vector<1x16xf32> to vector<16xf32>
          %swap3A_315 = vector.shape_cast %add3A_310 : vector<16xf32> to vector<1x16xf32>
          tpu.vector_store %arg7[%swap3A_311, %swap3A_312], %swap3A_315 {strides = array<i32>} : memref<16x1024xf32, #tpu.memory_space<vmem>>, vector<1x16xf32>,
          %get3A_316 = arith.index_cast %scan3A_148 : i32 to index
          %get3A_317 = arith.constant 192 : index
          %get3A_318 = tpu.vector_load %arg7[%get3A_316, %get3A_317] {strides = array<i32>} : memref<16x1024xf32, #tpu.memory_space<vmem>>, vector<1x16xf32>,
          %get3A_319 = vector.shape_cast %get3A_318 : vector<1x16xf32> to vector<16xf32>
          %get3A_320 = arith.index_cast %scan3A_148 : i32 to index
          %get3A_321 = arith.constant 192 : index
          %get3A_322 = tpu.vector_load %arg5[%get3A_320, %get3A_321] {strides = array<i32>} : memref<16x1024xf32, #tpu.memory_space<vmem>>, vector<1x16xf32>,
          %get3A_323 = vector.shape_cast %get3A_322 : vector<1x16xf32> to vector<16xf32>
          %add3A_324 = arith.addf %get3A_319, %get3A_323 : vector<16xf32>
          %swap3A_325 = arith.index_cast %scan3A_148 : i32 to index
          %swap3A_326 = arith.constant 192 : index
          %swap3A_327 = tpu.vector_load %arg7[%swap3A_325, %swap3A_326] {strides = array<i32>} : memref<16x1024xf32, #tpu.memory_space<vmem>>, vector<1x16xf32>,
          %swap3A_328 = vector.shape_cast %swap3A_327 : vector<1x16xf32> to vector<16xf32>
          %swap3A_329 = vector.shape_cast %add3A_324 : vector<16xf32> to vector<1x16xf32>
          tpu.vector_store %arg7[%swap3A_325, %swap3A_326], %swap3A_329 {strides = array<i32>} : memref<16x1024xf32, #tpu.memory_space<vmem>>, vector<1x16xf32>,
          %get3A_330 = arith.index_cast %scan3A_148 : i32 to index
          %get3A_331 = arith.constant 208 : index
          %get3A_332 = tpu.vector_load %arg7[%get3A_330, %get3A_331] {strides = array<i32>} : memref<16x1024xf32, #tpu.memory_space<vmem>>, vector<1x16xf32>,
          %get3A_333 = vector.shape_cast %get3A_332 : vector<1x16xf32> to vector<16xf32>
          %get3A_334 = arith.index_cast %scan3A_148 : i32 to index
          %get3A_335 = arith.constant 208 : index
          %get3A_336 = tpu.vector_load %arg5[%get3A_334, %get3A_335] {strides = array<i32>} : memref<16x1024xf32, #tpu.memory_space<vmem>>, vector<1x16xf32>,
          %get3A_337 = vector.shape_cast %get3A_336 : vector<1x16xf32> to vector<16xf32>
          %add3A_338 = arith.addf %get3A_333, %get3A_337 : vector<16xf32>
          %swap3A_339 = arith.index_cast %scan3A_148 : i32 to index
          %swap3A_340 = arith.constant 208 : index
          %swap3A_341 = tpu.vector_load %arg7[%swap3A_339, %swap3A_340] {strides = array<i32>} : memref<16x1024xf32, #tpu.memory_space<vmem>>, vector<1x16xf32>,
          %swap3A_342 = vector.shape_cast %swap3A_341 : vector<1x16xf32> to vector<16xf32>
          %swap3A_343 = vector.shape_cast %add3A_338 : vector<16xf32> to vector<1x16xf32>
          tpu.vector_store %arg7[%swap3A_339, %swap3A_340], %swap3A_343 {strides = array<i32>} : memref<16x1024xf32, #tpu.memory_space<vmem>>, vector<1x16xf32>,
          %get3A_344 = arith.index_cast %scan3A_148 : i32 to index
          %get3A_345 = arith.constant 224 : index
          %get3A_346 = tpu.vector_load %arg7[%get3A_344, %get3A_345] {strides = array<i32>} : memref<16x1024xf32, #tpu.memory_space<vmem>>, vector<1x16xf32>,
          %get3A_347 = vector.shape_cast %get3A_346 : vector<1x16xf32> to vector<16xf32>
          %get3A_348 = arith.index_cast %scan3A_148 : i32 to index
          %get3A_349 = arith.constant 224 : index
          %get3A_350 = tpu.vector_load %arg5[%get3A_348, %get3A_349] {strides = array<i32>} : memref<16x1024xf32, #tpu.memory_space<vmem>>, vector<1x16xf32>,
          %get3A_351 = vector.shape_cast %get3A_350 : vector<1x16xf32> to vector<16xf32>
          %add3A_352 = arith.addf %get3A_347, %get3A_351 : vector<16xf32>
          %swap3A_353 = arith.index_cast %scan3A_148 : i32 to index
          %swap3A_354 = arith.constant 224 : index
          %swap3A_355 = tpu.vector_load %arg7[%swap3A_353, %swap3A_354] {strides = array<i32>} : memref<16x1024xf32, #tpu.memory_space<vmem>>, vector<1x16xf32>,
          %swap3A_356 = vector.shape_cast %swap3A_355 : vector<1x16xf32> to vector<16xf32>
          %swap3A_357 = vector.shape_cast %add3A_352 : vector<16xf32> to vector<1x16xf32>
          tpu.vector_store %arg7[%swap3A_353, %swap3A_354], %swap3A_357 {strides = array<i32>} : memref<16x1024xf32, #tpu.memory_space<vmem>>, vector<1x16xf32>,
          %get3A_358 = arith.index_cast %scan3A_148 : i32 to index
          %get3A_359 = arith.constant 240 : index
          %get3A_360 = tpu.vector_load %arg7[%get3A_358, %get3A_359] {strides = array<i32>} : memref<16x1024xf32, #tpu.memory_space<vmem>>, vector<1x16xf32>,
          %get3A_361 = vector.shape_cast %get3A_360 : vector<1x16xf32> to vector<16xf32>
          %get3A_362 = arith.index_cast %scan3A_148 : i32 to index
          %get3A_363 = arith.constant 240 : index
          %get3A_364 = tpu.vector_load %arg5[%get3A_362, %get3A_363] {strides = array<i32>} : memref<16x1024xf32, #tpu.memory_space<vmem>>, vector<1x16xf32>,
          %get3A_365 = vector.shape_cast %get3A_364 : vector<1x16xf32> to vector<16xf32>
          %add3A_366 = arith.addf %get3A_361, %get3A_365 : vector<16xf32>
          %swap3A_367 = arith.index_cast %scan3A_148 : i32 to index
          %swap3A_368 = arith.constant 240 : index
          %swap3A_369 = tpu.vector_load %arg7[%swap3A_367, %swap3A_368] {strides = array<i32>} : memref<16x1024xf32, #tpu.memory_space<vmem>>, vector<1x16xf32>,
          %swap3A_370 = vector.shape_cast %swap3A_369 : vector<1x16xf32> to vector<16xf32>
          %swap3A_371 = vector.shape_cast %add3A_366 : vector<16xf32> to vector<1x16xf32>
          tpu.vector_store %arg7[%swap3A_367, %swap3A_368], %swap3A_371 {strides = array<i32>} : memref<16x1024xf32, #tpu.memory_space<vmem>>, vector<1x16xf32>,
          %get3A_372 = arith.index_cast %scan3A_148 : i32 to index
          %get3A_373 = arith.constant 256 : index
          %get3A_374 = tpu.vector_load %arg7[%get3A_372, %get3A_373] {strides = array<i32>} : memref<16x1024xf32, #tpu.memory_space<vmem>>, vector<1x16xf32>,
          %get3A_375 = vector.shape_cast %get3A_374 : vector<1x16xf32> to vector<16xf32>
          %get3A_376 = arith.index_cast %scan3A_148 : i32 to index
          %get3A_377 = arith.constant 256 : index
          %get3A_378 = tpu.vector_load %arg5[%get3A_376, %get3A_377] {strides = array<i32>} : memref<16x1024xf32, #tpu.memory_space<vmem>>, vector<1x16xf32>,
          %get3A_379 = vector.shape_cast %get3A_378 : vector<1x16xf32> to vector<16xf32>
          %add3A_380 = arith.addf %get3A_375, %get3A_379 : vector<16xf32>
          %swap3A_381 = arith.index_cast %scan3A_148 : i32 to index
          %swap3A_382 = arith.constant 256 : index
          %swap3A_383 = tpu.vector_load %arg7[%swap3A_381, %swap3A_382] {strides = array<i32>} : memref<16x1024xf32, #tpu.memory_space<vmem>>, vector<1x16xf32>,
          %swap3A_384 = vector.shape_cast %swap3A_383 : vector<1x16xf32> to vector<16xf32>
          %swap3A_385 = vector.shape_cast %add3A_380 : vector<16xf32> to vector<1x16xf32>
          tpu.vector_store %arg7[%swap3A_381, %swap3A_382], %swap3A_385 {strides = array<i32>} : memref<16x1024xf32, #tpu.memory_space<vmem>>, vector<1x16xf32>,
          %get3A_386 = arith.index_cast %scan3A_148 : i32 to index
          %get3A_387 = arith.constant 272 : index
          %get3A_388 = tpu.vector_load %arg7[%get3A_386, %get3A_387] {strides = array<i32>} : memref<16x1024xf32, #tpu.memory_space<vmem>>, vector<1x16xf32>,
          %get3A_389 = vector.shape_cast %get3A_388 : vector<1x16xf32> to vector<16xf32>
          %get3A_390 = arith.index_cast %scan3A_148 : i32 to index
          %get3A_391 = arith.constant 272 : index
          %get3A_392 = tpu.vector_load %arg5[%get3A_390, %get3A_391] {strides = array<i32>} : memref<16x1024xf32, #tpu.memory_space<vmem>>, vector<1x16xf32>,
          %get3A_393 = vector.shape_cast %get3A_392 : vector<1x16xf32> to vector<16xf32>
          %add3A_394 = arith.addf %get3A_389, %get3A_393 : vector<16xf32>
          %swap3A_395 = arith.index_cast %scan3A_148 : i32 to index
          %swap3A_396 = arith.constant 272 : index
          %swap3A_397 = tpu.vector_load %arg7[%swap3A_395, %swap3A_396] {strides = array<i32>} : memref<16x1024xf32, #tpu.memory_space<vmem>>, vector<1x16xf32>,
          %swap3A_398 = vector.shape_cast %swap3A_397 : vector<1x16xf32> to vector<16xf32>
          %swap3A_399 = vector.shape_cast %add3A_394 : vector<16xf32> to vector<1x16xf32>
          tpu.vector_store %arg7[%swap3A_395, %swap3A_396], %swap3A_399 {strides = array<i32>} : memref<16x1024xf32, #tpu.memory_space<vmem>>, vector<1x16xf32>,
          %get3A_400 = arith.index_cast %scan3A_148 : i32 to index
          %get3A_401 = arith.constant 288 : index
          %get3A_402 = tpu.vector_load %arg7[%get3A_400, %get3A_401] {strides = array<i32>} : memref<16x1024xf32, #tpu.memory_space<vmem>>, vector<1x16xf32>,
          %get3A_403 = vector.shape_cast %get3A_402 : vector<1x16xf32> to vector<16xf32>
          %get3A_404 = arith.index_cast %scan3A_148 : i32 to index
          %get3A_405 = arith.constant 288 : index
          %get3A_406 = tpu.vector_load %arg5[%get3A_404, %get3A_405] {strides = array<i32>} : memref<16x1024xf32, #tpu.memory_space<vmem>>, vector<1x16xf32>,
          %get3A_407 = vector.shape_cast %get3A_406 : vector<1x16xf32> to vector<16xf32>
          %add3A_408 = arith.addf %get3A_403, %get3A_407 : vector<16xf32>
          %swap3A_409 = arith.index_cast %scan3A_148 : i32 to index
          %swap3A_410 = arith.constant 288 : index
          %swap3A_411 = tpu.vector_load %arg7[%swap3A_409, %swap3A_410] {strides = array<i32>} : memref<16x1024xf32, #tpu.memory_space<vmem>>, vector<1x16xf32>,
          %swap3A_412 = vector.shape_cast %swap3A_411 : vector<1x16xf32> to vector<16xf32>
          %swap3A_413 = vector.shape_cast %add3A_408 : vector<16xf32> to vector<1x16xf32>
          tpu.vector_store %arg7[%swap3A_409, %swap3A_410], %swap3A_413 {strides = array<i32>} : memref<16x1024xf32, #tpu.memory_space<vmem>>, vector<1x16xf32>,
          %get3A_414 = arith.index_cast %scan3A_148 : i32 to index
          %get3A_415 = arith.constant 304 : index
          %get3A_416 = tpu.vector_load %arg7[%get3A_414, %get3A_415] {strides = array<i32>} : memref<16x1024xf32, #tpu.memory_space<vmem>>, vector<1x16xf32>,
          %get3A_417 = vector.shape_cast %get3A_416 : vector<1x16xf32> to vector<16xf32>
          %get3A_418 = arith.index_cast %scan3A_148 : i32 to index
          %get3A_419 = arith.constant 304 : index
          %get3A_420 = tpu.vector_load %arg5[%get3A_418, %get3A_419] {strides = array<i32>} : memref<16x1024xf32, #tpu.memory_space<vmem>>, vector<1x16xf32>,
          %get3A_421 = vector.shape_cast %get3A_420 : vector<1x16xf32> to vector<16xf32>
          %add3A_422 = arith.addf %get3A_417, %get3A_421 : vector<16xf32>
          %swap3A_423 = arith.index_cast %scan3A_148 : i32 to index
          %swap3A_424 = arith.constant 304 : index
          %swap3A_425 = tpu.vector_load %arg7[%swap3A_423, %swap3A_424] {strides = array<i32>} : memref<16x1024xf32, #tpu.memory_space<vmem>>, vector<1x16xf32>,
          %swap3A_426 = vector.shape_cast %swap3A_425 : vector<1x16xf32> to vector<16xf32>
          %swap3A_427 = vector.shape_cast %add3A_422 : vector<16xf32> to vector<1x16xf32>
          tpu.vector_store %arg7[%swap3A_423, %swap3A_424], %swap3A_427 {strides = array<i32>} : memref<16x1024xf32, #tpu.memory_space<vmem>>, vector<1x16xf32>,
          %get3A_428 = arith.index_cast %scan3A_148 : i32 to index
          %get3A_429 = arith.constant 320 : index
          %get3A_430 = tpu.vector_load %arg7[%get3A_428, %get3A_429] {strides = array<i32>} : memref<16x1024xf32, #tpu.memory_space<vmem>>, vector<1x16xf32>,
          %get3A_431 = vector.shape_cast %get3A_430 : vector<1x16xf32> to vector<16xf32>
          %get3A_432 = arith.index_cast %scan3A_148 : i32 to index
          %get3A_433 = arith.constant 320 : index
          %get3A_434 = tpu.vector_load %arg5[%get3A_432, %get3A_433] {strides = array<i32>} : memref<16x1024xf32, #tpu.memory_space<vmem>>, vector<1x16xf32>,
          %get3A_435 = vector.shape_cast %get3A_434 : vector<1x16xf32> to vector<16xf32>
          %add3A_436 = arith.addf %get3A_431, %get3A_435 : vector<16xf32>
          %swap3A_437 = arith.index_cast %scan3A_148 : i32 to index
          %swap3A_438 = arith.constant 320 : index
          %swap3A_439 = tpu.vector_load %arg7[%swap3A_437, %swap3A_438] {strides = array<i32>} : memref<16x1024xf32, #tpu.memory_space<vmem>>, vector<1x16xf32>,
          %swap3A_440 = vector.shape_cast %swap3A_439 : vector<1x16xf32> to vector<16xf32>
          %swap3A_441 = vector.shape_cast %add3A_436 : vector<16xf32> to vector<1x16xf32>
          tpu.vector_store %arg7[%swap3A_437, %swap3A_438], %swap3A_441 {strides = array<i32>} : memref<16x1024xf32, #tpu.memory_space<vmem>>, vector<1x16xf32>,
          %get3A_442 = arith.index_cast %scan3A_148 : i32 to index
          %get3A_443 = arith.constant 336 : index
          %get3A_444 = tpu.vector_load %arg7[%get3A_442, %get3A_443] {strides = array<i32>} : memref<16x1024xf32, #tpu.memory_space<vmem>>, vector<1x16xf32>,
          %get3A_445 = vector.shape_cast %get3A_444 : vector<1x16xf32> to vector<16xf32>
          %get3A_446 = arith.index_cast %scan3A_148 : i32 to index
          %get3A_447 = arith.constant 336 : index
          %get3A_448 = tpu.vector_load %arg5[%get3A_446, %get3A_447] {strides = array<i32>} : memref<16x1024xf32, #tpu.memory_space<vmem>>, vector<1x16xf32>,
          %get3A_449 = vector.shape_cast %get3A_448 : vector<1x16xf32> to vector<16xf32>
          %add3A_450 = arith.addf %get3A_445, %get3A_449 : vector<16xf32>
          %swap3A_451 = arith.index_cast %scan3A_148 : i32 to index
          %swap3A_452 = arith.constant 336 : index
          %swap3A_453 = tpu.vector_load %arg7[%swap3A_451, %swap3A_452] {strides = array<i32>} : memref<16x1024xf32, #tpu.memory_space<vmem>>, vector<1x16xf32>,
          %swap3A_454 = vector.shape_cast %swap3A_453 : vector<1x16xf32> to vector<16xf32>
          %swap3A_455 = vector.shape_cast %add3A_450 : vector<16xf32> to vector<1x16xf32>
          tpu.vector_store %arg7[%swap3A_451, %swap3A_452], %swap3A_455 {strides = array<i32>} : memref<16x1024xf32, #tpu.memory_space<vmem>>, vector<1x16xf32>,
          %get3A_456 = arith.index_cast %scan3A_148 : i32 to index
          %get3A_457 = arith.constant 352 : index
          %get3A_458 = tpu.vector_load %arg7[%get3A_456, %get3A_457] {strides = array<i32>} : memref<16x1024xf32, #tpu.memory_space<vmem>>, vector<1x16xf32>,
          %get3A_459 = vector.shape_cast %get3A_458 : vector<1x16xf32> to vector<16xf32>
          %get3A_460 = arith.index_cast %scan3A_148 : i32 to index
          %get3A_461 = arith.constant 352 : index
          %get3A_462 = tpu.vector_load %arg5[%get3A_460, %get3A_461] {strides = array<i32>} : memref<16x1024xf32, #tpu.memory_space<vmem>>, vector<1x16xf32>,
          %get3A_463 = vector.shape_cast %get3A_462 : vector<1x16xf32> to vector<16xf32>
          %add3A_464 = arith.addf %get3A_459, %get3A_463 : vector<16xf32>
          %swap3A_465 = arith.index_cast %scan3A_148 : i32 to index
          %swap3A_466 = arith.constant 352 : index
          %swap3A_467 = tpu.vector_load %arg7[%swap3A_465, %swap3A_466] {strides = array<i32>} : memref<16x1024xf32, #tpu.memory_space<vmem>>, vector<1x16xf32>,
          %swap3A_468 = vector.shape_cast %swap3A_467 : vector<1x16xf32> to vector<16xf32>
          %swap3A_469 = vector.shape_cast %add3A_464 : vector<16xf32> to vector<1x16xf32>
          tpu.vector_store %arg7[%swap3A_465, %swap3A_466], %swap3A_469 {strides = array<i32>} : memref<16x1024xf32, #tpu.memory_space<vmem>>, vector<1x16xf32>,
          %get3A_470 = arith.index_cast %scan3A_148 : i32 to index
          %get3A_471 = arith.constant 368 : index
          %get3A_472 = tpu.vector_load %arg7[%get3A_470, %get3A_471] {strides = array<i32>} : memref<16x1024xf32, #tpu.memory_space<vmem>>, vector<1x16xf32>,
          %get3A_473 = vector.shape_cast %get3A_472 : vector<1x16xf32> to vector<16xf32>
          %get3A_474 = arith.index_cast %scan3A_148 : i32 to index
          %get3A_475 = arith.constant 368 : index
          %get3A_476 = tpu.vector_load %arg5[%get3A_474, %get3A_475] {strides = array<i32>} : memref<16x1024xf32, #tpu.memory_space<vmem>>, vector<1x16xf32>,
          %get3A_477 = vector.shape_cast %get3A_476 : vector<1x16xf32> to vector<16xf32>
          %add3A_478 = arith.addf %get3A_473, %get3A_477 : vector<16xf32>
          %swap3A_479 = arith.index_cast %scan3A_148 : i32 to index
          %swap3A_480 = arith.constant 368 : index
          %swap3A_481 = tpu.vector_load %arg7[%swap3A_479, %swap3A_480] {strides = array<i32>} : memref<16x1024xf32, #tpu.memory_space<vmem>>, vector<1x16xf32>,
          %swap3A_482 = vector.shape_cast %swap3A_481 : vector<1x16xf32> to vector<16xf32>
          %swap3A_483 = vector.shape_cast %add3A_478 : vector<16xf32> to vector<1x16xf32>
          tpu.vector_store %arg7[%swap3A_479, %swap3A_480], %swap3A_483 {strides = array<i32>} : memref<16x1024xf32, #tpu.memory_space<vmem>>, vector<1x16xf32>,
          %get3A_484 = arith.index_cast %scan3A_148 : i32 to index
          %get3A_485 = arith.constant 384 : index
          %get3A_486 = tpu.vector_load %arg7[%get3A_484, %get3A_485] {strides = array<i32>} : memref<16x1024xf32, #tpu.memory_space<vmem>>, vector<1x16xf32>,
          %get3A_487 = vector.shape_cast %get3A_486 : vector<1x16xf32> to vector<16xf32>
          %get3A_488 = arith.index_cast %scan3A_148 : i32 to index
          %get3A_489 = arith.constant 384 : index
          %get3A_490 = tpu.vector_load %arg5[%get3A_488, %get3A_489] {strides = array<i32>} : memref<16x1024xf32, #tpu.memory_space<vmem>>, vector<1x16xf32>,
          %get3A_491 = vector.shape_cast %get3A_490 : vector<1x16xf32> to vector<16xf32>
          %add3A_492 = arith.addf %get3A_487, %get3A_491 : vector<16xf32>
          %swap3A_493 = arith.index_cast %scan3A_148 : i32 to index
          %swap3A_494 = arith.constant 384 : index
          %swap3A_495 = tpu.vector_load %arg7[%swap3A_493, %swap3A_494] {strides = array<i32>} : memref<16x1024xf32, #tpu.memory_space<vmem>>, vector<1x16xf32>,
          %swap3A_496 = vector.shape_cast %swap3A_495 : vector<1x16xf32> to vector<16xf32>
          %swap3A_497 = vector.shape_cast %add3A_492 : vector<16xf32> to vector<1x16xf32>
          tpu.vector_store %arg7[%swap3A_493, %swap3A_494], %swap3A_497 {strides = array<i32>} : memref<16x1024xf32, #tpu.memory_space<vmem>>, vector<1x16xf32>,
          %get3A_498 = arith.index_cast %scan3A_148 : i32 to index
          %get3A_499 = arith.constant 400 : index
          %get3A_500 = tpu.vector_load %arg7[%get3A_498, %get3A_499] {strides = array<i32>} : memref<16x1024xf32, #tpu.memory_space<vmem>>, vector<1x16xf32>,
          %get3A_501 = vector.shape_cast %get3A_500 : vector<1x16xf32> to vector<16xf32>
          %get3A_502 = arith.index_cast %scan3A_148 : i32 to index
          %get3A_503 = arith.constant 400 : index
          %get3A_504 = tpu.vector_load %arg5[%get3A_502, %get3A_503] {strides = array<i32>} : memref<16x1024xf32, #tpu.memory_space<vmem>>, vector<1x16xf32>,
          %get3A_505 = vector.shape_cast %get3A_504 : vector<1x16xf32> to vector<16xf32>
          %add3A_506 = arith.addf %get3A_501, %get3A_505 : vector<16xf32>
          %swap3A_507 = arith.index_cast %scan3A_148 : i32 to index
          %swap3A_508 = arith.constant 400 : index
          %swap3A_509 = tpu.vector_load %arg7[%swap3A_507, %swap3A_508] {strides = array<i32>} : memref<16x1024xf32, #tpu.memory_space<vmem>>, vector<1x16xf32>,
          %swap3A_510 = vector.shape_cast %swap3A_509 : vector<1x16xf32> to vector<16xf32>
          %swap3A_511 = vector.shape_cast %add3A_506 : vector<16xf32> to vector<1x16xf32>
          tpu.vector_store %arg7[%swap3A_507, %swap3A_508], %swap3A_511 {strides = array<i32>} : memref<16x1024xf32, #tpu.memory_space<vmem>>, vector<1x16xf32>,
          %get3A_512 = arith.index_cast %scan3A_148 : i32 to index
          %get3A_513 = arith.constant 416 : index
          %get3A_514 = tpu.vector_load %arg7[%get3A_512, %get3A_513] {strides = array<i32>} : memref<16x1024xf32, #tpu.memory_space<vmem>>, vector<1x16xf32>,
          %get3A_515 = vector.shape_cast %get3A_514 : vector<1x16xf32> to vector<16xf32>
          %get3A_516 = arith.index_cast %scan3A_148 : i32 to index
          %get3A_517 = arith.constant 416 : index
          %get3A_518 = tpu.vector_load %arg5[%get3A_516, %get3A_517] {strides = array<i32>} : memref<16x1024xf32, #tpu.memory_space<vmem>>, vector<1x16xf32>,
          %get3A_519 = vector.shape_cast %get3A_518 : vector<1x16xf32> to vector<16xf32>
          %add3A_520 = arith.addf %get3A_515, %get3A_519 : vector<16xf32>
          %swap3A_521 = arith.index_cast %scan3A_148 : i32 to index
          %swap3A_522 = arith.constant 416 : index
          %swap3A_523 = tpu.vector_load %arg7[%swap3A_521, %swap3A_522] {strides = array<i32>} : memref<16x1024xf32, #tpu.memory_space<vmem>>, vector<1x16xf32>,
          %swap3A_524 = vector.shape_cast %swap3A_523 : vector<1x16xf32> to vector<16xf32>
          %swap3A_525 = vector.shape_cast %add3A_520 : vector<16xf32> to vector<1x16xf32>
          tpu.vector_store %arg7[%swap3A_521, %swap3A_522], %swap3A_525 {strides = array<i32>} : memref<16x1024xf32, #tpu.memory_space<vmem>>, vector<1x16xf32>,
          %get3A_526 = arith.index_cast %scan3A_148 : i32 to index
          %get3A_527 = arith.constant 432 : index
          %get3A_528 = tpu.vector_load %arg7[%get3A_526, %get3A_527] {strides = array<i32>} : memref<16x1024xf32, #tpu.memory_space<vmem>>, vector<1x16xf32>,
          %get3A_529 = vector.shape_cast %get3A_528 : vector<1x16xf32> to vector<16xf32>
          %get3A_530 = arith.index_cast %scan3A_148 : i32 to index
          %get3A_531 = arith.constant 432 : index
          %get3A_532 = tpu.vector_load %arg5[%get3A_530, %get3A_531] {strides = array<i32>} : memref<16x1024xf32, #tpu.memory_space<vmem>>, vector<1x16xf32>,
          %get3A_533 = vector.shape_cast %get3A_532 : vector<1x16xf32> to vector<16xf32>
          %add3A_534 = arith.addf %get3A_529, %get3A_533 : vector<16xf32>
          %swap3A_535 = arith.index_cast %scan3A_148 : i32 to index
          %swap3A_536 = arith.constant 432 : index
          %swap3A_537 = tpu.vector_load %arg7[%swap3A_535, %swap3A_536] {strides = array<i32>} : memref<16x1024xf32, #tpu.memory_space<vmem>>, vector<1x16xf32>,
          %swap3A_538 = vector.shape_cast %swap3A_537 : vector<1x16xf32> to vector<16xf32>
          %swap3A_539 = vector.shape_cast %add3A_534 : vector<16xf32> to vector<1x16xf32>
          tpu.vector_store %arg7[%swap3A_535, %swap3A_536], %swap3A_539 {strides = array<i32>} : memref<16x1024xf32, #tpu.memory_space<vmem>>, vector<1x16xf32>,
          %get3A_540 = arith.index_cast %scan3A_148 : i32 to index
          %get3A_541 = arith.constant 448 : index
          %get3A_542 = tpu.vector_load %arg7[%get3A_540, %get3A_541] {strides = array<i32>} : memref<16x1024xf32, #tpu.memory_space<vmem>>, vector<1x16xf32>,
          %get3A_543 = vector.shape_cast %get3A_542 : vector<1x16xf32> to vector<16xf32>
          %get3A_544 = arith.index_cast %scan3A_148 : i32 to index
          %get3A_545 = arith.constant 448 : index
          %get3A_546 = tpu.vector_load %arg5[%get3A_544, %get3A_545] {strides = array<i32>} : memref<16x1024xf32, #tpu.memory_space<vmem>>, vector<1x16xf32>,
          %get3A_547 = vector.shape_cast %get3A_546 : vector<1x16xf32> to vector<16xf32>
          %add3A_548 = arith.addf %get3A_543, %get3A_547 : vector<16xf32>
          %swap3A_549 = arith.index_cast %scan3A_148 : i32 to index
          %swap3A_550 = arith.constant 448 : index
          %swap3A_551 = tpu.vector_load %arg7[%swap3A_549, %swap3A_550] {strides = array<i32>} : memref<16x1024xf32, #tpu.memory_space<vmem>>, vector<1x16xf32>,
          %swap3A_552 = vector.shape_cast %swap3A_551 : vector<1x16xf32> to vector<16xf32>
          %swap3A_553 = vector.shape_cast %add3A_548 : vector<16xf32> to vector<1x16xf32>
          tpu.vector_store %arg7[%swap3A_549, %swap3A_550], %swap3A_553 {strides = array<i32>} : memref<16x1024xf32, #tpu.memory_space<vmem>>, vector<1x16xf32>,
          %get3A_554 = arith.index_cast %scan3A_148 : i32 to index
          %get3A_555 = arith.constant 464 : index
          %get3A_556 = tpu.vector_load %arg7[%get3A_554, %get3A_555] {strides = array<i32>} : memref<16x1024xf32, #tpu.memory_space<vmem>>, vector<1x16xf32>,
          %get3A_557 = vector.shape_cast %get3A_556 : vector<1x16xf32> to vector<16xf32>
          %get3A_558 = arith.index_cast %scan3A_148 : i32 to index
          %get3A_559 = arith.constant 464 : index
          %get3A_560 = tpu.vector_load %arg5[%get3A_558, %get3A_559] {strides = array<i32>} : memref<16x1024xf32, #tpu.memory_space<vmem>>, vector<1x16xf32>,
          %get3A_561 = vector.shape_cast %get3A_560 : vector<1x16xf32> to vector<16xf32>
          %add3A_562 = arith.addf %get3A_557, %get3A_561 : vector<16xf32>
          %swap3A_563 = arith.index_cast %scan3A_148 : i32 to index
          %swap3A_564 = arith.constant 464 : index
          %swap3A_565 = tpu.vector_load %arg7[%swap3A_563, %swap3A_564] {strides = array<i32>} : memref<16x1024xf32, #tpu.memory_space<vmem>>, vector<1x16xf32>,
          %swap3A_566 = vector.shape_cast %swap3A_565 : vector<1x16xf32> to vector<16xf32>
          %swap3A_567 = vector.shape_cast %add3A_562 : vector<16xf32> to vector<1x16xf32>
          tpu.vector_store %arg7[%swap3A_563, %swap3A_564], %swap3A_567 {strides = array<i32>} : memref<16x1024xf32, #tpu.memory_space<vmem>>, vector<1x16xf32>,
          %get3A_568 = arith.index_cast %scan3A_148 : i32 to index
          %get3A_569 = arith.constant 480 : index
          %get3A_570 = tpu.vector_load %arg7[%get3A_568, %get3A_569] {strides = array<i32>} : memref<16x1024xf32, #tpu.memory_space<vmem>>, vector<1x16xf32>,
          %get3A_571 = vector.shape_cast %get3A_570 : vector<1x16xf32> to vector<16xf32>
          %get3A_572 = arith.index_cast %scan3A_148 : i32 to index
          %get3A_573 = arith.constant 480 : index
          %get3A_574 = tpu.vector_load %arg5[%get3A_572, %get3A_573] {strides = array<i32>} : memref<16x1024xf32, #tpu.memory_space<vmem>>, vector<1x16xf32>,
          %get3A_575 = vector.shape_cast %get3A_574 : vector<1x16xf32> to vector<16xf32>
          %add3A_576 = arith.addf %get3A_571, %get3A_575 : vector<16xf32>
          %swap3A_577 = arith.index_cast %scan3A_148 : i32 to index
          %swap3A_578 = arith.constant 480 : index
          %swap3A_579 = tpu.vector_load %arg7[%swap3A_577, %swap3A_578] {strides = array<i32>} : memref<16x1024xf32, #tpu.memory_space<vmem>>, vector<1x16xf32>,
          %swap3A_580 = vector.shape_cast %swap3A_579 : vector<1x16xf32> to vector<16xf32>
          %swap3A_581 = vector.shape_cast %add3A_576 : vector<16xf32> to vector<1x16xf32>
          tpu.vector_store %arg7[%swap3A_577, %swap3A_578], %swap3A_581 {strides = array<i32>} : memref<16x1024xf32, #tpu.memory_space<vmem>>, vector<1x16xf32>,
          %get3A_582 = arith.index_cast %scan3A_148 : i32 to index
          %get3A_583 = arith.constant 496 : index
          %get3A_584 = tpu.vector_load %arg7[%get3A_582, %get3A_583] {strides = array<i32>} : memref<16x1024xf32, #tpu.memory_space<vmem>>, vector<1x16xf32>,
          %get3A_585 = vector.shape_cast %get3A_584 : vector<1x16xf32> to vector<16xf32>
          %get3A_586 = arith.index_cast %scan3A_148 : i32 to index
          %get3A_587 = arith.constant 496 : index
          %get3A_588 = tpu.vector_load %arg5[%get3A_586, %get3A_587] {strides = array<i32>} : memref<16x1024xf32, #tpu.memory_space<vmem>>, vector<1x16xf32>,
          %get3A_589 = vector.shape_cast %get3A_588 : vector<1x16xf32> to vector<16xf32>
          %add3A_590 = arith.addf %get3A_585, %get3A_589 : vector<16xf32>
          %swap3A_591 = arith.index_cast %scan3A_148 : i32 to index
          %swap3A_592 = arith.constant 496 : index
          %swap3A_593 = tpu.vector_load %arg7[%swap3A_591, %swap3A_592] {strides = array<i32>} : memref<16x1024xf32, #tpu.memory_space<vmem>>, vector<1x16xf32>,
          %swap3A_594 = vector.shape_cast %swap3A_593 : vector<1x16xf32> to vector<16xf32>
          %swap3A_595 = vector.shape_cast %add3A_590 : vector<16xf32> to vector<1x16xf32>
          tpu.vector_store %arg7[%swap3A_591, %swap3A_592], %swap3A_595 {strides = array<i32>} : memref<16x1024xf32, #tpu.memory_space<vmem>>, vector<1x16xf32>,
          %get3A_596 = arith.index_cast %scan3A_148 : i32 to index
          %get3A_597 = arith.constant 512 : index
          %get3A_598 = tpu.vector_load %arg7[%get3A_596, %get3A_597] {strides = array<i32>} : memref<16x1024xf32, #tpu.memory_space<vmem>>, vector<1x16xf32>,
          %get3A_599 = vector.shape_cast %get3A_598 : vector<1x16xf32> to vector<16xf32>
          %get3A_600 = arith.index_cast %scan3A_148 : i32 to index
          %get3A_601 = arith.constant 512 : index
          %get3A_602 = tpu.vector_load %arg5[%get3A_600, %get3A_601] {strides = array<i32>} : memref<16x1024xf32, #tpu.memory_space<vmem>>, vector<1x16xf32>,
          %get3A_603 = vector.shape_cast %get3A_602 : vector<1x16xf32> to vector<16xf32>
          %add3A_604 = arith.addf %get3A_599, %get3A_603 : vector<16xf32>
          %swap3A_605 = arith.index_cast %scan3A_148 : i32 to index
          %swap3A_606 = arith.constant 512 : index
          %swap3A_607 = tpu.vector_load %arg7[%swap3A_605, %swap3A_606] {strides = array<i32>} : memref<16x1024xf32, #tpu.memory_space<vmem>>, vector<1x16xf32>,
          %swap3A_608 = vector.shape_cast %swap3A_607 : vector<1x16xf32> to vector<16xf32>
          %swap3A_609 = vector.shape_cast %add3A_604 : vector<16xf32> to vector<1x16xf32>
          tpu.vector_store %arg7[%swap3A_605, %swap3A_606], %swap3A_609 {strides = array<i32>} : memref<16x1024xf32, #tpu.memory_space<vmem>>, vector<1x16xf32>,
          %get3A_610 = arith.index_cast %scan3A_148 : i32 to index
          %get3A_611 = arith.constant 528 : index
          %get3A_612 = tpu.vector_load %arg7[%get3A_610, %get3A_611] {strides = array<i32>} : memref<16x1024xf32, #tpu.memory_space<vmem>>, vector<1x16xf32>,
          %get3A_613 = vector.shape_cast %get3A_612 : vector<1x16xf32> to vector<16xf32>
          %get3A_614 = arith.index_cast %scan3A_148 : i32 to index
          %get3A_615 = arith.constant 528 : index
          %get3A_616 = tpu.vector_load %arg5[%get3A_614, %get3A_615] {strides = array<i32>} : memref<16x1024xf32, #tpu.memory_space<vmem>>, vector<1x16xf32>,
          %get3A_617 = vector.shape_cast %get3A_616 : vector<1x16xf32> to vector<16xf32>
          %add3A_618 = arith.addf %get3A_613, %get3A_617 : vector<16xf32>
          %swap3A_619 = arith.index_cast %scan3A_148 : i32 to index
          %swap3A_620 = arith.constant 528 : index
          %swap3A_621 = tpu.vector_load %arg7[%swap3A_619, %swap3A_620] {strides = array<i32>} : memref<16x1024xf32, #tpu.memory_space<vmem>>, vector<1x16xf32>,
          %swap3A_622 = vector.shape_cast %swap3A_621 : vector<1x16xf32> to vector<16xf32>
          %swap3A_623 = vector.shape_cast %add3A_618 : vector<16xf32> to vector<1x16xf32>
          tpu.vector_store %arg7[%swap3A_619, %swap3A_620], %swap3A_623 {strides = array<i32>} : memref<16x1024xf32, #tpu.memory_space<vmem>>, vector<1x16xf32>,
          %get3A_624 = arith.index_cast %scan3A_148 : i32 to index
          %get3A_625 = arith.constant 544 : index
          %get3A_626 = tpu.vector_load %arg7[%get3A_624, %get3A_625] {strides = array<i32>} : memref<16x1024xf32, #tpu.memory_space<vmem>>, vector<1x16xf32>,
          %get3A_627 = vector.shape_cast %get3A_626 : vector<1x16xf32> to vector<16xf32>
          %get3A_628 = arith.index_cast %scan3A_148 : i32 to index
          %get3A_629 = arith.constant 544 : index
          %get3A_630 = tpu.vector_load %arg5[%get3A_628, %get3A_629] {strides = array<i32>} : memref<16x1024xf32, #tpu.memory_space<vmem>>, vector<1x16xf32>,
          %get3A_631 = vector.shape_cast %get3A_630 : vector<1x16xf32> to vector<16xf32>
          %add3A_632 = arith.addf %get3A_627, %get3A_631 : vector<16xf32>
          %swap3A_633 = arith.index_cast %scan3A_148 : i32 to index
          %swap3A_634 = arith.constant 544 : index
          %swap3A_635 = tpu.vector_load %arg7[%swap3A_633, %swap3A_634] {strides = array<i32>} : memref<16x1024xf32, #tpu.memory_space<vmem>>, vector<1x16xf32>,
          %swap3A_636 = vector.shape_cast %swap3A_635 : vector<1x16xf32> to vector<16xf32>
          %swap3A_637 = vector.shape_cast %add3A_632 : vector<16xf32> to vector<1x16xf32>
          tpu.vector_store %arg7[%swap3A_633, %swap3A_634], %swap3A_637 {strides = array<i32>} : memref<16x1024xf32, #tpu.memory_space<vmem>>, vector<1x16xf32>,
          %get3A_638 = arith.index_cast %scan3A_148 : i32 to index
          %get3A_639 = arith.constant 560 : index
          %get3A_640 = tpu.vector_load %arg7[%get3A_638, %get3A_639] {strides = array<i32>} : memref<16x1024xf32, #tpu.memory_space<vmem>>, vector<1x16xf32>,
          %get3A_641 = vector.shape_cast %get3A_640 : vector<1x16xf32> to vector<16xf32>
          %get3A_642 = arith.index_cast %scan3A_148 : i32 to index
          %get3A_643 = arith.constant 560 : index
          %get3A_644 = tpu.vector_load %arg5[%get3A_642, %get3A_643] {strides = array<i32>} : memref<16x1024xf32, #tpu.memory_space<vmem>>, vector<1x16xf32>,
          %get3A_645 = vector.shape_cast %get3A_644 : vector<1x16xf32> to vector<16xf32>
          %add3A_646 = arith.addf %get3A_641, %get3A_645 : vector<16xf32>
          %swap3A_647 = arith.index_cast %scan3A_148 : i32 to index
          %swap3A_648 = arith.constant 560 : index
          %swap3A_649 = tpu.vector_load %arg7[%swap3A_647, %swap3A_648] {strides = array<i32>} : memref<16x1024xf32, #tpu.memory_space<vmem>>, vector<1x16xf32>,
          %swap3A_650 = vector.shape_cast %swap3A_649 : vector<1x16xf32> to vector<16xf32>
          %swap3A_651 = vector.shape_cast %add3A_646 : vector<16xf32> to vector<1x16xf32>
          tpu.vector_store %arg7[%swap3A_647, %swap3A_648], %swap3A_651 {strides = array<i32>} : memref<16x1024xf32, #tpu.memory_space<vmem>>, vector<1x16xf32>,
          %get3A_652 = arith.index_cast %scan3A_148 : i32 to index
          %get3A_653 = arith.constant 576 : index
          %get3A_654 = tpu.vector_load %arg7[%get3A_652, %get3A_653] {strides = array<i32>} : memref<16x1024xf32, #tpu.memory_space<vmem>>, vector<1x16xf32>,
          %get3A_655 = vector.shape_cast %get3A_654 : vector<1x16xf32> to vector<16xf32>
          %get3A_656 = arith.index_cast %scan3A_148 : i32 to index
          %get3A_657 = arith.constant 576 : index
          %get3A_658 = tpu.vector_load %arg5[%get3A_656, %get3A_657] {strides = array<i32>} : memref<16x1024xf32, #tpu.memory_space<vmem>>, vector<1x16xf32>,
          %get3A_659 = vector.shape_cast %get3A_658 : vector<1x16xf32> to vector<16xf32>
          %add3A_660 = arith.addf %get3A_655, %get3A_659 : vector<16xf32>
          %swap3A_661 = arith.index_cast %scan3A_148 : i32 to index
          %swap3A_662 = arith.constant 576 : index
          %swap3A_663 = tpu.vector_load %arg7[%swap3A_661, %swap3A_662] {strides = array<i32>} : memref<16x1024xf32, #tpu.memory_space<vmem>>, vector<1x16xf32>,
          %swap3A_664 = vector.shape_cast %swap3A_663 : vector<1x16xf32> to vector<16xf32>
          %swap3A_665 = vector.shape_cast %add3A_660 : vector<16xf32> to vector<1x16xf32>
          tpu.vector_store %arg7[%swap3A_661, %swap3A_662], %swap3A_665 {strides = array<i32>} : memref<16x1024xf32, #tpu.memory_space<vmem>>, vector<1x16xf32>,
          %get3A_666 = arith.index_cast %scan3A_148 : i32 to index
          %get3A_667 = arith.constant 592 : index
          %get3A_668 = tpu.vector_load %arg7[%get3A_666, %get3A_667] {strides = array<i32>} : memref<16x1024xf32, #tpu.memory_space<vmem>>, vector<1x16xf32>,
          %get3A_669 = vector.shape_cast %get3A_668 : vector<1x16xf32> to vector<16xf32>
          %get3A_670 = arith.index_cast %scan3A_148 : i32 to index
          %get3A_671 = arith.constant 592 : index
          %get3A_672 = tpu.vector_load %arg5[%get3A_670, %get3A_671] {strides = array<i32>} : memref<16x1024xf32, #tpu.memory_space<vmem>>, vector<1x16xf32>,
          %get3A_673 = vector.shape_cast %get3A_672 : vector<1x16xf32> to vector<16xf32>
          %add3A_674 = arith.addf %get3A_669, %get3A_673 : vector<16xf32>
          %swap3A_675 = arith.index_cast %scan3A_148 : i32 to index
          %swap3A_676 = arith.constant 592 : index
          %swap3A_677 = tpu.vector_load %arg7[%swap3A_675, %swap3A_676] {strides = array<i32>} : memref<16x1024xf32, #tpu.memory_space<vmem>>, vector<1x16xf32>,
          %swap3A_678 = vector.shape_cast %swap3A_677 : vector<1x16xf32> to vector<16xf32>
          %swap3A_679 = vector.shape_cast %add3A_674 : vector<16xf32> to vector<1x16xf32>
          tpu.vector_store %arg7[%swap3A_675, %swap3A_676], %swap3A_679 {strides = array<i32>} : memref<16x1024xf32, #tpu.memory_space<vmem>>, vector<1x16xf32>,
          %get3A_680 = arith.index_cast %scan3A_148 : i32 to index
          %get3A_681 = arith.constant 608 : index
          %get3A_682 = tpu.vector_load %arg7[%get3A_680, %get3A_681] {strides = array<i32>} : memref<16x1024xf32, #tpu.memory_space<vmem>>, vector<1x16xf32>,
          %get3A_683 = vector.shape_cast %get3A_682 : vector<1x16xf32> to vector<16xf32>
          %get3A_684 = arith.index_cast %scan3A_148 : i32 to index
          %get3A_685 = arith.constant 608 : index
          %get3A_686 = tpu.vector_load %arg5[%get3A_684, %get3A_685] {strides = array<i32>} : memref<16x1024xf32, #tpu.memory_space<vmem>>, vector<1x16xf32>,
          %get3A_687 = vector.shape_cast %get3A_686 : vector<1x16xf32> to vector<16xf32>
          %add3A_688 = arith.addf %get3A_683, %get3A_687 : vector<16xf32>
          %swap3A_689 = arith.index_cast %scan3A_148 : i32 to index
          %swap3A_690 = arith.constant 608 : index
          %swap3A_691 = tpu.vector_load %arg7[%swap3A_689, %swap3A_690] {strides = array<i32>} : memref<16x1024xf32, #tpu.memory_space<vmem>>, vector<1x16xf32>,
          %swap3A_692 = vector.shape_cast %swap3A_691 : vector<1x16xf32> to vector<16xf32>
          %swap3A_693 = vector.shape_cast %add3A_688 : vector<16xf32> to vector<1x16xf32>
          tpu.vector_store %arg7[%swap3A_689, %swap3A_690], %swap3A_693 {strides = array<i32>} : memref<16x1024xf32, #tpu.memory_space<vmem>>, vector<1x16xf32>,
          %get3A_694 = arith.index_cast %scan3A_148 : i32 to index
          %get3A_695 = arith.constant 624 : index
          %get3A_696 = tpu.vector_load %arg7[%get3A_694, %get3A_695] {strides = array<i32>} : memref<16x1024xf32, #tpu.memory_space<vmem>>, vector<1x16xf32>,
          %get3A_697 = vector.shape_cast %get3A_696 : vector<1x16xf32> to vector<16xf32>
          %get3A_698 = arith.index_cast %scan3A_148 : i32 to index
          %get3A_699 = arith.constant 624 : index
          %get3A_700 = tpu.vector_load %arg5[%get3A_698, %get3A_699] {strides = array<i32>} : memref<16x1024xf32, #tpu.memory_space<vmem>>, vector<1x16xf32>,
          %get3A_701 = vector.shape_cast %get3A_700 : vector<1x16xf32> to vector<16xf32>
          %add3A_702 = arith.addf %get3A_697, %get3A_701 : vector<16xf32>
          %swap3A_703 = arith.index_cast %scan3A_148 : i32 to index
          %swap3A_704 = arith.constant 624 : index
          %swap3A_705 = tpu.vector_load %arg7[%swap3A_703, %swap3A_704] {strides = array<i32>} : memref<16x1024xf32, #tpu.memory_space<vmem>>, vector<1x16xf32>,
          %swap3A_706 = vector.shape_cast %swap3A_705 : vector<1x16xf32> to vector<16xf32>
          %swap3A_707 = vector.shape_cast %add3A_702 : vector<16xf32> to vector<1x16xf32>
          tpu.vector_store %arg7[%swap3A_703, %swap3A_704], %swap3A_707 {strides = array<i32>} : memref<16x1024xf32, #tpu.memory_space<vmem>>, vector<1x16xf32>,
          %get3A_708 = arith.index_cast %scan3A_148 : i32 to index
          %get3A_709 = arith.constant 640 : index
          %get3A_710 = tpu.vector_load %arg7[%get3A_708, %get3A_709] {strides = array<i32>} : memref<16x1024xf32, #tpu.memory_space<vmem>>, vector<1x16xf32>,
          %get3A_711 = vector.shape_cast %get3A_710 : vector<1x16xf32> to vector<16xf32>
          %get3A_712 = arith.index_cast %scan3A_148 : i32 to index
          %get3A_713 = arith.constant 640 : index
          %get3A_714 = tpu.vector_load %arg5[%get3A_712, %get3A_713] {strides = array<i32>} : memref<16x1024xf32, #tpu.memory_space<vmem>>, vector<1x16xf32>,
          %get3A_715 = vector.shape_cast %get3A_714 : vector<1x16xf32> to vector<16xf32>
          %add3A_716 = arith.addf %get3A_711, %get3A_715 : vector<16xf32>
          %swap3A_717 = arith.index_cast %scan3A_148 : i32 to index
          %swap3A_718 = arith.constant 640 : index
          %swap3A_719 = tpu.vector_load %arg7[%swap3A_717, %swap3A_718] {strides = array<i32>} : memref<16x1024xf32, #tpu.memory_space<vmem>>, vector<1x16xf32>,
          %swap3A_720 = vector.shape_cast %swap3A_719 : vector<1x16xf32> to vector<16xf32>
          %swap3A_721 = vector.shape_cast %add3A_716 : vector<16xf32> to vector<1x16xf32>
          tpu.vector_store %arg7[%swap3A_717, %swap3A_718], %swap3A_721 {strides = array<i32>} : memref<16x1024xf32, #tpu.memory_space<vmem>>, vector<1x16xf32>,
          %get3A_722 = arith.index_cast %scan3A_148 : i32 to index
          %get3A_723 = arith.constant 656 : index
          %get3A_724 = tpu.vector_load %arg7[%get3A_722, %get3A_723] {strides = array<i32>} : memref<16x1024xf32, #tpu.memory_space<vmem>>, vector<1x16xf32>,
          %get3A_725 = vector.shape_cast %get3A_724 : vector<1x16xf32> to vector<16xf32>
          %get3A_726 = arith.index_cast %scan3A_148 : i32 to index
          %get3A_727 = arith.constant 656 : index
          %get3A_728 = tpu.vector_load %arg5[%get3A_726, %get3A_727] {strides = array<i32>} : memref<16x1024xf32, #tpu.memory_space<vmem>>, vector<1x16xf32>,
          %get3A_729 = vector.shape_cast %get3A_728 : vector<1x16xf32> to vector<16xf32>
          %add3A_730 = arith.addf %get3A_725, %get3A_729 : vector<16xf32>
          %swap3A_731 = arith.index_cast %scan3A_148 : i32 to index
          %swap3A_732 = arith.constant 656 : index
          %swap3A_733 = tpu.vector_load %arg7[%swap3A_731, %swap3A_732] {strides = array<i32>} : memref<16x1024xf32, #tpu.memory_space<vmem>>, vector<1x16xf32>,
          %swap3A_734 = vector.shape_cast %swap3A_733 : vector<1x16xf32> to vector<16xf32>
          %swap3A_735 = vector.shape_cast %add3A_730 : vector<16xf32> to vector<1x16xf32>
          tpu.vector_store %arg7[%swap3A_731, %swap3A_732], %swap3A_735 {strides = array<i32>} : memref<16x1024xf32, #tpu.memory_space<vmem>>, vector<1x16xf32>,
          %get3A_736 = arith.index_cast %scan3A_148 : i32 to index
          %get3A_737 = arith.constant 672 : index
          %get3A_738 = tpu.vector_load %arg7[%get3A_736, %get3A_737] {strides = array<i32>} : memref<16x1024xf32, #tpu.memory_space<vmem>>, vector<1x16xf32>,
          %get3A_739 = vector.shape_cast %get3A_738 : vector<1x16xf32> to vector<16xf32>
          %get3A_740 = arith.index_cast %scan3A_148 : i32 to index
          %get3A_741 = arith.constant 672 : index
          %get3A_742 = tpu.vector_load %arg5[%get3A_740, %get3A_741] {strides = array<i32>} : memref<16x1024xf32, #tpu.memory_space<vmem>>, vector<1x16xf32>,
          %get3A_743 = vector.shape_cast %get3A_742 : vector<1x16xf32> to vector<16xf32>
          %add3A_744 = arith.addf %get3A_739, %get3A_743 : vector<16xf32>
          %swap3A_745 = arith.index_cast %scan3A_148 : i32 to index
          %swap3A_746 = arith.constant 672 : index
          %swap3A_747 = tpu.vector_load %arg7[%swap3A_745, %swap3A_746] {strides = array<i32>} : memref<16x1024xf32, #tpu.memory_space<vmem>>, vector<1x16xf32>,
          %swap3A_748 = vector.shape_cast %swap3A_747 : vector<1x16xf32> to vector<16xf32>
          %swap3A_749 = vector.shape_cast %add3A_744 : vector<16xf32> to vector<1x16xf32>
          tpu.vector_store %arg7[%swap3A_745, %swap3A_746], %swap3A_749 {strides = array<i32>} : memref<16x1024xf32, #tpu.memory_space<vmem>>, vector<1x16xf32>,
          %get3A_750 = arith.index_cast %scan3A_148 : i32 to index
          %get3A_751 = arith.constant 688 : index
          %get3A_752 = tpu.vector_load %arg7[%get3A_750, %get3A_751] {strides = array<i32>} : memref<16x1024xf32, #tpu.memory_space<vmem>>, vector<1x16xf32>,
          %get3A_753 = vector.shape_cast %get3A_752 : vector<1x16xf32> to vector<16xf32>
          %get3A_754 = arith.index_cast %scan3A_148 : i32 to index
          %get3A_755 = arith.constant 688 : index
          %get3A_756 = tpu.vector_load %arg5[%get3A_754, %get3A_755] {strides = array<i32>} : memref<16x1024xf32, #tpu.memory_space<vmem>>, vector<1x16xf32>,
          %get3A_757 = vector.shape_cast %get3A_756 : vector<1x16xf32> to vector<16xf32>
          %add3A_758 = arith.addf %get3A_753, %get3A_757 : vector<16xf32>
          %swap3A_759 = arith.index_cast %scan3A_148 : i32 to index
          %swap3A_760 = arith.constant 688 : index
          %swap3A_761 = tpu.vector_load %arg7[%swap3A_759, %swap3A_760] {strides = array<i32>} : memref<16x1024xf32, #tpu.memory_space<vmem>>, vector<1x16xf32>,
          %swap3A_762 = vector.shape_cast %swap3A_761 : vector<1x16xf32> to vector<16xf32>
          %swap3A_763 = vector.shape_cast %add3A_758 : vector<16xf32> to vector<1x16xf32>
          tpu.vector_store %arg7[%swap3A_759, %swap3A_760], %swap3A_763 {strides = array<i32>} : memref<16x1024xf32, #tpu.memory_space<vmem>>, vector<1x16xf32>,
          %get3A_764 = arith.index_cast %scan3A_148 : i32 to index
          %get3A_765 = arith.constant 704 : index
          %get3A_766 = tpu.vector_load %arg7[%get3A_764, %get3A_765] {strides = array<i32>} : memref<16x1024xf32, #tpu.memory_space<vmem>>, vector<1x16xf32>,
          %get3A_767 = vector.shape_cast %get3A_766 : vector<1x16xf32> to vector<16xf32>
          %get3A_768 = arith.index_cast %scan3A_148 : i32 to index
          %get3A_769 = arith.constant 704 : index
          %get3A_770 = tpu.vector_load %arg5[%get3A_768, %get3A_769] {strides = array<i32>} : memref<16x1024xf32, #tpu.memory_space<vmem>>, vector<1x16xf32>,
          %get3A_771 = vector.shape_cast %get3A_770 : vector<1x16xf32> to vector<16xf32>
          %add3A_772 = arith.addf %get3A_767, %get3A_771 : vector<16xf32>
          %swap3A_773 = arith.index_cast %scan3A_148 : i32 to index
          %swap3A_774 = arith.constant 704 : index
          %swap3A_775 = tpu.vector_load %arg7[%swap3A_773, %swap3A_774] {strides = array<i32>} : memref<16x1024xf32, #tpu.memory_space<vmem>>, vector<1x16xf32>,
          %swap3A_776 = vector.shape_cast %swap3A_775 : vector<1x16xf32> to vector<16xf32>
          %swap3A_777 = vector.shape_cast %add3A_772 : vector<16xf32> to vector<1x16xf32>
          tpu.vector_store %arg7[%swap3A_773, %swap3A_774], %swap3A_777 {strides = array<i32>} : memref<16x1024xf32, #tpu.memory_space<vmem>>, vector<1x16xf32>,
          %get3A_778 = arith.index_cast %scan3A_148 : i32 to index
          %get3A_779 = arith.constant 720 : index
          %get3A_780 = tpu.vector_load %arg7[%get3A_778, %get3A_779] {strides = array<i32>} : memref<16x1024xf32, #tpu.memory_space<vmem>>, vector<1x16xf32>,
          %get3A_781 = vector.shape_cast %get3A_780 : vector<1x16xf32> to vector<16xf32>
          %get3A_782 = arith.index_cast %scan3A_148 : i32 to index
          %get3A_783 = arith.constant 720 : index
          %get3A_784 = tpu.vector_load %arg5[%get3A_782, %get3A_783] {strides = array<i32>} : memref<16x1024xf32, #tpu.memory_space<vmem>>, vector<1x16xf32>,
          %get3A_785 = vector.shape_cast %get3A_784 : vector<1x16xf32> to vector<16xf32>
          %add3A_786 = arith.addf %get3A_781, %get3A_785 : vector<16xf32>
          %swap3A_787 = arith.index_cast %scan3A_148 : i32 to index
          %swap3A_788 = arith.constant 720 : index
          %swap3A_789 = tpu.vector_load %arg7[%swap3A_787, %swap3A_788] {strides = array<i32>} : memref<16x1024xf32, #tpu.memory_space<vmem>>, vector<1x16xf32>,
          %swap3A_790 = vector.shape_cast %swap3A_789 : vector<1x16xf32> to vector<16xf32>
          %swap3A_791 = vector.shape_cast %add3A_786 : vector<16xf32> to vector<1x16xf32>
          tpu.vector_store %arg7[%swap3A_787, %swap3A_788], %swap3A_791 {strides = array<i32>} : memref<16x1024xf32, #tpu.memory_space<vmem>>, vector<1x16xf32>,
          %get3A_792 = arith.index_cast %scan3A_148 : i32 to index
          %get3A_793 = arith.constant 736 : index
          %get3A_794 = tpu.vector_load %arg7[%get3A_792, %get3A_793] {strides = array<i32>} : memref<16x1024xf32, #tpu.memory_space<vmem>>, vector<1x16xf32>,
          %get3A_795 = vector.shape_cast %get3A_794 : vector<1x16xf32> to vector<16xf32>
          %get3A_796 = arith.index_cast %scan3A_148 : i32 to index
          %get3A_797 = arith.constant 736 : index
          %get3A_798 = tpu.vector_load %arg5[%get3A_796, %get3A_797] {strides = array<i32>} : memref<16x1024xf32, #tpu.memory_space<vmem>>, vector<1x16xf32>,
          %get3A_799 = vector.shape_cast %get3A_798 : vector<1x16xf32> to vector<16xf32>
          %add3A_800 = arith.addf %get3A_795, %get3A_799 : vector<16xf32>
          %swap3A_801 = arith.index_cast %scan3A_148 : i32 to index
          %swap3A_802 = arith.constant 736 : index
          %swap3A_803 = tpu.vector_load %arg7[%swap3A_801, %swap3A_802] {strides = array<i32>} : memref<16x1024xf32, #tpu.memory_space<vmem>>, vector<1x16xf32>,
          %swap3A_804 = vector.shape_cast %swap3A_803 : vector<1x16xf32> to vector<16xf32>
          %swap3A_805 = vector.shape_cast %add3A_800 : vector<16xf32> to vector<1x16xf32>
          tpu.vector_store %arg7[%swap3A_801, %swap3A_802], %swap3A_805 {strides = array<i32>} : memref<16x1024xf32, #tpu.memory_space<vmem>>, vector<1x16xf32>,
          %get3A_806 = arith.index_cast %scan3A_148 : i32 to index
          %get3A_807 = arith.constant 752 : index
          %get3A_808 = tpu.vector_load %arg7[%get3A_806, %get3A_807] {strides = array<i32>} : memref<16x1024xf32, #tpu.memory_space<vmem>>, vector<1x16xf32>,
          %get3A_809 = vector.shape_cast %get3A_808 : vector<1x16xf32> to vector<16xf32>
          %get3A_810 = arith.index_cast %scan3A_148 : i32 to index
          %get3A_811 = arith.constant 752 : index
          %get3A_812 = tpu.vector_load %arg5[%get3A_810, %get3A_811] {strides = array<i32>} : memref<16x1024xf32, #tpu.memory_space<vmem>>, vector<1x16xf32>,
          %get3A_813 = vector.shape_cast %get3A_812 : vector<1x16xf32> to vector<16xf32>
          %add3A_814 = arith.addf %get3A_809, %get3A_813 : vector<16xf32>
          %swap3A_815 = arith.index_cast %scan3A_148 : i32 to index
          %swap3A_816 = arith.constant 752 : index
          %swap3A_817 = tpu.vector_load %arg7[%swap3A_815, %swap3A_816] {strides = array<i32>} : memref<16x1024xf32, #tpu.memory_space<vmem>>, vector<1x16xf32>,
          %swap3A_818 = vector.shape_cast %swap3A_817 : vector<1x16xf32> to vector<16xf32>
          %swap3A_819 = vector.shape_cast %add3A_814 : vector<16xf32> to vector<1x16xf32>
          tpu.vector_store %arg7[%swap3A_815, %swap3A_816], %swap3A_819 {strides = array<i32>} : memref<16x1024xf32, #tpu.memory_space<vmem>>, vector<1x16xf32>,
          %get3A_820 = arith.index_cast %scan3A_148 : i32 to index
          %get3A_821 = arith.constant 768 : index
          %get3A_822 = tpu.vector_load %arg7[%get3A_820, %get3A_821] {strides = array<i32>} : memref<16x1024xf32, #tpu.memory_space<vmem>>, vector<1x16xf32>,
          %get3A_823 = vector.shape_cast %get3A_822 : vector<1x16xf32> to vector<16xf32>
          %get3A_824 = arith.index_cast %scan3A_148 : i32 to index
          %get3A_825 = arith.constant 768 : index
          %get3A_826 = tpu.vector_load %arg5[%get3A_824, %get3A_825] {strides = array<i32>} : memref<16x1024xf32, #tpu.memory_space<vmem>>, vector<1x16xf32>,
          %get3A_827 = vector.shape_cast %get3A_826 : vector<1x16xf32> to vector<16xf32>
          %add3A_828 = arith.addf %get3A_823, %get3A_827 : vector<16xf32>
          %swap3A_829 = arith.index_cast %scan3A_148 : i32 to index
          %swap3A_830 = arith.constant 768 : index
          %swap3A_831 = tpu.vector_load %arg7[%swap3A_829, %swap3A_830] {strides = array<i32>} : memref<16x1024xf32, #tpu.memory_space<vmem>>, vector<1x16xf32>,
          %swap3A_832 = vector.shape_cast %swap3A_831 : vector<1x16xf32> to vector<16xf32>
          %swap3A_833 = vector.shape_cast %add3A_828 : vector<16xf32> to vector<1x16xf32>
          tpu.vector_store %arg7[%swap3A_829, %swap3A_830], %swap3A_833 {strides = array<i32>} : memref<16x1024xf32, #tpu.memory_space<vmem>>, vector<1x16xf32>,
          %get3A_834 = arith.index_cast %scan3A_148 : i32 to index
          %get3A_835 = arith.constant 784 : index
          %get3A_836 = tpu.vector_load %arg7[%get3A_834, %get3A_835] {strides = array<i32>} : memref<16x1024xf32, #tpu.memory_space<vmem>>, vector<1x16xf32>,
          %get3A_837 = vector.shape_cast %get3A_836 : vector<1x16xf32> to vector<16xf32>
          %get3A_838 = arith.index_cast %scan3A_148 : i32 to index
          %get3A_839 = arith.constant 784 : index
          %get3A_840 = tpu.vector_load %arg5[%get3A_838, %get3A_839] {strides = array<i32>} : memref<16x1024xf32, #tpu.memory_space<vmem>>, vector<1x16xf32>,
          %get3A_841 = vector.shape_cast %get3A_840 : vector<1x16xf32> to vector<16xf32>
          %add3A_842 = arith.addf %get3A_837, %get3A_841 : vector<16xf32>
          %swap3A_843 = arith.index_cast %scan3A_148 : i32 to index
          %swap3A_844 = arith.constant 784 : index
          %swap3A_845 = tpu.vector_load %arg7[%swap3A_843, %swap3A_844] {strides = array<i32>} : memref<16x1024xf32, #tpu.memory_space<vmem>>, vector<1x16xf32>,
          %swap3A_846 = vector.shape_cast %swap3A_845 : vector<1x16xf32> to vector<16xf32>
          %swap3A_847 = vector.shape_cast %add3A_842 : vector<16xf32> to vector<1x16xf32>
          tpu.vector_store %arg7[%swap3A_843, %swap3A_844], %swap3A_847 {strides = array<i32>} : memref<16x1024xf32, #tpu.memory_space<vmem>>, vector<1x16xf32>,
          %get3A_848 = arith.index_cast %scan3A_148 : i32 to index
          %get3A_849 = arith.constant 800 : index
          %get3A_850 = tpu.vector_load %arg7[%get3A_848, %get3A_849] {strides = array<i32>} : memref<16x1024xf32, #tpu.memory_space<vmem>>, vector<1x16xf32>,
          %get3A_851 = vector.shape_cast %get3A_850 : vector<1x16xf32> to vector<16xf32>
          %get3A_852 = arith.index_cast %scan3A_148 : i32 to index
          %get3A_853 = arith.constant 800 : index
          %get3A_854 = tpu.vector_load %arg5[%get3A_852, %get3A_853] {strides = array<i32>} : memref<16x1024xf32, #tpu.memory_space<vmem>>, vector<1x16xf32>,
          %get3A_855 = vector.shape_cast %get3A_854 : vector<1x16xf32> to vector<16xf32>
          %add3A_856 = arith.addf %get3A_851, %get3A_855 : vector<16xf32>
          %swap3A_857 = arith.index_cast %scan3A_148 : i32 to index
          %swap3A_858 = arith.constant 800 : index
          %swap3A_859 = tpu.vector_load %arg7[%swap3A_857, %swap3A_858] {strides = array<i32>} : memref<16x1024xf32, #tpu.memory_space<vmem>>, vector<1x16xf32>,
          %swap3A_860 = vector.shape_cast %swap3A_859 : vector<1x16xf32> to vector<16xf32>
          %swap3A_861 = vector.shape_cast %add3A_856 : vector<16xf32> to vector<1x16xf32>
          tpu.vector_store %arg7[%swap3A_857, %swap3A_858], %swap3A_861 {strides = array<i32>} : memref<16x1024xf32, #tpu.memory_space<vmem>>, vector<1x16xf32>,
          %get3A_862 = arith.index_cast %scan3A_148 : i32 to index
          %get3A_863 = arith.constant 816 : index
          %get3A_864 = tpu.vector_load %arg7[%get3A_862, %get3A_863] {strides = array<i32>} : memref<16x1024xf32, #tpu.memory_space<vmem>>, vector<1x16xf32>,
          %get3A_865 = vector.shape_cast %get3A_864 : vector<1x16xf32> to vector<16xf32>
          %get3A_866 = arith.index_cast %scan3A_148 : i32 to index
          %get3A_867 = arith.constant 816 : index
          %get3A_868 = tpu.vector_load %arg5[%get3A_866, %get3A_867] {strides = array<i32>} : memref<16x1024xf32, #tpu.memory_space<vmem>>, vector<1x16xf32>,
          %get3A_869 = vector.shape_cast %get3A_868 : vector<1x16xf32> to vector<16xf32>
          %add3A_870 = arith.addf %get3A_865, %get3A_869 : vector<16xf32>
          %swap3A_871 = arith.index_cast %scan3A_148 : i32 to index
          %swap3A_872 = arith.constant 816 : index
          %swap3A_873 = tpu.vector_load %arg7[%swap3A_871, %swap3A_872] {strides = array<i32>} : memref<16x1024xf32, #tpu.memory_space<vmem>>, vector<1x16xf32>,
          %swap3A_874 = vector.shape_cast %swap3A_873 : vector<1x16xf32> to vector<16xf32>
          %swap3A_875 = vector.shape_cast %add3A_870 : vector<16xf32> to vector<1x16xf32>
          tpu.vector_store %arg7[%swap3A_871, %swap3A_872], %swap3A_875 {strides = array<i32>} : memref<16x1024xf32, #tpu.memory_space<vmem>>, vector<1x16xf32>,
          %get3A_876 = arith.index_cast %scan3A_148 : i32 to index
          %get3A_877 = arith.constant 832 : index
          %get3A_878 = tpu.vector_load %arg7[%get3A_876, %get3A_877] {strides = array<i32>} : memref<16x1024xf32, #tpu.memory_space<vmem>>, vector<1x16xf32>,
          %get3A_879 = vector.shape_cast %get3A_878 : vector<1x16xf32> to vector<16xf32>
          %get3A_880 = arith.index_cast %scan3A_148 : i32 to index
          %get3A_881 = arith.constant 832 : index
          %get3A_882 = tpu.vector_load %arg5[%get3A_880, %get3A_881] {strides = array<i32>} : memref<16x1024xf32, #tpu.memory_space<vmem>>, vector<1x16xf32>,
          %get3A_883 = vector.shape_cast %get3A_882 : vector<1x16xf32> to vector<16xf32>
          %add3A_884 = arith.addf %get3A_879, %get3A_883 : vector<16xf32>
          %swap3A_885 = arith.index_cast %scan3A_148 : i32 to index
          %swap3A_886 = arith.constant 832 : index
          %swap3A_887 = tpu.vector_load %arg7[%swap3A_885, %swap3A_886] {strides = array<i32>} : memref<16x1024xf32, #tpu.memory_space<vmem>>, vector<1x16xf32>,
          %swap3A_888 = vector.shape_cast %swap3A_887 : vector<1x16xf32> to vector<16xf32>
          %swap3A_889 = vector.shape_cast %add3A_884 : vector<16xf32> to vector<1x16xf32>
          tpu.vector_store %arg7[%swap3A_885, %swap3A_886], %swap3A_889 {strides = array<i32>} : memref<16x1024xf32, #tpu.memory_space<vmem>>, vector<1x16xf32>,
          %get3A_890 = arith.index_cast %scan3A_148 : i32 to index
          %get3A_891 = arith.constant 848 : index
          %get3A_892 = tpu.vector_load %arg7[%get3A_890, %get3A_891] {strides = array<i32>} : memref<16x1024xf32, #tpu.memory_space<vmem>>, vector<1x16xf32>,
          %get3A_893 = vector.shape_cast %get3A_892 : vector<1x16xf32> to vector<16xf32>
          %get3A_894 = arith.index_cast %scan3A_148 : i32 to index
          %get3A_895 = arith.constant 848 : index
          %get3A_896 = tpu.vector_load %arg5[%get3A_894, %get3A_895] {strides = array<i32>} : memref<16x1024xf32, #tpu.memory_space<vmem>>, vector<1x16xf32>,
          %get3A_897 = vector.shape_cast %get3A_896 : vector<1x16xf32> to vector<16xf32>
          %add3A_898 = arith.addf %get3A_893, %get3A_897 : vector<16xf32>
          %swap3A_899 = arith.index_cast %scan3A_148 : i32 to index
          %swap3A_900 = arith.constant 848 : index
          %swap3A_901 = tpu.vector_load %arg7[%swap3A_899, %swap3A_900] {strides = array<i32>} : memref<16x1024xf32, #tpu.memory_space<vmem>>, vector<1x16xf32>,
          %swap3A_902 = vector.shape_cast %swap3A_901 : vector<1x16xf32> to vector<16xf32>
          %swap3A_903 = vector.shape_cast %add3A_898 : vector<16xf32> to vector<1x16xf32>
          tpu.vector_store %arg7[%swap3A_899, %swap3A_900], %swap3A_903 {strides = array<i32>} : memref<16x1024xf32, #tpu.memory_space<vmem>>, vector<1x16xf32>,
          %get3A_904 = arith.index_cast %scan3A_148 : i32 to index
          %get3A_905 = arith.constant 864 : index
          %get3A_906 = tpu.vector_load %arg7[%get3A_904, %get3A_905] {strides = array<i32>} : memref<16x1024xf32, #tpu.memory_space<vmem>>, vector<1x16xf32>,
          %get3A_907 = vector.shape_cast %get3A_906 : vector<1x16xf32> to vector<16xf32>
          %get3A_908 = arith.index_cast %scan3A_148 : i32 to index
          %get3A_909 = arith.constant 864 : index
          %get3A_910 = tpu.vector_load %arg5[%get3A_908, %get3A_909] {strides = array<i32>} : memref<16x1024xf32, #tpu.memory_space<vmem>>, vector<1x16xf32>,
          %get3A_911 = vector.shape_cast %get3A_910 : vector<1x16xf32> to vector<16xf32>
          %add3A_912 = arith.addf %get3A_907, %get3A_911 : vector<16xf32>
          %swap3A_913 = arith.index_cast %scan3A_148 : i32 to index
          %swap3A_914 = arith.constant 864 : index
          %swap3A_915 = tpu.vector_load %arg7[%swap3A_913, %swap3A_914] {strides = array<i32>} : memref<16x1024xf32, #tpu.memory_space<vmem>>, vector<1x16xf32>,
          %swap3A_916 = vector.shape_cast %swap3A_915 : vector<1x16xf32> to vector<16xf32>
          %swap3A_917 = vector.shape_cast %add3A_912 : vector<16xf32> to vector<1x16xf32>
          tpu.vector_store %arg7[%swap3A_913, %swap3A_914], %swap3A_917 {strides = array<i32>} : memref<16x1024xf32, #tpu.memory_space<vmem>>, vector<1x16xf32>,
          %get3A_918 = arith.index_cast %scan3A_148 : i32 to index
          %get3A_919 = arith.constant 880 : index
          %get3A_920 = tpu.vector_load %arg7[%get3A_918, %get3A_919] {strides = array<i32>} : memref<16x1024xf32, #tpu.memory_space<vmem>>, vector<1x16xf32>,
          %get3A_921 = vector.shape_cast %get3A_920 : vector<1x16xf32> to vector<16xf32>
          %get3A_922 = arith.index_cast %scan3A_148 : i32 to index
          %get3A_923 = arith.constant 880 : index
          %get3A_924 = tpu.vector_load %arg5[%get3A_922, %get3A_923] {strides = array<i32>} : memref<16x1024xf32, #tpu.memory_space<vmem>>, vector<1x16xf32>,
          %get3A_925 = vector.shape_cast %get3A_924 : vector<1x16xf32> to vector<16xf32>
          %add3A_926 = arith.addf %get3A_921, %get3A_925 : vector<16xf32>
          %swap3A_927 = arith.index_cast %scan3A_148 : i32 to index
          %swap3A_928 = arith.constant 880 : index
          %swap3A_929 = tpu.vector_load %arg7[%swap3A_927, %swap3A_928] {strides = array<i32>} : memref<16x1024xf32, #tpu.memory_space<vmem>>, vector<1x16xf32>,
          %swap3A_930 = vector.shape_cast %swap3A_929 : vector<1x16xf32> to vector<16xf32>
          %swap3A_931 = vector.shape_cast %add3A_926 : vector<16xf32> to vector<1x16xf32>
          tpu.vector_store %arg7[%swap3A_927, %swap3A_928], %swap3A_931 {strides = array<i32>} : memref<16x1024xf32, #tpu.memory_space<vmem>>, vector<1x16xf32>,
          %get3A_932 = arith.index_cast %scan3A_148 : i32 to index
          %get3A_933 = arith.constant 896 : index
          %get3A_934 = tpu.vector_load %arg7[%get3A_932, %get3A_933] {strides = array<i32>} : memref<16x1024xf32, #tpu.memory_space<vmem>>, vector<1x16xf32>,
          %get3A_935 = vector.shape_cast %get3A_934 : vector<1x16xf32> to vector<16xf32>
          %get3A_936 = arith.index_cast %scan3A_148 : i32 to index
          %get3A_937 = arith.constant 896 : index
          %get3A_938 = tpu.vector_load %arg5[%get3A_936, %get3A_937] {strides = array<i32>} : memref<16x1024xf32, #tpu.memory_space<vmem>>, vector<1x16xf32>,
          %get3A_939 = vector.shape_cast %get3A_938 : vector<1x16xf32> to vector<16xf32>
          %add3A_940 = arith.addf %get3A_935, %get3A_939 : vector<16xf32>
          %swap3A_941 = arith.index_cast %scan3A_148 : i32 to index
          %swap3A_942 = arith.constant 896 : index
          %swap3A_943 = tpu.vector_load %arg7[%swap3A_941, %swap3A_942] {strides = array<i32>} : memref<16x1024xf32, #tpu.memory_space<vmem>>, vector<1x16xf32>,
          %swap3A_944 = vector.shape_cast %swap3A_943 : vector<1x16xf32> to vector<16xf32>
          %swap3A_945 = vector.shape_cast %add3A_940 : vector<16xf32> to vector<1x16xf32>
          tpu.vector_store %arg7[%swap3A_941, %swap3A_942], %swap3A_945 {strides = array<i32>} : memref<16x1024xf32, #tpu.memory_space<vmem>>, vector<1x16xf32>,
          %get3A_946 = arith.index_cast %scan3A_148 : i32 to index
          %get3A_947 = arith.constant 912 : index
          %get3A_948 = tpu.vector_load %arg7[%get3A_946, %get3A_947] {strides = array<i32>} : memref<16x1024xf32, #tpu.memory_space<vmem>>, vector<1x16xf32>,
          %get3A_949 = vector.shape_cast %get3A_948 : vector<1x16xf32> to vector<16xf32>
          %get3A_950 = arith.index_cast %scan3A_148 : i32 to index
          %get3A_951 = arith.constant 912 : index
          %get3A_952 = tpu.vector_load %arg5[%get3A_950, %get3A_951] {strides = array<i32>} : memref<16x1024xf32, #tpu.memory_space<vmem>>, vector<1x16xf32>,
          %get3A_953 = vector.shape_cast %get3A_952 : vector<1x16xf32> to vector<16xf32>
          %add3A_954 = arith.addf %get3A_949, %get3A_953 : vector<16xf32>
          %swap3A_955 = arith.index_cast %scan3A_148 : i32 to index
          %swap3A_956 = arith.constant 912 : index
          %swap3A_957 = tpu.vector_load %arg7[%swap3A_955, %swap3A_956] {strides = array<i32>} : memref<16x1024xf32, #tpu.memory_space<vmem>>, vector<1x16xf32>,
          %swap3A_958 = vector.shape_cast %swap3A_957 : vector<1x16xf32> to vector<16xf32>
          %swap3A_959 = vector.shape_cast %add3A_954 : vector<16xf32> to vector<1x16xf32>
          tpu.vector_store %arg7[%swap3A_955, %swap3A_956], %swap3A_959 {strides = array<i32>} : memref<16x1024xf32, #tpu.memory_space<vmem>>, vector<1x16xf32>,
          %get3A_960 = arith.index_cast %scan3A_148 : i32 to index
          %get3A_961 = arith.constant 928 : index
          %get3A_962 = tpu.vector_load %arg7[%get3A_960, %get3A_961] {strides = array<i32>} : memref<16x1024xf32, #tpu.memory_space<vmem>>, vector<1x16xf32>,
          %get3A_963 = vector.shape_cast %get3A_962 : vector<1x16xf32> to vector<16xf32>
          %get3A_964 = arith.index_cast %scan3A_148 : i32 to index
          %get3A_965 = arith.constant 928 : index
          %get3A_966 = tpu.vector_load %arg5[%get3A_964, %get3A_965] {strides = array<i32>} : memref<16x1024xf32, #tpu.memory_space<vmem>>, vector<1x16xf32>,
          %get3A_967 = vector.shape_cast %get3A_966 : vector<1x16xf32> to vector<16xf32>
          %add3A_968 = arith.addf %get3A_963, %get3A_967 : vector<16xf32>
          %swap3A_969 = arith.index_cast %scan3A_148 : i32 to index
          %swap3A_970 = arith.constant 928 : index
          %swap3A_971 = tpu.vector_load %arg7[%swap3A_969, %swap3A_970] {strides = array<i32>} : memref<16x1024xf32, #tpu.memory_space<vmem>>, vector<1x16xf32>,
          %swap3A_972 = vector.shape_cast %swap3A_971 : vector<1x16xf32> to vector<16xf32>
          %swap3A_973 = vector.shape_cast %add3A_968 : vector<16xf32> to vector<1x16xf32>
          tpu.vector_store %arg7[%swap3A_969, %swap3A_970], %swap3A_973 {strides = array<i32>} : memref<16x1024xf32, #tpu.memory_space<vmem>>, vector<1x16xf32>,
          %get3A_974 = arith.index_cast %scan3A_148 : i32 to index
          %get3A_975 = arith.constant 944 : index
          %get3A_976 = tpu.vector_load %arg7[%get3A_974, %get3A_975] {strides = array<i32>} : memref<16x1024xf32, #tpu.memory_space<vmem>>, vector<1x16xf32>,
          %get3A_977 = vector.shape_cast %get3A_976 : vector<1x16xf32> to vector<16xf32>
          %get3A_978 = arith.index_cast %scan3A_148 : i32 to index
          %get3A_979 = arith.constant 944 : index
          %get3A_980 = tpu.vector_load %arg5[%get3A_978, %get3A_979] {strides = array<i32>} : memref<16x1024xf32, #tpu.memory_space<vmem>>, vector<1x16xf32>,
          %get3A_981 = vector.shape_cast %get3A_980 : vector<1x16xf32> to vector<16xf32>
          %add3A_982 = arith.addf %get3A_977, %get3A_981 : vector<16xf32>
          %swap3A_983 = arith.index_cast %scan3A_148 : i32 to index
          %swap3A_984 = arith.constant 944 : index
          %swap3A_985 = tpu.vector_load %arg7[%swap3A_983, %swap3A_984] {strides = array<i32>} : memref<16x1024xf32, #tpu.memory_space<vmem>>, vector<1x16xf32>,
          %swap3A_986 = vector.shape_cast %swap3A_985 : vector<1x16xf32> to vector<16xf32>
          %swap3A_987 = vector.shape_cast %add3A_982 : vector<16xf32> to vector<1x16xf32>
          tpu.vector_store %arg7[%swap3A_983, %swap3A_984], %swap3A_987 {strides = array<i32>} : memref<16x1024xf32, #tpu.memory_space<vmem>>, vector<1x16xf32>,
          %get3A_988 = arith.index_cast %scan3A_148 : i32 to index
          %get3A_989 = arith.constant 960 : index
          %get3A_990 = tpu.vector_load %arg7[%get3A_988, %get3A_989] {strides = array<i32>} : memref<16x1024xf32, #tpu.memory_space<vmem>>, vector<1x16xf32>,
          %get3A_991 = vector.shape_cast %get3A_990 : vector<1x16xf32> to vector<16xf32>
          %get3A_992 = arith.index_cast %scan3A_148 : i32 to index
          %get3A_993 = arith.constant 960 : index
          %get3A_994 = tpu.vector_load %arg5[%get3A_992, %get3A_993] {strides = array<i32>} : memref<16x1024xf32, #tpu.memory_space<vmem>>, vector<1x16xf32>,
          %get3A_995 = vector.shape_cast %get3A_994 : vector<1x16xf32> to vector<16xf32>
          %add3A_996 = arith.addf %get3A_991, %get3A_995 : vector<16xf32>
          %swap3A_997 = arith.index_cast %scan3A_148 : i32 to index
          %swap3A_998 = arith.constant 960 : index
          %swap3A_999 = tpu.vector_load %arg7[%swap3A_997, %swap3A_998] {strides = array<i32>} : memref<16x1024xf32, #tpu.memory_space<vmem>>, vector<1x16xf32>,
          %swap3A_1000 = vector.shape_cast %swap3A_999 : vector<1x16xf32> to vector<16xf32>
          %swap3A_1001 = vector.shape_cast %add3A_996 : vector<16xf32> to vector<1x16xf32>
          tpu.vector_store %arg7[%swap3A_997, %swap3A_998], %swap3A_1001 {strides = array<i32>} : memref<16x1024xf32, #tpu.memory_space<vmem>>, vector<1x16xf32>,
          %get3A_1002 = arith.index_cast %scan3A_148 : i32 to index
          %get3A_1003 = arith.constant 976 : index
          %get3A_1004 = tpu.vector_load %arg7[%get3A_1002, %get3A_1003] {strides = array<i32>} : memref<16x1024xf32, #tpu.memory_space<vmem>>, vector<1x16xf32>,
          %get3A_1005 = vector.shape_cast %get3A_1004 : vector<1x16xf32> to vector<16xf32>
          %get3A_1006 = arith.index_cast %scan3A_148 : i32 to index
          %get3A_1007 = arith.constant 976 : index
          %get3A_1008 = tpu.vector_load %arg5[%get3A_1006, %get3A_1007] {strides = array<i32>} : memref<16x1024xf32, #tpu.memory_space<vmem>>, vector<1x16xf32>,
          %get3A_1009 = vector.shape_cast %get3A_1008 : vector<1x16xf32> to vector<16xf32>
          %add3A_1010 = arith.addf %get3A_1005, %get3A_1009 : vector<16xf32>
          %swap3A_1011 = arith.index_cast %scan3A_148 : i32 to index
          %swap3A_1012 = arith.constant 976 : index
          %swap3A_1013 = tpu.vector_load %arg7[%swap3A_1011, %swap3A_1012] {strides = array<i32>} : memref<16x1024xf32, #tpu.memory_space<vmem>>, vector<1x16xf32>,
          %swap3A_1014 = vector.shape_cast %swap3A_1013 : vector<1x16xf32> to vector<16xf32>
          %swap3A_1015 = vector.shape_cast %add3A_1010 : vector<16xf32> to vector<1x16xf32>
          tpu.vector_store %arg7[%swap3A_1011, %swap3A_1012], %swap3A_1015 {strides = array<i32>} : memref<16x1024xf32, #tpu.memory_space<vmem>>, vector<1x16xf32>,
          %get3A_1016 = arith.index_cast %scan3A_148 : i32 to index
          %get3A_1017 = arith.constant 992 : index
          %get3A_1018 = tpu.vector_load %arg7[%get3A_1016, %get3A_1017] {strides = array<i32>} : memref<16x1024xf32, #tpu.memory_space<vmem>>, vector<1x16xf32>,
          %get3A_1019 = vector.shape_cast %get3A_1018 : vector<1x16xf32> to vector<16xf32>
          %get3A_1020 = arith.index_cast %scan3A_148 : i32 to index
          %get3A_1021 = arith.constant 992 : index
          %get3A_1022 = tpu.vector_load %arg5[%get3A_1020, %get3A_1021] {strides = array<i32>} : memref<16x1024xf32, #tpu.memory_space<vmem>>, vector<1x16xf32>,
          %get3A_1023 = vector.shape_cast %get3A_1022 : vector<1x16xf32> to vector<16xf32>
          %add3A_1024 = arith.addf %get3A_1019, %get3A_1023 : vector<16xf32>
          %swap3A_1025 = arith.index_cast %scan3A_148 : i32 to index
          %swap3A_1026 = arith.constant 992 : index
          %swap3A_1027 = tpu.vector_load %arg7[%swap3A_1025, %swap3A_1026] {strides = array<i32>} : memref<16x1024xf32, #tpu.memory_space<vmem>>, vector<1x16xf32>,
          %swap3A_1028 = vector.shape_cast %swap3A_1027 : vector<1x16xf32> to vector<16xf32>
          %swap3A_1029 = vector.shape_cast %add3A_1024 : vector<16xf32> to vector<1x16xf32>
          tpu.vector_store %arg7[%swap3A_1025, %swap3A_1026], %swap3A_1029 {strides = array<i32>} : memref<16x1024xf32, #tpu.memory_space<vmem>>, vector<1x16xf32>,
          %get3A_1030 = arith.index_cast %scan3A_148 : i32 to index
          %get3A_1031 = arith.constant 1008 : index
          %get3A_1032 = tpu.vector_load %arg7[%get3A_1030, %get3A_1031] {strides = array<i32>} : memref<16x1024xf32, #tpu.memory_space<vmem>>, vector<1x16xf32>,
          %get3A_1033 = vector.shape_cast %get3A_1032 : vector<1x16xf32> to vector<16xf32>
          %get3A_1034 = arith.index_cast %scan3A_148 : i32 to index
          %get3A_1035 = arith.constant 1008 : index
          %get3A_1036 = tpu.vector_load %arg5[%get3A_1034, %get3A_1035] {strides = array<i32>} : memref<16x1024xf32, #tpu.memory_space<vmem>>, vector<1x16xf32>,
          %get3A_1037 = vector.shape_cast %get3A_1036 : vector<1x16xf32> to vector<16xf32>
          %add3A_1038 = arith.addf %get3A_1033, %get3A_1037 : vector<16xf32>
          %swap3A_1039 = arith.index_cast %scan3A_148 : i32 to index
          %swap3A_1040 = arith.constant 1008 : index
          %swap3A_1041 = tpu.vector_load %arg7[%swap3A_1039, %swap3A_1040] {strides = array<i32>} : memref<16x1024xf32, #tpu.memory_space<vmem>>, vector<1x16xf32>,
          %swap3A_1042 = vector.shape_cast %swap3A_1041 : vector<1x16xf32> to vector<16xf32>
          %swap3A_1043 = vector.shape_cast %add3A_1038 : vector<16xf32> to vector<1x16xf32>
          tpu.vector_store %arg7[%swap3A_1039, %swap3A_1040], %swap3A_1043 {strides = array<i32>} : memref<16x1024xf32, #tpu.memory_space<vmem>>, vector<1x16xf32>,
          %scan3A_1044 = arith.constant 0 : i32
          scf.yield %scan3A_1044 : i32
        }
        %scan3A_137 = arith.constant 16 : i32
        %mul3A_138 = arith.constant 16 : i32
        %mul3A_139 = arith.muli %mul3A_34, %mul3A_138 : i32
        %add3A_140 = arith.addi %mul3A_2, %mul3A_139 : i32
        %dma_start3A_141 = arith.constant 0 : i32
        %dma_start3A_142 = arith.constant 0 : i32
        %dma_start3A_143 = tpu.memref_slice %arg4[%dma_start3A_141, %add3A_140, %dma_start3A_142] : memref<1x8192x1024xf32, #tpu.memory_space<hbm>> -> memref<1x16x1024xf32, #tpu.memory_space<hbm>>
        %dma_start3A_144 = tpu.memref_squeeze %dma_start3A_143 : memref<1x16x1024xf32, #tpu.memory_space<hbm>> -> memref<16x1024xf32, #tpu.memory_space<hbm>>
        %dma_start3A_145 = arith.constant 0 : i32
        %dma_start3A_146 = tpu.memref_slice %arg4[%dma_start3A_141, %add3A_140, %dma_start3A_145] : memref<1x8192x1024xf32, #tpu.memory_space<hbm>> -> memref<1x16x1024xf32, #tpu.memory_space<hbm>>
        %dma_start3A_147 = tpu.memref_squeeze %dma_start3A_146 : memref<1x16x1024xf32, #tpu.memory_space<hbm>> -> memref<16x1024xf32, #tpu.memory_space<hbm>>
        tpu.enqueue_dma source(%arg7 : memref<16x1024xf32, #tpu.memory_space<vmem>>) target(%dma_start3A_147 : memref<16x1024xf32, #tpu.memory_space<hbm>>) target_semaphore(%arg13 : memref<!tpu.dma_semaphore, #tpu.memory_space<semaphore_mem>>)
      } else {
      }
      %add3A_41 = arith.constant 1 : i32
      %add3A_42 = arith.addi %mul3A_34, %add3A_41 : i32
      %sub3A = arith.constant 1 : i32
      %sub3A_43 = arith.subi %add3A_42, %sub3A : i32
      %mul3A_44 = arith.constant 16 : i32
      %mul3A_45 = arith.muli %sub3A_43, %mul3A_44 : i32
      %add3A_46 = arith.addi %mul3A_2, %mul3A_45 : i32
      %dma_wait3A_47 = arith.constant 0 : i32
      %dma_wait3A_48 = arith.constant 0 : i32
      %dma_wait3A_49 = tpu.memref_slice %arg4[%dma_wait3A_47, %add3A_46, %dma_wait3A_48] : memref<1x8192x1024xf32, #tpu.memory_space<hbm>> -> memref<1x16x1024xf32, #tpu.memory_space<hbm>>
      %dma_wait3A_50 = tpu.memref_squeeze %dma_wait3A_49 : memref<1x16x1024xf32, #tpu.memory_space<hbm>> -> memref<16x1024xf32, #tpu.memory_space<hbm>>
      %dma_wait3A_51 = arith.constant 0 : i32
      %dma_wait3A_52 = tpu.memref_slice %arg4[%dma_wait3A_47, %add3A_46, %dma_wait3A_51] : memref<1x8192x1024xf32, #tpu.memory_space<hbm>> -> memref<1x16x1024xf32, #tpu.memory_space<hbm>>
      %dma_wait3A_53 = tpu.memref_squeeze %dma_wait3A_52 : memref<1x16x1024xf32, #tpu.memory_space<hbm>> -> memref<16x1024xf32, #tpu.memory_space<hbm>>
      tpu.wait_dma2 semaphore(%arg13 : memref<!tpu.dma_semaphore, #tpu.memory_space<semaphore_mem>>) src(%arg7 : memref<16x1024xf32, #tpu.memory_space<vmem>>) dst(%dma_wait3A_53 : memref<16x1024xf32, #tpu.memory_space<hbm>>)
      %add3A_54 = arith.constant 1 : i32
      %add3A_55 = arith.addi %add3A_42, %add3A_54 : i32
      %lt3A = arith.constant 16 : i32
      %lt3A_56 = arith.cmpi slt, %add3A_55, %lt3A : i32
      %convert_element_type3A_57 = arith.extui %lt3A_56 : i1 to i32
      %cond3A_58 = arith.constant 0 : i32
      %cond3A_59 = arith.cmpi ne, %convert_element_type3A_57, %cond3A_58 : i32
      scf.if %cond3A_59 {
        %add3A_95 = arith.constant 1 : i32
        %add3A_96 = arith.addi %add3A_42, %add3A_95 : i32
        %mul3A_97 = arith.constant 16 : i32
        %mul3A_98 = arith.muli %add3A_96, %mul3A_97 : i32
        %add3A_99 = arith.addi %mul3A_2, %mul3A_98 : i32
        %dma_start3A_100 = arith.constant 0 : i32
        %dma_start3A_101 = tpu.memref_slice %arg3[%add3A_99, %dma_start3A_100] : memref<8192x1024xf32, #tpu.memory_space<hbm>> -> memref<16x1024xf32, #tpu.memory_space<hbm>>
        %dma_start3A_102 = arith.constant 0 : i32
        %dma_start3A_103 = tpu.memref_slice %arg3[%add3A_99, %dma_start3A_102] : memref<8192x1024xf32, #tpu.memory_space<hbm>> -> memref<16x1024xf32, #tpu.memory_space<hbm>>
        tpu.enqueue_dma source(%dma_start3A_103 : memref<16x1024xf32, #tpu.memory_space<hbm>>) target(%arg5 : memref<16x1024xf32, #tpu.memory_space<vmem>>) target_semaphore(%arg9 : memref<!tpu.dma_semaphore, #tpu.memory_space<semaphore_mem>>)
        %add3A_104 = arith.constant 1 : i32
        %add3A_105 = arith.addi %add3A_42, %add3A_104 : i32
        %mul3A_106 = arith.constant 16 : i32
        %mul3A_107 = arith.muli %add3A_105, %mul3A_106 : i32
        %add3A_108 = arith.addi %mul3A_2, %mul3A_107 : i32
        %dma_start3A_109 = arith.constant 3 : i32
        %dma_start3A_110 = arith.constant 0 : i32
        %dma_start3A_111 = tpu.memref_slice %arg2[%dma_start3A_109, %add3A_108, %dma_start3A_110] : memref<4x8192x1024xf32, #tpu.memory_space<hbm>> -> memref<1x16x1024xf32, #tpu.memory_space<hbm>>
        %dma_start3A_112 = tpu.memref_squeeze %dma_start3A_111 : memref<1x16x1024xf32, #tpu.memory_space<hbm>> -> memref<16x1024xf32, #tpu.memory_space<hbm>>
        %dma_start3A_113 = arith.constant 0 : i32
        %dma_start3A_114 = tpu.memref_slice %arg2[%dma_start3A_109, %add3A_108, %dma_start3A_113] : memref<4x8192x1024xf32, #tpu.memory_space<hbm>> -> memref<1x16x1024xf32, #tpu.memory_space<hbm>>
        %dma_start3A_115 = tpu.memref_squeeze %dma_start3A_114 : memref<1x16x1024xf32, #tpu.memory_space<hbm>> -> memref<16x1024xf32, #tpu.memory_space<hbm>>
        tpu.enqueue_dma source(%dma_start3A_115 : memref<16x1024xf32, #tpu.memory_space<hbm>>) target(%arg7 : memref<16x1024xf32, #tpu.memory_space<vmem>>) target_semaphore(%arg11 : memref<!tpu.dma_semaphore, #tpu.memory_space<semaphore_mem>>)
      } else {
      }
      %mul3A_60 = arith.constant 16 : i32
      %mul3A_61 = arith.muli %add3A_42, %mul3A_60 : i32
      %add3A_62 = arith.addi %mul3A_2, %mul3A_61 : i32
      %dma_wait3A_63 = arith.constant 0 : i32
      %dma_wait3A_64 = tpu.memref_slice %arg3[%add3A_62, %dma_wait3A_63] : memref<8192x1024xf32, #tpu.memory_space<hbm>> -> memref<16x1024xf32, #tpu.memory_space<hbm>>
      %dma_wait3A_65 = arith.constant 0 : i32
      %dma_wait3A_66 = tpu.memref_slice %arg3[%add3A_62, %dma_wait3A_65] : memref<8192x1024xf32, #tpu.memory_space<hbm>> -> memref<16x1024xf32, #tpu.memory_space<hbm>>
      tpu.wait_dma2 semaphore(%arg10 : memref<!tpu.dma_semaphore, #tpu.memory_space<semaphore_mem>>) src(%dma_wait3A_66 : memref<16x1024xf32, #tpu.memory_space<hbm>>) dst(%arg6 : memref<16x1024xf32, #tpu.memory_space<vmem>>)
      %mul3A_67 = arith.constant 16 : i32
      %mul3A_68 = arith.muli %add3A_42, %mul3A_67 : i32
      %add3A_69 = arith.addi %mul3A_2, %mul3A_68 : i32
      %dma_wait3A_70 = arith.constant 3 : i32
      %dma_wait3A_71 = arith.constant 0 : i32
      %dma_wait3A_72 = tpu.memref_slice %arg2[%dma_wait3A_70, %add3A_69, %dma_wait3A_71] : memref<4x8192x1024xf32, #tpu.memory_space<hbm>> -> memref<1x16x1024xf32, #tpu.memory_space<hbm>>
      %dma_wait3A_73 = tpu.memref_squeeze %dma_wait3A_72 : memref<1x16x1024xf32, #tpu.memory_space<hbm>> -> memref<16x1024xf32, #tpu.memory_space<hbm>>
      %dma_wait3A_74 = arith.constant 0 : i32
      %dma_wait3A_75 = tpu.memref_slice %arg2[%dma_wait3A_70, %add3A_69, %dma_wait3A_74] : memref<4x8192x1024xf32, #tpu.memory_space<hbm>> -> memref<1x16x1024xf32, #tpu.memory_space<hbm>>
      %dma_wait3A_76 = tpu.memref_squeeze %dma_wait3A_75 : memref<1x16x1024xf32, #tpu.memory_space<hbm>> -> memref<16x1024xf32, #tpu.memory_space<hbm>>
      tpu.wait_dma2 semaphore(%arg12 : memref<!tpu.dma_semaphore, #tpu.memory_space<semaphore_mem>>) src(%dma_wait3A_76 : memref<16x1024xf32, #tpu.memory_space<hbm>>) dst(%arg8 : memref<16x1024xf32, #tpu.memory_space<vmem>>)
      %scan3A_77 = arith.constant 0 : i32
      %scan3A_78 = arith.constant 0 : i32
      %scan3A_79 = arith.constant 16 : i32
      %scan3A_80 = arith.addi %scan3A_78, %scan3A_79 : i32
      %scan3A_81 = arith.constant 1 : i32
      %scan3A_82 = scf.for %scan3A_95 = %scan3A_78 to %scan3A_80 step %scan3A_81 iter_args(%scan3A_96 = %scan3A_77) -> (i32)  : i32 {
        %get3A = arith.index_cast %scan3A_95 : i32 to index
        %get3A_97 = arith.constant 0 : index
        %get3A_98 = tpu.vector_load %arg8[%get3A, %get3A_97] {strides = array<i32>} : memref<16x1024xf32, #tpu.memory_space<vmem>>, vector<1x16xf32>,
        %get3A_99 = vector.shape_cast %get3A_98 : vector<1x16xf32> to vector<16xf32>
        %get3A_100 = arith.index_cast %scan3A_95 : i32 to index
        %get3A_101 = arith.constant 0 : index
        %get3A_102 = tpu.vector_load %arg6[%get3A_100, %get3A_101] {strides = array<i32>} : memref<16x1024xf32, #tpu.memory_space<vmem>>, vector<1x16xf32>,
        %get3A_103 = vector.shape_cast %get3A_102 : vector<1x16xf32> to vector<16xf32>
        %add3A_104 = arith.addf %get3A_99, %get3A_103 : vector<16xf32>
        %swap3A = arith.index_cast %scan3A_95 : i32 to index
        %swap3A_105 = arith.constant 0 : index
        %swap3A_106 = tpu.vector_load %arg8[%swap3A, %swap3A_105] {strides = array<i32>} : memref<16x1024xf32, #tpu.memory_space<vmem>>, vector<1x16xf32>,
        %swap3A_107 = vector.shape_cast %swap3A_106 : vector<1x16xf32> to vector<16xf32>
        %swap3A_108 = vector.shape_cast %add3A_104 : vector<16xf32> to vector<1x16xf32>
        tpu.vector_store %arg8[%swap3A, %swap3A_105], %swap3A_108 {strides = array<i32>} : memref<16x1024xf32, #tpu.memory_space<vmem>>, vector<1x16xf32>,
        %get3A_109 = arith.index_cast %scan3A_95 : i32 to index
        %get3A_110 = arith.constant 16 : index
        %get3A_111 = tpu.vector_load %arg8[%get3A_109, %get3A_110] {strides = array<i32>} : memref<16x1024xf32, #tpu.memory_space<vmem>>, vector<1x16xf32>,
        %get3A_112 = vector.shape_cast %get3A_111 : vector<1x16xf32> to vector<16xf32>
        %get3A_113 = arith.index_cast %scan3A_95 : i32 to index
        %get3A_114 = arith.constant 16 : index
        %get3A_115 = tpu.vector_load %arg6[%get3A_113, %get3A_114] {strides = array<i32>} : memref<16x1024xf32, #tpu.memory_space<vmem>>, vector<1x16xf32>,
        %get3A_116 = vector.shape_cast %get3A_115 : vector<1x16xf32> to vector<16xf32>
        %add3A_117 = arith.addf %get3A_112, %get3A_116 : vector<16xf32>
        %swap3A_118 = arith.index_cast %scan3A_95 : i32 to index
        %swap3A_119 = arith.constant 16 : index
        %swap3A_120 = tpu.vector_load %arg8[%swap3A_118, %swap3A_119] {strides = array<i32>} : memref<16x1024xf32, #tpu.memory_space<vmem>>, vector<1x16xf32>,
        %swap3A_121 = vector.shape_cast %swap3A_120 : vector<1x16xf32> to vector<16xf32>
        %swap3A_122 = vector.shape_cast %add3A_117 : vector<16xf32> to vector<1x16xf32>
        tpu.vector_store %arg8[%swap3A_118, %swap3A_119], %swap3A_122 {strides = array<i32>} : memref<16x1024xf32, #tpu.memory_space<vmem>>, vector<1x16xf32>,
        %get3A_123 = arith.index_cast %scan3A_95 : i32 to index
        %get3A_124 = arith.constant 32 : index
        %get3A_125 = tpu.vector_load %arg8[%get3A_123, %get3A_124] {strides = array<i32>} : memref<16x1024xf32, #tpu.memory_space<vmem>>, vector<1x16xf32>,
        %get3A_126 = vector.shape_cast %get3A_125 : vector<1x16xf32> to vector<16xf32>
        %get3A_127 = arith.index_cast %scan3A_95 : i32 to index
        %get3A_128 = arith.constant 32 : index
        %get3A_129 = tpu.vector_load %arg6[%get3A_127, %get3A_128] {strides = array<i32>} : memref<16x1024xf32, #tpu.memory_space<vmem>>, vector<1x16xf32>,
        %get3A_130 = vector.shape_cast %get3A_129 : vector<1x16xf32> to vector<16xf32>
        %add3A_131 = arith.addf %get3A_126, %get3A_130 : vector<16xf32>
        %swap3A_132 = arith.index_cast %scan3A_95 : i32 to index
        %swap3A_133 = arith.constant 32 : index
        %swap3A_134 = tpu.vector_load %arg8[%swap3A_132, %swap3A_133] {strides = array<i32>} : memref<16x1024xf32, #tpu.memory_space<vmem>>, vector<1x16xf32>,
        %swap3A_135 = vector.shape_cast %swap3A_134 : vector<1x16xf32> to vector<16xf32>
        %swap3A_136 = vector.shape_cast %add3A_131 : vector<16xf32> to vector<1x16xf32>
        tpu.vector_store %arg8[%swap3A_132, %swap3A_133], %swap3A_136 {strides = array<i32>} : memref<16x1024xf32, #tpu.memory_space<vmem>>, vector<1x16xf32>,
        %get3A_137 = arith.index_cast %scan3A_95 : i32 to index
        %get3A_138 = arith.constant 48 : index
        %get3A_139 = tpu.vector_load %arg8[%get3A_137, %get3A_138] {strides = array<i32>} : memref<16x1024xf32, #tpu.memory_space<vmem>>, vector<1x16xf32>,
        %get3A_140 = vector.shape_cast %get3A_139 : vector<1x16xf32> to vector<16xf32>
        %get3A_141 = arith.index_cast %scan3A_95 : i32 to index
        %get3A_142 = arith.constant 48 : index
        %get3A_143 = tpu.vector_load %arg6[%get3A_141, %get3A_142] {strides = array<i32>} : memref<16x1024xf32, #tpu.memory_space<vmem>>, vector<1x16xf32>,
        %get3A_144 = vector.shape_cast %get3A_143 : vector<1x16xf32> to vector<16xf32>
        %add3A_145 = arith.addf %get3A_140, %get3A_144 : vector<16xf32>
        %swap3A_146 = arith.index_cast %scan3A_95 : i32 to index
        %swap3A_147 = arith.constant 48 : index
        %swap3A_148 = tpu.vector_load %arg8[%swap3A_146, %swap3A_147] {strides = array<i32>} : memref<16x1024xf32, #tpu.memory_space<vmem>>, vector<1x16xf32>,
        %swap3A_149 = vector.shape_cast %swap3A_148 : vector<1x16xf32> to vector<16xf32>
        %swap3A_150 = vector.shape_cast %add3A_145 : vector<16xf32> to vector<1x16xf32>
        tpu.vector_store %arg8[%swap3A_146, %swap3A_147], %swap3A_150 {strides = array<i32>} : memref<16x1024xf32, #tpu.memory_space<vmem>>, vector<1x16xf32>,
        %get3A_151 = arith.index_cast %scan3A_95 : i32 to index
        %get3A_152 = arith.constant 64 : index
        %get3A_153 = tpu.vector_load %arg8[%get3A_151, %get3A_152] {strides = array<i32>} : memref<16x1024xf32, #tpu.memory_space<vmem>>, vector<1x16xf32>,
        %get3A_154 = vector.shape_cast %get3A_153 : vector<1x16xf32> to vector<16xf32>
        %get3A_155 = arith.index_cast %scan3A_95 : i32 to index
        %get3A_156 = arith.constant 64 : index
        %get3A_157 = tpu.vector_load %arg6[%get3A_155, %get3A_156] {strides = array<i32>} : memref<16x1024xf32, #tpu.memory_space<vmem>>, vector<1x16xf32>,
        %get3A_158 = vector.shape_cast %get3A_157 : vector<1x16xf32> to vector<16xf32>
        %add3A_159 = arith.addf %get3A_154, %get3A_158 : vector<16xf32>
        %swap3A_160 = arith.index_cast %scan3A_95 : i32 to index
        %swap3A_161 = arith.constant 64 : index
        %swap3A_162 = tpu.vector_load %arg8[%swap3A_160, %swap3A_161] {strides = array<i32>} : memref<16x1024xf32, #tpu.memory_space<vmem>>, vector<1x16xf32>,
        %swap3A_163 = vector.shape_cast %swap3A_162 : vector<1x16xf32> to vector<16xf32>
        %swap3A_164 = vector.shape_cast %add3A_159 : vector<16xf32> to vector<1x16xf32>
        tpu.vector_store %arg8[%swap3A_160, %swap3A_161], %swap3A_164 {strides = array<i32>} : memref<16x1024xf32, #tpu.memory_space<vmem>>, vector<1x16xf32>,
        %get3A_165 = arith.index_cast %scan3A_95 : i32 to index
        %get3A_166 = arith.constant 80 : index
        %get3A_167 = tpu.vector_load %arg8[%get3A_165, %get3A_166] {strides = array<i32>} : memref<16x1024xf32, #tpu.memory_space<vmem>>, vector<1x16xf32>,
        %get3A_168 = vector.shape_cast %get3A_167 : vector<1x16xf32> to vector<16xf32>
        %get3A_169 = arith.index_cast %scan3A_95 : i32 to index
        %get3A_170 = arith.constant 80 : index
        %get3A_171 = tpu.vector_load %arg6[%get3A_169, %get3A_170] {strides = array<i32>} : memref<16x1024xf32, #tpu.memory_space<vmem>>, vector<1x16xf32>,
        %get3A_172 = vector.shape_cast %get3A_171 : vector<1x16xf32> to vector<16xf32>
        %add3A_173 = arith.addf %get3A_168, %get3A_172 : vector<16xf32>
        %swap3A_174 = arith.index_cast %scan3A_95 : i32 to index
        %swap3A_175 = arith.constant 80 : index
        %swap3A_176 = tpu.vector_load %arg8[%swap3A_174, %swap3A_175] {strides = array<i32>} : memref<16x1024xf32, #tpu.memory_space<vmem>>, vector<1x16xf32>,
        %swap3A_177 = vector.shape_cast %swap3A_176 : vector<1x16xf32> to vector<16xf32>
        %swap3A_178 = vector.shape_cast %add3A_173 : vector<16xf32> to vector<1x16xf32>
        tpu.vector_store %arg8[%swap3A_174, %swap3A_175], %swap3A_178 {strides = array<i32>} : memref<16x1024xf32, #tpu.memory_space<vmem>>, vector<1x16xf32>,
        %get3A_179 = arith.index_cast %scan3A_95 : i32 to index
        %get3A_180 = arith.constant 96 : index
        %get3A_181 = tpu.vector_load %arg8[%get3A_179, %get3A_180] {strides = array<i32>} : memref<16x1024xf32, #tpu.memory_space<vmem>>, vector<1x16xf32>,
        %get3A_182 = vector.shape_cast %get3A_181 : vector<1x16xf32> to vector<16xf32>
        %get3A_183 = arith.index_cast %scan3A_95 : i32 to index
        %get3A_184 = arith.constant 96 : index
        %get3A_185 = tpu.vector_load %arg6[%get3A_183, %get3A_184] {strides = array<i32>} : memref<16x1024xf32, #tpu.memory_space<vmem>>, vector<1x16xf32>,
        %get3A_186 = vector.shape_cast %get3A_185 : vector<1x16xf32> to vector<16xf32>
        %add3A_187 = arith.addf %get3A_182, %get3A_186 : vector<16xf32>
        %swap3A_188 = arith.index_cast %scan3A_95 : i32 to index
        %swap3A_189 = arith.constant 96 : index
        %swap3A_190 = tpu.vector_load %arg8[%swap3A_188, %swap3A_189] {strides = array<i32>} : memref<16x1024xf32, #tpu.memory_space<vmem>>, vector<1x16xf32>,
        %swap3A_191 = vector.shape_cast %swap3A_190 : vector<1x16xf32> to vector<16xf32>
        %swap3A_192 = vector.shape_cast %add3A_187 : vector<16xf32> to vector<1x16xf32>
        tpu.vector_store %arg8[%swap3A_188, %swap3A_189], %swap3A_192 {strides = array<i32>} : memref<16x1024xf32, #tpu.memory_space<vmem>>, vector<1x16xf32>,
        %get3A_193 = arith.index_cast %scan3A_95 : i32 to index
        %get3A_194 = arith.constant 112 : index
        %get3A_195 = tpu.vector_load %arg8[%get3A_193, %get3A_194] {strides = array<i32>} : memref<16x1024xf32, #tpu.memory_space<vmem>>, vector<1x16xf32>,
        %get3A_196 = vector.shape_cast %get3A_195 : vector<1x16xf32> to vector<16xf32>
        %get3A_197 = arith.index_cast %scan3A_95 : i32 to index
        %get3A_198 = arith.constant 112 : index
        %get3A_199 = tpu.vector_load %arg6[%get3A_197, %get3A_198] {strides = array<i32>} : memref<16x1024xf32, #tpu.memory_space<vmem>>, vector<1x16xf32>,
        %get3A_200 = vector.shape_cast %get3A_199 : vector<1x16xf32> to vector<16xf32>
        %add3A_201 = arith.addf %get3A_196, %get3A_200 : vector<16xf32>
        %swap3A_202 = arith.index_cast %scan3A_95 : i32 to index
        %swap3A_203 = arith.constant 112 : index
        %swap3A_204 = tpu.vector_load %arg8[%swap3A_202, %swap3A_203] {strides = array<i32>} : memref<16x1024xf32, #tpu.memory_space<vmem>>, vector<1x16xf32>,
        %swap3A_205 = vector.shape_cast %swap3A_204 : vector<1x16xf32> to vector<16xf32>
        %swap3A_206 = vector.shape_cast %add3A_201 : vector<16xf32> to vector<1x16xf32>
        tpu.vector_store %arg8[%swap3A_202, %swap3A_203], %swap3A_206 {strides = array<i32>} : memref<16x1024xf32, #tpu.memory_space<vmem>>, vector<1x16xf32>,
        %get3A_207 = arith.index_cast %scan3A_95 : i32 to index
        %get3A_208 = arith.constant 128 : index
        %get3A_209 = tpu.vector_load %arg8[%get3A_207, %get3A_208] {strides = array<i32>} : memref<16x1024xf32, #tpu.memory_space<vmem>>, vector<1x16xf32>,
        %get3A_210 = vector.shape_cast %get3A_209 : vector<1x16xf32> to vector<16xf32>
        %get3A_211 = arith.index_cast %scan3A_95 : i32 to index
        %get3A_212 = arith.constant 128 : index
        %get3A_213 = tpu.vector_load %arg6[%get3A_211, %get3A_212] {strides = array<i32>} : memref<16x1024xf32, #tpu.memory_space<vmem>>, vector<1x16xf32>,
        %get3A_214 = vector.shape_cast %get3A_213 : vector<1x16xf32> to vector<16xf32>
        %add3A_215 = arith.addf %get3A_210, %get3A_214 : vector<16xf32>
        %swap3A_216 = arith.index_cast %scan3A_95 : i32 to index
        %swap3A_217 = arith.constant 128 : index
        %swap3A_218 = tpu.vector_load %arg8[%swap3A_216, %swap3A_217] {strides = array<i32>} : memref<16x1024xf32, #tpu.memory_space<vmem>>, vector<1x16xf32>,
        %swap3A_219 = vector.shape_cast %swap3A_218 : vector<1x16xf32> to vector<16xf32>
        %swap3A_220 = vector.shape_cast %add3A_215 : vector<16xf32> to vector<1x16xf32>
        tpu.vector_store %arg8[%swap3A_216, %swap3A_217], %swap3A_220 {strides = array<i32>} : memref<16x1024xf32, #tpu.memory_space<vmem>>, vector<1x16xf32>,
        %get3A_221 = arith.index_cast %scan3A_95 : i32 to index
        %get3A_222 = arith.constant 144 : index
        %get3A_223 = tpu.vector_load %arg8[%get3A_221, %get3A_222] {strides = array<i32>} : memref<16x1024xf32, #tpu.memory_space<vmem>>, vector<1x16xf32>,
        %get3A_224 = vector.shape_cast %get3A_223 : vector<1x16xf32> to vector<16xf32>
        %get3A_225 = arith.index_cast %scan3A_95 : i32 to index
        %get3A_226 = arith.constant 144 : index
        %get3A_227 = tpu.vector_load %arg6[%get3A_225, %get3A_226] {strides = array<i32>} : memref<16x1024xf32, #tpu.memory_space<vmem>>, vector<1x16xf32>,
        %get3A_228 = vector.shape_cast %get3A_227 : vector<1x16xf32> to vector<16xf32>
        %add3A_229 = arith.addf %get3A_224, %get3A_228 : vector<16xf32>
        %swap3A_230 = arith.index_cast %scan3A_95 : i32 to index
        %swap3A_231 = arith.constant 144 : index
        %swap3A_232 = tpu.vector_load %arg8[%swap3A_230, %swap3A_231] {strides = array<i32>} : memref<16x1024xf32, #tpu.memory_space<vmem>>, vector<1x16xf32>,
        %swap3A_233 = vector.shape_cast %swap3A_232 : vector<1x16xf32> to vector<16xf32>
        %swap3A_234 = vector.shape_cast %add3A_229 : vector<16xf32> to vector<1x16xf32>
        tpu.vector_store %arg8[%swap3A_230, %swap3A_231], %swap3A_234 {strides = array<i32>} : memref<16x1024xf32, #tpu.memory_space<vmem>>, vector<1x16xf32>,
        %get3A_235 = arith.index_cast %scan3A_95 : i32 to index
        %get3A_236 = arith.constant 160 : index
        %get3A_237 = tpu.vector_load %arg8[%get3A_235, %get3A_236] {strides = array<i32>} : memref<16x1024xf32, #tpu.memory_space<vmem>>, vector<1x16xf32>,
        %get3A_238 = vector.shape_cast %get3A_237 : vector<1x16xf32> to vector<16xf32>
        %get3A_239 = arith.index_cast %scan3A_95 : i32 to index
        %get3A_240 = arith.constant 160 : index
        %get3A_241 = tpu.vector_load %arg6[%get3A_239, %get3A_240] {strides = array<i32>} : memref<16x1024xf32, #tpu.memory_space<vmem>>, vector<1x16xf32>,
        %get3A_242 = vector.shape_cast %get3A_241 : vector<1x16xf32> to vector<16xf32>
        %add3A_243 = arith.addf %get3A_238, %get3A_242 : vector<16xf32>
        %swap3A_244 = arith.index_cast %scan3A_95 : i32 to index
        %swap3A_245 = arith.constant 160 : index
        %swap3A_246 = tpu.vector_load %arg8[%swap3A_244, %swap3A_245] {strides = array<i32>} : memref<16x1024xf32, #tpu.memory_space<vmem>>, vector<1x16xf32>,
        %swap3A_247 = vector.shape_cast %swap3A_246 : vector<1x16xf32> to vector<16xf32>
        %swap3A_248 = vector.shape_cast %add3A_243 : vector<16xf32> to vector<1x16xf32>
        tpu.vector_store %arg8[%swap3A_244, %swap3A_245], %swap3A_248 {strides = array<i32>} : memref<16x1024xf32, #tpu.memory_space<vmem>>, vector<1x16xf32>,
        %get3A_249 = arith.index_cast %scan3A_95 : i32 to index
        %get3A_250 = arith.constant 176 : index
        %get3A_251 = tpu.vector_load %arg8[%get3A_249, %get3A_250] {strides = array<i32>} : memref<16x1024xf32, #tpu.memory_space<vmem>>, vector<1x16xf32>,
        %get3A_252 = vector.shape_cast %get3A_251 : vector<1x16xf32> to vector<16xf32>
        %get3A_253 = arith.index_cast %scan3A_95 : i32 to index
        %get3A_254 = arith.constant 176 : index
        %get3A_255 = tpu.vector_load %arg6[%get3A_253, %get3A_254] {strides = array<i32>} : memref<16x1024xf32, #tpu.memory_space<vmem>>, vector<1x16xf32>,
        %get3A_256 = vector.shape_cast %get3A_255 : vector<1x16xf32> to vector<16xf32>
        %add3A_257 = arith.addf %get3A_252, %get3A_256 : vector<16xf32>
        %swap3A_258 = arith.index_cast %scan3A_95 : i32 to index
        %swap3A_259 = arith.constant 176 : index
        %swap3A_260 = tpu.vector_load %arg8[%swap3A_258, %swap3A_259] {strides = array<i32>} : memref<16x1024xf32, #tpu.memory_space<vmem>>, vector<1x16xf32>,
        %swap3A_261 = vector.shape_cast %swap3A_260 : vector<1x16xf32> to vector<16xf32>
        %swap3A_262 = vector.shape_cast %add3A_257 : vector<16xf32> to vector<1x16xf32>
        tpu.vector_store %arg8[%swap3A_258, %swap3A_259], %swap3A_262 {strides = array<i32>} : memref<16x1024xf32, #tpu.memory_space<vmem>>, vector<1x16xf32>,
        %get3A_263 = arith.index_cast %scan3A_95 : i32 to index
        %get3A_264 = arith.constant 192 : index
        %get3A_265 = tpu.vector_load %arg8[%get3A_263, %get3A_264] {strides = array<i32>} : memref<16x1024xf32, #tpu.memory_space<vmem>>, vector<1x16xf32>,
        %get3A_266 = vector.shape_cast %get3A_265 : vector<1x16xf32> to vector<16xf32>
        %get3A_267 = arith.index_cast %scan3A_95 : i32 to index
        %get3A_268 = arith.constant 192 : index
        %get3A_269 = tpu.vector_load %arg6[%get3A_267, %get3A_268] {strides = array<i32>} : memref<16x1024xf32, #tpu.memory_space<vmem>>, vector<1x16xf32>,
        %get3A_270 = vector.shape_cast %get3A_269 : vector<1x16xf32> to vector<16xf32>
        %add3A_271 = arith.addf %get3A_266, %get3A_270 : vector<16xf32>
        %swap3A_272 = arith.index_cast %scan3A_95 : i32 to index
        %swap3A_273 = arith.constant 192 : index
        %swap3A_274 = tpu.vector_load %arg8[%swap3A_272, %swap3A_273] {strides = array<i32>} : memref<16x1024xf32, #tpu.memory_space<vmem>>, vector<1x16xf32>,
        %swap3A_275 = vector.shape_cast %swap3A_274 : vector<1x16xf32> to vector<16xf32>
        %swap3A_276 = vector.shape_cast %add3A_271 : vector<16xf32> to vector<1x16xf32>
        tpu.vector_store %arg8[%swap3A_272, %swap3A_273], %swap3A_276 {strides = array<i32>} : memref<16x1024xf32, #tpu.memory_space<vmem>>, vector<1x16xf32>,
        %get3A_277 = arith.index_cast %scan3A_95 : i32 to index
        %get3A_278 = arith.constant 208 : index
        %get3A_279 = tpu.vector_load %arg8[%get3A_277, %get3A_278] {strides = array<i32>} : memref<16x1024xf32, #tpu.memory_space<vmem>>, vector<1x16xf32>,
        %get3A_280 = vector.shape_cast %get3A_279 : vector<1x16xf32> to vector<16xf32>
        %get3A_281 = arith.index_cast %scan3A_95 : i32 to index
        %get3A_282 = arith.constant 208 : index
        %get3A_283 = tpu.vector_load %arg6[%get3A_281, %get3A_282] {strides = array<i32>} : memref<16x1024xf32, #tpu.memory_space<vmem>>, vector<1x16xf32>,
        %get3A_284 = vector.shape_cast %get3A_283 : vector<1x16xf32> to vector<16xf32>
        %add3A_285 = arith.addf %get3A_280, %get3A_284 : vector<16xf32>
        %swap3A_286 = arith.index_cast %scan3A_95 : i32 to index
        %swap3A_287 = arith.constant 208 : index
        %swap3A_288 = tpu.vector_load %arg8[%swap3A_286, %swap3A_287] {strides = array<i32>} : memref<16x1024xf32, #tpu.memory_space<vmem>>, vector<1x16xf32>,
        %swap3A_289 = vector.shape_cast %swap3A_288 : vector<1x16xf32> to vector<16xf32>
        %swap3A_290 = vector.shape_cast %add3A_285 : vector<16xf32> to vector<1x16xf32>
        tpu.vector_store %arg8[%swap3A_286, %swap3A_287], %swap3A_290 {strides = array<i32>} : memref<16x1024xf32, #tpu.memory_space<vmem>>, vector<1x16xf32>,
        %get3A_291 = arith.index_cast %scan3A_95 : i32 to index
        %get3A_292 = arith.constant 224 : index
        %get3A_293 = tpu.vector_load %arg8[%get3A_291, %get3A_292] {strides = array<i32>} : memref<16x1024xf32, #tpu.memory_space<vmem>>, vector<1x16xf32>,
        %get3A_294 = vector.shape_cast %get3A_293 : vector<1x16xf32> to vector<16xf32>
        %get3A_295 = arith.index_cast %scan3A_95 : i32 to index
        %get3A_296 = arith.constant 224 : index
        %get3A_297 = tpu.vector_load %arg6[%get3A_295, %get3A_296] {strides = array<i32>} : memref<16x1024xf32, #tpu.memory_space<vmem>>, vector<1x16xf32>,
        %get3A_298 = vector.shape_cast %get3A_297 : vector<1x16xf32> to vector<16xf32>
        %add3A_299 = arith.addf %get3A_294, %get3A_298 : vector<16xf32>
        %swap3A_300 = arith.index_cast %scan3A_95 : i32 to index
        %swap3A_301 = arith.constant 224 : index
        %swap3A_302 = tpu.vector_load %arg8[%swap3A_300, %swap3A_301] {strides = array<i32>} : memref<16x1024xf32, #tpu.memory_space<vmem>>, vector<1x16xf32>,
        %swap3A_303 = vector.shape_cast %swap3A_302 : vector<1x16xf32> to vector<16xf32>
        %swap3A_304 = vector.shape_cast %add3A_299 : vector<16xf32> to vector<1x16xf32>
        tpu.vector_store %arg8[%swap3A_300, %swap3A_301], %swap3A_304 {strides = array<i32>} : memref<16x1024xf32, #tpu.memory_space<vmem>>, vector<1x16xf32>,
        %get3A_305 = arith.index_cast %scan3A_95 : i32 to index
        %get3A_306 = arith.constant 240 : index
        %get3A_307 = tpu.vector_load %arg8[%get3A_305, %get3A_306] {strides = array<i32>} : memref<16x1024xf32, #tpu.memory_space<vmem>>, vector<1x16xf32>,
        %get3A_308 = vector.shape_cast %get3A_307 : vector<1x16xf32> to vector<16xf32>
        %get3A_309 = arith.index_cast %scan3A_95 : i32 to index
        %get3A_310 = arith.constant 240 : index
        %get3A_311 = tpu.vector_load %arg6[%get3A_309, %get3A_310] {strides = array<i32>} : memref<16x1024xf32, #tpu.memory_space<vmem>>, vector<1x16xf32>,
        %get3A_312 = vector.shape_cast %get3A_311 : vector<1x16xf32> to vector<16xf32>
        %add3A_313 = arith.addf %get3A_308, %get3A_312 : vector<16xf32>
        %swap3A_314 = arith.index_cast %scan3A_95 : i32 to index
        %swap3A_315 = arith.constant 240 : index
        %swap3A_316 = tpu.vector_load %arg8[%swap3A_314, %swap3A_315] {strides = array<i32>} : memref<16x1024xf32, #tpu.memory_space<vmem>>, vector<1x16xf32>,
        %swap3A_317 = vector.shape_cast %swap3A_316 : vector<1x16xf32> to vector<16xf32>
        %swap3A_318 = vector.shape_cast %add3A_313 : vector<16xf32> to vector<1x16xf32>
        tpu.vector_store %arg8[%swap3A_314, %swap3A_315], %swap3A_318 {strides = array<i32>} : memref<16x1024xf32, #tpu.memory_space<vmem>>, vector<1x16xf32>,
        %get3A_319 = arith.index_cast %scan3A_95 : i32 to index
        %get3A_320 = arith.constant 256 : index
        %get3A_321 = tpu.vector_load %arg8[%get3A_319, %get3A_320] {strides = array<i32>} : memref<16x1024xf32, #tpu.memory_space<vmem>>, vector<1x16xf32>,
        %get3A_322 = vector.shape_cast %get3A_321 : vector<1x16xf32> to vector<16xf32>
        %get3A_323 = arith.index_cast %scan3A_95 : i32 to index
        %get3A_324 = arith.constant 256 : index
        %get3A_325 = tpu.vector_load %arg6[%get3A_323, %get3A_324] {strides = array<i32>} : memref<16x1024xf32, #tpu.memory_space<vmem>>, vector<1x16xf32>,
        %get3A_326 = vector.shape_cast %get3A_325 : vector<1x16xf32> to vector<16xf32>
        %add3A_327 = arith.addf %get3A_322, %get3A_326 : vector<16xf32>
        %swap3A_328 = arith.index_cast %scan3A_95 : i32 to index
        %swap3A_329 = arith.constant 256 : index
        %swap3A_330 = tpu.vector_load %arg8[%swap3A_328, %swap3A_329] {strides = array<i32>} : memref<16x1024xf32, #tpu.memory_space<vmem>>, vector<1x16xf32>,
        %swap3A_331 = vector.shape_cast %swap3A_330 : vector<1x16xf32> to vector<16xf32>
        %swap3A_332 = vector.shape_cast %add3A_327 : vector<16xf32> to vector<1x16xf32>
        tpu.vector_store %arg8[%swap3A_328, %swap3A_329], %swap3A_332 {strides = array<i32>} : memref<16x1024xf32, #tpu.memory_space<vmem>>, vector<1x16xf32>,
        %get3A_333 = arith.index_cast %scan3A_95 : i32 to index
        %get3A_334 = arith.constant 272 : index
        %get3A_335 = tpu.vector_load %arg8[%get3A_333, %get3A_334] {strides = array<i32>} : memref<16x1024xf32, #tpu.memory_space<vmem>>, vector<1x16xf32>,
        %get3A_336 = vector.shape_cast %get3A_335 : vector<1x16xf32> to vector<16xf32>
        %get3A_337 = arith.index_cast %scan3A_95 : i32 to index
        %get3A_338 = arith.constant 272 : index
        %get3A_339 = tpu.vector_load %arg6[%get3A_337, %get3A_338] {strides = array<i32>} : memref<16x1024xf32, #tpu.memory_space<vmem>>, vector<1x16xf32>,
        %get3A_340 = vector.shape_cast %get3A_339 : vector<1x16xf32> to vector<16xf32>
        %add3A_341 = arith.addf %get3A_336, %get3A_340 : vector<16xf32>
        %swap3A_342 = arith.index_cast %scan3A_95 : i32 to index
        %swap3A_343 = arith.constant 272 : index
        %swap3A_344 = tpu.vector_load %arg8[%swap3A_342, %swap3A_343] {strides = array<i32>} : memref<16x1024xf32, #tpu.memory_space<vmem>>, vector<1x16xf32>,
        %swap3A_345 = vector.shape_cast %swap3A_344 : vector<1x16xf32> to vector<16xf32>
        %swap3A_346 = vector.shape_cast %add3A_341 : vector<16xf32> to vector<1x16xf32>
        tpu.vector_store %arg8[%swap3A_342, %swap3A_343], %swap3A_346 {strides = array<i32>} : memref<16x1024xf32, #tpu.memory_space<vmem>>, vector<1x16xf32>,
        %get3A_347 = arith.index_cast %scan3A_95 : i32 to index
        %get3A_348 = arith.constant 288 : index
        %get3A_349 = tpu.vector_load %arg8[%get3A_347, %get3A_348] {strides = array<i32>} : memref<16x1024xf32, #tpu.memory_space<vmem>>, vector<1x16xf32>,
        %get3A_350 = vector.shape_cast %get3A_349 : vector<1x16xf32> to vector<16xf32>
        %get3A_351 = arith.index_cast %scan3A_95 : i32 to index
        %get3A_352 = arith.constant 288 : index
        %get3A_353 = tpu.vector_load %arg6[%get3A_351, %get3A_352] {strides = array<i32>} : memref<16x1024xf32, #tpu.memory_space<vmem>>, vector<1x16xf32>,
        %get3A_354 = vector.shape_cast %get3A_353 : vector<1x16xf32> to vector<16xf32>
        %add3A_355 = arith.addf %get3A_350, %get3A_354 : vector<16xf32>
        %swap3A_356 = arith.index_cast %scan3A_95 : i32 to index
        %swap3A_357 = arith.constant 288 : index
        %swap3A_358 = tpu.vector_load %arg8[%swap3A_356, %swap3A_357] {strides = array<i32>} : memref<16x1024xf32, #tpu.memory_space<vmem>>, vector<1x16xf32>,
        %swap3A_359 = vector.shape_cast %swap3A_358 : vector<1x16xf32> to vector<16xf32>
        %swap3A_360 = vector.shape_cast %add3A_355 : vector<16xf32> to vector<1x16xf32>
        tpu.vector_store %arg8[%swap3A_356, %swap3A_357], %swap3A_360 {strides = array<i32>} : memref<16x1024xf32, #tpu.memory_space<vmem>>, vector<1x16xf32>,
        %get3A_361 = arith.index_cast %scan3A_95 : i32 to index
        %get3A_362 = arith.constant 304 : index
        %get3A_363 = tpu.vector_load %arg8[%get3A_361, %get3A_362] {strides = array<i32>} : memref<16x1024xf32, #tpu.memory_space<vmem>>, vector<1x16xf32>,
        %get3A_364 = vector.shape_cast %get3A_363 : vector<1x16xf32> to vector<16xf32>
        %get3A_365 = arith.index_cast %scan3A_95 : i32 to index
        %get3A_366 = arith.constant 304 : index
        %get3A_367 = tpu.vector_load %arg6[%get3A_365, %get3A_366] {strides = array<i32>} : memref<16x1024xf32, #tpu.memory_space<vmem>>, vector<1x16xf32>,
        %get3A_368 = vector.shape_cast %get3A_367 : vector<1x16xf32> to vector<16xf32>
        %add3A_369 = arith.addf %get3A_364, %get3A_368 : vector<16xf32>
        %swap3A_370 = arith.index_cast %scan3A_95 : i32 to index
        %swap3A_371 = arith.constant 304 : index
        %swap3A_372 = tpu.vector_load %arg8[%swap3A_370, %swap3A_371] {strides = array<i32>} : memref<16x1024xf32, #tpu.memory_space<vmem>>, vector<1x16xf32>,
        %swap3A_373 = vector.shape_cast %swap3A_372 : vector<1x16xf32> to vector<16xf32>
        %swap3A_374 = vector.shape_cast %add3A_369 : vector<16xf32> to vector<1x16xf32>
        tpu.vector_store %arg8[%swap3A_370, %swap3A_371], %swap3A_374 {strides = array<i32>} : memref<16x1024xf32, #tpu.memory_space<vmem>>, vector<1x16xf32>,
        %get3A_375 = arith.index_cast %scan3A_95 : i32 to index
        %get3A_376 = arith.constant 320 : index
        %get3A_377 = tpu.vector_load %arg8[%get3A_375, %get3A_376] {strides = array<i32>} : memref<16x1024xf32, #tpu.memory_space<vmem>>, vector<1x16xf32>,
        %get3A_378 = vector.shape_cast %get3A_377 : vector<1x16xf32> to vector<16xf32>
        %get3A_379 = arith.index_cast %scan3A_95 : i32 to index
        %get3A_380 = arith.constant 320 : index
        %get3A_381 = tpu.vector_load %arg6[%get3A_379, %get3A_380] {strides = array<i32>} : memref<16x1024xf32, #tpu.memory_space<vmem>>, vector<1x16xf32>,
        %get3A_382 = vector.shape_cast %get3A_381 : vector<1x16xf32> to vector<16xf32>
        %add3A_383 = arith.addf %get3A_378, %get3A_382 : vector<16xf32>
        %swap3A_384 = arith.index_cast %scan3A_95 : i32 to index
        %swap3A_385 = arith.constant 320 : index
        %swap3A_386 = tpu.vector_load %arg8[%swap3A_384, %swap3A_385] {strides = array<i32>} : memref<16x1024xf32, #tpu.memory_space<vmem>>, vector<1x16xf32>,
        %swap3A_387 = vector.shape_cast %swap3A_386 : vector<1x16xf32> to vector<16xf32>
        %swap3A_388 = vector.shape_cast %add3A_383 : vector<16xf32> to vector<1x16xf32>
        tpu.vector_store %arg8[%swap3A_384, %swap3A_385], %swap3A_388 {strides = array<i32>} : memref<16x1024xf32, #tpu.memory_space<vmem>>, vector<1x16xf32>,
        %get3A_389 = arith.index_cast %scan3A_95 : i32 to index
        %get3A_390 = arith.constant 336 : index
        %get3A_391 = tpu.vector_load %arg8[%get3A_389, %get3A_390] {strides = array<i32>} : memref<16x1024xf32, #tpu.memory_space<vmem>>, vector<1x16xf32>,
        %get3A_392 = vector.shape_cast %get3A_391 : vector<1x16xf32> to vector<16xf32>
        %get3A_393 = arith.index_cast %scan3A_95 : i32 to index
        %get3A_394 = arith.constant 336 : index
        %get3A_395 = tpu.vector_load %arg6[%get3A_393, %get3A_394] {strides = array<i32>} : memref<16x1024xf32, #tpu.memory_space<vmem>>, vector<1x16xf32>,
        %get3A_396 = vector.shape_cast %get3A_395 : vector<1x16xf32> to vector<16xf32>
        %add3A_397 = arith.addf %get3A_392, %get3A_396 : vector<16xf32>
        %swap3A_398 = arith.index_cast %scan3A_95 : i32 to index
        %swap3A_399 = arith.constant 336 : index
        %swap3A_400 = tpu.vector_load %arg8[%swap3A_398, %swap3A_399] {strides = array<i32>} : memref<16x1024xf32, #tpu.memory_space<vmem>>, vector<1x16xf32>,
        %swap3A_401 = vector.shape_cast %swap3A_400 : vector<1x16xf32> to vector<16xf32>
        %swap3A_402 = vector.shape_cast %add3A_397 : vector<16xf32> to vector<1x16xf32>
        tpu.vector_store %arg8[%swap3A_398, %swap3A_399], %swap3A_402 {strides = array<i32>} : memref<16x1024xf32, #tpu.memory_space<vmem>>, vector<1x16xf32>,
        %get3A_403 = arith.index_cast %scan3A_95 : i32 to index
        %get3A_404 = arith.constant 352 : index
        %get3A_405 = tpu.vector_load %arg8[%get3A_403, %get3A_404] {strides = array<i32>} : memref<16x1024xf32, #tpu.memory_space<vmem>>, vector<1x16xf32>,
        %get3A_406 = vector.shape_cast %get3A_405 : vector<1x16xf32> to vector<16xf32>
        %get3A_407 = arith.index_cast %scan3A_95 : i32 to index
        %get3A_408 = arith.constant 352 : index
        %get3A_409 = tpu.vector_load %arg6[%get3A_407, %get3A_408] {strides = array<i32>} : memref<16x1024xf32, #tpu.memory_space<vmem>>, vector<1x16xf32>,
        %get3A_410 = vector.shape_cast %get3A_409 : vector<1x16xf32> to vector<16xf32>
        %add3A_411 = arith.addf %get3A_406, %get3A_410 : vector<16xf32>
        %swap3A_412 = arith.index_cast %scan3A_95 : i32 to index
        %swap3A_413 = arith.constant 352 : index
        %swap3A_414 = tpu.vector_load %arg8[%swap3A_412, %swap3A_413] {strides = array<i32>} : memref<16x1024xf32, #tpu.memory_space<vmem>>, vector<1x16xf32>,
        %swap3A_415 = vector.shape_cast %swap3A_414 : vector<1x16xf32> to vector<16xf32>
        %swap3A_416 = vector.shape_cast %add3A_411 : vector<16xf32> to vector<1x16xf32>
        tpu.vector_store %arg8[%swap3A_412, %swap3A_413], %swap3A_416 {strides = array<i32>} : memref<16x1024xf32, #tpu.memory_space<vmem>>, vector<1x16xf32>,
        %get3A_417 = arith.index_cast %scan3A_95 : i32 to index
        %get3A_418 = arith.constant 368 : index
        %get3A_419 = tpu.vector_load %arg8[%get3A_417, %get3A_418] {strides = array<i32>} : memref<16x1024xf32, #tpu.memory_space<vmem>>, vector<1x16xf32>,
        %get3A_420 = vector.shape_cast %get3A_419 : vector<1x16xf32> to vector<16xf32>
        %get3A_421 = arith.index_cast %scan3A_95 : i32 to index
        %get3A_422 = arith.constant 368 : index
        %get3A_423 = tpu.vector_load %arg6[%get3A_421, %get3A_422] {strides = array<i32>} : memref<16x1024xf32, #tpu.memory_space<vmem>>, vector<1x16xf32>,
        %get3A_424 = vector.shape_cast %get3A_423 : vector<1x16xf32> to vector<16xf32>
        %add3A_425 = arith.addf %get3A_420, %get3A_424 : vector<16xf32>
        %swap3A_426 = arith.index_cast %scan3A_95 : i32 to index
        %swap3A_427 = arith.constant 368 : index
        %swap3A_428 = tpu.vector_load %arg8[%swap3A_426, %swap3A_427] {strides = array<i32>} : memref<16x1024xf32, #tpu.memory_space<vmem>>, vector<1x16xf32>,
        %swap3A_429 = vector.shape_cast %swap3A_428 : vector<1x16xf32> to vector<16xf32>
        %swap3A_430 = vector.shape_cast %add3A_425 : vector<16xf32> to vector<1x16xf32>
        tpu.vector_store %arg8[%swap3A_426, %swap3A_427], %swap3A_430 {strides = array<i32>} : memref<16x1024xf32, #tpu.memory_space<vmem>>, vector<1x16xf32>,
        %get3A_431 = arith.index_cast %scan3A_95 : i32 to index
        %get3A_432 = arith.constant 384 : index
        %get3A_433 = tpu.vector_load %arg8[%get3A_431, %get3A_432] {strides = array<i32>} : memref<16x1024xf32, #tpu.memory_space<vmem>>, vector<1x16xf32>,
        %get3A_434 = vector.shape_cast %get3A_433 : vector<1x16xf32> to vector<16xf32>
        %get3A_435 = arith.index_cast %scan3A_95 : i32 to index
        %get3A_436 = arith.constant 384 : index
        %get3A_437 = tpu.vector_load %arg6[%get3A_435, %get3A_436] {strides = array<i32>} : memref<16x1024xf32, #tpu.memory_space<vmem>>, vector<1x16xf32>,
        %get3A_438 = vector.shape_cast %get3A_437 : vector<1x16xf32> to vector<16xf32>
        %add3A_439 = arith.addf %get3A_434, %get3A_438 : vector<16xf32>
        %swap3A_440 = arith.index_cast %scan3A_95 : i32 to index
        %swap3A_441 = arith.constant 384 : index
        %swap3A_442 = tpu.vector_load %arg8[%swap3A_440, %swap3A_441] {strides = array<i32>} : memref<16x1024xf32, #tpu.memory_space<vmem>>, vector<1x16xf32>,
        %swap3A_443 = vector.shape_cast %swap3A_442 : vector<1x16xf32> to vector<16xf32>
        %swap3A_444 = vector.shape_cast %add3A_439 : vector<16xf32> to vector<1x16xf32>
        tpu.vector_store %arg8[%swap3A_440, %swap3A_441], %swap3A_444 {strides = array<i32>} : memref<16x1024xf32, #tpu.memory_space<vmem>>, vector<1x16xf32>,
        %get3A_445 = arith.index_cast %scan3A_95 : i32 to index
        %get3A_446 = arith.constant 400 : index
        %get3A_447 = tpu.vector_load %arg8[%get3A_445, %get3A_446] {strides = array<i32>} : memref<16x1024xf32, #tpu.memory_space<vmem>>, vector<1x16xf32>,
        %get3A_448 = vector.shape_cast %get3A_447 : vector<1x16xf32> to vector<16xf32>
        %get3A_449 = arith.index_cast %scan3A_95 : i32 to index
        %get3A_450 = arith.constant 400 : index
        %get3A_451 = tpu.vector_load %arg6[%get3A_449, %get3A_450] {strides = array<i32>} : memref<16x1024xf32, #tpu.memory_space<vmem>>, vector<1x16xf32>,
        %get3A_452 = vector.shape_cast %get3A_451 : vector<1x16xf32> to vector<16xf32>
        %add3A_453 = arith.addf %get3A_448, %get3A_452 : vector<16xf32>
        %swap3A_454 = arith.index_cast %scan3A_95 : i32 to index
        %swap3A_455 = arith.constant 400 : index
        %swap3A_456 = tpu.vector_load %arg8[%swap3A_454, %swap3A_455] {strides = array<i32>} : memref<16x1024xf32, #tpu.memory_space<vmem>>, vector<1x16xf32>,
        %swap3A_457 = vector.shape_cast %swap3A_456 : vector<1x16xf32> to vector<16xf32>
        %swap3A_458 = vector.shape_cast %add3A_453 : vector<16xf32> to vector<1x16xf32>
        tpu.vector_store %arg8[%swap3A_454, %swap3A_455], %swap3A_458 {strides = array<i32>} : memref<16x1024xf32, #tpu.memory_space<vmem>>, vector<1x16xf32>,
        %get3A_459 = arith.index_cast %scan3A_95 : i32 to index
        %get3A_460 = arith.constant 416 : index
        %get3A_461 = tpu.vector_load %arg8[%get3A_459, %get3A_460] {strides = array<i32>} : memref<16x1024xf32, #tpu.memory_space<vmem>>, vector<1x16xf32>,
        %get3A_462 = vector.shape_cast %get3A_461 : vector<1x16xf32> to vector<16xf32>
        %get3A_463 = arith.index_cast %scan3A_95 : i32 to index
        %get3A_464 = arith.constant 416 : index
        %get3A_465 = tpu.vector_load %arg6[%get3A_463, %get3A_464] {strides = array<i32>} : memref<16x1024xf32, #tpu.memory_space<vmem>>, vector<1x16xf32>,
        %get3A_466 = vector.shape_cast %get3A_465 : vector<1x16xf32> to vector<16xf32>
        %add3A_467 = arith.addf %get3A_462, %get3A_466 : vector<16xf32>
        %swap3A_468 = arith.index_cast %scan3A_95 : i32 to index
        %swap3A_469 = arith.constant 416 : index
        %swap3A_470 = tpu.vector_load %arg8[%swap3A_468, %swap3A_469] {strides = array<i32>} : memref<16x1024xf32, #tpu.memory_space<vmem>>, vector<1x16xf32>,
        %swap3A_471 = vector.shape_cast %swap3A_470 : vector<1x16xf32> to vector<16xf32>
        %swap3A_472 = vector.shape_cast %add3A_467 : vector<16xf32> to vector<1x16xf32>
        tpu.vector_store %arg8[%swap3A_468, %swap3A_469], %swap3A_472 {strides = array<i32>} : memref<16x1024xf32, #tpu.memory_space<vmem>>, vector<1x16xf32>,
        %get3A_473 = arith.index_cast %scan3A_95 : i32 to index
        %get3A_474 = arith.constant 432 : index
        %get3A_475 = tpu.vector_load %arg8[%get3A_473, %get3A_474] {strides = array<i32>} : memref<16x1024xf32, #tpu.memory_space<vmem>>, vector<1x16xf32>,
        %get3A_476 = vector.shape_cast %get3A_475 : vector<1x16xf32> to vector<16xf32>
        %get3A_477 = arith.index_cast %scan3A_95 : i32 to index
        %get3A_478 = arith.constant 432 : index
        %get3A_479 = tpu.vector_load %arg6[%get3A_477, %get3A_478] {strides = array<i32>} : memref<16x1024xf32, #tpu.memory_space<vmem>>, vector<1x16xf32>,
        %get3A_480 = vector.shape_cast %get3A_479 : vector<1x16xf32> to vector<16xf32>
        %add3A_481 = arith.addf %get3A_476, %get3A_480 : vector<16xf32>
        %swap3A_482 = arith.index_cast %scan3A_95 : i32 to index
        %swap3A_483 = arith.constant 432 : index
        %swap3A_484 = tpu.vector_load %arg8[%swap3A_482, %swap3A_483] {strides = array<i32>} : memref<16x1024xf32, #tpu.memory_space<vmem>>, vector<1x16xf32>,
        %swap3A_485 = vector.shape_cast %swap3A_484 : vector<1x16xf32> to vector<16xf32>
        %swap3A_486 = vector.shape_cast %add3A_481 : vector<16xf32> to vector<1x16xf32>
        tpu.vector_store %arg8[%swap3A_482, %swap3A_483], %swap3A_486 {strides = array<i32>} : memref<16x1024xf32, #tpu.memory_space<vmem>>, vector<1x16xf32>,
        %get3A_487 = arith.index_cast %scan3A_95 : i32 to index
        %get3A_488 = arith.constant 448 : index
        %get3A_489 = tpu.vector_load %arg8[%get3A_487, %get3A_488] {strides = array<i32>} : memref<16x1024xf32, #tpu.memory_space<vmem>>, vector<1x16xf32>,
        %get3A_490 = vector.shape_cast %get3A_489 : vector<1x16xf32> to vector<16xf32>
        %get3A_491 = arith.index_cast %scan3A_95 : i32 to index
        %get3A_492 = arith.constant 448 : index
        %get3A_493 = tpu.vector_load %arg6[%get3A_491, %get3A_492] {strides = array<i32>} : memref<16x1024xf32, #tpu.memory_space<vmem>>, vector<1x16xf32>,
        %get3A_494 = vector.shape_cast %get3A_493 : vector<1x16xf32> to vector<16xf32>
        %add3A_495 = arith.addf %get3A_490, %get3A_494 : vector<16xf32>
        %swap3A_496 = arith.index_cast %scan3A_95 : i32 to index
        %swap3A_497 = arith.constant 448 : index
        %swap3A_498 = tpu.vector_load %arg8[%swap3A_496, %swap3A_497] {strides = array<i32>} : memref<16x1024xf32, #tpu.memory_space<vmem>>, vector<1x16xf32>,
        %swap3A_499 = vector.shape_cast %swap3A_498 : vector<1x16xf32> to vector<16xf32>
        %swap3A_500 = vector.shape_cast %add3A_495 : vector<16xf32> to vector<1x16xf32>
        tpu.vector_store %arg8[%swap3A_496, %swap3A_497], %swap3A_500 {strides = array<i32>} : memref<16x1024xf32, #tpu.memory_space<vmem>>, vector<1x16xf32>,
        %get3A_501 = arith.index_cast %scan3A_95 : i32 to index
        %get3A_502 = arith.constant 464 : index
        %get3A_503 = tpu.vector_load %arg8[%get3A_501, %get3A_502] {strides = array<i32>} : memref<16x1024xf32, #tpu.memory_space<vmem>>, vector<1x16xf32>,
        %get3A_504 = vector.shape_cast %get3A_503 : vector<1x16xf32> to vector<16xf32>
        %get3A_505 = arith.index_cast %scan3A_95 : i32 to index
        %get3A_506 = arith.constant 464 : index
        %get3A_507 = tpu.vector_load %arg6[%get3A_505, %get3A_506] {strides = array<i32>} : memref<16x1024xf32, #tpu.memory_space<vmem>>, vector<1x16xf32>,
        %get3A_508 = vector.shape_cast %get3A_507 : vector<1x16xf32> to vector<16xf32>
        %add3A_509 = arith.addf %get3A_504, %get3A_508 : vector<16xf32>
        %swap3A_510 = arith.index_cast %scan3A_95 : i32 to index
        %swap3A_511 = arith.constant 464 : index
        %swap3A_512 = tpu.vector_load %arg8[%swap3A_510, %swap3A_511] {strides = array<i32>} : memref<16x1024xf32, #tpu.memory_space<vmem>>, vector<1x16xf32>,
        %swap3A_513 = vector.shape_cast %swap3A_512 : vector<1x16xf32> to vector<16xf32>
        %swap3A_514 = vector.shape_cast %add3A_509 : vector<16xf32> to vector<1x16xf32>
        tpu.vector_store %arg8[%swap3A_510, %swap3A_511], %swap3A_514 {strides = array<i32>} : memref<16x1024xf32, #tpu.memory_space<vmem>>, vector<1x16xf32>,
        %get3A_515 = arith.index_cast %scan3A_95 : i32 to index
        %get3A_516 = arith.constant 480 : index
        %get3A_517 = tpu.vector_load %arg8[%get3A_515, %get3A_516] {strides = array<i32>} : memref<16x1024xf32, #tpu.memory_space<vmem>>, vector<1x16xf32>,
        %get3A_518 = vector.shape_cast %get3A_517 : vector<1x16xf32> to vector<16xf32>
        %get3A_519 = arith.index_cast %scan3A_95 : i32 to index
        %get3A_520 = arith.constant 480 : index
        %get3A_521 = tpu.vector_load %arg6[%get3A_519, %get3A_520] {strides = array<i32>} : memref<16x1024xf32, #tpu.memory_space<vmem>>, vector<1x16xf32>,
        %get3A_522 = vector.shape_cast %get3A_521 : vector<1x16xf32> to vector<16xf32>
        %add3A_523 = arith.addf %get3A_518, %get3A_522 : vector<16xf32>
        %swap3A_524 = arith.index_cast %scan3A_95 : i32 to index
        %swap3A_525 = arith.constant 480 : index
        %swap3A_526 = tpu.vector_load %arg8[%swap3A_524, %swap3A_525] {strides = array<i32>} : memref<16x1024xf32, #tpu.memory_space<vmem>>, vector<1x16xf32>,
        %swap3A_527 = vector.shape_cast %swap3A_526 : vector<1x16xf32> to vector<16xf32>
        %swap3A_528 = vector.shape_cast %add3A_523 : vector<16xf32> to vector<1x16xf32>
        tpu.vector_store %arg8[%swap3A_524, %swap3A_525], %swap3A_528 {strides = array<i32>} : memref<16x1024xf32, #tpu.memory_space<vmem>>, vector<1x16xf32>,
        %get3A_529 = arith.index_cast %scan3A_95 : i32 to index
        %get3A_530 = arith.constant 496 : index
        %get3A_531 = tpu.vector_load %arg8[%get3A_529, %get3A_530] {strides = array<i32>} : memref<16x1024xf32, #tpu.memory_space<vmem>>, vector<1x16xf32>,
        %get3A_532 = vector.shape_cast %get3A_531 : vector<1x16xf32> to vector<16xf32>
        %get3A_533 = arith.index_cast %scan3A_95 : i32 to index
        %get3A_534 = arith.constant 496 : index
        %get3A_535 = tpu.vector_load %arg6[%get3A_533, %get3A_534] {strides = array<i32>} : memref<16x1024xf32, #tpu.memory_space<vmem>>, vector<1x16xf32>,
        %get3A_536 = vector.shape_cast %get3A_535 : vector<1x16xf32> to vector<16xf32>
        %add3A_537 = arith.addf %get3A_532, %get3A_536 : vector<16xf32>
        %swap3A_538 = arith.index_cast %scan3A_95 : i32 to index
        %swap3A_539 = arith.constant 496 : index
        %swap3A_540 = tpu.vector_load %arg8[%swap3A_538, %swap3A_539] {strides = array<i32>} : memref<16x1024xf32, #tpu.memory_space<vmem>>, vector<1x16xf32>,
        %swap3A_541 = vector.shape_cast %swap3A_540 : vector<1x16xf32> to vector<16xf32>
        %swap3A_542 = vector.shape_cast %add3A_537 : vector<16xf32> to vector<1x16xf32>
        tpu.vector_store %arg8[%swap3A_538, %swap3A_539], %swap3A_542 {strides = array<i32>} : memref<16x1024xf32, #tpu.memory_space<vmem>>, vector<1x16xf32>,
        %get3A_543 = arith.index_cast %scan3A_95 : i32 to index
        %get3A_544 = arith.constant 512 : index
        %get3A_545 = tpu.vector_load %arg8[%get3A_543, %get3A_544] {strides = array<i32>} : memref<16x1024xf32, #tpu.memory_space<vmem>>, vector<1x16xf32>,
        %get3A_546 = vector.shape_cast %get3A_545 : vector<1x16xf32> to vector<16xf32>
        %get3A_547 = arith.index_cast %scan3A_95 : i32 to index
        %get3A_548 = arith.constant 512 : index
        %get3A_549 = tpu.vector_load %arg6[%get3A_547, %get3A_548] {strides = array<i32>} : memref<16x1024xf32, #tpu.memory_space<vmem>>, vector<1x16xf32>,
        %get3A_550 = vector.shape_cast %get3A_549 : vector<1x16xf32> to vector<16xf32>
        %add3A_551 = arith.addf %get3A_546, %get3A_550 : vector<16xf32>
        %swap3A_552 = arith.index_cast %scan3A_95 : i32 to index
        %swap3A_553 = arith.constant 512 : index
        %swap3A_554 = tpu.vector_load %arg8[%swap3A_552, %swap3A_553] {strides = array<i32>} : memref<16x1024xf32, #tpu.memory_space<vmem>>, vector<1x16xf32>,
        %swap3A_555 = vector.shape_cast %swap3A_554 : vector<1x16xf32> to vector<16xf32>
        %swap3A_556 = vector.shape_cast %add3A_551 : vector<16xf32> to vector<1x16xf32>
        tpu.vector_store %arg8[%swap3A_552, %swap3A_553], %swap3A_556 {strides = array<i32>} : memref<16x1024xf32, #tpu.memory_space<vmem>>, vector<1x16xf32>,
        %get3A_557 = arith.index_cast %scan3A_95 : i32 to index
        %get3A_558 = arith.constant 528 : index
        %get3A_559 = tpu.vector_load %arg8[%get3A_557, %get3A_558] {strides = array<i32>} : memref<16x1024xf32, #tpu.memory_space<vmem>>, vector<1x16xf32>,
        %get3A_560 = vector.shape_cast %get3A_559 : vector<1x16xf32> to vector<16xf32>
        %get3A_561 = arith.index_cast %scan3A_95 : i32 to index
        %get3A_562 = arith.constant 528 : index
        %get3A_563 = tpu.vector_load %arg6[%get3A_561, %get3A_562] {strides = array<i32>} : memref<16x1024xf32, #tpu.memory_space<vmem>>, vector<1x16xf32>,
        %get3A_564 = vector.shape_cast %get3A_563 : vector<1x16xf32> to vector<16xf32>
        %add3A_565 = arith.addf %get3A_560, %get3A_564 : vector<16xf32>
        %swap3A_566 = arith.index_cast %scan3A_95 : i32 to index
        %swap3A_567 = arith.constant 528 : index
        %swap3A_568 = tpu.vector_load %arg8[%swap3A_566, %swap3A_567] {strides = array<i32>} : memref<16x1024xf32, #tpu.memory_space<vmem>>, vector<1x16xf32>,
        %swap3A_569 = vector.shape_cast %swap3A_568 : vector<1x16xf32> to vector<16xf32>
        %swap3A_570 = vector.shape_cast %add3A_565 : vector<16xf32> to vector<1x16xf32>
        tpu.vector_store %arg8[%swap3A_566, %swap3A_567], %swap3A_570 {strides = array<i32>} : memref<16x1024xf32, #tpu.memory_space<vmem>>, vector<1x16xf32>,
        %get3A_571 = arith.index_cast %scan3A_95 : i32 to index
        %get3A_572 = arith.constant 544 : index
        %get3A_573 = tpu.vector_load %arg8[%get3A_571, %get3A_572] {strides = array<i32>} : memref<16x1024xf32, #tpu.memory_space<vmem>>, vector<1x16xf32>,
        %get3A_574 = vector.shape_cast %get3A_573 : vector<1x16xf32> to vector<16xf32>
        %get3A_575 = arith.index_cast %scan3A_95 : i32 to index
        %get3A_576 = arith.constant 544 : index
        %get3A_577 = tpu.vector_load %arg6[%get3A_575, %get3A_576] {strides = array<i32>} : memref<16x1024xf32, #tpu.memory_space<vmem>>, vector<1x16xf32>,
        %get3A_578 = vector.shape_cast %get3A_577 : vector<1x16xf32> to vector<16xf32>
        %add3A_579 = arith.addf %get3A_574, %get3A_578 : vector<16xf32>
        %swap3A_580 = arith.index_cast %scan3A_95 : i32 to index
        %swap3A_581 = arith.constant 544 : index
        %swap3A_582 = tpu.vector_load %arg8[%swap3A_580, %swap3A_581] {strides = array<i32>} : memref<16x1024xf32, #tpu.memory_space<vmem>>, vector<1x16xf32>,
        %swap3A_583 = vector.shape_cast %swap3A_582 : vector<1x16xf32> to vector<16xf32>
        %swap3A_584 = vector.shape_cast %add3A_579 : vector<16xf32> to vector<1x16xf32>
        tpu.vector_store %arg8[%swap3A_580, %swap3A_581], %swap3A_584 {strides = array<i32>} : memref<16x1024xf32, #tpu.memory_space<vmem>>, vector<1x16xf32>,
        %get3A_585 = arith.index_cast %scan3A_95 : i32 to index
        %get3A_586 = arith.constant 560 : index
        %get3A_587 = tpu.vector_load %arg8[%get3A_585, %get3A_586] {strides = array<i32>} : memref<16x1024xf32, #tpu.memory_space<vmem>>, vector<1x16xf32>,
        %get3A_588 = vector.shape_cast %get3A_587 : vector<1x16xf32> to vector<16xf32>
        %get3A_589 = arith.index_cast %scan3A_95 : i32 to index
        %get3A_590 = arith.constant 560 : index
        %get3A_591 = tpu.vector_load %arg6[%get3A_589, %get3A_590] {strides = array<i32>} : memref<16x1024xf32, #tpu.memory_space<vmem>>, vector<1x16xf32>,
        %get3A_592 = vector.shape_cast %get3A_591 : vector<1x16xf32> to vector<16xf32>
        %add3A_593 = arith.addf %get3A_588, %get3A_592 : vector<16xf32>
        %swap3A_594 = arith.index_cast %scan3A_95 : i32 to index
        %swap3A_595 = arith.constant 560 : index
        %swap3A_596 = tpu.vector_load %arg8[%swap3A_594, %swap3A_595] {strides = array<i32>} : memref<16x1024xf32, #tpu.memory_space<vmem>>, vector<1x16xf32>,
        %swap3A_597 = vector.shape_cast %swap3A_596 : vector<1x16xf32> to vector<16xf32>
        %swap3A_598 = vector.shape_cast %add3A_593 : vector<16xf32> to vector<1x16xf32>
        tpu.vector_store %arg8[%swap3A_594, %swap3A_595], %swap3A_598 {strides = array<i32>} : memref<16x1024xf32, #tpu.memory_space<vmem>>, vector<1x16xf32>,
        %get3A_599 = arith.index_cast %scan3A_95 : i32 to index
        %get3A_600 = arith.constant 576 : index
        %get3A_601 = tpu.vector_load %arg8[%get3A_599, %get3A_600] {strides = array<i32>} : memref<16x1024xf32, #tpu.memory_space<vmem>>, vector<1x16xf32>,
        %get3A_602 = vector.shape_cast %get3A_601 : vector<1x16xf32> to vector<16xf32>
        %get3A_603 = arith.index_cast %scan3A_95 : i32 to index
        %get3A_604 = arith.constant 576 : index
        %get3A_605 = tpu.vector_load %arg6[%get3A_603, %get3A_604] {strides = array<i32>} : memref<16x1024xf32, #tpu.memory_space<vmem>>, vector<1x16xf32>,
        %get3A_606 = vector.shape_cast %get3A_605 : vector<1x16xf32> to vector<16xf32>
        %add3A_607 = arith.addf %get3A_602, %get3A_606 : vector<16xf32>
        %swap3A_608 = arith.index_cast %scan3A_95 : i32 to index
        %swap3A_609 = arith.constant 576 : index
        %swap3A_610 = tpu.vector_load %arg8[%swap3A_608, %swap3A_609] {strides = array<i32>} : memref<16x1024xf32, #tpu.memory_space<vmem>>, vector<1x16xf32>,
        %swap3A_611 = vector.shape_cast %swap3A_610 : vector<1x16xf32> to vector<16xf32>
        %swap3A_612 = vector.shape_cast %add3A_607 : vector<16xf32> to vector<1x16xf32>
        tpu.vector_store %arg8[%swap3A_608, %swap3A_609], %swap3A_612 {strides = array<i32>} : memref<16x1024xf32, #tpu.memory_space<vmem>>, vector<1x16xf32>,
        %get3A_613 = arith.index_cast %scan3A_95 : i32 to index
        %get3A_614 = arith.constant 592 : index
        %get3A_615 = tpu.vector_load %arg8[%get3A_613, %get3A_614] {strides = array<i32>} : memref<16x1024xf32, #tpu.memory_space<vmem>>, vector<1x16xf32>,
        %get3A_616 = vector.shape_cast %get3A_615 : vector<1x16xf32> to vector<16xf32>
        %get3A_617 = arith.index_cast %scan3A_95 : i32 to index
        %get3A_618 = arith.constant 592 : index
        %get3A_619 = tpu.vector_load %arg6[%get3A_617, %get3A_618] {strides = array<i32>} : memref<16x1024xf32, #tpu.memory_space<vmem>>, vector<1x16xf32>,
        %get3A_620 = vector.shape_cast %get3A_619 : vector<1x16xf32> to vector<16xf32>
        %add3A_621 = arith.addf %get3A_616, %get3A_620 : vector<16xf32>
        %swap3A_622 = arith.index_cast %scan3A_95 : i32 to index
        %swap3A_623 = arith.constant 592 : index
        %swap3A_624 = tpu.vector_load %arg8[%swap3A_622, %swap3A_623] {strides = array<i32>} : memref<16x1024xf32, #tpu.memory_space<vmem>>, vector<1x16xf32>,
        %swap3A_625 = vector.shape_cast %swap3A_624 : vector<1x16xf32> to vector<16xf32>
        %swap3A_626 = vector.shape_cast %add3A_621 : vector<16xf32> to vector<1x16xf32>
        tpu.vector_store %arg8[%swap3A_622, %swap3A_623], %swap3A_626 {strides = array<i32>} : memref<16x1024xf32, #tpu.memory_space<vmem>>, vector<1x16xf32>,
        %get3A_627 = arith.index_cast %scan3A_95 : i32 to index
        %get3A_628 = arith.constant 608 : index
        %get3A_629 = tpu.vector_load %arg8[%get3A_627, %get3A_628] {strides = array<i32>} : memref<16x1024xf32, #tpu.memory_space<vmem>>, vector<1x16xf32>,
        %get3A_630 = vector.shape_cast %get3A_629 : vector<1x16xf32> to vector<16xf32>
        %get3A_631 = arith.index_cast %scan3A_95 : i32 to index
        %get3A_632 = arith.constant 608 : index
        %get3A_633 = tpu.vector_load %arg6[%get3A_631, %get3A_632] {strides = array<i32>} : memref<16x1024xf32, #tpu.memory_space<vmem>>, vector<1x16xf32>,
        %get3A_634 = vector.shape_cast %get3A_633 : vector<1x16xf32> to vector<16xf32>
        %add3A_635 = arith.addf %get3A_630, %get3A_634 : vector<16xf32>
        %swap3A_636 = arith.index_cast %scan3A_95 : i32 to index
        %swap3A_637 = arith.constant 608 : index
        %swap3A_638 = tpu.vector_load %arg8[%swap3A_636, %swap3A_637] {strides = array<i32>} : memref<16x1024xf32, #tpu.memory_space<vmem>>, vector<1x16xf32>,
        %swap3A_639 = vector.shape_cast %swap3A_638 : vector<1x16xf32> to vector<16xf32>
        %swap3A_640 = vector.shape_cast %add3A_635 : vector<16xf32> to vector<1x16xf32>
        tpu.vector_store %arg8[%swap3A_636, %swap3A_637], %swap3A_640 {strides = array<i32>} : memref<16x1024xf32, #tpu.memory_space<vmem>>, vector<1x16xf32>,
        %get3A_641 = arith.index_cast %scan3A_95 : i32 to index
        %get3A_642 = arith.constant 624 : index
        %get3A_643 = tpu.vector_load %arg8[%get3A_641, %get3A_642] {strides = array<i32>} : memref<16x1024xf32, #tpu.memory_space<vmem>>, vector<1x16xf32>,
        %get3A_644 = vector.shape_cast %get3A_643 : vector<1x16xf32> to vector<16xf32>
        %get3A_645 = arith.index_cast %scan3A_95 : i32 to index
        %get3A_646 = arith.constant 624 : index
        %get3A_647 = tpu.vector_load %arg6[%get3A_645, %get3A_646] {strides = array<i32>} : memref<16x1024xf32, #tpu.memory_space<vmem>>, vector<1x16xf32>,
        %get3A_648 = vector.shape_cast %get3A_647 : vector<1x16xf32> to vector<16xf32>
        %add3A_649 = arith.addf %get3A_644, %get3A_648 : vector<16xf32>
        %swap3A_650 = arith.index_cast %scan3A_95 : i32 to index
        %swap3A_651 = arith.constant 624 : index
        %swap3A_652 = tpu.vector_load %arg8[%swap3A_650, %swap3A_651] {strides = array<i32>} : memref<16x1024xf32, #tpu.memory_space<vmem>>, vector<1x16xf32>,
        %swap3A_653 = vector.shape_cast %swap3A_652 : vector<1x16xf32> to vector<16xf32>
        %swap3A_654 = vector.shape_cast %add3A_649 : vector<16xf32> to vector<1x16xf32>
        tpu.vector_store %arg8[%swap3A_650, %swap3A_651], %swap3A_654 {strides = array<i32>} : memref<16x1024xf32, #tpu.memory_space<vmem>>, vector<1x16xf32>,
        %get3A_655 = arith.index_cast %scan3A_95 : i32 to index
        %get3A_656 = arith.constant 640 : index
        %get3A_657 = tpu.vector_load %arg8[%get3A_655, %get3A_656] {strides = array<i32>} : memref<16x1024xf32, #tpu.memory_space<vmem>>, vector<1x16xf32>,
        %get3A_658 = vector.shape_cast %get3A_657 : vector<1x16xf32> to vector<16xf32>
        %get3A_659 = arith.index_cast %scan3A_95 : i32 to index
        %get3A_660 = arith.constant 640 : index
        %get3A_661 = tpu.vector_load %arg6[%get3A_659, %get3A_660] {strides = array<i32>} : memref<16x1024xf32, #tpu.memory_space<vmem>>, vector<1x16xf32>,
        %get3A_662 = vector.shape_cast %get3A_661 : vector<1x16xf32> to vector<16xf32>
        %add3A_663 = arith.addf %get3A_658, %get3A_662 : vector<16xf32>
        %swap3A_664 = arith.index_cast %scan3A_95 : i32 to index
        %swap3A_665 = arith.constant 640 : index
        %swap3A_666 = tpu.vector_load %arg8[%swap3A_664, %swap3A_665] {strides = array<i32>} : memref<16x1024xf32, #tpu.memory_space<vmem>>, vector<1x16xf32>,
        %swap3A_667 = vector.shape_cast %swap3A_666 : vector<1x16xf32> to vector<16xf32>
        %swap3A_668 = vector.shape_cast %add3A_663 : vector<16xf32> to vector<1x16xf32>
        tpu.vector_store %arg8[%swap3A_664, %swap3A_665], %swap3A_668 {strides = array<i32>} : memref<16x1024xf32, #tpu.memory_space<vmem>>, vector<1x16xf32>,
        %get3A_669 = arith.index_cast %scan3A_95 : i32 to index
        %get3A_670 = arith.constant 656 : index
        %get3A_671 = tpu.vector_load %arg8[%get3A_669, %get3A_670] {strides = array<i32>} : memref<16x1024xf32, #tpu.memory_space<vmem>>, vector<1x16xf32>,
        %get3A_672 = vector.shape_cast %get3A_671 : vector<1x16xf32> to vector<16xf32>
        %get3A_673 = arith.index_cast %scan3A_95 : i32 to index
        %get3A_674 = arith.constant 656 : index
        %get3A_675 = tpu.vector_load %arg6[%get3A_673, %get3A_674] {strides = array<i32>} : memref<16x1024xf32, #tpu.memory_space<vmem>>, vector<1x16xf32>,
        %get3A_676 = vector.shape_cast %get3A_675 : vector<1x16xf32> to vector<16xf32>
        %add3A_677 = arith.addf %get3A_672, %get3A_676 : vector<16xf32>
        %swap3A_678 = arith.index_cast %scan3A_95 : i32 to index
        %swap3A_679 = arith.constant 656 : index
        %swap3A_680 = tpu.vector_load %arg8[%swap3A_678, %swap3A_679] {strides = array<i32>} : memref<16x1024xf32, #tpu.memory_space<vmem>>, vector<1x16xf32>,
        %swap3A_681 = vector.shape_cast %swap3A_680 : vector<1x16xf32> to vector<16xf32>
        %swap3A_682 = vector.shape_cast %add3A_677 : vector<16xf32> to vector<1x16xf32>
        tpu.vector_store %arg8[%swap3A_678, %swap3A_679], %swap3A_682 {strides = array<i32>} : memref<16x1024xf32, #tpu.memory_space<vmem>>, vector<1x16xf32>,
        %get3A_683 = arith.index_cast %scan3A_95 : i32 to index
        %get3A_684 = arith.constant 672 : index
        %get3A_685 = tpu.vector_load %arg8[%get3A_683, %get3A_684] {strides = array<i32>} : memref<16x1024xf32, #tpu.memory_space<vmem>>, vector<1x16xf32>,
        %get3A_686 = vector.shape_cast %get3A_685 : vector<1x16xf32> to vector<16xf32>
        %get3A_687 = arith.index_cast %scan3A_95 : i32 to index
        %get3A_688 = arith.constant 672 : index
        %get3A_689 = tpu.vector_load %arg6[%get3A_687, %get3A_688] {strides = array<i32>} : memref<16x1024xf32, #tpu.memory_space<vmem>>, vector<1x16xf32>,
        %get3A_690 = vector.shape_cast %get3A_689 : vector<1x16xf32> to vector<16xf32>
        %add3A_691 = arith.addf %get3A_686, %get3A_690 : vector<16xf32>
        %swap3A_692 = arith.index_cast %scan3A_95 : i32 to index
        %swap3A_693 = arith.constant 672 : index
        %swap3A_694 = tpu.vector_load %arg8[%swap3A_692, %swap3A_693] {strides = array<i32>} : memref<16x1024xf32, #tpu.memory_space<vmem>>, vector<1x16xf32>,
        %swap3A_695 = vector.shape_cast %swap3A_694 : vector<1x16xf32> to vector<16xf32>
        %swap3A_696 = vector.shape_cast %add3A_691 : vector<16xf32> to vector<1x16xf32>
        tpu.vector_store %arg8[%swap3A_692, %swap3A_693], %swap3A_696 {strides = array<i32>} : memref<16x1024xf32, #tpu.memory_space<vmem>>, vector<1x16xf32>,
        %get3A_697 = arith.index_cast %scan3A_95 : i32 to index
        %get3A_698 = arith.constant 688 : index
        %get3A_699 = tpu.vector_load %arg8[%get3A_697, %get3A_698] {strides = array<i32>} : memref<16x1024xf32, #tpu.memory_space<vmem>>, vector<1x16xf32>,
        %get3A_700 = vector.shape_cast %get3A_699 : vector<1x16xf32> to vector<16xf32>
        %get3A_701 = arith.index_cast %scan3A_95 : i32 to index
        %get3A_702 = arith.constant 688 : index
        %get3A_703 = tpu.vector_load %arg6[%get3A_701, %get3A_702] {strides = array<i32>} : memref<16x1024xf32, #tpu.memory_space<vmem>>, vector<1x16xf32>,
        %get3A_704 = vector.shape_cast %get3A_703 : vector<1x16xf32> to vector<16xf32>
        %add3A_705 = arith.addf %get3A_700, %get3A_704 : vector<16xf32>
        %swap3A_706 = arith.index_cast %scan3A_95 : i32 to index
        %swap3A_707 = arith.constant 688 : index
        %swap3A_708 = tpu.vector_load %arg8[%swap3A_706, %swap3A_707] {strides = array<i32>} : memref<16x1024xf32, #tpu.memory_space<vmem>>, vector<1x16xf32>,
        %swap3A_709 = vector.shape_cast %swap3A_708 : vector<1x16xf32> to vector<16xf32>
        %swap3A_710 = vector.shape_cast %add3A_705 : vector<16xf32> to vector<1x16xf32>
        tpu.vector_store %arg8[%swap3A_706, %swap3A_707], %swap3A_710 {strides = array<i32>} : memref<16x1024xf32, #tpu.memory_space<vmem>>, vector<1x16xf32>,
        %get3A_711 = arith.index_cast %scan3A_95 : i32 to index
        %get3A_712 = arith.constant 704 : index
        %get3A_713 = tpu.vector_load %arg8[%get3A_711, %get3A_712] {strides = array<i32>} : memref<16x1024xf32, #tpu.memory_space<vmem>>, vector<1x16xf32>,
        %get3A_714 = vector.shape_cast %get3A_713 : vector<1x16xf32> to vector<16xf32>
        %get3A_715 = arith.index_cast %scan3A_95 : i32 to index
        %get3A_716 = arith.constant 704 : index
        %get3A_717 = tpu.vector_load %arg6[%get3A_715, %get3A_716] {strides = array<i32>} : memref<16x1024xf32, #tpu.memory_space<vmem>>, vector<1x16xf32>,
        %get3A_718 = vector.shape_cast %get3A_717 : vector<1x16xf32> to vector<16xf32>
        %add3A_719 = arith.addf %get3A_714, %get3A_718 : vector<16xf32>
        %swap3A_720 = arith.index_cast %scan3A_95 : i32 to index
        %swap3A_721 = arith.constant 704 : index
        %swap3A_722 = tpu.vector_load %arg8[%swap3A_720, %swap3A_721] {strides = array<i32>} : memref<16x1024xf32, #tpu.memory_space<vmem>>, vector<1x16xf32>,
        %swap3A_723 = vector.shape_cast %swap3A_722 : vector<1x16xf32> to vector<16xf32>
        %swap3A_724 = vector.shape_cast %add3A_719 : vector<16xf32> to vector<1x16xf32>
        tpu.vector_store %arg8[%swap3A_720, %swap3A_721], %swap3A_724 {strides = array<i32>} : memref<16x1024xf32, #tpu.memory_space<vmem>>, vector<1x16xf32>,
        %get3A_725 = arith.index_cast %scan3A_95 : i32 to index
        %get3A_726 = arith.constant 720 : index
        %get3A_727 = tpu.vector_load %arg8[%get3A_725, %get3A_726] {strides = array<i32>} : memref<16x1024xf32, #tpu.memory_space<vmem>>, vector<1x16xf32>,
        %get3A_728 = vector.shape_cast %get3A_727 : vector<1x16xf32> to vector<16xf32>
        %get3A_729 = arith.index_cast %scan3A_95 : i32 to index
        %get3A_730 = arith.constant 720 : index
        %get3A_731 = tpu.vector_load %arg6[%get3A_729, %get3A_730] {strides = array<i32>} : memref<16x1024xf32, #tpu.memory_space<vmem>>, vector<1x16xf32>,
        %get3A_732 = vector.shape_cast %get3A_731 : vector<1x16xf32> to vector<16xf32>
        %add3A_733 = arith.addf %get3A_728, %get3A_732 : vector<16xf32>
        %swap3A_734 = arith.index_cast %scan3A_95 : i32 to index
        %swap3A_735 = arith.constant 720 : index
        %swap3A_736 = tpu.vector_load %arg8[%swap3A_734, %swap3A_735] {strides = array<i32>} : memref<16x1024xf32, #tpu.memory_space<vmem>>, vector<1x16xf32>,
        %swap3A_737 = vector.shape_cast %swap3A_736 : vector<1x16xf32> to vector<16xf32>
        %swap3A_738 = vector.shape_cast %add3A_733 : vector<16xf32> to vector<1x16xf32>
        tpu.vector_store %arg8[%swap3A_734, %swap3A_735], %swap3A_738 {strides = array<i32>} : memref<16x1024xf32, #tpu.memory_space<vmem>>, vector<1x16xf32>,
        %get3A_739 = arith.index_cast %scan3A_95 : i32 to index
        %get3A_740 = arith.constant 736 : index
        %get3A_741 = tpu.vector_load %arg8[%get3A_739, %get3A_740] {strides = array<i32>} : memref<16x1024xf32, #tpu.memory_space<vmem>>, vector<1x16xf32>,
        %get3A_742 = vector.shape_cast %get3A_741 : vector<1x16xf32> to vector<16xf32>
        %get3A_743 = arith.index_cast %scan3A_95 : i32 to index
        %get3A_744 = arith.constant 736 : index
        %get3A_745 = tpu.vector_load %arg6[%get3A_743, %get3A_744] {strides = array<i32>} : memref<16x1024xf32, #tpu.memory_space<vmem>>, vector<1x16xf32>,
        %get3A_746 = vector.shape_cast %get3A_745 : vector<1x16xf32> to vector<16xf32>
        %add3A_747 = arith.addf %get3A_742, %get3A_746 : vector<16xf32>
        %swap3A_748 = arith.index_cast %scan3A_95 : i32 to index
        %swap3A_749 = arith.constant 736 : index
        %swap3A_750 = tpu.vector_load %arg8[%swap3A_748, %swap3A_749] {strides = array<i32>} : memref<16x1024xf32, #tpu.memory_space<vmem>>, vector<1x16xf32>,
        %swap3A_751 = vector.shape_cast %swap3A_750 : vector<1x16xf32> to vector<16xf32>
        %swap3A_752 = vector.shape_cast %add3A_747 : vector<16xf32> to vector<1x16xf32>
        tpu.vector_store %arg8[%swap3A_748, %swap3A_749], %swap3A_752 {strides = array<i32>} : memref<16x1024xf32, #tpu.memory_space<vmem>>, vector<1x16xf32>,
        %get3A_753 = arith.index_cast %scan3A_95 : i32 to index
        %get3A_754 = arith.constant 752 : index
        %get3A_755 = tpu.vector_load %arg8[%get3A_753, %get3A_754] {strides = array<i32>} : memref<16x1024xf32, #tpu.memory_space<vmem>>, vector<1x16xf32>,
        %get3A_756 = vector.shape_cast %get3A_755 : vector<1x16xf32> to vector<16xf32>
        %get3A_757 = arith.index_cast %scan3A_95 : i32 to index
        %get3A_758 = arith.constant 752 : index
        %get3A_759 = tpu.vector_load %arg6[%get3A_757, %get3A_758] {strides = array<i32>} : memref<16x1024xf32, #tpu.memory_space<vmem>>, vector<1x16xf32>,
        %get3A_760 = vector.shape_cast %get3A_759 : vector<1x16xf32> to vector<16xf32>
        %add3A_761 = arith.addf %get3A_756, %get3A_760 : vector<16xf32>
        %swap3A_762 = arith.index_cast %scan3A_95 : i32 to index
        %swap3A_763 = arith.constant 752 : index
        %swap3A_764 = tpu.vector_load %arg8[%swap3A_762, %swap3A_763] {strides = array<i32>} : memref<16x1024xf32, #tpu.memory_space<vmem>>, vector<1x16xf32>,
        %swap3A_765 = vector.shape_cast %swap3A_764 : vector<1x16xf32> to vector<16xf32>
        %swap3A_766 = vector.shape_cast %add3A_761 : vector<16xf32> to vector<1x16xf32>
        tpu.vector_store %arg8[%swap3A_762, %swap3A_763], %swap3A_766 {strides = array<i32>} : memref<16x1024xf32, #tpu.memory_space<vmem>>, vector<1x16xf32>,
        %get3A_767 = arith.index_cast %scan3A_95 : i32 to index
        %get3A_768 = arith.constant 768 : index
        %get3A_769 = tpu.vector_load %arg8[%get3A_767, %get3A_768] {strides = array<i32>} : memref<16x1024xf32, #tpu.memory_space<vmem>>, vector<1x16xf32>,
        %get3A_770 = vector.shape_cast %get3A_769 : vector<1x16xf32> to vector<16xf32>
        %get3A_771 = arith.index_cast %scan3A_95 : i32 to index
        %get3A_772 = arith.constant 768 : index
        %get3A_773 = tpu.vector_load %arg6[%get3A_771, %get3A_772] {strides = array<i32>} : memref<16x1024xf32, #tpu.memory_space<vmem>>, vector<1x16xf32>,
        %get3A_774 = vector.shape_cast %get3A_773 : vector<1x16xf32> to vector<16xf32>
        %add3A_775 = arith.addf %get3A_770, %get3A_774 : vector<16xf32>
        %swap3A_776 = arith.index_cast %scan3A_95 : i32 to index
        %swap3A_777 = arith.constant 768 : index
        %swap3A_778 = tpu.vector_load %arg8[%swap3A_776, %swap3A_777] {strides = array<i32>} : memref<16x1024xf32, #tpu.memory_space<vmem>>, vector<1x16xf32>,
        %swap3A_779 = vector.shape_cast %swap3A_778 : vector<1x16xf32> to vector<16xf32>
        %swap3A_780 = vector.shape_cast %add3A_775 : vector<16xf32> to vector<1x16xf32>
        tpu.vector_store %arg8[%swap3A_776, %swap3A_777], %swap3A_780 {strides = array<i32>} : memref<16x1024xf32, #tpu.memory_space<vmem>>, vector<1x16xf32>,
        %get3A_781 = arith.index_cast %scan3A_95 : i32 to index
        %get3A_782 = arith.constant 784 : index
        %get3A_783 = tpu.vector_load %arg8[%get3A_781, %get3A_782] {strides = array<i32>} : memref<16x1024xf32, #tpu.memory_space<vmem>>, vector<1x16xf32>,
        %get3A_784 = vector.shape_cast %get3A_783 : vector<1x16xf32> to vector<16xf32>
        %get3A_785 = arith.index_cast %scan3A_95 : i32 to index
        %get3A_786 = arith.constant 784 : index
        %get3A_787 = tpu.vector_load %arg6[%get3A_785, %get3A_786] {strides = array<i32>} : memref<16x1024xf32, #tpu.memory_space<vmem>>, vector<1x16xf32>,
        %get3A_788 = vector.shape_cast %get3A_787 : vector<1x16xf32> to vector<16xf32>
        %add3A_789 = arith.addf %get3A_784, %get3A_788 : vector<16xf32>
        %swap3A_790 = arith.index_cast %scan3A_95 : i32 to index
        %swap3A_791 = arith.constant 784 : index
        %swap3A_792 = tpu.vector_load %arg8[%swap3A_790, %swap3A_791] {strides = array<i32>} : memref<16x1024xf32, #tpu.memory_space<vmem>>, vector<1x16xf32>,
        %swap3A_793 = vector.shape_cast %swap3A_792 : vector<1x16xf32> to vector<16xf32>
        %swap3A_794 = vector.shape_cast %add3A_789 : vector<16xf32> to vector<1x16xf32>
        tpu.vector_store %arg8[%swap3A_790, %swap3A_791], %swap3A_794 {strides = array<i32>} : memref<16x1024xf32, #tpu.memory_space<vmem>>, vector<1x16xf32>,
        %get3A_795 = arith.index_cast %scan3A_95 : i32 to index
        %get3A_796 = arith.constant 800 : index
        %get3A_797 = tpu.vector_load %arg8[%get3A_795, %get3A_796] {strides = array<i32>} : memref<16x1024xf32, #tpu.memory_space<vmem>>, vector<1x16xf32>,
        %get3A_798 = vector.shape_cast %get3A_797 : vector<1x16xf32> to vector<16xf32>
        %get3A_799 = arith.index_cast %scan3A_95 : i32 to index
        %get3A_800 = arith.constant 800 : index
        %get3A_801 = tpu.vector_load %arg6[%get3A_799, %get3A_800] {strides = array<i32>} : memref<16x1024xf32, #tpu.memory_space<vmem>>, vector<1x16xf32>,
        %get3A_802 = vector.shape_cast %get3A_801 : vector<1x16xf32> to vector<16xf32>
        %add3A_803 = arith.addf %get3A_798, %get3A_802 : vector<16xf32>
        %swap3A_804 = arith.index_cast %scan3A_95 : i32 to index
        %swap3A_805 = arith.constant 800 : index
        %swap3A_806 = tpu.vector_load %arg8[%swap3A_804, %swap3A_805] {strides = array<i32>} : memref<16x1024xf32, #tpu.memory_space<vmem>>, vector<1x16xf32>,
        %swap3A_807 = vector.shape_cast %swap3A_806 : vector<1x16xf32> to vector<16xf32>
        %swap3A_808 = vector.shape_cast %add3A_803 : vector<16xf32> to vector<1x16xf32>
        tpu.vector_store %arg8[%swap3A_804, %swap3A_805], %swap3A_808 {strides = array<i32>} : memref<16x1024xf32, #tpu.memory_space<vmem>>, vector<1x16xf32>,
        %get3A_809 = arith.index_cast %scan3A_95 : i32 to index
        %get3A_810 = arith.constant 816 : index
        %get3A_811 = tpu.vector_load %arg8[%get3A_809, %get3A_810] {strides = array<i32>} : memref<16x1024xf32, #tpu.memory_space<vmem>>, vector<1x16xf32>,
        %get3A_812 = vector.shape_cast %get3A_811 : vector<1x16xf32> to vector<16xf32>
        %get3A_813 = arith.index_cast %scan3A_95 : i32 to index
        %get3A_814 = arith.constant 816 : index
        %get3A_815 = tpu.vector_load %arg6[%get3A_813, %get3A_814] {strides = array<i32>} : memref<16x1024xf32, #tpu.memory_space<vmem>>, vector<1x16xf32>,
        %get3A_816 = vector.shape_cast %get3A_815 : vector<1x16xf32> to vector<16xf32>
        %add3A_817 = arith.addf %get3A_812, %get3A_816 : vector<16xf32>
        %swap3A_818 = arith.index_cast %scan3A_95 : i32 to index
        %swap3A_819 = arith.constant 816 : index
        %swap3A_820 = tpu.vector_load %arg8[%swap3A_818, %swap3A_819] {strides = array<i32>} : memref<16x1024xf32, #tpu.memory_space<vmem>>, vector<1x16xf32>,
        %swap3A_821 = vector.shape_cast %swap3A_820 : vector<1x16xf32> to vector<16xf32>
        %swap3A_822 = vector.shape_cast %add3A_817 : vector<16xf32> to vector<1x16xf32>
        tpu.vector_store %arg8[%swap3A_818, %swap3A_819], %swap3A_822 {strides = array<i32>} : memref<16x1024xf32, #tpu.memory_space<vmem>>, vector<1x16xf32>,
        %get3A_823 = arith.index_cast %scan3A_95 : i32 to index
        %get3A_824 = arith.constant 832 : index
        %get3A_825 = tpu.vector_load %arg8[%get3A_823, %get3A_824] {strides = array<i32>} : memref<16x1024xf32, #tpu.memory_space<vmem>>, vector<1x16xf32>,
        %get3A_826 = vector.shape_cast %get3A_825 : vector<1x16xf32> to vector<16xf32>
        %get3A_827 = arith.index_cast %scan3A_95 : i32 to index
        %get3A_828 = arith.constant 832 : index
        %get3A_829 = tpu.vector_load %arg6[%get3A_827, %get3A_828] {strides = array<i32>} : memref<16x1024xf32, #tpu.memory_space<vmem>>, vector<1x16xf32>,
        %get3A_830 = vector.shape_cast %get3A_829 : vector<1x16xf32> to vector<16xf32>
        %add3A_831 = arith.addf %get3A_826, %get3A_830 : vector<16xf32>
        %swap3A_832 = arith.index_cast %scan3A_95 : i32 to index
        %swap3A_833 = arith.constant 832 : index
        %swap3A_834 = tpu.vector_load %arg8[%swap3A_832, %swap3A_833] {strides = array<i32>} : memref<16x1024xf32, #tpu.memory_space<vmem>>, vector<1x16xf32>,
        %swap3A_835 = vector.shape_cast %swap3A_834 : vector<1x16xf32> to vector<16xf32>
        %swap3A_836 = vector.shape_cast %add3A_831 : vector<16xf32> to vector<1x16xf32>
        tpu.vector_store %arg8[%swap3A_832, %swap3A_833], %swap3A_836 {strides = array<i32>} : memref<16x1024xf32, #tpu.memory_space<vmem>>, vector<1x16xf32>,
        %get3A_837 = arith.index_cast %scan3A_95 : i32 to index
        %get3A_838 = arith.constant 848 : index
        %get3A_839 = tpu.vector_load %arg8[%get3A_837, %get3A_838] {strides = array<i32>} : memref<16x1024xf32, #tpu.memory_space<vmem>>, vector<1x16xf32>,
        %get3A_840 = vector.shape_cast %get3A_839 : vector<1x16xf32> to vector<16xf32>
        %get3A_841 = arith.index_cast %scan3A_95 : i32 to index
        %get3A_842 = arith.constant 848 : index
        %get3A_843 = tpu.vector_load %arg6[%get3A_841, %get3A_842] {strides = array<i32>} : memref<16x1024xf32, #tpu.memory_space<vmem>>, vector<1x16xf32>,
        %get3A_844 = vector.shape_cast %get3A_843 : vector<1x16xf32> to vector<16xf32>
        %add3A_845 = arith.addf %get3A_840, %get3A_844 : vector<16xf32>
        %swap3A_846 = arith.index_cast %scan3A_95 : i32 to index
        %swap3A_847 = arith.constant 848 : index
        %swap3A_848 = tpu.vector_load %arg8[%swap3A_846, %swap3A_847] {strides = array<i32>} : memref<16x1024xf32, #tpu.memory_space<vmem>>, vector<1x16xf32>,
        %swap3A_849 = vector.shape_cast %swap3A_848 : vector<1x16xf32> to vector<16xf32>
        %swap3A_850 = vector.shape_cast %add3A_845 : vector<16xf32> to vector<1x16xf32>
        tpu.vector_store %arg8[%swap3A_846, %swap3A_847], %swap3A_850 {strides = array<i32>} : memref<16x1024xf32, #tpu.memory_space<vmem>>, vector<1x16xf32>,
        %get3A_851 = arith.index_cast %scan3A_95 : i32 to index
        %get3A_852 = arith.constant 864 : index
        %get3A_853 = tpu.vector_load %arg8[%get3A_851, %get3A_852] {strides = array<i32>} : memref<16x1024xf32, #tpu.memory_space<vmem>>, vector<1x16xf32>,
        %get3A_854 = vector.shape_cast %get3A_853 : vector<1x16xf32> to vector<16xf32>
        %get3A_855 = arith.index_cast %scan3A_95 : i32 to index
        %get3A_856 = arith.constant 864 : index
        %get3A_857 = tpu.vector_load %arg6[%get3A_855, %get3A_856] {strides = array<i32>} : memref<16x1024xf32, #tpu.memory_space<vmem>>, vector<1x16xf32>,
        %get3A_858 = vector.shape_cast %get3A_857 : vector<1x16xf32> to vector<16xf32>
        %add3A_859 = arith.addf %get3A_854, %get3A_858 : vector<16xf32>
        %swap3A_860 = arith.index_cast %scan3A_95 : i32 to index
        %swap3A_861 = arith.constant 864 : index
        %swap3A_862 = tpu.vector_load %arg8[%swap3A_860, %swap3A_861] {strides = array<i32>} : memref<16x1024xf32, #tpu.memory_space<vmem>>, vector<1x16xf32>,
        %swap3A_863 = vector.shape_cast %swap3A_862 : vector<1x16xf32> to vector<16xf32>
        %swap3A_864 = vector.shape_cast %add3A_859 : vector<16xf32> to vector<1x16xf32>
        tpu.vector_store %arg8[%swap3A_860, %swap3A_861], %swap3A_864 {strides = array<i32>} : memref<16x1024xf32, #tpu.memory_space<vmem>>, vector<1x16xf32>,
        %get3A_865 = arith.index_cast %scan3A_95 : i32 to index
        %get3A_866 = arith.constant 880 : index
        %get3A_867 = tpu.vector_load %arg8[%get3A_865, %get3A_866] {strides = array<i32>} : memref<16x1024xf32, #tpu.memory_space<vmem>>, vector<1x16xf32>,
        %get3A_868 = vector.shape_cast %get3A_867 : vector<1x16xf32> to vector<16xf32>
        %get3A_869 = arith.index_cast %scan3A_95 : i32 to index
        %get3A_870 = arith.constant 880 : index
        %get3A_871 = tpu.vector_load %arg6[%get3A_869, %get3A_870] {strides = array<i32>} : memref<16x1024xf32, #tpu.memory_space<vmem>>, vector<1x16xf32>,
        %get3A_872 = vector.shape_cast %get3A_871 : vector<1x16xf32> to vector<16xf32>
        %add3A_873 = arith.addf %get3A_868, %get3A_872 : vector<16xf32>
        %swap3A_874 = arith.index_cast %scan3A_95 : i32 to index
        %swap3A_875 = arith.constant 880 : index
        %swap3A_876 = tpu.vector_load %arg8[%swap3A_874, %swap3A_875] {strides = array<i32>} : memref<16x1024xf32, #tpu.memory_space<vmem>>, vector<1x16xf32>,
        %swap3A_877 = vector.shape_cast %swap3A_876 : vector<1x16xf32> to vector<16xf32>
        %swap3A_878 = vector.shape_cast %add3A_873 : vector<16xf32> to vector<1x16xf32>
        tpu.vector_store %arg8[%swap3A_874, %swap3A_875], %swap3A_878 {strides = array<i32>} : memref<16x1024xf32, #tpu.memory_space<vmem>>, vector<1x16xf32>,
        %get3A_879 = arith.index_cast %scan3A_95 : i32 to index
        %get3A_880 = arith.constant 896 : index
        %get3A_881 = tpu.vector_load %arg8[%get3A_879, %get3A_880] {strides = array<i32>} : memref<16x1024xf32, #tpu.memory_space<vmem>>, vector<1x16xf32>,
        %get3A_882 = vector.shape_cast %get3A_881 : vector<1x16xf32> to vector<16xf32>
        %get3A_883 = arith.index_cast %scan3A_95 : i32 to index
        %get3A_884 = arith.constant 896 : index
        %get3A_885 = tpu.vector_load %arg6[%get3A_883, %get3A_884] {strides = array<i32>} : memref<16x1024xf32, #tpu.memory_space<vmem>>, vector<1x16xf32>,
        %get3A_886 = vector.shape_cast %get3A_885 : vector<1x16xf32> to vector<16xf32>
        %add3A_887 = arith.addf %get3A_882, %get3A_886 : vector<16xf32>
        %swap3A_888 = arith.index_cast %scan3A_95 : i32 to index
        %swap3A_889 = arith.constant 896 : index
        %swap3A_890 = tpu.vector_load %arg8[%swap3A_888, %swap3A_889] {strides = array<i32>} : memref<16x1024xf32, #tpu.memory_space<vmem>>, vector<1x16xf32>,
        %swap3A_891 = vector.shape_cast %swap3A_890 : vector<1x16xf32> to vector<16xf32>
        %swap3A_892 = vector.shape_cast %add3A_887 : vector<16xf32> to vector<1x16xf32>
        tpu.vector_store %arg8[%swap3A_888, %swap3A_889], %swap3A_892 {strides = array<i32>} : memref<16x1024xf32, #tpu.memory_space<vmem>>, vector<1x16xf32>,
        %get3A_893 = arith.index_cast %scan3A_95 : i32 to index
        %get3A_894 = arith.constant 912 : index
        %get3A_895 = tpu.vector_load %arg8[%get3A_893, %get3A_894] {strides = array<i32>} : memref<16x1024xf32, #tpu.memory_space<vmem>>, vector<1x16xf32>,
        %get3A_896 = vector.shape_cast %get3A_895 : vector<1x16xf32> to vector<16xf32>
        %get3A_897 = arith.index_cast %scan3A_95 : i32 to index
        %get3A_898 = arith.constant 912 : index
        %get3A_899 = tpu.vector_load %arg6[%get3A_897, %get3A_898] {strides = array<i32>} : memref<16x1024xf32, #tpu.memory_space<vmem>>, vector<1x16xf32>,
        %get3A_900 = vector.shape_cast %get3A_899 : vector<1x16xf32> to vector<16xf32>
        %add3A_901 = arith.addf %get3A_896, %get3A_900 : vector<16xf32>
        %swap3A_902 = arith.index_cast %scan3A_95 : i32 to index
        %swap3A_903 = arith.constant 912 : index
        %swap3A_904 = tpu.vector_load %arg8[%swap3A_902, %swap3A_903] {strides = array<i32>} : memref<16x1024xf32, #tpu.memory_space<vmem>>, vector<1x16xf32>,
        %swap3A_905 = vector.shape_cast %swap3A_904 : vector<1x16xf32> to vector<16xf32>
        %swap3A_906 = vector.shape_cast %add3A_901 : vector<16xf32> to vector<1x16xf32>
        tpu.vector_store %arg8[%swap3A_902, %swap3A_903], %swap3A_906 {strides = array<i32>} : memref<16x1024xf32, #tpu.memory_space<vmem>>, vector<1x16xf32>,
        %get3A_907 = arith.index_cast %scan3A_95 : i32 to index
        %get3A_908 = arith.constant 928 : index
        %get3A_909 = tpu.vector_load %arg8[%get3A_907, %get3A_908] {strides = array<i32>} : memref<16x1024xf32, #tpu.memory_space<vmem>>, vector<1x16xf32>,
        %get3A_910 = vector.shape_cast %get3A_909 : vector<1x16xf32> to vector<16xf32>
        %get3A_911 = arith.index_cast %scan3A_95 : i32 to index
        %get3A_912 = arith.constant 928 : index
        %get3A_913 = tpu.vector_load %arg6[%get3A_911, %get3A_912] {strides = array<i32>} : memref<16x1024xf32, #tpu.memory_space<vmem>>, vector<1x16xf32>,
        %get3A_914 = vector.shape_cast %get3A_913 : vector<1x16xf32> to vector<16xf32>
        %add3A_915 = arith.addf %get3A_910, %get3A_914 : vector<16xf32>
        %swap3A_916 = arith.index_cast %scan3A_95 : i32 to index
        %swap3A_917 = arith.constant 928 : index
        %swap3A_918 = tpu.vector_load %arg8[%swap3A_916, %swap3A_917] {strides = array<i32>} : memref<16x1024xf32, #tpu.memory_space<vmem>>, vector<1x16xf32>,
        %swap3A_919 = vector.shape_cast %swap3A_918 : vector<1x16xf32> to vector<16xf32>
        %swap3A_920 = vector.shape_cast %add3A_915 : vector<16xf32> to vector<1x16xf32>
        tpu.vector_store %arg8[%swap3A_916, %swap3A_917], %swap3A_920 {strides = array<i32>} : memref<16x1024xf32, #tpu.memory_space<vmem>>, vector<1x16xf32>,
        %get3A_921 = arith.index_cast %scan3A_95 : i32 to index
        %get3A_922 = arith.constant 944 : index
        %get3A_923 = tpu.vector_load %arg8[%get3A_921, %get3A_922] {strides = array<i32>} : memref<16x1024xf32, #tpu.memory_space<vmem>>, vector<1x16xf32>,
        %get3A_924 = vector.shape_cast %get3A_923 : vector<1x16xf32> to vector<16xf32>
        %get3A_925 = arith.index_cast %scan3A_95 : i32 to index
        %get3A_926 = arith.constant 944 : index
        %get3A_927 = tpu.vector_load %arg6[%get3A_925, %get3A_926] {strides = array<i32>} : memref<16x1024xf32, #tpu.memory_space<vmem>>, vector<1x16xf32>,
        %get3A_928 = vector.shape_cast %get3A_927 : vector<1x16xf32> to vector<16xf32>
        %add3A_929 = arith.addf %get3A_924, %get3A_928 : vector<16xf32>
        %swap3A_930 = arith.index_cast %scan3A_95 : i32 to index
        %swap3A_931 = arith.constant 944 : index
        %swap3A_932 = tpu.vector_load %arg8[%swap3A_930, %swap3A_931] {strides = array<i32>} : memref<16x1024xf32, #tpu.memory_space<vmem>>, vector<1x16xf32>,
        %swap3A_933 = vector.shape_cast %swap3A_932 : vector<1x16xf32> to vector<16xf32>
        %swap3A_934 = vector.shape_cast %add3A_929 : vector<16xf32> to vector<1x16xf32>
        tpu.vector_store %arg8[%swap3A_930, %swap3A_931], %swap3A_934 {strides = array<i32>} : memref<16x1024xf32, #tpu.memory_space<vmem>>, vector<1x16xf32>,
        %get3A_935 = arith.index_cast %scan3A_95 : i32 to index
        %get3A_936 = arith.constant 960 : index
        %get3A_937 = tpu.vector_load %arg8[%get3A_935, %get3A_936] {strides = array<i32>} : memref<16x1024xf32, #tpu.memory_space<vmem>>, vector<1x16xf32>,
        %get3A_938 = vector.shape_cast %get3A_937 : vector<1x16xf32> to vector<16xf32>
        %get3A_939 = arith.index_cast %scan3A_95 : i32 to index
        %get3A_940 = arith.constant 960 : index
        %get3A_941 = tpu.vector_load %arg6[%get3A_939, %get3A_940] {strides = array<i32>} : memref<16x1024xf32, #tpu.memory_space<vmem>>, vector<1x16xf32>,
        %get3A_942 = vector.shape_cast %get3A_941 : vector<1x16xf32> to vector<16xf32>
        %add3A_943 = arith.addf %get3A_938, %get3A_942 : vector<16xf32>
        %swap3A_944 = arith.index_cast %scan3A_95 : i32 to index
        %swap3A_945 = arith.constant 960 : index
        %swap3A_946 = tpu.vector_load %arg8[%swap3A_944, %swap3A_945] {strides = array<i32>} : memref<16x1024xf32, #tpu.memory_space<vmem>>, vector<1x16xf32>,
        %swap3A_947 = vector.shape_cast %swap3A_946 : vector<1x16xf32> to vector<16xf32>
        %swap3A_948 = vector.shape_cast %add3A_943 : vector<16xf32> to vector<1x16xf32>
        tpu.vector_store %arg8[%swap3A_944, %swap3A_945], %swap3A_948 {strides = array<i32>} : memref<16x1024xf32, #tpu.memory_space<vmem>>, vector<1x16xf32>,
        %get3A_949 = arith.index_cast %scan3A_95 : i32 to index
        %get3A_950 = arith.constant 976 : index
        %get3A_951 = tpu.vector_load %arg8[%get3A_949, %get3A_950] {strides = array<i32>} : memref<16x1024xf32, #tpu.memory_space<vmem>>, vector<1x16xf32>,
        %get3A_952 = vector.shape_cast %get3A_951 : vector<1x16xf32> to vector<16xf32>
        %get3A_953 = arith.index_cast %scan3A_95 : i32 to index
        %get3A_954 = arith.constant 976 : index
        %get3A_955 = tpu.vector_load %arg6[%get3A_953, %get3A_954] {strides = array<i32>} : memref<16x1024xf32, #tpu.memory_space<vmem>>, vector<1x16xf32>,
        %get3A_956 = vector.shape_cast %get3A_955 : vector<1x16xf32> to vector<16xf32>
        %add3A_957 = arith.addf %get3A_952, %get3A_956 : vector<16xf32>
        %swap3A_958 = arith.index_cast %scan3A_95 : i32 to index
        %swap3A_959 = arith.constant 976 : index
        %swap3A_960 = tpu.vector_load %arg8[%swap3A_958, %swap3A_959] {strides = array<i32>} : memref<16x1024xf32, #tpu.memory_space<vmem>>, vector<1x16xf32>,
        %swap3A_961 = vector.shape_cast %swap3A_960 : vector<1x16xf32> to vector<16xf32>
        %swap3A_962 = vector.shape_cast %add3A_957 : vector<16xf32> to vector<1x16xf32>
        tpu.vector_store %arg8[%swap3A_958, %swap3A_959], %swap3A_962 {strides = array<i32>} : memref<16x1024xf32, #tpu.memory_space<vmem>>, vector<1x16xf32>,
        %get3A_963 = arith.index_cast %scan3A_95 : i32 to index
        %get3A_964 = arith.constant 992 : index
        %get3A_965 = tpu.vector_load %arg8[%get3A_963, %get3A_964] {strides = array<i32>} : memref<16x1024xf32, #tpu.memory_space<vmem>>, vector<1x16xf32>,
        %get3A_966 = vector.shape_cast %get3A_965 : vector<1x16xf32> to vector<16xf32>
        %get3A_967 = arith.index_cast %scan3A_95 : i32 to index
        %get3A_968 = arith.constant 992 : index
        %get3A_969 = tpu.vector_load %arg6[%get3A_967, %get3A_968] {strides = array<i32>} : memref<16x1024xf32, #tpu.memory_space<vmem>>, vector<1x16xf32>,
        %get3A_970 = vector.shape_cast %get3A_969 : vector<1x16xf32> to vector<16xf32>
        %add3A_971 = arith.addf %get3A_966, %get3A_970 : vector<16xf32>
        %swap3A_972 = arith.index_cast %scan3A_95 : i32 to index
        %swap3A_973 = arith.constant 992 : index
        %swap3A_974 = tpu.vector_load %arg8[%swap3A_972, %swap3A_973] {strides = array<i32>} : memref<16x1024xf32, #tpu.memory_space<vmem>>, vector<1x16xf32>,
        %swap3A_975 = vector.shape_cast %swap3A_974 : vector<1x16xf32> to vector<16xf32>
        %swap3A_976 = vector.shape_cast %add3A_971 : vector<16xf32> to vector<1x16xf32>
        tpu.vector_store %arg8[%swap3A_972, %swap3A_973], %swap3A_976 {strides = array<i32>} : memref<16x1024xf32, #tpu.memory_space<vmem>>, vector<1x16xf32>,
        %get3A_977 = arith.index_cast %scan3A_95 : i32 to index
        %get3A_978 = arith.constant 1008 : index
        %get3A_979 = tpu.vector_load %arg8[%get3A_977, %get3A_978] {strides = array<i32>} : memref<16x1024xf32, #tpu.memory_space<vmem>>, vector<1x16xf32>,
        %get3A_980 = vector.shape_cast %get3A_979 : vector<1x16xf32> to vector<16xf32>
        %get3A_981 = arith.index_cast %scan3A_95 : i32 to index
        %get3A_982 = arith.constant 1008 : index
        %get3A_983 = tpu.vector_load %arg6[%get3A_981, %get3A_982] {strides = array<i32>} : memref<16x1024xf32, #tpu.memory_space<vmem>>, vector<1x16xf32>,
        %get3A_984 = vector.shape_cast %get3A_983 : vector<1x16xf32> to vector<16xf32>
        %add3A_985 = arith.addf %get3A_980, %get3A_984 : vector<16xf32>
        %swap3A_986 = arith.index_cast %scan3A_95 : i32 to index
        %swap3A_987 = arith.constant 1008 : index
        %swap3A_988 = tpu.vector_load %arg8[%swap3A_986, %swap3A_987] {strides = array<i32>} : memref<16x1024xf32, #tpu.memory_space<vmem>>, vector<1x16xf32>,
        %swap3A_989 = vector.shape_cast %swap3A_988 : vector<1x16xf32> to vector<16xf32>
        %swap3A_990 = vector.shape_cast %add3A_985 : vector<16xf32> to vector<1x16xf32>
        tpu.vector_store %arg8[%swap3A_986, %swap3A_987], %swap3A_990 {strides = array<i32>} : memref<16x1024xf32, #tpu.memory_space<vmem>>, vector<1x16xf32>,
        %scan3A_991 = arith.constant 0 : i32
        scf.yield %scan3A_991 : i32
      }
      %scan3A_83 = arith.constant 16 : i32
      %mul3A_84 = arith.constant 16 : i32
      %mul3A_85 = arith.muli %add3A_42, %mul3A_84 : i32
      %add3A_86 = arith.addi %mul3A_2, %mul3A_85 : i32
      %dma_start3A_87 = arith.constant 0 : i32
      %dma_start3A_88 = arith.constant 0 : i32
      %dma_start3A_89 = tpu.memref_slice %arg4[%dma_start3A_87, %add3A_86, %dma_start3A_88] : memref<1x8192x1024xf32, #tpu.memory_space<hbm>> -> memref<1x16x1024xf32, #tpu.memory_space<hbm>>
      %dma_start3A_90 = tpu.memref_squeeze %dma_start3A_89 : memref<1x16x1024xf32, #tpu.memory_space<hbm>> -> memref<16x1024xf32, #tpu.memory_space<hbm>>
      %dma_start3A_91 = arith.constant 0 : i32
      %dma_start3A_92 = tpu.memref_slice %arg4[%dma_start3A_87, %add3A_86, %dma_start3A_91] : memref<1x8192x1024xf32, #tpu.memory_space<hbm>> -> memref<1x16x1024xf32, #tpu.memory_space<hbm>>
      %dma_start3A_93 = tpu.memref_squeeze %dma_start3A_92 : memref<1x16x1024xf32, #tpu.memory_space<hbm>> -> memref<16x1024xf32, #tpu.memory_space<hbm>>
      tpu.enqueue_dma source(%arg8 : memref<16x1024xf32, #tpu.memory_space<vmem>>) target(%dma_start3A_93 : memref<16x1024xf32, #tpu.memory_space<hbm>>) target_semaphore(%arg14 : memref<!tpu.dma_semaphore, #tpu.memory_space<semaphore_mem>>)
      %scan3A_94 = arith.constant 0 : i32
      scf.yield %scan3A_94 : i32
    }
    %scan3A_22 = arith.constant 8 : i32
    %add3A_23 = arith.constant 240 : i32
    %add3A_24 = arith.addi %mul3A_2, %add3A_23 : i32
    %dma_wait3A = arith.constant 0 : i32
    %dma_wait3A_25 = arith.constant 0 : i32
    %dma_wait3A_26 = tpu.memref_slice %arg4[%dma_wait3A, %add3A_24, %dma_wait3A_25] : memref<1x8192x1024xf32, #tpu.memory_space<hbm>> -> memref<1x16x1024xf32, #tpu.memory_space<hbm>>
    %dma_wait3A_27 = tpu.memref_squeeze %dma_wait3A_26 : memref<1x16x1024xf32, #tpu.memory_space<hbm>> -> memref<16x1024xf32, #tpu.memory_space<hbm>>
    %dma_wait3A_28 = arith.constant 0 : i32
    %dma_wait3A_29 = tpu.memref_slice %arg4[%dma_wait3A, %add3A_24, %dma_wait3A_28] : memref<1x8192x1024xf32, #tpu.memory_space<hbm>> -> memref<1x16x1024xf32, #tpu.memory_space<hbm>>
    %dma_wait3A_30 = tpu.memref_squeeze %dma_wait3A_29 : memref<1x16x1024xf32, #tpu.memory_space<hbm>> -> memref<16x1024xf32, #tpu.memory_space<hbm>>
    tpu.wait_dma2 semaphore(%arg14 : memref<!tpu.dma_semaphore, #tpu.memory_space<semaphore_mem>>) src(%arg8 : memref<16x1024xf32, #tpu.memory_space<vmem>>) dst(%dma_wait3A_30 : memref<16x1024xf32, #tpu.memory_space<hbm>>)
    return
  }
}

module attributes {stable_mosaic.version = 14 : i64} {
  func.func @_merge(%arg0: i32, %arg1: memref<4x8192x1024xf32, #tpu.memory_space<any>>, %arg2: memref<1x512x1024xf32, #tpu.memory_space<vmem>>, %arg3: memref<1x512x1024xf32, #tpu.memory_space<vmem>>) attributes {dimension_semantics = [#tpu.dimension_semantics<arbitrary>], iteration_bounds = array<i64: 16>, scalar_prefetch = 0 : i64, scratch_operands = 0 : i64, tpu.core_type = #tpu.core_type<tc>, window_params = [{}, {transform_indices = @transform_1, window_bounds = array<i64: 1, 512, 1024>}, {transform_indices = @transform_2, window_bounds = array<i64: 1, 512, 1024>}]} {
    %get3A = arith.constant 0 : index
    %get3A_0 = arith.constant 0 : index
    %get3A_1 = arith.constant 0 : index
    %get3A_2 = vector.load %arg2[%get3A, %get3A_0, %get3A_1] : memref<1x512x1024xf32, #tpu.memory_space<vmem>>, vector<1x512x1024xf32>
    %swap3A = arith.constant 0 : index
    %swap3A_3 = arith.constant 0 : index
    %swap3A_4 = arith.constant 0 : index
    %swap3A_5 = vector.load %arg3[%swap3A, %swap3A_3, %swap3A_4] : memref<1x512x1024xf32, #tpu.memory_space<vmem>>, vector<1x512x1024xf32>
    tpu.vector_store %arg3[%swap3A, %swap3A_3, %swap3A_4], %get3A_2 {strides = array<i32>} : memref<1x512x1024xf32, #tpu.memory_space<vmem>>, vector<1x512x1024xf32>,
    return
  }
  func.func @transform_1(%arg0: i32) -> (i32, i32, i32) {
    %c0_i32 = arith.constant 0 : i32
    %c0_i32_0 = arith.constant 0 : i32
    %c0_i32_1 = arith.constant 0 : i32
    return %c0_i32, %arg0, %c0_i32_0 : i32, i32, i32
  }
  func.func @transform_2(%arg0: i32) -> (i32, i32, i32) {
    %c3_i32 = arith.constant 3 : i32
    %c0_i32 = arith.constant 0 : i32
    %c0_i32_0 = arith.constant 0 : i32
    return %c3_i32, %arg0, %c0_i32 : i32, i32, i32
  }
}

module attributes {stable_mosaic.version = 14 : i64} {
  func.func @_tc_add(%arg0: i32, %arg1: memref<3x512x1024xf32, #tpu.memory_space<vmem>>, %arg2: memref<512x1024xf32, #tpu.memory_space<vmem>>, %arg3: memref<3x512x1024xf32, #tpu.memory_space<vmem>>) attributes {dimension_semantics = [#tpu.dimension_semantics<arbitrary>], iteration_bounds = array<i64: 16>, scalar_prefetch = 0 : i64, scratch_operands = 0 : i64, tpu.core_type = #tpu.core_type<tc>, window_params = [{transform_indices = @transform_0, window_bounds = array<i64: 3, 512, 1024>}, {transform_indices = @transform_1, window_bounds = array<i64: 512, 1024>}, {transform_indices = @transform_2, window_bounds = array<i64: 3, 512, 1024>}]} {
    %get3A = arith.constant 0 : index
    %get3A_0 = arith.constant 0 : index
    %get3A_1 = arith.constant 0 : index
    %get3A_2 = vector.load %arg1[%get3A, %get3A_0, %get3A_1] : memref<3x512x1024xf32, #tpu.memory_space<vmem>>, vector<3x512x1024xf32>
    %get3A_3 = arith.constant 0 : index
    %get3A_4 = arith.constant 0 : index
    %get3A_5 = vector.load %arg2[%get3A_3, %get3A_4] : memref<512x1024xf32, #tpu.memory_space<vmem>>, vector<512x1024xf32>
    %broadcast_in_dim3A = vector.shape_cast %get3A_5 : vector<512x1024xf32> to vector<1x512x1024xf32>
    %add3A = vector.broadcast %broadcast_in_dim3A : vector<1x512x1024xf32> to vector<3x512x1024xf32>
    %add3A_6 = arith.addf %get3A_2, %add3A : vector<3x512x1024xf32>
    %swap3A = arith.constant 0 : index
    %swap3A_7 = arith.constant 0 : index
    %swap3A_8 = arith.constant 0 : index
    %swap3A_9 = vector.load %arg3[%swap3A, %swap3A_7, %swap3A_8] : memref<3x512x1024xf32, #tpu.memory_space<vmem>>, vector<3x512x1024xf32>
    tpu.vector_store %arg3[%swap3A, %swap3A_7, %swap3A_8], %add3A_6 {strides = array<i32>} : memref<3x512x1024xf32, #tpu.memory_space<vmem>>, vector<3x512x1024xf32>,
    return
  }
  func.func @transform_0(%arg0: i32) -> (i32, i32, i32) {
    %c0_i32 = arith.constant 0 : i32
    %c0_i32_0 = arith.constant 0 : i32
    %c0_i32_1 = arith.constant 0 : i32
    return %c0_i32, %arg0, %c0_i32_0 : i32, i32, i32
  }
  func.func @transform_1(%arg0: i32) -> (i32, i32) {
    %c0_i32 = arith.constant 0 : i32
    %c0_i32_0 = arith.constant 0 : i32
    return %arg0, %c0_i32 : i32, i32
  }
  func.func @transform_2(%arg0: i32) -> (i32, i32, i32) {
    %c0_i32 = arith.constant 0 : i32
    %c0_i32_0 = arith.constant 0 : i32
    %c0_i32_1 = arith.constant 0 : i32
    return %c0_i32, %arg0, %c0_i32_0 : i32, i32, i32
  }
}

</mosaic_0001>

<sc_bundles>
// kernel: kernel.5.cloned.1.call-start
scs
__scs_entry_jumppad:
0x0: {  	(pc) =	sbr.rel $0x88, $3  }
0x1: {  	(tag) =	ssettag $0x0;
	lr =	simm.s32 $0x1  }
0x2: {  	[smem:$0x3F9F] =	sst lr;
	_ =	strace $0xD0000000  }
0x3: {  	_ = 	snop  }
0x4: {  	_ = 	snop  }
0x5: {  	_ = 	snop  }
0x6: {  	_ = 	snop  }
0x7: {  	_ = 	snop  }
__scs_overlays_trampoline_lowered:
0x8: {  	[smem:$0x3FAE] =	sst s0  }
0x9: {  	[smem:$0x3FAF] =	sst s1  }
0xa: {  	[smem:$0x3FB0] =	sst s2  }
0xb: {  	[smem:$0x3FB1] =	sst s3  }
0xc: {  	[smem:$0x3FB2] =	sst s4  }
0xd: {  	[smem:$0x3FB3] =	sst s5  }
0xe: {  	[smem:$0x3FB4] =	sst s6  }
0xf: {  	[smem:$0x3FB5] =	sst s7  }
0x10: {  	[smem:$0x3FB6] =	sst s8  }
0x11: {  	[smem:$0x3FB7] =	sst s9;
	s0 =	simm.s32 @!p0 $0x0  }
0x12: {  	s1 =	sld [smem:$0x3F9D];
	s0 =	simm.s32 @p0 $0x1  }
0x13: {  	[smem:$0x3FB8] =	sst s0;
	s0 =	simm.s32 @!p1 $0x0  }
0x14: {  	s2 =	sld [smem:$0x3F9C];
	s0 =	simm.s32 @p1 $0x1  }
0x15: {  	[smem:$0x3FB9] =	sst s0;
	s0 =	simm.s32 @!p2 $0x0  }
0x16: {  	s3 =	sld [smem:$0x3FDB];
	s0 =	simm.s32 @p2 $0x1  }
0x17: {  	s4 =	simm.s32 $0x1BF5;
	[smem:$0x3FBB] =	sst s0  }
0x18: {  	s0 =	sld [smem:$0x3F9E];
	_ =	swait.ge [sflag:s4], $0x0  }
0x19: {  	s7 =	sld [smem:$0x3F9F]  }
0x1a: {  	s8 =	sadd.s32 $0xFFFFE003, lr  }
0x1b: {  	s9 =	sadd.s32 $0xFFFFFEF7, lr;
	s5 =	simm.s32 $0xFFFFFFFF;
	p2 =	slt.u32 s8, $0xFFFFF086  }
0x1c: {  	p1 =	slt.u32 s9, $0xF7A;
	s5 =	simm.s32 @!p2 $0x0  }
0x1d: {  	s5 =	simm.s32 @p1 $0x1;
	p0 =	seq.s32 s7, s2  }
0x1e: {  	s7 =	smul.u32 @!p0 $0xF7A, s2;
	p2 =	seq.s32 @!p0 s5, $0x0  }
0x1f: {  	s9 =	smul.u32 $0xF7A, s1;
	s8 =	simm.s32 @!p0 $0x1BF5;
	p2 =	por !p2, p0  }
0x20: {  	[sflag:s8] =	ssyncset.s32 @!p0 $0xFFFFF086;
	s6 =	sadd.s32 @!p0 s3, s7;
	s7 =	simm.s32 @!p0 $0x108  }
0x21: {  	s3 =	sadd.s32 s3, s9;
	s6 =	sadd.s32 @!p0 $0x88, s6;
	s7 =	simm.s32 @p2 $0x1082  }
0x22: {  	[simem:s7], [sflag:s8] =	dma.local @!p0 [hbm:s6], $0xF7A  }
0x23: {  	s9 =	sor.u32 $0xD0000000, s2;
	s6 =	simm.s32 $0x108;
	_ =	swait.ge @!p0 [sflag:s8], $0x0  }
0x24: {  	s3 =	sadd.s32 $0x88, s3;
	s6 =	simm.s32 @!p1 $0x1082;
	[sflag:s4] =	ssyncset.s32 $0xFFFFF086  }
0x25: {  	[simem:s6], [sflag:s4] =	dma.local [hbm:s3], $0xF7A  }
0x26: {  	[smem:$0x3F9F] =	sst s1;
	(tag) =	ssettag s2;
	_ =	strace s9  }
0x27: {  	s1 =	sld [smem:$0x3FAF]  }
0x28: {  	s2 =	sld [smem:$0x3FB0]  }
0x29: {  	s4 =	sld [smem:$0x3FB2]  }
0x2a: {  	p0 =	seq.s32 s5, $0x0;
	s5 =	sld [smem:$0x3FB3]  }
0x2b: {  	s6 =	sld [smem:$0x3FB4]  }
0x2c: {  	s7 =	sld [smem:$0x3FB5]  }
0x2d: {  	s3 =	simm.s32 $0x108;
	s8 =	sld [smem:$0x3FB6]  }
0x2e: {  	s3 =	simm.s32 @!p0 $0x1082;
	s9 =	sld [smem:$0x3FB7]  }
0x2f: {  	lr =	sadd.s32 s0, s3;
	s0 =	sld [smem:$0x3FAE]  }
0x30: {  	s3 =	sld [smem:$0x3FB1]  }
0x31: {  	[smem:$0x3FBA] =	sst s10  }
0x32: {  	s10 =	sld [smem:$0x3FB8];
	_ =	sdelay $0x3  }
0x33: {  	p0 =	seq.s32 s10, $0x1;
	s10 =	sld [smem:$0x3FBA];
	_ =	sdelay $0x3  }
0x34: {  	[smem:$0x3FBA] =	sst s10  }
0x35: {  	s10 =	sld [smem:$0x3FB9];
	_ =	sdelay $0x3  }
0x36: {  	p1 =	seq.s32 s10, $0x1;
	s10 =	sld [smem:$0x3FBA];
	_ =	sdelay $0x3  }
0x37: {  	[smem:$0x3FBA] =	sst s10  }
0x38: {  	s10 =	sld [smem:$0x3FBB]  }
0x39: {  	_ = 	snop;
	(pc) =	sbr.ind lr, $3  }
0x3a: {  	_ = 	snop  }
0x3b: {  	_ = 	snop  }
0x3c: {  	p2 =	seq.s32 s10, $0x1;
	s10 =	sld [smem:$0x3FBA]  }
0x3d: {  	_ =	shalt  }
0x3e: {  	_ =	shalt  }
0x3f: {  	_ =	shalt  }
0x40: {  	_ =	shalt  }
0x41: {  	_ =	shalt  }
0x42: {  	_ =	shalt  }
0x43: {  	_ =	shalt  }
0x44: {  	_ =	shalt  }
0x45: {  	_ =	shalt  }
0x46: {  	_ =	shalt  }
0x47: {  	_ =	shalt  }
0x48: {  	_ =	shalt  }
0x49: {  	_ =	shalt  }
0x4a: {  	_ =	shalt  }
0x4b: {  	_ =	shalt  }
0x4c: {  	_ =	shalt  }
0x4d: {  	_ =	shalt  }
0x4e: {  	_ =	shalt  }
0x4f: {  	_ =	shalt  }
0x50: {  	_ =	shalt  }
0x51: {  	_ =	shalt  }
0x52: {  	_ =	shalt  }
0x53: {  	_ =	shalt  }
0x54: {  	_ =	shalt  }
0x55: {  	_ =	shalt  }
0x56: {  	_ =	shalt  }
0x57: {  	_ =	shalt  }
0x58: {  	_ =	shalt  }
0x59: {  	_ =	shalt  }
0x5a: {  	_ =	shalt  }
0x5b: {  	_ =	shalt  }
0x5c: {  	_ =	shalt  }
0x5d: {  	_ =	shalt  }
0x5e: {  	_ =	shalt  }
0x5f: {  	_ =	shalt  }
0x60: {  	_ =	shalt  }
0x61: {  	_ =	shalt  }
0x62: {  	_ =	shalt  }
0x63: {  	_ =	shalt  }
0x64: {  	_ =	shalt  }
0x65: {  	_ =	shalt  }
0x66: {  	_ =	shalt  }
0x67: {  	_ =	shalt  }
0x68: {  	_ =	shalt  }
0x69: {  	_ =	shalt  }
0x6a: {  	_ =	shalt  }
0x6b: {  	_ =	shalt  }
0x6c: {  	_ =	shalt  }
0x6d: {  	_ =	shalt  }
0x6e: {  	_ =	shalt  }
0x6f: {  	_ =	shalt  }
0x70: {  	_ =	shalt  }
0x71: {  	_ =	shalt  }
0x72: {  	_ =	shalt  }
0x73: {  	_ =	shalt  }
0x74: {  	_ =	shalt  }
0x75: {  	_ =	shalt  }
0x76: {  	_ =	shalt  }
0x77: {  	_ =	shalt  }
0x78: {  	_ =	shalt  }
0x79: {  	_ =	shalt  }
0x7a: {  	_ =	shalt  }
0x7b: {  	_ =	shalt  }
0x7c: {  	_ =	shalt  }
0x7d: {  	_ =	shalt  }
0x7e: {  	_ =	shalt  }
0x7f: {  	_ =	shalt  }
0x80: {  	_ =	shalt  }
0x81: {  	_ =	shalt  }
0x82: {  	_ =	shalt  }
0x83: {  	_ =	shalt  }
0x84: {  	_ =	shalt  }
0x85: {  	_ =	shalt  }
0x86: {  	_ =	shalt  }
0x87: {  	_ =	shalt  }
.Lfunc_end0:
.L_simem_size_0:
called_computation_lowered:
.L_overlay_start_0:
0x88: {  	s2 =	sld [smem:$0x3FD9]  }
0x89: {  	s3 =	sld [smem:$0x3FFE];
	_ =	sdelay $0x1  }
0x8a: {  	s1 =	srdreg.scid  }
0x8b: {  	s0 =	sand.u32 $0x1, s1  }
0x8c: {  	s17 =	sshll.u32 s0, $0xA;
	s2 =	sadd.s32 s3, s2  }
0x8d: {  	s2 =	sadd.s32 s2, s17  }
0x8e: {  	[smem:$0x3FC6] =	sst s2  }
0x8f: {  	_ = 	snop  }
0x90: {  	s2 =	sld [smem:$0x3FC9]  }
0x91: {  	s18 =	sld [smem:$0x3FC8];
	(tm) =	ssettm $0x1  }
0x92: {  	s4 =	sld [smem:$0x3FFB];
	_ =	sdelay $0x3  }
0x93: {  	_ =	strace s4  }
0x94: {  	s4 =	sld [smem:$0x3FFC];
	_ =	sdelay $0x3  }
0x95: {  	_ =	strace s4  }
0x96: {  	s4 =	sld [smem:$0x3FFD];
	_ =	sdelay $0x3  }
0x97: {  	_ =	strace s4  }
0x98: {  	_ =	strace $0x8FFFFFFF  }
0x99: {  	s19 =	sld [smem:$0x3FDB];
	_ =	sdelay $0x1  }
0x9a: {  	s5 =	simm.s32 $_scs_section_size  }
0x9b: {  	s6 =	simm.s32 $_size__tile_overlayer_lowered;
	s7 =	simm.s32 $_tile_overlayer_lowered  }
0x9c: {  	s22 =	simm.s32 $0x1BFF;
	s21 =	sshll.u32 s7, $0x1;
	s4 =	sadd.s32 s5, s19  }
0x9d: {  	s8 =	simm.s32 $0x0;
	s20 =	sshll.u32 s6, $0x1;
	s6 =	sadd.s32 s21, s4  }
0x9e: {  	[timem:s8], [sflag:s22] =	dma.local [hbm:s6], s20  }
0x9f: {  	_ =	swait.ge [sflag:s22], s20  }
0xa0: {  	s5 =	ssub.s32 $0x0, s20;
	[sflag:s22] =	ssyncset.done $0x0  }
0xa1: {  	[sflag:s22] =	ssyncadd.s32 s5;
	_ =	sdelay $0x1  }
0xa2: {  	s23 =	simm.s32 $0x1B8B  }
0xa3: {  	_ =	swait.ge [sflag:s23], $0x1  }
0xa4: {  	[sflag:s23] =	ssyncset.done $0x0  }
0xa5: {  	s25 =	simm.s32 $0x1B8E;
	s24 =	sld [smem:$0x3FFE];
	[sflag:s23] =	ssyncadd.s32 $0xFFFFFFFF  }
0xa6: {  	s26 =	simm.s32 $execute0_lowered;
	[smem:$0x3FD2] =	sst s25  }
0xa7: {  	s6 =	sshll.u32 s26, $0x1;
	_ =	strace $0x80000046;
	[dreg:$0x1] =	wrdreg $0xFFFFFFFF  }
0xa8: {  	s28 =	simm.s32 $_size_execute0_lowered;
	s4 =	sadd.s32 s4, s6;
	[dreg:$0x0] =	wrdreg $0x0  }
0xa9: {  	s6 =	sshll.u32 s28, $0x1;
	[dreg:$0x2] =	wrdreg s4  }
0xaa: {  	[dreg:$0x3] =	wrdreg s6  }
0xab: {  	[dreg:$0x4] =	wrdreg $0xC0  }
0xac: {  	_ =	task [dreg:s8], $0x5FFFF  }
0xad: {  	[dreg:$0x1] =	wrdreg $0xFFFFFFFF  }
0xae: {  	[dreg:$0x0] =	wrdreg $0x60  }
0xaf: {  	[dreg:$0x2] =	wrdreg s2  }
0xb0: {  	[dreg:$0x3] =	wrdreg s18  }
0xb1: {  	[dreg:$0x4] =	wrdreg s24  }
0xb2: {  	[dreg:$0x5] =	wrdreg $0x9  }
0xb3: {  	_ =	task.clear_ibuf [dreg:s8], $0x6FFFF;
	_ =	strace $0x90000046  }
0xb4: {  	s29 =	simm.s32 $0x9;
	_ =	strace $0x80000048  }
0xb5: {  	_ =	swait.ge [sflag:s29], $0x1  }
0xb6: {  	[sflag:s29] =	ssyncadd.s32 $0xFFFFFFFF  }
0xb7: {  	_ =	strace $0x90000048  }
0xb8: {  	_ =	sfence  }
0xb9: {  	s30 =	sld [smem:$0x0];
	_ =	sdelay $0x2  }
0xba: {  	s31 =	sshll.u32 s1, $0xD;
	s1 =	sshrl.u32 s1, $0x2  }
0xbb: {  	s3 =	sand.u32 $0x4000, s31;
	s1 =	sadd.s32 s1, s30  }
0xbc: {  	s0 =	sor.u32 s3, s0;
	s1 =	sshll.u32 s1, $0x11  }
0xbd: {  	s0 =	sor.u32 s1, s0  }
0xbe: {  	s0 =	sadd.s32 $0x8F2B, s0  }
0xbf: {  	[sflag:s0] =	ssyncadd.remote.s32 $0x1  }
0xc0: {  	_ =	sfence.sel $0xFFFF  }
0xc1: {  	[dreg:$0x0] =	wrdreg $0xFFFFFFFF;
	(pc) =	sbr.abs _section_cstart, $3  }
0xc2: {  	[dreg:$0x1] =	wrdreg $0xFFFFFFFF  }
0xc3: {  	_ =	task.clear_ibuf [dreg:s8], $0x2FFFF;
	_ =	strace $0x9FFFFFFF  }
0xc4: {  	(tm) =	ssettm $0x7FFFFFFF  }
0xc5: {  	_ =	shalt  }
tec
execute0_lowered:
.L_overlay_start_1:
0x0: {  	(tag) =	ssettag $0x1  }
0x1: {  	s2 =	rddreg [dreg:$0x0]  }
0x2: {  	s3 =	rddreg [dreg:$0x1];
	s0 =	srdreg.scid  }
0x3: {  	s5 =	rddreg [dreg:$0x2];
	s1 =	stileid.u32;
	s4 =	simm.s32 $0x0  }
0x4: {  	s15 =	simm.s32 $0x8000;
	s16 =	simm.s32 $0x4000;
	s17 =	simm.s32 $0xC000  }
0x5: {  	s18 =	simm.s32 $0x1;
	s19 =	simm.s32 $0x3;
	s20 =	simm.s32 $0x5  }
0x6: {  	s21 =	simm.s32 $0x2;
	s22 =	simm.s32 $0x4;
	s23 =	simm.s32 $0x6  }
0x7: {  	s24 =	simm.s32 $0x0;
	s0 =	sand.u32 $0x1, s0;
	s6 =	sshll.u32 s1, $0x9  }
0x8: {  	[smem:$0x7FF] =	sst s4;
	s7 =	sshll.u32 s0, $0x8;
	s0 =	ssub.s32 $0x2, s0  }
0x9: {  	s8 =	sadd.s32 $0x800, s3;
	s6 =	sor.u32 s7, s6;
	s30 =	sshrl.u32 s0, $0x1  }
0xa: {  	_ =	strace $0x80000047;
	s10 =	sshll.u32 s6, $0x7;
	s0 =	ssub.s32 s0, s30  }
0xb: {  	s6 =	sshll.u32 s6, $0xA;
	s14 =	sadd.s32 s10, s5;
	s31 =	sadd.s32 s3, s10  }
0xc: {  	s11 =	sadd.s32 s10, s2;
	s10 =	sadd.s32 s10, s8;
	s12 =	sor.u32 $0x8000, s6  }
0xd: {  	s13 =	smax.u32 s0, $0x1;
	[dreg:$0x4] =	wrdreg s31;
	s7 =	sadd.s32 $0x300000, s11  }
0xe: {  	s9 =	sadd.s32 $0x400, s14;
	s11 =	sadd.s32 $0x300800, s11;
	s14 =	sadd.s32 $0xC00, s14  }
.LBB2_1:
0xf: {  	s0 =	rddreg [dreg:$0x4]  }
0x10: {  	[tilespmem:s4], [sflag:$0x1] =	stream.linear.gather [hbm4b:s0+s4], $0x4000, $0x38;
	[tilespmem:$0x10000] =	vst v63  }
0x11: {  	s25 =	simm.s32 $0x0  }
0x12: {  	[tilespmem:s15], [sflag:$0x3] =	stream.linear.gather [hbm4b:s7+s4], $0x4000, $0x38;
	[tilespmem:$0x10000] =	vst v63  }
.LBB2_2:
0x13: {  	p0 =	sne.s32 s25, $0x0  }
.Ltmp0:
0x14: {  	_ = 	snop;
	(pc) =	sbr.rel @!p0 .LBB2_3-.Ltmp0, $2  }
0x15: {  	_ =	sdelay $0x2  }
0x16: {  	s26 =	sshll.u32 s25, $0xF  }
0x17: {  	_ =	swait.ge [sflag:s23], $0x4000;
	s0 =	sor.u32 s6, s26  }
0x18: {  	s28 =	simm.s32 $0x0;
	[sflag:s23] =	ssyncset.done $0x0;
	s0 =	sshrl.u32 s0, $0x3  }
0x19: {  	[sflag:s23] =	ssyncadd.s32 $0xFFFFC000;
	s1 =	sadd.s32 s0, s8;
	s0 =	sor.u32 $0x300800, s0  }
0x1a: {  	[tilespmem:s16], [sflag:$0x2] =	stream.linear.gather [hbm4b:s1+s28], $0x4000, $0x38;
	[tilespmem:$0x10000] =	vst v63  }
0x1b: {  	s0 =	sadd.s32 s2, s0  }
0x1c: {  	[tilespmem:s17], [sflag:$0x4] =	stream.linear.gather [hbm4b:s0+s28], $0x4000, $0x38;
	[tilespmem:$0x10000] =	vst v63  }
0x1d: {  	_ =	swait.ge [sflag:s18], $0x4000  }
0x1e: {  	[sflag:s18] =	ssyncset.done $0x0  }
0x1f: {  	[sflag:s18] =	ssyncadd.s32 $0xFFFFC000  }
0x20: {  	_ =	swait.ge [sflag:s19], $0x4000  }
0x21: {  	s29 =	simm.s32 $0xFFFFC000;
	[sflag:s19] =	ssyncset.done $0x0  }
0x22: {  	s30 =	simm.s32 $0x0;
	s31 =	simm.s32 $0x0;
	[sflag:s19] =	ssyncadd.s32 $0xFFFFC000  }
.LBB2_7:
0x23: {  	s0 =	sadd.s32 $0x4000, s29  }
0x24: {  	s1 =	sand.u32 $0x380, s31;
	s0 =	sand.u32 $0x2000, s0  }
0x25: {  	s0 =	sor.u32 s1, s0  }
0x26: {  	v0 =	vld [tilespmem:s0+$0x8000]  }
0x27: {  	v1 =	vld [tilespmem:s0+$0x0]  }
0x28: {  	v2 =	vld [tilespmem:s0+$0x8010]  }
0x29: {  	v3 =	vld [tilespmem:s0+$0x10]  }
0x2a: {  	v4 =	vld [tilespmem:s0+$0x8020]  }
0x2b: {  	v5 =	vld [tilespmem:s0+$0x20]  }
0x2c: {  	v6 =	vld [tilespmem:s0+$0x8030]  }
0x2d: {  	v7 =	vld [tilespmem:s0+$0x30]  }
0x2e: {  	v8 =	vld [tilespmem:s0+$0x8040]  }
0x2f: {  	v9 =	vld [tilespmem:s0+$0x40]  }
0x30: {  	v10 =	vld [tilespmem:s0+$0x8050]  }
0x31: {  	v11 =	vld [tilespmem:s0+$0x50]  }
0x32: {  	v12 =	vld [tilespmem:s0+$0x8060]  }
0x33: {  	v13 =	vld [tilespmem:s0+$0x60]  }
0x34: {  	v14 =	vld [tilespmem:s0+$0x8070]  }
0x35: {  	v15 =	vld [tilespmem:s0+$0x70]  }
0x36: {  	v16 =	vld [tilespmem:s0+$0x8400]  }
0x37: {  	v17 =	vld [tilespmem:s0+$0x400]  }
0x38: {  	v18 =	vld [tilespmem:s0+$0x8410]  }
0x39: {  	v19 =	vld [tilespmem:s0+$0x410]  }
0x3a: {  	v20 =	vld [tilespmem:s0+$0x8420]  }
0x3b: {  	v21 =	vld [tilespmem:s0+$0x420]  }
0x3c: {  	v22 =	vld [tilespmem:s0+$0x8430]  }
0x3d: {  	v23 =	vld [tilespmem:s0+$0x430]  }
0x3e: {  	v24 =	vld [tilespmem:s0+$0x8440]  }
0x3f: {  	v25 =	vld [tilespmem:s0+$0x440]  }
0x40: {  	v26 =	vld [tilespmem:s0+$0x8450]  }
0x41: {  	v27 =	vld [tilespmem:s0+$0x450]  }
0x42: {  	v28 =	vld [tilespmem:s0+$0x8460]  }
0x43: {  	v29 =	vld [tilespmem:s0+$0x460]  }
0x44: {  	v30 =	vld [tilespmem:s0+$0x8470]  }
0x45: {  	v31 =	vld [tilespmem:s0+$0x470]  }
0x46: {  	v32 =	vld [tilespmem:s0+$0x8800]  }
0x47: {  	v33 =	vld [tilespmem:s0+$0x800]  }
0x48: {  	v34 =	vld [tilespmem:s0+$0x8810]  }
0x49: {  	v35 =	vld [tilespmem:s0+$0x810]  }
0x4a: {  	v36 =	vld [tilespmem:s0+$0x8820]  }
0x4b: {  	v37 =	vld [tilespmem:s0+$0x820]  }
0x4c: {  	v38 =	vld [tilespmem:s0+$0x8830]  }
0x4d: {  	v39 =	vld [tilespmem:s0+$0x830]  }
0x4e: {  	v40 =	vld [tilespmem:s0+$0x8840]  }
0x4f: {  	v41 =	vld [tilespmem:s0+$0x840]  }
0x50: {  	v42 =	vld [tilespmem:s0+$0x8850]  }
0x51: {  	v43 =	vld [tilespmem:s0+$0x850]  }
0x52: {  	v44 =	vld [tilespmem:s0+$0x8860]  }
0x53: {  	v45 =	vld [tilespmem:s0+$0x860]  }
0x54: {  	v46 =	vld [tilespmem:s0+$0x8870]  }
0x55: {  	v47 =	vld [tilespmem:s0+$0x870]  }
0x56: {  	v48 =	vld [tilespmem:s0+$0x8C00]  }
0x57: {  	v49 =	vld [tilespmem:s0+$0xC00]  }
0x58: {  	v50 =	vld [tilespmem:s0+$0x8C10]  }
0x59: {  	v51 =	vld [tilespmem:s0+$0xC10]  }
0x5a: {  	v52 =	vld [tilespmem:s0+$0x8C20]  }
0x5b: {  	v53 =	vld [tilespmem:s0+$0xC20]  }
0x5c: {  	v54 =	vld [tilespmem:s0+$0x8C30]  }
0x5d: {  	v55 =	vld [tilespmem:s0+$0xC30]  }
0x5e: {  	v56 =	vld [tilespmem:s0+$0x8C40]  }
0x5f: {  	v57 =	vld [tilespmem:s0+$0xC40]  }
0x60: {  	v58 =	vld [tilespmem:s0+$0x8C50]  }
0x61: {  	v59 =	vld [tilespmem:s0+$0xC50]  }
0x62: {  	v60 =	vld [tilespmem:s0+$0x8C60]  }
0x63: {  	v0 =	vadd.f32 v1, v0;
	v1 =	vld [tilespmem:s0+$0xC60]  }
0x64: {  	v2 =	vadd.f32 v3, v2;
	v3 =	vld [tilespmem:s0+$0x8C70]  }
0x65: {  	v63 =	vadd.f32 v5, v4;
	v4 =	vld [tilespmem:s0+$0xC70];
	[tilespmem:s0+$0x8000] =	vst v0  }
0x66: {  	v61 =	vadd.f32 v7, v6;
	v5 =	vld [tilespmem:s0+$0x9000];
	[tilespmem:s0+$0x8010] =	vst v2  }
0x67: {  	v62 =	vadd.f32 v9, v8;
	v6 =	vld [tilespmem:s0+$0x1000];
	[tilespmem:s0+$0x8020] =	vst v63  }
0x68: {  	v7 =	vld [tilespmem:s0+$0x9010];
	v13 =	vadd.f32 v13, v12;
	[tilespmem:s0+$0x8030] =	vst v61  }
0x69: {  	v8 =	vld [tilespmem:s0+$0x1010];
	v15 =	vadd.f32 v15, v14;
	[tilespmem:s0+$0x8040] =	vst v62  }
0x6a: {  	v9 =	vld [tilespmem:s0+$0x9020];
	v17 =	vadd.f32 v17, v16;
	[tilespmem:s0+$0x8060] =	vst v13  }
0x6b: {  	v19 =	vadd.f32 v19, v18;
	v12 =	vld [tilespmem:s0+$0x1030];
	[tilespmem:s0+$0x8070] =	vst v15  }
0x6c: {  	v21 =	vadd.f32 v21, v20;
	v14 =	vld [tilespmem:s0+$0x1040];
	[tilespmem:s0+$0x8400] =	vst v17  }
0x6d: {  	v23 =	vadd.f32 v23, v22;
	v16 =	vld [tilespmem:s0+$0x1050];
	[tilespmem:s0+$0x8410] =	vst v19  }
0x6e: {  	v25 =	vadd.f32 v25, v24;
	v20 =	vld [tilespmem:s0+$0x1070];
	[tilespmem:s0+$0x8420] =	vst v21  }
0x6f: {  	v27 =	vadd.f32 v27, v26;
	v22 =	vld [tilespmem:s0+$0x1400];
	[tilespmem:s0+$0x8430] =	vst v23  }
0x70: {  	v29 =	vadd.f32 v29, v28;
	v24 =	vld [tilespmem:s0+$0x1410];
	[tilespmem:s0+$0x8440] =	vst v25  }
0x71: {  	v28 =	vadd.f32 v37, v36;
	v37 =	vld [tilespmem:s0+$0x9430];
	[tilespmem:s0+$0x8450] =	vst v27  }
0x72: {  	v36 =	vadd.f32 v51, v50;
	v51 =	vld [tilespmem:s0+$0x1460];
	[tilespmem:s0+$0x8460] =	vst v29  }
0x73: {  	v63 =	vadd.f32 v11, v10;
	v10 =	vld [tilespmem:s0+$0x1020];
	[tilespmem:s0+$0x8820] =	vst v28  }
0x74: {  	v11 =	vld [tilespmem:s0+$0x9030];
	v61 =	vadd.f32 v31, v30;
	[tilespmem:s0+$0x8C10] =	vst v36  }
0x75: {  	v13 =	vld [tilespmem:s0+$0x9040];
	v62 =	vadd.f32 v33, v32;
	[tilespmem:s0+$0x8050] =	vst v63  }
0x76: {  	v15 =	vld [tilespmem:s0+$0x9050];
	v27 =	vadd.f32 v35, v34;
	[tilespmem:s0+$0x8470] =	vst v61  }
0x77: {  	v17 =	vld [tilespmem:s0+$0x9060];
	v29 =	vadd.f32 v39, v38;
	[tilespmem:s0+$0x8800] =	vst v62  }
0x78: {  	v19 =	vld [tilespmem:s0+$0x9070];
	v30 =	vadd.f32 v41, v40;
	[tilespmem:s0+$0x8810] =	vst v27  }
0x79: {  	v21 =	vld [tilespmem:s0+$0x9400];
	v31 =	vadd.f32 v43, v42;
	[tilespmem:s0+$0x8830] =	vst v29  }
0x7a: {  	v23 =	vld [tilespmem:s0+$0x9410];
	v32 =	vadd.f32 v45, v44;
	[tilespmem:s0+$0x8840] =	vst v30  }
0x7b: {  	v33 =	vadd.f32 v47, v46;
	v25 =	vld [tilespmem:s0+$0x9420];
	[tilespmem:s0+$0x8850] =	vst v31  }
0x7c: {  	v34 =	vadd.f32 v49, v48;
	v35 =	vld [tilespmem:s0+$0x1420];
	[tilespmem:s0+$0x8860] =	vst v32  }
0x7d: {  	v38 =	vadd.f32 v53, v52;
	v39 =	vld [tilespmem:s0+$0x1430];
	[tilespmem:s0+$0x8870] =	vst v33  }
0x7e: {  	v40 =	vadd.f32 v55, v54;
	v41 =	vld [tilespmem:s0+$0x9440];
	[tilespmem:s0+$0x8C00] =	vst v34  }
0x7f: {  	v42 =	vadd.f32 v57, v56;
	v43 =	vld [tilespmem:s0+$0x1440];
	[tilespmem:s0+$0x8C20] =	vst v38  }
0x80: {  	v44 =	vadd.f32 v59, v58;
	v45 =	vld [tilespmem:s0+$0x9450];
	[tilespmem:s0+$0x8C30] =	vst v40  }
0x81: {  	v47 =	vld [tilespmem:s0+$0x1450];
	[tilespmem:s0+$0x8C40] =	vst v42;
	v46 =	vadd.f32 v1, v60  }
0x82: {  	v49 =	vld [tilespmem:s0+$0x9460];
	[tilespmem:s0+$0x8C50] =	vst v44;
	v48 =	vadd.f32 v4, v3  }
0x83: {  	v53 =	vld [tilespmem:s0+$0x9470];
	v50 =	vadd.f32 v6, v5;
	[tilespmem:s0+$0x8C60] =	vst v46  }
0x84: {  	v55 =	vld [tilespmem:s0+$0x1470];
	v52 =	vadd.f32 v8, v7;
	[tilespmem:s0+$0x8C70] =	vst v48  }
0x85: {  	v57 =	vld [tilespmem:s0+$0x9800];
	[tilespmem:s0+$0x9000] =	vst v50;
	v54 =	vadd.f32 v10, v9  }
0x86: {  	v59 =	vld [tilespmem:s0+$0x1800];
	[tilespmem:s0+$0x9010] =	vst v52;
	v56 =	vadd.f32 v12, v11  }
0x87: {  	v36 =	vld [tilespmem:s0+$0x1830];
	v58 =	vadd.f32 v14, v13;
	[tilespmem:s0+$0x9020] =	vst v54  }
0x88: {  	v63 =	vld [tilespmem:s0+$0x1060];
	v60 =	vadd.f32 v16, v15;
	[tilespmem:s0+$0x9030] =	vst v56  }
0x89: {  	v61 =	vld [tilespmem:s0+$0x9810];
	v19 =	vadd.f32 v20, v19;
	[tilespmem:s0+$0x9040] =	vst v58  }
0x8a: {  	v32 =	vld [tilespmem:s0+$0x1820];
	v22 =	vadd.f32 v22, v21;
	[tilespmem:s0+$0x9050] =	vst v60  }
0x8b: {  	v34 =	vld [tilespmem:s0+$0x9830];
	v33 =	vadd.f32 v24, v23;
	[tilespmem:s0+$0x9070] =	vst v19  }
0x8c: {  	v38 =	vld [tilespmem:s0+$0x9840];
	v35 =	vadd.f32 v35, v25;
	[tilespmem:s0+$0x9400] =	vst v22  }
0x8d: {  	v40 =	vld [tilespmem:s0+$0x9850];
	v37 =	vadd.f32 v39, v37;
	[tilespmem:s0+$0x9410] =	vst v33  }
0x8e: {  	v20 =	vld [tilespmem:s0+$0x9820];
	v39 =	vadd.f32 v43, v41;
	[tilespmem:s0+$0x9420] =	vst v35  }
0x8f: {  	v1 =	vadd.f32 v47, v45;
	v41 =	vld [tilespmem:s0+$0x1850];
	[tilespmem:s0+$0x9430] =	vst v37  }
0x90: {  	v42 =	vadd.f32 v51, v49;
	v43 =	vld [tilespmem:s0+$0x9860];
	[tilespmem:s0+$0x9440] =	vst v39  }
0x91: {  	v44 =	vadd.f32 v55, v53;
	v45 =	vld [tilespmem:s0+$0x1860];
	[tilespmem:s0+$0x9450] =	vst v1  }
0x92: {  	v46 =	vadd.f32 v59, v57;
	v47 =	vld [tilespmem:s0+$0x9870];
	[tilespmem:s0+$0x9460] =	vst v42  }
0x93: {  	v49 =	vld [tilespmem:s0+$0x1870];
	v62 =	vadd.f32 v63, v17;
	[tilespmem:s0+$0x9470] =	vst v44  }
0x94: {  	v63 =	vld [tilespmem:s0+$0x1810];
	[tilespmem:s0+$0x9800] =	vst v46;
	v52 =	vadd.f32 v36, v34  }
0x95: {  	v51 =	vld [tilespmem:s0+$0x1840];
	[tilespmem:s0+$0x9060] =	vst v62;
	v50 =	vadd.f32 v32, v20  }
0x96: {  	[tilespmem:s0+$0x9830] =	vst v52;
	v53 =	vadd.f32 v41, v40  }
0x97: {  	v54 =	vadd.f32 v45, v43;
	[tilespmem:s0+$0x9820] =	vst v50  }
0x98: {  	s5 =	sand.u32 $0x7, s28;
	v55 =	vadd.f32 v49, v47;
	[tilespmem:s0+$0x9850] =	vst v53  }
0x99: {  	s1 =	sshll.u32 s5, $0x7;
	v48 =	vadd.f32 v63, v61;
	[tilespmem:s0+$0x9860] =	vst v54  }
0x9a: {  	s1 =	sadd.s32 s1, s30;
	v56 =	vadd.f32 v51, v38;
	[tilespmem:s0+$0x9870] =	vst v55  }
0x9b: {  	s5 =	sor.u32 $0x1C00, s1;
	[tilespmem:s0+$0x9810] =	vst v48  }
0x9c: {  	[tilespmem:s0+$0x9840] =	vst v56;
	v0 =	vld [tilespmem:s5+$0x8000]  }
0x9d: {  	v1 =	vld [tilespmem:s5+$0x0];
	_ =	sdelay $0x4  }
0x9e: {  	v0 =	vadd.f32 v1, v0;
	_ =	sdelay $0x1  }
0x9f: {  	[tilespmem:s5+$0x8000] =	vst v0;
	s5 =	sor.u32 $0x1C10, s1  }
0xa0: {  	v0 =	vld [tilespmem:s5+$0x8000]  }
0xa1: {  	v57 =	vld [tilespmem:s5+$0x0];
	_ =	sdelay $0x4  }
0xa2: {  	v0 =	vadd.f32 v57, v0;
	_ =	sdelay $0x1  }
0xa3: {  	[tilespmem:s5+$0x8000] =	vst v0;
	s5 =	sor.u32 $0x1C20, s1  }
0xa4: {  	v0 =	vld [tilespmem:s5+$0x8000]  }
0xa5: {  	v58 =	vld [tilespmem:s5+$0x0];
	_ =	sdelay $0x4  }
0xa6: {  	v0 =	vadd.f32 v58, v0;
	_ =	sdelay $0x1  }
0xa7: {  	[tilespmem:s5+$0x8000] =	vst v0;
	s5 =	sor.u32 $0x1C30, s1  }
0xa8: {  	v0 =	vld [tilespmem:s5+$0x8000]  }
0xa9: {  	v59 =	vld [tilespmem:s5+$0x0];
	_ =	sdelay $0x4  }
0xaa: {  	v0 =	vadd.f32 v59, v0;
	_ =	sdelay $0x1  }
0xab: {  	[tilespmem:s5+$0x8000] =	vst v0;
	s5 =	sor.u32 $0x1C40, s1  }
0xac: {  	v0 =	vld [tilespmem:s5+$0x8000]  }
0xad: {  	v60 =	vld [tilespmem:s5+$0x0];
	_ =	sdelay $0x4  }
0xae: {  	v0 =	vadd.f32 v60, v0;
	_ =	sdelay $0x1  }
0xaf: {  	[tilespmem:s5+$0x8000] =	vst v0;
	s5 =	sor.u32 $0x1C50, s1  }
0xb0: {  	v0 =	vld [tilespmem:s5+$0x8000]  }
0xb1: {  	v61 =	vld [tilespmem:s5+$0x0];
	_ =	sdelay $0x4  }
0xb2: {  	v0 =	vadd.f32 v61, v0;
	_ =	sdelay $0x1  }
0xb3: {  	[tilespmem:s5+$0x8000] =	vst v0;
	s5 =	sor.u32 $0x1C60, s1  }
0xb4: {  	v0 =	vld [tilespmem:s5+$0x8000]  }
0xb5: {  	v62 =	vld [tilespmem:s5+$0x0];
	_ =	sdelay $0x4  }
0xb6: {  	v0 =	vadd.f32 v62, v0;
	_ =	sdelay $0x1  }
0xb7: {  	[tilespmem:s5+$0x8000] =	vst v0;
	s5 =	sor.u32 $0x1C70, s1  }
0xb8: {  	v0 =	vld [tilespmem:s5+$0x8000]  }
0xb9: {  	v63 =	vld [tilespmem:s5+$0x0];
	_ =	sdelay $0x1  }
0xba: {  	p0 =	sne.s32 s31, $0x780  }
.Ltmp1:
0xbb: {  	_ = 	snop;
	(pc) =	sbr.rel @p0 .LBB2_7-.Ltmp1, $4  }
0xbc: {  	_ = 	snop  }
0xbd: {  	v0 =	vadd.f32 v63, v0  }
0xbe: {  	s28 =	sadd.s32 $0x1, s28  }
0xbf: {  	s29 =	sadd.s32 $0x400, s29;
	s31 =	sadd.s32 $0x80, s31;
	s30 =	sadd.s32 $0x400, s30;
	[tilespmem:s5+$0x8000] =	vst v0  }
.Ltmp2:
0xc0: {  	(pc) =	sbr.rel .LBB2_9-.Ltmp2, $3  }
0xc1: {  	_ =	sdelay $0x1  }
0xc2: {  	s0 =	sshll.u32 s25, $0xC  }
0xc3: {  	s0 =	sadd.s32 s0, s9  }
.LBB2_3:
0xc4: {  	s28 =	simm.s32 $0x0  }
0xc5: {  	[tilespmem:s16], [sflag:$0x2] =	stream.linear.gather [hbm4b:s10+s28], $0x4000, $0x38;
	[tilespmem:$0x10000] =	vst v63  }
0xc6: {  	_ = 	snop  }
0xc7: {  	[tilespmem:s17], [sflag:$0x4] =	stream.linear.gather [hbm4b:s11+s28], $0x4000, $0x38;
	[tilespmem:$0x10000] =	vst v63  }
0xc8: {  	_ =	swait.ge [sflag:s18], $0x4000  }
0xc9: {  	[sflag:s18] =	ssyncset.done $0x0  }
0xca: {  	[sflag:s18] =	ssyncadd.s32 $0xFFFFC000  }
0xcb: {  	_ =	swait.ge [sflag:s19], $0x4000  }
0xcc: {  	s29 =	simm.s32 $0xFFFFC000;
	[sflag:s19] =	ssyncset.done $0x0  }
0xcd: {  	s30 =	simm.s32 $0x0;
	s31 =	simm.s32 $0x0;
	[sflag:s19] =	ssyncadd.s32 $0xFFFFC000  }
.LBB2_4:
0xce: {  	s0 =	sadd.s32 $0x4000, s29  }
0xcf: {  	s1 =	sand.u32 $0x380, s31;
	s0 =	sand.u32 $0x2000, s0  }
0xd0: {  	s0 =	sor.u32 s1, s0  }
0xd1: {  	v0 =	vld [tilespmem:s0+$0x8000]  }
0xd2: {  	v1 =	vld [tilespmem:s0+$0x0]  }
0xd3: {  	v2 =	vld [tilespmem:s0+$0x8010]  }
0xd4: {  	v3 =	vld [tilespmem:s0+$0x10]  }
0xd5: {  	v4 =	vld [tilespmem:s0+$0x8020]  }
0xd6: {  	v5 =	vld [tilespmem:s0+$0x20]  }
0xd7: {  	v6 =	vld [tilespmem:s0+$0x8030]  }
0xd8: {  	v7 =	vld [tilespmem:s0+$0x30]  }
0xd9: {  	v8 =	vld [tilespmem:s0+$0x8040]  }
0xda: {  	v9 =	vld [tilespmem:s0+$0x40]  }
0xdb: {  	v10 =	vld [tilespmem:s0+$0x8050]  }
0xdc: {  	v11 =	vld [tilespmem:s0+$0x50]  }
0xdd: {  	v12 =	vld [tilespmem:s0+$0x8060]  }
0xde: {  	v13 =	vld [tilespmem:s0+$0x60]  }
0xdf: {  	v14 =	vld [tilespmem:s0+$0x8070]  }
0xe0: {  	v15 =	vld [tilespmem:s0+$0x70]  }
0xe1: {  	v16 =	vld [tilespmem:s0+$0x8400]  }
0xe2: {  	v17 =	vld [tilespmem:s0+$0x400]  }
0xe3: {  	v18 =	vld [tilespmem:s0+$0x8410]  }
0xe4: {  	v19 =	vld [tilespmem:s0+$0x410]  }
0xe5: {  	v20 =	vld [tilespmem:s0+$0x8420]  }
0xe6: {  	v21 =	vld [tilespmem:s0+$0x420]  }
0xe7: {  	v22 =	vld [tilespmem:s0+$0x8430]  }
0xe8: {  	v23 =	vld [tilespmem:s0+$0x430]  }
0xe9: {  	v24 =	vld [tilespmem:s0+$0x8440]  }
0xea: {  	v25 =	vld [tilespmem:s0+$0x440]  }
0xeb: {  	v26 =	vld [tilespmem:s0+$0x8450]  }
0xec: {  	v27 =	vld [tilespmem:s0+$0x450]  }
0xed: {  	v28 =	vld [tilespmem:s0+$0x8460]  }
0xee: {  	v29 =	vld [tilespmem:s0+$0x460]  }
0xef: {  	v30 =	vld [tilespmem:s0+$0x8470]  }
0xf0: {  	v31 =	vld [tilespmem:s0+$0x470]  }
0xf1: {  	v32 =	vld [tilespmem:s0+$0x8800]  }
0xf2: {  	v33 =	vld [tilespmem:s0+$0x800]  }
0xf3: {  	v34 =	vld [tilespmem:s0+$0x8810]  }
0xf4: {  	v35 =	vld [tilespmem:s0+$0x810]  }
0xf5: {  	v36 =	vld [tilespmem:s0+$0x8820]  }
0xf6: {  	v37 =	vld [tilespmem:s0+$0x820]  }
0xf7: {  	v38 =	vld [tilespmem:s0+$0x8830]  }
0xf8: {  	v39 =	vld [tilespmem:s0+$0x830]  }
0xf9: {  	v40 =	vld [tilespmem:s0+$0x8840]  }
0xfa: {  	v41 =	vld [tilespmem:s0+$0x840]  }
0xfb: {  	v42 =	vld [tilespmem:s0+$0x8850]  }
0xfc: {  	v43 =	vld [tilespmem:s0+$0x850]  }
0xfd: {  	v44 =	vld [tilespmem:s0+$0x8860]  }
0xfe: {  	v45 =	vld [tilespmem:s0+$0x860]  }
0xff: {  	v46 =	vld [tilespmem:s0+$0x8870]  }
0x100: {  	v47 =	vld [tilespmem:s0+$0x870]  }
0x101: {  	v48 =	vld [tilespmem:s0+$0x8C00]  }
0x102: {  	v49 =	vld [tilespmem:s0+$0xC00]  }
0x103: {  	v50 =	vld [tilespmem:s0+$0x8C10]  }
0x104: {  	v51 =	vld [tilespmem:s0+$0xC10]  }
0x105: {  	v52 =	vld [tilespmem:s0+$0x8C20]  }
0x106: {  	v53 =	vld [tilespmem:s0+$0xC20]  }
0x107: {  	v54 =	vld [tilespmem:s0+$0x8C30]  }
0x108: {  	v55 =	vld [tilespmem:s0+$0xC30]  }
0x109: {  	v56 =	vld [tilespmem:s0+$0x8C40]  }
0x10a: {  	v57 =	vld [tilespmem:s0+$0xC40]  }
0x10b: {  	v58 =	vld [tilespmem:s0+$0x8C50]  }
0x10c: {  	v59 =	vld [tilespmem:s0+$0xC50]  }
0x10d: {  	v60 =	vld [tilespmem:s0+$0x8C60]  }
0x10e: {  	v0 =	vadd.f32 v1, v0;
	v1 =	vld [tilespmem:s0+$0xC60]  }
0x10f: {  	v2 =	vadd.f32 v3, v2;
	v3 =	vld [tilespmem:s0+$0x8C70]  }
0x110: {  	v63 =	vadd.f32 v5, v4;
	v4 =	vld [tilespmem:s0+$0xC70];
	[tilespmem:s0+$0x8000] =	vst v0  }
0x111: {  	v61 =	vadd.f32 v7, v6;
	v5 =	vld [tilespmem:s0+$0x9000];
	[tilespmem:s0+$0x8010] =	vst v2  }
0x112: {  	v62 =	vadd.f32 v9, v8;
	v6 =	vld [tilespmem:s0+$0x1000];
	[tilespmem:s0+$0x8020] =	vst v63  }
0x113: {  	v7 =	vld [tilespmem:s0+$0x9010];
	v13 =	vadd.f32 v13, v12;
	[tilespmem:s0+$0x8030] =	vst v61  }
0x114: {  	v8 =	vld [tilespmem:s0+$0x1010];
	v15 =	vadd.f32 v15, v14;
	[tilespmem:s0+$0x8040] =	vst v62  }
0x115: {  	v9 =	vld [tilespmem:s0+$0x9020];
	v17 =	vadd.f32 v17, v16;
	[tilespmem:s0+$0x8060] =	vst v13  }
0x116: {  	v19 =	vadd.f32 v19, v18;
	v12 =	vld [tilespmem:s0+$0x1030];
	[tilespmem:s0+$0x8070] =	vst v15  }
0x117: {  	v21 =	vadd.f32 v21, v20;
	v14 =	vld [tilespmem:s0+$0x1040];
	[tilespmem:s0+$0x8400] =	vst v17  }
0x118: {  	v23 =	vadd.f32 v23, v22;
	v16 =	vld [tilespmem:s0+$0x1050];
	[tilespmem:s0+$0x8410] =	vst v19  }
0x119: {  	v25 =	vadd.f32 v25, v24;
	v20 =	vld [tilespmem:s0+$0x1070];
	[tilespmem:s0+$0x8420] =	vst v21  }
0x11a: {  	v27 =	vadd.f32 v27, v26;
	v22 =	vld [tilespmem:s0+$0x1400];
	[tilespmem:s0+$0x8430] =	vst v23  }
0x11b: {  	v29 =	vadd.f32 v29, v28;
	v24 =	vld [tilespmem:s0+$0x1410];
	[tilespmem:s0+$0x8440] =	vst v25  }
0x11c: {  	v28 =	vadd.f32 v37, v36;
	v37 =	vld [tilespmem:s0+$0x9430];
	[tilespmem:s0+$0x8450] =	vst v27  }
0x11d: {  	v36 =	vadd.f32 v51, v50;
	v51 =	vld [tilespmem:s0+$0x1460];
	[tilespmem:s0+$0x8460] =	vst v29  }
0x11e: {  	v63 =	vadd.f32 v11, v10;
	v10 =	vld [tilespmem:s0+$0x1020];
	[tilespmem:s0+$0x8820] =	vst v28  }
0x11f: {  	v11 =	vld [tilespmem:s0+$0x9030];
	v61 =	vadd.f32 v31, v30;
	[tilespmem:s0+$0x8C10] =	vst v36  }
0x120: {  	v13 =	vld [tilespmem:s0+$0x9040];
	v62 =	vadd.f32 v33, v32;
	[tilespmem:s0+$0x8050] =	vst v63  }
0x121: {  	v15 =	vld [tilespmem:s0+$0x9050];
	v27 =	vadd.f32 v35, v34;
	[tilespmem:s0+$0x8470] =	vst v61  }
0x122: {  	v17 =	vld [tilespmem:s0+$0x9060];
	v29 =	vadd.f32 v39, v38;
	[tilespmem:s0+$0x8800] =	vst v62  }
0x123: {  	v19 =	vld [tilespmem:s0+$0x9070];
	v30 =	vadd.f32 v41, v40;
	[tilespmem:s0+$0x8810] =	vst v27  }
0x124: {  	v21 =	vld [tilespmem:s0+$0x9400];
	v31 =	vadd.f32 v43, v42;
	[tilespmem:s0+$0x8830] =	vst v29  }
0x125: {  	v23 =	vld [tilespmem:s0+$0x9410];
	v32 =	vadd.f32 v45, v44;
	[tilespmem:s0+$0x8840] =	vst v30  }
0x126: {  	v33 =	vadd.f32 v47, v46;
	v25 =	vld [tilespmem:s0+$0x9420];
	[tilespmem:s0+$0x8850] =	vst v31  }
0x127: {  	v34 =	vadd.f32 v49, v48;
	v35 =	vld [tilespmem:s0+$0x1420];
	[tilespmem:s0+$0x8860] =	vst v32  }
0x128: {  	v38 =	vadd.f32 v53, v52;
	v39 =	vld [tilespmem:s0+$0x1430];
	[tilespmem:s0+$0x8870] =	vst v33  }
0x129: {  	v40 =	vadd.f32 v55, v54;
	v41 =	vld [tilespmem:s0+$0x9440];
	[tilespmem:s0+$0x8C00] =	vst v34  }
0x12a: {  	v42 =	vadd.f32 v57, v56;
	v43 =	vld [tilespmem:s0+$0x1440];
	[tilespmem:s0+$0x8C20] =	vst v38  }
0x12b: {  	v44 =	vadd.f32 v59, v58;
	v45 =	vld [tilespmem:s0+$0x9450];
	[tilespmem:s0+$0x8C30] =	vst v40  }
0x12c: {  	v47 =	vld [tilespmem:s0+$0x1450];
	[tilespmem:s0+$0x8C40] =	vst v42;
	v46 =	vadd.f32 v1, v60  }
0x12d: {  	v49 =	vld [tilespmem:s0+$0x9460];
	[tilespmem:s0+$0x8C50] =	vst v44;
	v48 =	vadd.f32 v4, v3  }
0x12e: {  	v53 =	vld [tilespmem:s0+$0x9470];
	v50 =	vadd.f32 v6, v5;
	[tilespmem:s0+$0x8C60] =	vst v46  }
0x12f: {  	v55 =	vld [tilespmem:s0+$0x1470];
	v52 =	vadd.f32 v8, v7;
	[tilespmem:s0+$0x8C70] =	vst v48  }
0x130: {  	v57 =	vld [tilespmem:s0+$0x9800];
	[tilespmem:s0+$0x9000] =	vst v50;
	v54 =	vadd.f32 v10, v9  }
0x131: {  	v59 =	vld [tilespmem:s0+$0x1800];
	[tilespmem:s0+$0x9010] =	vst v52;
	v56 =	vadd.f32 v12, v11  }
0x132: {  	v36 =	vld [tilespmem:s0+$0x1830];
	v58 =	vadd.f32 v14, v13;
	[tilespmem:s0+$0x9020] =	vst v54  }
0x133: {  	v63 =	vld [tilespmem:s0+$0x1060];
	v60 =	vadd.f32 v16, v15;
	[tilespmem:s0+$0x9030] =	vst v56  }
0x134: {  	v61 =	vld [tilespmem:s0+$0x9810];
	v19 =	vadd.f32 v20, v19;
	[tilespmem:s0+$0x9040] =	vst v58  }
0x135: {  	v32 =	vld [tilespmem:s0+$0x1820];
	v22 =	vadd.f32 v22, v21;
	[tilespmem:s0+$0x9050] =	vst v60  }
0x136: {  	v34 =	vld [tilespmem:s0+$0x9830];
	v33 =	vadd.f32 v24, v23;
	[tilespmem:s0+$0x9070] =	vst v19  }
0x137: {  	v38 =	vld [tilespmem:s0+$0x9840];
	v35 =	vadd.f32 v35, v25;
	[tilespmem:s0+$0x9400] =	vst v22  }
0x138: {  	v40 =	vld [tilespmem:s0+$0x9850];
	v37 =	vadd.f32 v39, v37;
	[tilespmem:s0+$0x9410] =	vst v33  }
0x139: {  	v20 =	vld [tilespmem:s0+$0x9820];
	v39 =	vadd.f32 v43, v41;
	[tilespmem:s0+$0x9420] =	vst v35  }
0x13a: {  	v1 =	vadd.f32 v47, v45;
	v41 =	vld [tilespmem:s0+$0x1850];
	[tilespmem:s0+$0x9430] =	vst v37  }
0x13b: {  	v42 =	vadd.f32 v51, v49;
	v43 =	vld [tilespmem:s0+$0x9860];
	[tilespmem:s0+$0x9440] =	vst v39  }
0x13c: {  	v44 =	vadd.f32 v55, v53;
	v45 =	vld [tilespmem:s0+$0x1860];
	[tilespmem:s0+$0x9450] =	vst v1  }
0x13d: {  	v46 =	vadd.f32 v59, v57;
	v47 =	vld [tilespmem:s0+$0x9870];
	[tilespmem:s0+$0x9460] =	vst v42  }
0x13e: {  	v49 =	vld [tilespmem:s0+$0x1870];
	v62 =	vadd.f32 v63, v17;
	[tilespmem:s0+$0x9470] =	vst v44  }
0x13f: {  	v63 =	vld [tilespmem:s0+$0x1810];
	[tilespmem:s0+$0x9800] =	vst v46;
	v52 =	vadd.f32 v36, v34  }
0x140: {  	v51 =	vld [tilespmem:s0+$0x1840];
	[tilespmem:s0+$0x9060] =	vst v62;
	v50 =	vadd.f32 v32, v20  }
0x141: {  	[tilespmem:s0+$0x9830] =	vst v52;
	v53 =	vadd.f32 v41, v40  }
0x142: {  	v54 =	vadd.f32 v45, v43;
	[tilespmem:s0+$0x9820] =	vst v50  }
0x143: {  	s5 =	sand.u32 $0x7, s28;
	v55 =	vadd.f32 v49, v47;
	[tilespmem:s0+$0x9850] =	vst v53  }
0x144: {  	s1 =	sshll.u32 s5, $0x7;
	v48 =	vadd.f32 v63, v61;
	[tilespmem:s0+$0x9860] =	vst v54  }
0x145: {  	s1 =	sadd.s32 s1, s30;
	v56 =	vadd.f32 v51, v38;
	[tilespmem:s0+$0x9870] =	vst v55  }
0x146: {  	s5 =	sor.u32 $0x1C00, s1;
	[tilespmem:s0+$0x9810] =	vst v48  }
0x147: {  	[tilespmem:s0+$0x9840] =	vst v56;
	v0 =	vld [tilespmem:s5+$0x8000]  }
0x148: {  	v1 =	vld [tilespmem:s5+$0x0];
	_ =	sdelay $0x4  }
0x149: {  	v0 =	vadd.f32 v1, v0;
	_ =	sdelay $0x1  }
0x14a: {  	[tilespmem:s5+$0x8000] =	vst v0;
	s5 =	sor.u32 $0x1C10, s1  }
0x14b: {  	v0 =	vld [tilespmem:s5+$0x8000]  }
0x14c: {  	v57 =	vld [tilespmem:s5+$0x0];
	_ =	sdelay $0x4  }
0x14d: {  	v0 =	vadd.f32 v57, v0;
	_ =	sdelay $0x1  }
0x14e: {  	[tilespmem:s5+$0x8000] =	vst v0;
	s5 =	sor.u32 $0x1C20, s1  }
0x14f: {  	v0 =	vld [tilespmem:s5+$0x8000]  }
0x150: {  	v58 =	vld [tilespmem:s5+$0x0];
	_ =	sdelay $0x4  }
0x151: {  	v0 =	vadd.f32 v58, v0;
	_ =	sdelay $0x1  }
0x152: {  	[tilespmem:s5+$0x8000] =	vst v0;
	s5 =	sor.u32 $0x1C30, s1  }
0x153: {  	v0 =	vld [tilespmem:s5+$0x8000]  }
0x154: {  	v59 =	vld [tilespmem:s5+$0x0];
	_ =	sdelay $0x4  }
0x155: {  	v0 =	vadd.f32 v59, v0;
	_ =	sdelay $0x1  }
0x156: {  	[tilespmem:s5+$0x8000] =	vst v0;
	s5 =	sor.u32 $0x1C40, s1  }
0x157: {  	v0 =	vld [tilespmem:s5+$0x8000]  }
0x158: {  	v60 =	vld [tilespmem:s5+$0x0];
	_ =	sdelay $0x4  }
0x159: {  	v0 =	vadd.f32 v60, v0;
	_ =	sdelay $0x1  }
0x15a: {  	[tilespmem:s5+$0x8000] =	vst v0;
	s5 =	sor.u32 $0x1C50, s1  }
0x15b: {  	v0 =	vld [tilespmem:s5+$0x8000]  }
0x15c: {  	v61 =	vld [tilespmem:s5+$0x0];
	_ =	sdelay $0x4  }
0x15d: {  	v0 =	vadd.f32 v61, v0;
	_ =	sdelay $0x1  }
0x15e: {  	[tilespmem:s5+$0x8000] =	vst v0;
	s5 =	sor.u32 $0x1C60, s1  }
0x15f: {  	v0 =	vld [tilespmem:s5+$0x8000]  }
0x160: {  	v62 =	vld [tilespmem:s5+$0x0];
	_ =	sdelay $0x4  }
0x161: {  	v0 =	vadd.f32 v62, v0;
	_ =	sdelay $0x1  }
0x162: {  	[tilespmem:s5+$0x8000] =	vst v0;
	s5 =	sor.u32 $0x1C70, s1  }
0x163: {  	v0 =	vld [tilespmem:s5+$0x8000]  }
0x164: {  	v63 =	vld [tilespmem:s5+$0x0];
	_ =	sdelay $0x1  }
0x165: {  	p0 =	seq.s32 s31, $0x780  }
.Ltmp3:
0x166: {  	_ = 	snop;
	(pc) =	sbr.rel @!p0 .LBB2_4-.Ltmp3, $4  }
0x167: {  	_ = 	snop  }
0x168: {  	v0 =	vadd.f32 v63, v0  }
0x169: {  	s28 =	sadd.s32 $0x1, s28  }
0x16a: {  	s29 =	sadd.s32 $0x400, s29;
	s31 =	sadd.s32 $0x80, s31;
	s30 =	sadd.s32 $0x400, s30;
	[tilespmem:s5+$0x8000] =	vst v0  }
0x16b: {  	s0 =	smov.u32 s9  }
.LBB2_9:
0x16c: {  	[hbm4b:s0+s4] =	stream.linear.scatter [tilespmem:s15], [sflag:$0x5], $0x4000, $0x38;
	[tilespmem:$0x10000] =	vst v63  }
0x16d: {  	p0 =	seq.s32 s25, $0x7  }
0x16e: {  	_ =	swait.ge [sflag:s20], $0x4000;
	s0 =	sadd.s32 @!p0 s26, s12  }
0x16f: {  	s5 =	simm.s32 @!p0 $0x0;
	[sflag:s20] =	ssyncset.done $0x0;
	s0 =	sshrl.u32 @!p0 s0, $0x3  }
0x170: {  	[sflag:s20] =	ssyncadd.s32 $0xFFFFC000;
	s1 =	sadd.s32 @!p0 s3, s0;
	s0 =	sadd.s32 @!p0 s2, s0  }
0x171: {  	[tilespmem:s5], [sflag:$0x1] =	stream.linear.gather @!p0 [hbm4b:s1+s5], $0x4000, $0x38;
	[tilespmem:$0x10000] =	vst v63  }
0x172: {  	s0 =	sadd.s32 @!p0 $0x300000, s0;
	s1 =	simm.s32 @!p0 $0x8000  }
0x173: {  	[tilespmem:s1], [sflag:$0x3] =	stream.linear.gather @!p0 [hbm4b:s0+s5], $0x4000, $0x38;
	[tilespmem:$0x10000] =	vst v63  }
0x174: {  	_ =	swait.ge [sflag:s21], $0x4000  }
0x175: {  	[sflag:s21] =	ssyncset.done $0x0  }
0x176: {  	[sflag:s21] =	ssyncadd.s32 $0xFFFFC000  }
0x177: {  	_ =	swait.ge [sflag:s22], $0x4000  }
0x178: {  	s28 =	simm.s32 $0xFFFFC000;
	s29 =	simm.s32 $0x0;
	[sflag:s22] =	ssyncset.done $0x0  }
0x179: {  	s30 =	simm.s32 $0x0;
	s26 =	simm.s32 $0x0;
	[sflag:s22] =	ssyncadd.s32 $0xFFFFC000  }
.LBB2_10:
0x17a: {  	s0 =	sadd.s32 $0x4000, s28  }
0x17b: {  	s1 =	sand.u32 $0x380, s30;
	s0 =	sand.u32 $0x2000, s0  }
0x17c: {  	s0 =	sor.u32 s1, s0  }
0x17d: {  	v0 =	vld [tilespmem:s0+$0xC000]  }
0x17e: {  	v1 =	vld [tilespmem:s0+$0x4000]  }
0x17f: {  	v2 =	vld [tilespmem:s0+$0xC010]  }
0x180: {  	v3 =	vld [tilespmem:s0+$0x4010]  }
0x181: {  	v4 =	vld [tilespmem:s0+$0xC020]  }
0x182: {  	v5 =	vld [tilespmem:s0+$0x4020]  }
0x183: {  	v6 =	vld [tilespmem:s0+$0xC030]  }
0x184: {  	v7 =	vld [tilespmem:s0+$0x4030]  }
0x185: {  	v8 =	vld [tilespmem:s0+$0xC040]  }
0x186: {  	v9 =	vld [tilespmem:s0+$0x4040]  }
0x187: {  	v10 =	vld [tilespmem:s0+$0xC050]  }
0x188: {  	v11 =	vld [tilespmem:s0+$0x4050]  }
0x189: {  	v12 =	vld [tilespmem:s0+$0xC060]  }
0x18a: {  	v13 =	vld [tilespmem:s0+$0x4060]  }
0x18b: {  	v14 =	vld [tilespmem:s0+$0xC070]  }
0x18c: {  	v15 =	vld [tilespmem:s0+$0x4070]  }
0x18d: {  	v16 =	vld [tilespmem:s0+$0xC400]  }
0x18e: {  	v17 =	vld [tilespmem:s0+$0x4400]  }
0x18f: {  	v18 =	vld [tilespmem:s0+$0xC410]  }
0x190: {  	v19 =	vld [tilespmem:s0+$0x4410]  }
0x191: {  	v20 =	vld [tilespmem:s0+$0xC420]  }
0x192: {  	v21 =	vld [tilespmem:s0+$0x4420]  }
0x193: {  	v22 =	vld [tilespmem:s0+$0xC430]  }
0x194: {  	v23 =	vld [tilespmem:s0+$0x4430]  }
0x195: {  	v24 =	vld [tilespmem:s0+$0xC440]  }
0x196: {  	v25 =	vld [tilespmem:s0+$0x4440]  }
0x197: {  	v26 =	vld [tilespmem:s0+$0xC450]  }
0x198: {  	v27 =	vld [tilespmem:s0+$0x4450]  }
0x199: {  	v28 =	vld [tilespmem:s0+$0xC460]  }
0x19a: {  	v29 =	vld [tilespmem:s0+$0x4460]  }
0x19b: {  	v30 =	vld [tilespmem:s0+$0xC470]  }
0x19c: {  	v31 =	vld [tilespmem:s0+$0x4470]  }
0x19d: {  	v32 =	vld [tilespmem:s0+$0xC800]  }
0x19e: {  	v33 =	vld [tilespmem:s0+$0x4800]  }
0x19f: {  	v34 =	vld [tilespmem:s0+$0xC810]  }
0x1a0: {  	v35 =	vld [tilespmem:s0+$0x4810]  }
0x1a1: {  	v36 =	vld [tilespmem:s0+$0xC820]  }
0x1a2: {  	v37 =	vld [tilespmem:s0+$0x4820]  }
0x1a3: {  	v38 =	vld [tilespmem:s0+$0xC830]  }
0x1a4: {  	v39 =	vld [tilespmem:s0+$0x4830]  }
0x1a5: {  	v40 =	vld [tilespmem:s0+$0xC840]  }
0x1a6: {  	v41 =	vld [tilespmem:s0+$0x4840]  }
0x1a7: {  	v42 =	vld [tilespmem:s0+$0xC850]  }
0x1a8: {  	v43 =	vld [tilespmem:s0+$0x4850]  }
0x1a9: {  	v44 =	vld [tilespmem:s0+$0xC860]  }
0x1aa: {  	v45 =	vld [tilespmem:s0+$0x4860]  }
0x1ab: {  	v46 =	vld [tilespmem:s0+$0xC870]  }
0x1ac: {  	v47 =	vld [tilespmem:s0+$0x4870]  }
0x1ad: {  	v48 =	vld [tilespmem:s0+$0xCC00]  }
0x1ae: {  	v49 =	vld [tilespmem:s0+$0x4C00]  }
0x1af: {  	v50 =	vld [tilespmem:s0+$0xCC10]  }
0x1b0: {  	v51 =	vld [tilespmem:s0+$0x4C10]  }
0x1b1: {  	v52 =	vld [tilespmem:s0+$0xCC20]  }
0x1b2: {  	v53 =	vld [tilespmem:s0+$0x4C20]  }
0x1b3: {  	v54 =	vld [tilespmem:s0+$0xCC30]  }
0x1b4: {  	v55 =	vld [tilespmem:s0+$0x4C30]  }
0x1b5: {  	v56 =	vld [tilespmem:s0+$0xCC40]  }
0x1b6: {  	v57 =	vld [tilespmem:s0+$0x4C40]  }
0x1b7: {  	v58 =	vld [tilespmem:s0+$0xCC50]  }
0x1b8: {  	v59 =	vld [tilespmem:s0+$0x4C50]  }
0x1b9: {  	v60 =	vld [tilespmem:s0+$0xCC60]  }
0x1ba: {  	v0 =	vadd.f32 v1, v0;
	v1 =	vld [tilespmem:s0+$0x4C60]  }
0x1bb: {  	v2 =	vadd.f32 v3, v2;
	v3 =	vld [tilespmem:s0+$0xCC70]  }
0x1bc: {  	v63 =	vadd.f32 v5, v4;
	v4 =	vld [tilespmem:s0+$0x4C70];
	[tilespmem:s0+$0xC000] =	vst v0  }
0x1bd: {  	v61 =	vadd.f32 v7, v6;
	v5 =	vld [tilespmem:s0+$0xD000];
	[tilespmem:s0+$0xC010] =	vst v2  }
0x1be: {  	v62 =	vadd.f32 v9, v8;
	v6 =	vld [tilespmem:s0+$0x5000];
	[tilespmem:s0+$0xC020] =	vst v63  }
0x1bf: {  	v7 =	vld [tilespmem:s0+$0xD010];
	v13 =	vadd.f32 v13, v12;
	[tilespmem:s0+$0xC030] =	vst v61  }
0x1c0: {  	v8 =	vld [tilespmem:s0+$0x5010];
	v15 =	vadd.f32 v15, v14;
	[tilespmem:s0+$0xC040] =	vst v62  }
0x1c1: {  	v9 =	vld [tilespmem:s0+$0xD020];
	v17 =	vadd.f32 v17, v16;
	[tilespmem:s0+$0xC060] =	vst v13  }
0x1c2: {  	v19 =	vadd.f32 v19, v18;
	v12 =	vld [tilespmem:s0+$0x5030];
	[tilespmem:s0+$0xC070] =	vst v15  }
0x1c3: {  	v21 =	vadd.f32 v21, v20;
	v14 =	vld [tilespmem:s0+$0x5040];
	[tilespmem:s0+$0xC400] =	vst v17  }
0x1c4: {  	v23 =	vadd.f32 v23, v22;
	v16 =	vld [tilespmem:s0+$0x5050];
	[tilespmem:s0+$0xC410] =	vst v19  }
0x1c5: {  	v25 =	vadd.f32 v25, v24;
	v20 =	vld [tilespmem:s0+$0x5070];
	[tilespmem:s0+$0xC420] =	vst v21  }
0x1c6: {  	v27 =	vadd.f32 v27, v26;
	v22 =	vld [tilespmem:s0+$0x5400];
	[tilespmem:s0+$0xC430] =	vst v23  }
0x1c7: {  	v29 =	vadd.f32 v29, v28;
	v24 =	vld [tilespmem:s0+$0x5410];
	[tilespmem:s0+$0xC440] =	vst v25  }
0x1c8: {  	v28 =	vadd.f32 v37, v36;
	v37 =	vld [tilespmem:s0+$0xD430];
	[tilespmem:s0+$0xC450] =	vst v27  }
0x1c9: {  	v36 =	vadd.f32 v51, v50;
	v51 =	vld [tilespmem:s0+$0x5460];
	[tilespmem:s0+$0xC460] =	vst v29  }
0x1ca: {  	v63 =	vadd.f32 v11, v10;
	v10 =	vld [tilespmem:s0+$0x5020];
	[tilespmem:s0+$0xC820] =	vst v28  }
0x1cb: {  	v11 =	vld [tilespmem:s0+$0xD030];
	v61 =	vadd.f32 v31, v30;
	[tilespmem:s0+$0xCC10] =	vst v36  }
0x1cc: {  	v13 =	vld [tilespmem:s0+$0xD040];
	v62 =	vadd.f32 v33, v32;
	[tilespmem:s0+$0xC050] =	vst v63  }
0x1cd: {  	v15 =	vld [tilespmem:s0+$0xD050];
	v27 =	vadd.f32 v35, v34;
	[tilespmem:s0+$0xC470] =	vst v61  }
0x1ce: {  	v17 =	vld [tilespmem:s0+$0xD060];
	v29 =	vadd.f32 v39, v38;
	[tilespmem:s0+$0xC800] =	vst v62  }
0x1cf: {  	v19 =	vld [tilespmem:s0+$0xD070];
	v30 =	vadd.f32 v41, v40;
	[tilespmem:s0+$0xC810] =	vst v27  }
0x1d0: {  	v21 =	vld [tilespmem:s0+$0xD400];
	v31 =	vadd.f32 v43, v42;
	[tilespmem:s0+$0xC830] =	vst v29  }
0x1d1: {  	v23 =	vld [tilespmem:s0+$0xD410];
	v32 =	vadd.f32 v45, v44;
	[tilespmem:s0+$0xC840] =	vst v30  }
0x1d2: {  	v33 =	vadd.f32 v47, v46;
	v25 =	vld [tilespmem:s0+$0xD420];
	[tilespmem:s0+$0xC850] =	vst v31  }
0x1d3: {  	v34 =	vadd.f32 v49, v48;
	v35 =	vld [tilespmem:s0+$0x5420];
	[tilespmem:s0+$0xC860] =	vst v32  }
0x1d4: {  	v38 =	vadd.f32 v53, v52;
	v39 =	vld [tilespmem:s0+$0x5430];
	[tilespmem:s0+$0xC870] =	vst v33  }
0x1d5: {  	v40 =	vadd.f32 v55, v54;
	v41 =	vld [tilespmem:s0+$0xD440];
	[tilespmem:s0+$0xCC00] =	vst v34  }
0x1d6: {  	v42 =	vadd.f32 v57, v56;
	v43 =	vld [tilespmem:s0+$0x5440];
	[tilespmem:s0+$0xCC20] =	vst v38  }
0x1d7: {  	v44 =	vadd.f32 v59, v58;
	v45 =	vld [tilespmem:s0+$0xD450];
	[tilespmem:s0+$0xCC30] =	vst v40  }
0x1d8: {  	v47 =	vld [tilespmem:s0+$0x5450];
	[tilespmem:s0+$0xCC40] =	vst v42;
	v46 =	vadd.f32 v1, v60  }
0x1d9: {  	v49 =	vld [tilespmem:s0+$0xD460];
	[tilespmem:s0+$0xCC50] =	vst v44;
	v48 =	vadd.f32 v4, v3  }
0x1da: {  	v53 =	vld [tilespmem:s0+$0xD470];
	v50 =	vadd.f32 v6, v5;
	[tilespmem:s0+$0xCC60] =	vst v46  }
0x1db: {  	v55 =	vld [tilespmem:s0+$0x5470];
	v52 =	vadd.f32 v8, v7;
	[tilespmem:s0+$0xCC70] =	vst v48  }
0x1dc: {  	v57 =	vld [tilespmem:s0+$0xD800];
	[tilespmem:s0+$0xD000] =	vst v50;
	v54 =	vadd.f32 v10, v9  }
0x1dd: {  	v59 =	vld [tilespmem:s0+$0x5800];
	[tilespmem:s0+$0xD010] =	vst v52;
	v56 =	vadd.f32 v12, v11  }
0x1de: {  	v36 =	vld [tilespmem:s0+$0x5830];
	v58 =	vadd.f32 v14, v13;
	[tilespmem:s0+$0xD020] =	vst v54  }
0x1df: {  	v63 =	vld [tilespmem:s0+$0x5060];
	v60 =	vadd.f32 v16, v15;
	[tilespmem:s0+$0xD030] =	vst v56  }
0x1e0: {  	v61 =	vld [tilespmem:s0+$0xD810];
	v19 =	vadd.f32 v20, v19;
	[tilespmem:s0+$0xD040] =	vst v58  }
0x1e1: {  	v32 =	vld [tilespmem:s0+$0x5820];
	v22 =	vadd.f32 v22, v21;
	[tilespmem:s0+$0xD050] =	vst v60  }
0x1e2: {  	v34 =	vld [tilespmem:s0+$0xD830];
	v33 =	vadd.f32 v24, v23;
	[tilespmem:s0+$0xD070] =	vst v19  }
0x1e3: {  	v38 =	vld [tilespmem:s0+$0xD840];
	v35 =	vadd.f32 v35, v25;
	[tilespmem:s0+$0xD400] =	vst v22  }
0x1e4: {  	v40 =	vld [tilespmem:s0+$0xD850];
	v37 =	vadd.f32 v39, v37;
	[tilespmem:s0+$0xD410] =	vst v33  }
0x1e5: {  	v20 =	vld [tilespmem:s0+$0xD820];
	v39 =	vadd.f32 v43, v41;
	[tilespmem:s0+$0xD420] =	vst v35  }
0x1e6: {  	v1 =	vadd.f32 v47, v45;
	v41 =	vld [tilespmem:s0+$0x5850];
	[tilespmem:s0+$0xD430] =	vst v37  }
0x1e7: {  	v42 =	vadd.f32 v51, v49;
	v43 =	vld [tilespmem:s0+$0xD860];
	[tilespmem:s0+$0xD440] =	vst v39  }
0x1e8: {  	v44 =	vadd.f32 v55, v53;
	v45 =	vld [tilespmem:s0+$0x5860];
	[tilespmem:s0+$0xD450] =	vst v1  }
0x1e9: {  	v46 =	vadd.f32 v59, v57;
	v47 =	vld [tilespmem:s0+$0xD870];
	[tilespmem:s0+$0xD460] =	vst v42  }
0x1ea: {  	v49 =	vld [tilespmem:s0+$0x5870];
	v62 =	vadd.f32 v63, v17;
	[tilespmem:s0+$0xD470] =	vst v44  }
0x1eb: {  	v63 =	vld [tilespmem:s0+$0x5810];
	[tilespmem:s0+$0xD800] =	vst v46;
	v52 =	vadd.f32 v36, v34  }
0x1ec: {  	v51 =	vld [tilespmem:s0+$0x5840];
	[tilespmem:s0+$0xD060] =	vst v62;
	v50 =	vadd.f32 v32, v20  }
0x1ed: {  	[tilespmem:s0+$0xD830] =	vst v52;
	v53 =	vadd.f32 v41, v40  }
0x1ee: {  	v54 =	vadd.f32 v45, v43;
	[tilespmem:s0+$0xD820] =	vst v50  }
0x1ef: {  	s5 =	sand.u32 $0x7, s26;
	v55 =	vadd.f32 v49, v47;
	[tilespmem:s0+$0xD850] =	vst v53  }
0x1f0: {  	s1 =	sshll.u32 s5, $0x7;
	v48 =	vadd.f32 v63, v61;
	[tilespmem:s0+$0xD860] =	vst v54  }
0x1f1: {  	s1 =	sadd.s32 s1, s29;
	v56 =	vadd.f32 v51, v38;
	[tilespmem:s0+$0xD870] =	vst v55  }
0x1f2: {  	s5 =	sor.u32 $0x1C00, s1;
	[tilespmem:s0+$0xD810] =	vst v48  }
0x1f3: {  	[tilespmem:s0+$0xD840] =	vst v56;
	v0 =	vld [tilespmem:s5+$0xC000]  }
0x1f4: {  	v1 =	vld [tilespmem:s5+$0x4000];
	_ =	sdelay $0x4  }
0x1f5: {  	v0 =	vadd.f32 v1, v0;
	_ =	sdelay $0x1  }
0x1f6: {  	s31 =	sor.u32 $0x1C10, s1;
	[tilespmem:s5+$0xC000] =	vst v0  }
0x1f7: {  	v0 =	vld [tilespmem:s31+$0xC000]  }
0x1f8: {  	v57 =	vld [tilespmem:s31+$0x4000];
	_ =	sdelay $0x4  }
0x1f9: {  	v0 =	vadd.f32 v57, v0;
	_ =	sdelay $0x1  }
0x1fa: {  	s5 =	sor.u32 $0x1C20, s1;
	[tilespmem:s31+$0xC000] =	vst v0  }
0x1fb: {  	v0 =	vld [tilespmem:s5+$0xC000]  }
0x1fc: {  	v58 =	vld [tilespmem:s5+$0x4000];
	_ =	sdelay $0x4  }
0x1fd: {  	v0 =	vadd.f32 v58, v0;
	_ =	sdelay $0x1  }
0x1fe: {  	s31 =	sor.u32 $0x1C30, s1;
	[tilespmem:s5+$0xC000] =	vst v0  }
0x1ff: {  	v0 =	vld [tilespmem:s31+$0xC000]  }
0x200: {  	v59 =	vld [tilespmem:s31+$0x4000];
	_ =	sdelay $0x4  }
0x201: {  	v0 =	vadd.f32 v59, v0;
	_ =	sdelay $0x1  }
0x202: {  	s5 =	sor.u32 $0x1C40, s1;
	[tilespmem:s31+$0xC000] =	vst v0  }
0x203: {  	v0 =	vld [tilespmem:s5+$0xC000]  }
0x204: {  	v60 =	vld [tilespmem:s5+$0x4000];
	_ =	sdelay $0x4  }
0x205: {  	v0 =	vadd.f32 v60, v0;
	_ =	sdelay $0x1  }
0x206: {  	s31 =	sor.u32 $0x1C50, s1;
	[tilespmem:s5+$0xC000] =	vst v0  }
0x207: {  	v0 =	vld [tilespmem:s31+$0xC000]  }
0x208: {  	v61 =	vld [tilespmem:s31+$0x4000];
	_ =	sdelay $0x4  }
0x209: {  	v0 =	vadd.f32 v61, v0;
	_ =	sdelay $0x1  }
0x20a: {  	s5 =	sor.u32 $0x1C60, s1;
	[tilespmem:s31+$0xC000] =	vst v0  }
0x20b: {  	v0 =	vld [tilespmem:s5+$0xC000]  }
0x20c: {  	v62 =	vld [tilespmem:s5+$0x4000];
	_ =	sdelay $0x4  }
0x20d: {  	v0 =	vadd.f32 v62, v0;
	_ =	sdelay $0x1  }
0x20e: {  	s31 =	sor.u32 $0x1C70, s1;
	[tilespmem:s5+$0xC000] =	vst v0  }
0x20f: {  	v0 =	vld [tilespmem:s31+$0xC000]  }
0x210: {  	v63 =	vld [tilespmem:s31+$0x4000];
	_ =	sdelay $0x1  }
0x211: {  	p0 =	sne.s32 s30, $0x780  }
.Ltmp4:
0x212: {  	_ = 	snop;
	(pc) =	sbr.rel @p0 .LBB2_10-.Ltmp4, $4  }
0x213: {  	_ = 	snop  }
0x214: {  	v0 =	vadd.f32 v63, v0  }
0x215: {  	s26 =	sadd.s32 $0x1, s26  }
0x216: {  	s28 =	sadd.s32 $0x400, s28;
	s30 =	sadd.s32 $0x80, s30;
	s29 =	sadd.s32 $0x400, s29;
	[tilespmem:s31+$0xC000] =	vst v0  }
0x217: {  	s0 =	sshll.u32 s25, $0xC;
	s25 =	sadd.s32 $0x1, s25  }
0x218: {  	p0 =	sne.s32 s25, $0x8  }
.Ltmp5:
0x219: {  	_ = 	snop;
	(pc) =	sbr.rel @p0 .LBB2_2-.Ltmp5, $3  }
0x21a: {  	_ =	sdelay $0x1  }
0x21b: {  	s0 =	sadd.s32 s14, s0  }
0x21c: {  	[hbm4b:s0+s4] =	stream.linear.scatter [tilespmem:s17], [sflag:$0x6], $0x4000, $0x38;
	[tilespmem:$0x10000] =	vst v63  }
0x21d: {  	s24 =	sadd.s32 $0x1, s24  }
0x21e: {  	p0 =	sne.s32 s24, s13  }
.Ltmp6:
0x21f: {  	_ = 	snop;
	(pc) =	sbr.rel @p0 .LBB2_1-.Ltmp6, $4  }
0x220: {  	_ = 	snop  }
0x221: {  	_ =	swait.ge [sflag:s23], $0x4000  }
0x222: {  	[sflag:s23] =	ssyncset.done $0x0  }
0x223: {  	[sflag:s23] =	ssyncadd.s32 $0xFFFFC000  }
0x224: {  	_ =	sfence.sel $0x180000  }
0x225: {  	[bflag:$0x0] =	sbarrier.arrive $0xFFFF  }
0x226: {  	_ =	strace $0x90000047  }
0x227: {  	s0 =	stileid.u32;
	[bflag:$0x2] =	sbarrier.arrive $0xFFFF  }
0x228: {  	p0 =	sne.s32 s0, $0x0;
	s0 =	rddreg [dreg:$0x3]  }
0x229: {  	s0 =	sadd.s32 @!p0 $0x100000, s0  }
0x22a: {  	[sflag:s0] =	ssyncadd.tile.s32 @!p0 $0x1;
	_ =	shalt  }
.Lfunc_end2:
_tile_overlayer_lowered:
.L_overlay_start_2:
0x22b: {  	(tag) =	ssettag $0x2  }
0x22c: {  	s0 =	rddreg [dreg:$0x0];
	s2 =	stileid.u32  }
0x22d: {  	s1 =	rddreg [dreg:$0x1];
	p0 =	sne.s32 s2, $0x0  }
0x22e: {  	s3 =	rddreg [dreg:$0x2];
	[bflag:$0x3] =	sbarrier.arrive $0xFFFF;
	s2 =	simm.s32 @!p0 $0x1C07  }
0x22f: {  	[timem:s3], [sflag:s2] =	dma.local @!p0 [hbm:s0], s1  }
0x230: {  	s0 =	simm.s32 @!p0 $0x7  }
0x231: {  	_ =	swait.ge @!p0 [sflag:s0], s1  }
0x232: {  	s1 =	ssub.s32 @!p0 $0x0, s1;
	[sflag:s0] =	ssyncset.done @!p0 $0x0  }
0x233: {  	[sflag:s0] =	ssyncadd.s32 @!p0 s1  }
0x234: {  	[bflag:$0x3] =	sbarrier.arrive $0xFFFF  }
0x235: {  	_ =	shalt  }

</sc_bundles>
